<compile_context>
chip_gen: v7x
topology: tpu7x:2x2x1
jax: 0.10.2.dev20260603
libtpu: 0.0.44.dev20260713+nightly
codegen_flags: <defaults>
</compile_context>

<pallas_src>
import functools
import math

import jax
import jax.numpy as jnp
from jax import lax
from jax.experimental import pallas as pl
from jax.experimental.pallas import tpu as pltpu
from jax.experimental.pallas import tpu_sc as plsc

_CS = 16384
_FS = 512
_SPB = _CS // _FS
_RESCAN = 8
_K = 8
_RG = 8

_NEG = float("-inf")

def _perturbed(x, u):
    u = jnp.clip(u, 1e-6, 1.0 - 1e-6)
    return x - jnp.log(-jnp.log(u))


def _chunkmax_body(x_ref, u_ref, sel_ref, c_scr, *, n, nb, rows, rescan):
    c = pl.program_id(0)
    p = _perturbed(x_ref[...], u_ref[...])
    col = c * _CS + jax.lax.broadcasted_iota(jnp.int32, (rows, _CS), 1)
    p = jnp.where(col < n, p, _NEG)
    for k in range(_SPB):
        m = jnp.max(p[:, k * _FS:(k + 1) * _FS], axis=1)
        c_scr[pl.ds(c * _SPB + k, 1), :] = m.reshape(1, rows)

    @pl.when(c == nb - 1)
    def _select_chunks():
        ns = nb * _SPB
        C = c_scr[...]
        srow = jax.lax.broadcasted_iota(jnp.int32, (ns, rows), 0)
        for k in range(rescan):
            v = jnp.max(C, axis=0, keepdims=True)
            cj = jnp.min(jnp.where(C == v, srow, ns), axis=0, keepdims=True)
            sel_ref[pl.ds(k, 1), :] = cj
            C = jnp.where(srow == cj, _NEG, C)


def _select_body(sel_ref, *refs, n, rows, rescan):
    x_refs = refs[:_RG]
    u_refs = refs[_RG:2 * _RG]
    param_ref, idx_ref, xs, us = refs[2 * _RG:]
    rg = pl.program_id(0)
    j = pl.program_id(1)

    sub = jax.lax.broadcasted_iota(jnp.int32, (_RG, _FS), 0)
    for i in range(_RG):
        msk = sub == i
        xs[pl.ds(i * rescan + j, 1), :] = jnp.max(
            jnp.where(msk, x_refs[i][...], _NEG), axis=0, keepdims=True)
        us[pl.ds(i * rescan + j, 1), :] = jnp.max(
            jnp.where(msk, u_refs[i][...], _NEG), axis=0, keepdims=True)

    @pl.when(j == rescan - 1)
    def _finalize():
        lane1 = jax.lax.broadcasted_iota(jnp.int32, (1, _FS), 1)
        gbig = jnp.int32(2**30)
        idx_rows, prm_rows = [], []
        for i in range(_RG):
            X = xs[pl.ds(i * rescan, rescan), :]
            P = _perturbed(X, us[pl.ds(i * rescan, rescan), :])
            offs = [sel_ref[jj, rg * _RG + i] * _FS for jj in range(rescan)]
            gidx = jnp.concatenate([off + lane1 for off in offs], axis=0)
            P = jnp.where(gidx < n, P, _NEG)

            got = []
            for _ in range(_K):
                v = jnp.max(P)
                g = jnp.min(jnp.where(P == v, gidx, gbig))
                prm = jnp.max(jnp.where(gidx == g, X, _NEG))
                got.append((g, prm))
                P = jnp.where(gidx == g, _NEG, P)

            idx_rows.append(jnp.concatenate(
                [g.reshape(1, 1, 1) for g, _ in got], axis=2))
            prm_rows.append(jnp.concatenate(
                [p.reshape(1, 1, 1) for _, p in got], axis=2))

        idx_ref[...] = jnp.concatenate(idx_rows, axis=1)
        param_ref[...] = jnp.concatenate(prm_rows, axis=1)


def _sc_sort(idx_p, prm_p):
    rows = idx_p.shape[0]
    info = plsc.get_sparse_core_info()
    nc = info.num_cores
    mesh = plsc.VectorSubcoreMesh(core_axis_name="c", subcore_axis_name="s")

    @functools.partial(
        pl.kernel, mesh=mesh,
        compiler_params=pltpu.CompilerParams(needs_layout_passes=False),
        out_type=[jax.ShapeDtypeStruct((rows, 16), jnp.float32),
                  jax.ShapeDtypeStruct((rows, 16), jnp.int32)],
        scratch_types=[pltpu.VMEM((16,), jnp.int32),
                       pltpu.VMEM((16,), jnp.float32),
                       pltpu.VMEM((16,), jnp.int32),
                       pltpu.VMEM((16,), jnp.float32)],
    )
    def _body(idx_hbm, prm_hbm, prm_out, idx_out, ki, vi, ko, vo):
        row = lax.axis_index("s") * nc + lax.axis_index("c")
        pltpu.sync_copy(idx_hbm.at[row], ki)
        pltpu.sync_copy(prm_hbm.at[row], vi)
        sk, sv = plsc.sort_key_val(ki[...], vi[...])
        ko[...] = sk
        vo[...] = sv
        pltpu.sync_copy(ko, idx_out.at[row])
        pltpu.sync_copy(vo, prm_out.at[row])

    return _body(idx_p, prm_p)


def kernel(logits, noise, sample_num):
    del sample_num
    rows, n = logits.shape
    nb = math.ceil(n / _CS)
    rescan = min(_RESCAN, math.ceil(n / _FS))
    ngrp = rows // _RG

    sel = pl.pallas_call(
        functools.partial(_chunkmax_body, n=n, nb=nb, rows=rows,
                          rescan=rescan),
        grid=(nb,),
        in_specs=[pl.BlockSpec((rows, _CS), lambda c: (0, c)),
                  pl.BlockSpec((rows, _CS), lambda c: (0, c))],
        out_specs=pl.BlockSpec((rescan, rows), lambda c: (0, 0)),
        out_shape=jax.ShapeDtypeStruct((rescan, rows), jnp.int32),
        scratch_shapes=[pltpu.VMEM((nb * _SPB, rows), jnp.float32)],
    )(logits, noise)

    def _chunk_spec(i):
        return pl.BlockSpec(
            (_RG, _FS), lambda rg, j, s, i=i: (rg, s[j, rg * _RG + i]))

    grid_spec = pltpu.PrefetchScalarGridSpec(
        num_scalar_prefetch=1,
        grid=(ngrp, rescan),
        in_specs=([_chunk_spec(i) for i in range(_RG)]
                  + [_chunk_spec(i) for i in range(_RG)]),
        out_specs=[pl.BlockSpec((1, _RG, _K), lambda rg, j, s: (rg, 0, 0)),
                   pl.BlockSpec((1, _RG, _K), lambda rg, j, s: (rg, 0, 0))],
        scratch_shapes=[pltpu.VMEM((_RG * rescan, _FS), jnp.float32),
                        pltpu.VMEM((_RG * rescan, _FS), jnp.float32)],
    )
    param3, idx3 = pl.pallas_call(
        functools.partial(_select_body, n=n, rows=rows, rescan=rescan),
        grid_spec=grid_spec,
        out_shape=[jax.ShapeDtypeStruct((ngrp, _RG, _K), jnp.float32),
                   jax.ShapeDtypeStruct((ngrp, _RG, _K), jnp.int32)],
    )(sel, *([logits] * _RG), *([noise] * _RG))

    idx8 = idx3.reshape(rows, _K)
    prm8 = param3.reshape(rows, _K)
    pad_i = jnp.full((rows, 16 - _K), 2**30, jnp.int32)
    pad_f = jnp.zeros((rows, 16 - _K), jnp.float32)
    prm_s, idx_s = _sc_sort(jnp.concatenate([idx8, pad_i], axis=1),
                            jnp.concatenate([prm8, pad_f], axis=1))
    return prm_s[:, :_K], idx_s[:, :_K]

# --- scband reference (transcript-rebuilt; emitter-appended) ---
"""Pipeline reference for scband-network-21698174779659 (READ-ONLY COPY).

The authoritative reference and input builder live on the scoring server;
editing this copy changes nothing except your own understanding.
"""

import jax, jax.numpy as jnp
import numpy as np


def setup_inputs(seed: int = 0) -> dict:
    key = jax.random.key(seed)
    k1, k2 = jax.random.split(key)
    logits = jax.random.normal(k1, (32, 1000000), dtype=jnp.float32)
    noise = jax.random.uniform(k2, (32, 1000000), dtype=jnp.float32)
    return {"logits": logits, "noise": noise, "sample_num": 8}


def reference(logits, noise, sample_num):
    # Faithful jax translation of Network.sample_branch's core 'prob' sampling:
    #   weight = softmax(param); sampled_index = multinomial(weight, k, replacement=False)
    #   sampled_index = sort(sampled_index); sampled_param = gather(param, sampled_index)
    # Multinomial-without-replacement is implemented exactly via the
    # Gumbel-top-k trick: top_k(log(weight) + Gumbel noise).
    weights = jax.nn.softmax(logits, axis=-1)
    log_w = jnp.log(weights + 1e-20)
    u = jnp.clip(noise, 1e-6, 1.0 - 1e-6)
    gumbel = -jnp.log(-jnp.log(u))
    perturbed = log_w + gumbel
    k = 8
    _, sampled_index = jax.lax.top_k(perturbed, k)
    sample_num = jnp.asarray(sample_num, dtype=sampled_index.dtype)
    sampled_index = sampled_index + (sample_num - sample_num)
    sampled_index = jnp.sort(sampled_index, axis=-1)
    sampled_param = jnp.take_along_axis(logits, sampled_index, axis=-1)
    return sampled_param, sampled_index

if __name__ == "__main__":
    import jax
    _d = setup_inputs()
    print(jax.jit(kernel)(*tuple(_d.values())))

</pallas_src>

<mosaic_0001>
#map = affine_map<(d0, d1) -> (0, 0)>
module attributes {stable_mosaic.version = 14 : i64} {
  func.func @_body(%arg0: i32, %arg1: i32, %arg2: memref<32x16xi32, #tpu.memory_space<hbm>>, %arg3: memref<32x16xf32, #tpu.memory_space<hbm>>, %arg4: memref<32x16xf32, #tpu.memory_space<hbm>>, %arg5: memref<32x16xi32, #tpu.memory_space<hbm>>, %arg6: memref<16xi32, #tpu.memory_space<vmem>>, %arg7: memref<16xf32, #tpu.memory_space<vmem>>, %arg8: memref<16xi32, #tpu.memory_space<vmem>>, %arg9: memref<16xf32, #tpu.memory_space<vmem>>) attributes {dimension_semantics = [#tpu.dimension_semantics<core_parallel>, #tpu.dimension_semantics<subcore_parallel>], iteration_bounds = array<i64: 2, 16>, scalar_prefetch = 0 : i64, scratch_operands = 4 : i64, tpu.core_type = #tpu.core_type<sc_vector_subcore>, window_params = [{transform_indices = #map}, {transform_indices = #map}, {transform_indices = #map}, {transform_indices = #map}]} {
    %mul3A = arith.constant 2 : i32
    %mul3A_0 = arith.muli %arg1, %mul3A : i32
    %add3A = arith.addi %mul3A_0, %arg0 : i32
    "tpu.region"() ({
      %run_scoped3A = tpu.sem_alloc : memref<!tpu.dma_semaphore, #tpu.memory_space<semaphore_mem>>
      %dma_start3A = arith.constant 0 : i32
      %dma_start3A_14 = tpu.memref_slice %arg2[%add3A, %dma_start3A] : memref<32x16xi32, #tpu.memory_space<hbm>> -> memref<1x16xi32, #tpu.memory_space<hbm>>
      %dma_start3A_15 = tpu.memref_squeeze %dma_start3A_14 : memref<1x16xi32, #tpu.memory_space<hbm>> -> memref<16xi32, #tpu.memory_space<hbm>>
      %dma_start3A_16 = arith.constant 0 : i32
      %dma_start3A_17 = tpu.memref_slice %arg2[%add3A, %dma_start3A_16] : memref<32x16xi32, #tpu.memory_space<hbm>> -> memref<1x16xi32, #tpu.memory_space<hbm>>
      %dma_start3A_18 = tpu.memref_squeeze %dma_start3A_17 : memref<1x16xi32, #tpu.memory_space<hbm>> -> memref<16xi32, #tpu.memory_space<hbm>>
      tpu.enqueue_dma source(%dma_start3A_18 : memref<16xi32, #tpu.memory_space<hbm>>) target(%arg6 : memref<16xi32, #tpu.memory_space<vmem>>) target_semaphore(%run_scoped3A : memref<!tpu.dma_semaphore, #tpu.memory_space<semaphore_mem>>)
      %dma_wait3A = arith.constant 0 : i32
      %dma_wait3A_19 = tpu.memref_slice %arg2[%add3A, %dma_wait3A] : memref<32x16xi32, #tpu.memory_space<hbm>> -> memref<1x16xi32, #tpu.memory_space<hbm>>
      %dma_wait3A_20 = tpu.memref_squeeze %dma_wait3A_19 : memref<1x16xi32, #tpu.memory_space<hbm>> -> memref<16xi32, #tpu.memory_space<hbm>>
      %dma_wait3A_21 = arith.constant 0 : i32
      %dma_wait3A_22 = tpu.memref_slice %arg2[%add3A, %dma_wait3A_21] : memref<32x16xi32, #tpu.memory_space<hbm>> -> memref<1x16xi32, #tpu.memory_space<hbm>>
      %dma_wait3A_23 = tpu.memref_squeeze %dma_wait3A_22 : memref<1x16xi32, #tpu.memory_space<hbm>> -> memref<16xi32, #tpu.memory_space<hbm>>
      tpu.wait_dma2 semaphore(%run_scoped3A : memref<!tpu.dma_semaphore, #tpu.memory_space<semaphore_mem>>) src(%dma_wait3A_23 : memref<16xi32, #tpu.memory_space<hbm>>) dst(%arg6 : memref<16xi32, #tpu.memory_space<vmem>>)
      tpu.yield
    }) : () -> ()
    "tpu.region"() ({
      %run_scoped3A = tpu.sem_alloc : memref<!tpu.dma_semaphore, #tpu.memory_space<semaphore_mem>>
      %dma_start3A = arith.constant 0 : i32
      %dma_start3A_14 = tpu.memref_slice %arg3[%add3A, %dma_start3A] : memref<32x16xf32, #tpu.memory_space<hbm>> -> memref<1x16xf32, #tpu.memory_space<hbm>>
      %dma_start3A_15 = tpu.memref_squeeze %dma_start3A_14 : memref<1x16xf32, #tpu.memory_space<hbm>> -> memref<16xf32, #tpu.memory_space<hbm>>
      %dma_start3A_16 = arith.constant 0 : i32
      %dma_start3A_17 = tpu.memref_slice %arg3[%add3A, %dma_start3A_16] : memref<32x16xf32, #tpu.memory_space<hbm>> -> memref<1x16xf32, #tpu.memory_space<hbm>>
      %dma_start3A_18 = tpu.memref_squeeze %dma_start3A_17 : memref<1x16xf32, #tpu.memory_space<hbm>> -> memref<16xf32, #tpu.memory_space<hbm>>
      tpu.enqueue_dma source(%dma_start3A_18 : memref<16xf32, #tpu.memory_space<hbm>>) target(%arg7 : memref<16xf32, #tpu.memory_space<vmem>>) target_semaphore(%run_scoped3A : memref<!tpu.dma_semaphore, #tpu.memory_space<semaphore_mem>>)
      %dma_wait3A = arith.constant 0 : i32
      %dma_wait3A_19 = tpu.memref_slice %arg3[%add3A, %dma_wait3A] : memref<32x16xf32, #tpu.memory_space<hbm>> -> memref<1x16xf32, #tpu.memory_space<hbm>>
      %dma_wait3A_20 = tpu.memref_squeeze %dma_wait3A_19 : memref<1x16xf32, #tpu.memory_space<hbm>> -> memref<16xf32, #tpu.memory_space<hbm>>
      %dma_wait3A_21 = arith.constant 0 : i32
      %dma_wait3A_22 = tpu.memref_slice %arg3[%add3A, %dma_wait3A_21] : memref<32x16xf32, #tpu.memory_space<hbm>> -> memref<1x16xf32, #tpu.memory_space<hbm>>
      %dma_wait3A_23 = tpu.memref_squeeze %dma_wait3A_22 : memref<1x16xf32, #tpu.memory_space<hbm>> -> memref<16xf32, #tpu.memory_space<hbm>>
      tpu.wait_dma2 semaphore(%run_scoped3A : memref<!tpu.dma_semaphore, #tpu.memory_space<semaphore_mem>>) src(%dma_wait3A_23 : memref<16xf32, #tpu.memory_space<hbm>>) dst(%arg7 : memref<16xf32, #tpu.memory_space<vmem>>)
      tpu.yield
    }) : () -> ()
    %get3A = arith.constant 0 : index
    %get3A_1 = tpu.vector_load %arg6[%get3A] {strides = array<i32>} : memref<16xi32, #tpu.memory_space<vmem>>, vector<16xi32>,
    %get3A_2 = arith.constant 0 : index
    %get3A_3 = tpu.vector_load %arg7[%get3A_2] {strides = array<i32>} : memref<16xf32, #tpu.memory_space<vmem>>, vector<16xf32>,
    %masked_sort3A = arith.constant dense<true> : vector<16xi1>
    %masked_sort3A_4 = arith.constant -2147483648 : i32
    %masked_sort3A_5 = vector.broadcast %masked_sort3A_4 : i32 to vector<16xi32>
    %masked_sort3A_6 = arith.xori %get3A_1, %masked_sort3A_5 : vector<16xi32>
    %masked_sort3A_7, %masked_sort3A_8, %masked_sort3A_9 = tpu.sort %masked_sort3A_6, %get3A_3 masked %masked_sort3A : (vector<16xi32>, vector<16xf32>, vector<16xi1>) -> (vector<16xi1>, vector<16xi32>, vector<16xf32>)
    %masked_sort3A_10 = arith.xori %masked_sort3A_8, %masked_sort3A_5 : vector<16xi32>
    %swap3A = arith.constant 0 : index
    %swap3A_11 = tpu.vector_load %arg8[%swap3A] {strides = array<i32>} : memref<16xi32, #tpu.memory_space<vmem>>, vector<16xi32>,
    tpu.vector_store %arg8[%swap3A], %masked_sort3A_10 {strides = array<i32>} : memref<16xi32, #tpu.memory_space<vmem>>, vector<16xi32>,
    %swap3A_12 = arith.constant 0 : index
    %swap3A_13 = tpu.vector_load %arg9[%swap3A_12] {strides = array<i32>} : memref<16xf32, #tpu.memory_space<vmem>>, vector<16xf32>,
    tpu.vector_store %arg9[%swap3A_12], %masked_sort3A_9 {strides = array<i32>} : memref<16xf32, #tpu.memory_space<vmem>>, vector<16xf32>,
    "tpu.region"() ({
      %run_scoped3A = tpu.sem_alloc : memref<!tpu.dma_semaphore, #tpu.memory_space<semaphore_mem>>
      %dma_start3A = arith.constant 0 : i32
      %dma_start3A_14 = tpu.memref_slice %arg5[%add3A, %dma_start3A] : memref<32x16xi32, #tpu.memory_space<hbm>> -> memref<1x16xi32, #tpu.memory_space<hbm>>
      %dma_start3A_15 = tpu.memref_squeeze %dma_start3A_14 : memref<1x16xi32, #tpu.memory_space<hbm>> -> memref<16xi32, #tpu.memory_space<hbm>>
      %dma_start3A_16 = arith.constant 0 : i32
      %dma_start3A_17 = tpu.memref_slice %arg5[%add3A, %dma_start3A_16] : memref<32x16xi32, #tpu.memory_space<hbm>> -> memref<1x16xi32, #tpu.memory_space<hbm>>
      %dma_start3A_18 = tpu.memref_squeeze %dma_start3A_17 : memref<1x16xi32, #tpu.memory_space<hbm>> -> memref<16xi32, #tpu.memory_space<hbm>>
      tpu.enqueue_dma source(%arg8 : memref<16xi32, #tpu.memory_space<vmem>>) target(%dma_start3A_18 : memref<16xi32, #tpu.memory_space<hbm>>) target_semaphore(%run_scoped3A : memref<!tpu.dma_semaphore, #tpu.memory_space<semaphore_mem>>)
      %dma_wait3A = arith.constant 0 : i32
      %dma_wait3A_19 = tpu.memref_slice %arg5[%add3A, %dma_wait3A] : memref<32x16xi32, #tpu.memory_space<hbm>> -> memref<1x16xi32, #tpu.memory_space<hbm>>
      %dma_wait3A_20 = tpu.memref_squeeze %dma_wait3A_19 : memref<1x16xi32, #tpu.memory_space<hbm>> -> memref<16xi32, #tpu.memory_space<hbm>>
      %dma_wait3A_21 = arith.constant 0 : i32
      %dma_wait3A_22 = tpu.memref_slice %arg5[%add3A, %dma_wait3A_21] : memref<32x16xi32, #tpu.memory_space<hbm>> -> memref<1x16xi32, #tpu.memory_space<hbm>>
      %dma_wait3A_23 = tpu.memref_squeeze %dma_wait3A_22 : memref<1x16xi32, #tpu.memory_space<hbm>> -> memref<16xi32, #tpu.memory_space<hbm>>
      tpu.wait_dma2 semaphore(%run_scoped3A : memref<!tpu.dma_semaphore, #tpu.memory_space<semaphore_mem>>) src(%arg8 : memref<16xi32, #tpu.memory_space<vmem>>) dst(%dma_wait3A_23 : memref<16xi32, #tpu.memory_space<hbm>>)
      tpu.yield
    }) : () -> ()
    "tpu.region"() ({
      %run_scoped3A = tpu.sem_alloc : memref<!tpu.dma_semaphore, #tpu.memory_space<semaphore_mem>>
      %dma_start3A = arith.constant 0 : i32
      %dma_start3A_14 = tpu.memref_slice %arg4[%add3A, %dma_start3A] : memref<32x16xf32, #tpu.memory_space<hbm>> -> memref<1x16xf32, #tpu.memory_space<hbm>>
      %dma_start3A_15 = tpu.memref_squeeze %dma_start3A_14 : memref<1x16xf32, #tpu.memory_space<hbm>> -> memref<16xf32, #tpu.memory_space<hbm>>
      %dma_start3A_16 = arith.constant 0 : i32
      %dma_start3A_17 = tpu.memref_slice %arg4[%add3A, %dma_start3A_16] : memref<32x16xf32, #tpu.memory_space<hbm>> -> memref<1x16xf32, #tpu.memory_space<hbm>>
      %dma_start3A_18 = tpu.memref_squeeze %dma_start3A_17 : memref<1x16xf32, #tpu.memory_space<hbm>> -> memref<16xf32, #tpu.memory_space<hbm>>
      tpu.enqueue_dma source(%arg9 : memref<16xf32, #tpu.memory_space<vmem>>) target(%dma_start3A_18 : memref<16xf32, #tpu.memory_space<hbm>>) target_semaphore(%run_scoped3A : memref<!tpu.dma_semaphore, #tpu.memory_space<semaphore_mem>>)
      %dma_wait3A = arith.constant 0 : i32
      %dma_wait3A_19 = tpu.memref_slice %arg4[%add3A, %dma_wait3A] : memref<32x16xf32, #tpu.memory_space<hbm>> -> memref<1x16xf32, #tpu.memory_space<hbm>>
      %dma_wait3A_20 = tpu.memref_squeeze %dma_wait3A_19 : memref<1x16xf32, #tpu.memory_space<hbm>> -> memref<16xf32, #tpu.memory_space<hbm>>
      %dma_wait3A_21 = arith.constant 0 : i32
      %dma_wait3A_22 = tpu.memref_slice %arg4[%add3A, %dma_wait3A_21] : memref<32x16xf32, #tpu.memory_space<hbm>> -> memref<1x16xf32, #tpu.memory_space<hbm>>
      %dma_wait3A_23 = tpu.memref_squeeze %dma_wait3A_22 : memref<1x16xf32, #tpu.memory_space<hbm>> -> memref<16xf32, #tpu.memory_space<hbm>>
      tpu.wait_dma2 semaphore(%run_scoped3A : memref<!tpu.dma_semaphore, #tpu.memory_space<semaphore_mem>>) src(%arg9 : memref<16xf32, #tpu.memory_space<vmem>>) dst(%dma_wait3A_23 : memref<16xf32, #tpu.memory_space<hbm>>)
      tpu.yield
    }) : () -> ()
    return
  }
}

module attributes {stable_mosaic.version = 14 : i64} {
  func.func @_chunkmax_body(%arg0: i32, %arg1: memref<32x16384xf32, #tpu.memory_space<vmem>>, %arg2: memref<32x16384xf32, #tpu.memory_space<vmem>>, %arg3: memref<8x32xi32, #tpu.memory_space<vmem>>, %arg4: memref<1984x32xf32, #tpu.memory_space<vmem>>) attributes {dimension_semantics = [#tpu.dimension_semantics<arbitrary>], iteration_bounds = array<i64: 62>, scalar_prefetch = 0 : i64, scratch_operands = 1 : i64, tpu.core_type = #tpu.core_type<tc>, window_params = [{transform_indices = @transform_0, window_bounds = array<i64: 32, 16384>}, {transform_indices = @transform_1, window_bounds = array<i64: 32, 16384>}, {pipeline_mode = #tpu.pipeline_mode<synchronous>, transform_indices = @transform_2, window_bounds = array<i64: 8, 32>}]} {
    %get3A = arith.constant 0 : index
    %get3A_0 = arith.constant 0 : index
    %get3A_1 = vector.load %arg1[%get3A, %get3A_0] : memref<32x16384xf32, #tpu.memory_space<vmem>>, vector<32x16384xf32>
    %get3A_2 = arith.constant 0 : index
    %get3A_3 = arith.constant 0 : index
    %get3A_4 = vector.load %arg2[%get3A_2, %get3A_3] : memref<32x16384xf32, #tpu.memory_space<vmem>>, vector<32x16384xf32>
    %jit3A = arith.constant 9.99999997E-7 : f32
    %jit3A_5 = arith.constant 0.999998986 : f32
    %max3A = vector.broadcast %jit3A : f32 to vector<32x16384xf32>
    %max3A_6 = arith.maximumf %max3A, %get3A_4 : vector<32x16384xf32>
    %min3A = vector.broadcast %jit3A_5 : f32 to vector<32x16384xf32>
    %min3A_7 = arith.minimumf %min3A, %max3A_6 : vector<32x16384xf32>
    %log3A = math.log %min3A_7 : vector<32x16384xf32>
    %neg3A = arith.constant 0.000000e+00 : f32
    %neg3A_8 = vector.broadcast %neg3A : f32 to vector<32x16384xf32>
    %neg3A_9 = arith.subf %neg3A_8, %log3A : vector<32x16384xf32>
    %log3A_10 = math.log %neg3A_9 : vector<32x16384xf32>
    %sub3A = arith.subf %get3A_1, %log3A_10 : vector<32x16384xf32>
    %mul3A = arith.constant 16384 : i32
    %mul3A_11 = arith.muli %arg0, %mul3A : i32
    %iota3A = tpu.iota {dimensions = array<i32: 1>} : vector<32x16384xi32>
    %add3A = vector.broadcast %mul3A_11 : i32 to vector<32x16384xi32>
    %add3A_12 = arith.addi %add3A, %iota3A : vector<32x16384xi32>
    %lt3A = arith.constant 1000000 : i32
    %lt3A_13 = vector.broadcast %lt3A : i32 to vector<32x16384xi32>
    %lt3A_14 = arith.cmpi slt, %add3A_12, %lt3A_13 : vector<32x16384xi32>
    %jit3A_15 = arith.constant 0xFF800000 : f32
    %broadcast_in_dim3A = vector.broadcast %jit3A_15 : f32 to vector<32x16384xf32>
    %select_n3A = arith.select %lt3A_14, %sub3A, %broadcast_in_dim3A : vector<32x16384xi1>, vector<32x16384xf32>
    %slice3A = vector.extract_strided_slice %select_n3A {offsets = [0, 0], sizes = [32, 512], strides = [1, 1]} : vector<32x16384xf32> to vector<32x512xf32>
    %reduce_max3A = arith.constant dense<0xFF800000> : vector<32xf32>
    %reduce_max3A_16 = vector.multi_reduction <maximumf>, %slice3A, %reduce_max3A [1] : vector<32x512xf32> to vector<32xf32>
    %reshape3A = vector.shape_cast %reduce_max3A_16 : vector<32xf32> to vector<1x32xf32>
    %mul3A_17 = arith.constant 32 : i32
    %mul3A_18 = arith.muli %arg0, %mul3A_17 : i32
    %add3A_19 = arith.constant 0 : i32
    %add3A_20 = arith.addi %mul3A_18, %add3A_19 : i32
    %swap3A = arith.index_cast %add3A_20 : i32 to index
    %swap3A_21 = arith.constant 0 : index
    %swap3A_22 = vector.load %arg4[%swap3A, %swap3A_21] : memref<1984x32xf32, #tpu.memory_space<vmem>>, vector<1x32xf32>
    tpu.vector_store %arg4[%swap3A, %swap3A_21], %reshape3A {strides = array<i32>} : memref<1984x32xf32, #tpu.memory_space<vmem>>, vector<1x32xf32>,
    %slice3A_23 = vector.extract_strided_slice %select_n3A {offsets = [0, 512], sizes = [32, 512], strides = [1, 1]} : vector<32x16384xf32> to vector<32x512xf32>
    %reduce_max3A_24 = arith.constant dense<0xFF800000> : vector<32xf32>
    %reduce_max3A_25 = vector.multi_reduction <maximumf>, %slice3A_23, %reduce_max3A_24 [1] : vector<32x512xf32> to vector<32xf32>
    %reshape3A_26 = vector.shape_cast %reduce_max3A_25 : vector<32xf32> to vector<1x32xf32>
    %mul3A_27 = arith.constant 32 : i32
    %mul3A_28 = arith.muli %arg0, %mul3A_27 : i32
    %add3A_29 = arith.constant 1 : i32
    %add3A_30 = arith.addi %mul3A_28, %add3A_29 : i32
    %swap3A_31 = arith.index_cast %add3A_30 : i32 to index
    %swap3A_32 = arith.constant 0 : index
    %swap3A_33 = vector.load %arg4[%swap3A_31, %swap3A_32] : memref<1984x32xf32, #tpu.memory_space<vmem>>, vector<1x32xf32>
    tpu.vector_store %arg4[%swap3A_31, %swap3A_32], %reshape3A_26 {strides = array<i32>} : memref<1984x32xf32, #tpu.memory_space<vmem>>, vector<1x32xf32>,
    %slice3A_34 = vector.extract_strided_slice %select_n3A {offsets = [0, 1024], sizes = [32, 512], strides = [1, 1]} : vector<32x16384xf32> to vector<32x512xf32>
    %reduce_max3A_35 = arith.constant dense<0xFF800000> : vector<32xf32>
    %reduce_max3A_36 = vector.multi_reduction <maximumf>, %slice3A_34, %reduce_max3A_35 [1] : vector<32x512xf32> to vector<32xf32>
    %reshape3A_37 = vector.shape_cast %reduce_max3A_36 : vector<32xf32> to vector<1x32xf32>
    %mul3A_38 = arith.constant 32 : i32
    %mul3A_39 = arith.muli %arg0, %mul3A_38 : i32
    %add3A_40 = arith.constant 2 : i32
    %add3A_41 = arith.addi %mul3A_39, %add3A_40 : i32
    %swap3A_42 = arith.index_cast %add3A_41 : i32 to index
    %swap3A_43 = arith.constant 0 : index
    %swap3A_44 = vector.load %arg4[%swap3A_42, %swap3A_43] : memref<1984x32xf32, #tpu.memory_space<vmem>>, vector<1x32xf32>
    tpu.vector_store %arg4[%swap3A_42, %swap3A_43], %reshape3A_37 {strides = array<i32>} : memref<1984x32xf32, #tpu.memory_space<vmem>>, vector<1x32xf32>,
    %slice3A_45 = vector.extract_strided_slice %select_n3A {offsets = [0, 1536], sizes = [32, 512], strides = [1, 1]} : vector<32x16384xf32> to vector<32x512xf32>
    %reduce_max3A_46 = arith.constant dense<0xFF800000> : vector<32xf32>
    %reduce_max3A_47 = vector.multi_reduction <maximumf>, %slice3A_45, %reduce_max3A_46 [1] : vector<32x512xf32> to vector<32xf32>
    %reshape3A_48 = vector.shape_cast %reduce_max3A_47 : vector<32xf32> to vector<1x32xf32>
    %mul3A_49 = arith.constant 32 : i32
    %mul3A_50 = arith.muli %arg0, %mul3A_49 : i32
    %add3A_51 = arith.constant 3 : i32
    %add3A_52 = arith.addi %mul3A_50, %add3A_51 : i32
    %swap3A_53 = arith.index_cast %add3A_52 : i32 to index
    %swap3A_54 = arith.constant 0 : index
    %swap3A_55 = vector.load %arg4[%swap3A_53, %swap3A_54] : memref<1984x32xf32, #tpu.memory_space<vmem>>, vector<1x32xf32>
    tpu.vector_store %arg4[%swap3A_53, %swap3A_54], %reshape3A_48 {strides = array<i32>} : memref<1984x32xf32, #tpu.memory_space<vmem>>, vector<1x32xf32>,
    %slice3A_56 = vector.extract_strided_slice %select_n3A {offsets = [0, 2048], sizes = [32, 512], strides = [1, 1]} : vector<32x16384xf32> to vector<32x512xf32>
    %reduce_max3A_57 = arith.constant dense<0xFF800000> : vector<32xf32>
    %reduce_max3A_58 = vector.multi_reduction <maximumf>, %slice3A_56, %reduce_max3A_57 [1] : vector<32x512xf32> to vector<32xf32>
    %reshape3A_59 = vector.shape_cast %reduce_max3A_58 : vector<32xf32> to vector<1x32xf32>
    %mul3A_60 = arith.constant 32 : i32
    %mul3A_61 = arith.muli %arg0, %mul3A_60 : i32
    %add3A_62 = arith.constant 4 : i32
    %add3A_63 = arith.addi %mul3A_61, %add3A_62 : i32
    %swap3A_64 = arith.index_cast %add3A_63 : i32 to index
    %swap3A_65 = arith.constant 0 : index
    %swap3A_66 = vector.load %arg4[%swap3A_64, %swap3A_65] : memref<1984x32xf32, #tpu.memory_space<vmem>>, vector<1x32xf32>
    tpu.vector_store %arg4[%swap3A_64, %swap3A_65], %reshape3A_59 {strides = array<i32>} : memref<1984x32xf32, #tpu.memory_space<vmem>>, vector<1x32xf32>,
    %slice3A_67 = vector.extract_strided_slice %select_n3A {offsets = [0, 2560], sizes = [32, 512], strides = [1, 1]} : vector<32x16384xf32> to vector<32x512xf32>
    %reduce_max3A_68 = arith.constant dense<0xFF800000> : vector<32xf32>
    %reduce_max3A_69 = vector.multi_reduction <maximumf>, %slice3A_67, %reduce_max3A_68 [1] : vector<32x512xf32> to vector<32xf32>
    %reshape3A_70 = vector.shape_cast %reduce_max3A_69 : vector<32xf32> to vector<1x32xf32>
    %mul3A_71 = arith.constant 32 : i32
    %mul3A_72 = arith.muli %arg0, %mul3A_71 : i32
    %add3A_73 = arith.constant 5 : i32
    %add3A_74 = arith.addi %mul3A_72, %add3A_73 : i32
    %swap3A_75 = arith.index_cast %add3A_74 : i32 to index
    %swap3A_76 = arith.constant 0 : index
    %swap3A_77 = vector.load %arg4[%swap3A_75, %swap3A_76] : memref<1984x32xf32, #tpu.memory_space<vmem>>, vector<1x32xf32>
    tpu.vector_store %arg4[%swap3A_75, %swap3A_76], %reshape3A_70 {strides = array<i32>} : memref<1984x32xf32, #tpu.memory_space<vmem>>, vector<1x32xf32>,
    %slice3A_78 = vector.extract_strided_slice %select_n3A {offsets = [0, 3072], sizes = [32, 512], strides = [1, 1]} : vector<32x16384xf32> to vector<32x512xf32>
    %reduce_max3A_79 = arith.constant dense<0xFF800000> : vector<32xf32>
    %reduce_max3A_80 = vector.multi_reduction <maximumf>, %slice3A_78, %reduce_max3A_79 [1] : vector<32x512xf32> to vector<32xf32>
    %reshape3A_81 = vector.shape_cast %reduce_max3A_80 : vector<32xf32> to vector<1x32xf32>
    %mul3A_82 = arith.constant 32 : i32
    %mul3A_83 = arith.muli %arg0, %mul3A_82 : i32
    %add3A_84 = arith.constant 6 : i32
    %add3A_85 = arith.addi %mul3A_83, %add3A_84 : i32
    %swap3A_86 = arith.index_cast %add3A_85 : i32 to index
    %swap3A_87 = arith.constant 0 : index
    %swap3A_88 = vector.load %arg4[%swap3A_86, %swap3A_87] : memref<1984x32xf32, #tpu.memory_space<vmem>>, vector<1x32xf32>
    tpu.vector_store %arg4[%swap3A_86, %swap3A_87], %reshape3A_81 {strides = array<i32>} : memref<1984x32xf32, #tpu.memory_space<vmem>>, vector<1x32xf32>,
    %slice3A_89 = vector.extract_strided_slice %select_n3A {offsets = [0, 3584], sizes = [32, 512], strides = [1, 1]} : vector<32x16384xf32> to vector<32x512xf32>
    %reduce_max3A_90 = arith.constant dense<0xFF800000> : vector<32xf32>
    %reduce_max3A_91 = vector.multi_reduction <maximumf>, %slice3A_89, %reduce_max3A_90 [1] : vector<32x512xf32> to vector<32xf32>
    %reshape3A_92 = vector.shape_cast %reduce_max3A_91 : vector<32xf32> to vector<1x32xf32>
    %mul3A_93 = arith.constant 32 : i32
    %mul3A_94 = arith.muli %arg0, %mul3A_93 : i32
    %add3A_95 = arith.constant 7 : i32
    %add3A_96 = arith.addi %mul3A_94, %add3A_95 : i32
    %swap3A_97 = arith.index_cast %add3A_96 : i32 to index
    %swap3A_98 = arith.constant 0 : index
    %swap3A_99 = vector.load %arg4[%swap3A_97, %swap3A_98] : memref<1984x32xf32, #tpu.memory_space<vmem>>, vector<1x32xf32>
    tpu.vector_store %arg4[%swap3A_97, %swap3A_98], %reshape3A_92 {strides = array<i32>} : memref<1984x32xf32, #tpu.memory_space<vmem>>, vector<1x32xf32>,
    %slice3A_100 = vector.extract_strided_slice %select_n3A {offsets = [0, 4096], sizes = [32, 512], strides = [1, 1]} : vector<32x16384xf32> to vector<32x512xf32>
    %reduce_max3A_101 = arith.constant dense<0xFF800000> : vector<32xf32>
    %reduce_max3A_102 = vector.multi_reduction <maximumf>, %slice3A_100, %reduce_max3A_101 [1] : vector<32x512xf32> to vector<32xf32>
    %reshape3A_103 = vector.shape_cast %reduce_max3A_102 : vector<32xf32> to vector<1x32xf32>
    %mul3A_104 = arith.constant 32 : i32
    %mul3A_105 = arith.muli %arg0, %mul3A_104 : i32
    %add3A_106 = arith.constant 8 : i32
    %add3A_107 = arith.addi %mul3A_105, %add3A_106 : i32
    %swap3A_108 = arith.index_cast %add3A_107 : i32 to index
    %swap3A_109 = arith.constant 0 : index
    %swap3A_110 = vector.load %arg4[%swap3A_108, %swap3A_109] : memref<1984x32xf32, #tpu.memory_space<vmem>>, vector<1x32xf32>
    tpu.vector_store %arg4[%swap3A_108, %swap3A_109], %reshape3A_103 {strides = array<i32>} : memref<1984x32xf32, #tpu.memory_space<vmem>>, vector<1x32xf32>,
    %slice3A_111 = vector.extract_strided_slice %select_n3A {offsets = [0, 4608], sizes = [32, 512], strides = [1, 1]} : vector<32x16384xf32> to vector<32x512xf32>
    %reduce_max3A_112 = arith.constant dense<0xFF800000> : vector<32xf32>
    %reduce_max3A_113 = vector.multi_reduction <maximumf>, %slice3A_111, %reduce_max3A_112 [1] : vector<32x512xf32> to vector<32xf32>
    %reshape3A_114 = vector.shape_cast %reduce_max3A_113 : vector<32xf32> to vector<1x32xf32>
    %mul3A_115 = arith.constant 32 : i32
    %mul3A_116 = arith.muli %arg0, %mul3A_115 : i32
    %add3A_117 = arith.constant 9 : i32
    %add3A_118 = arith.addi %mul3A_116, %add3A_117 : i32
    %swap3A_119 = arith.index_cast %add3A_118 : i32 to index
    %swap3A_120 = arith.constant 0 : index
    %swap3A_121 = vector.load %arg4[%swap3A_119, %swap3A_120] : memref<1984x32xf32, #tpu.memory_space<vmem>>, vector<1x32xf32>
    tpu.vector_store %arg4[%swap3A_119, %swap3A_120], %reshape3A_114 {strides = array<i32>} : memref<1984x32xf32, #tpu.memory_space<vmem>>, vector<1x32xf32>,
    %slice3A_122 = vector.extract_strided_slice %select_n3A {offsets = [0, 5120], sizes = [32, 512], strides = [1, 1]} : vector<32x16384xf32> to vector<32x512xf32>
    %reduce_max3A_123 = arith.constant dense<0xFF800000> : vector<32xf32>
    %reduce_max3A_124 = vector.multi_reduction <maximumf>, %slice3A_122, %reduce_max3A_123 [1] : vector<32x512xf32> to vector<32xf32>
    %reshape3A_125 = vector.shape_cast %reduce_max3A_124 : vector<32xf32> to vector<1x32xf32>
    %mul3A_126 = arith.constant 32 : i32
    %mul3A_127 = arith.muli %arg0, %mul3A_126 : i32
    %add3A_128 = arith.constant 10 : i32
    %add3A_129 = arith.addi %mul3A_127, %add3A_128 : i32
    %swap3A_130 = arith.index_cast %add3A_129 : i32 to index
    %swap3A_131 = arith.constant 0 : index
    %swap3A_132 = vector.load %arg4[%swap3A_130, %swap3A_131] : memref<1984x32xf32, #tpu.memory_space<vmem>>, vector<1x32xf32>
    tpu.vector_store %arg4[%swap3A_130, %swap3A_131], %reshape3A_125 {strides = array<i32>} : memref<1984x32xf32, #tpu.memory_space<vmem>>, vector<1x32xf32>,
    %slice3A_133 = vector.extract_strided_slice %select_n3A {offsets = [0, 5632], sizes = [32, 512], strides = [1, 1]} : vector<32x16384xf32> to vector<32x512xf32>
    %reduce_max3A_134 = arith.constant dense<0xFF800000> : vector<32xf32>
    %reduce_max3A_135 = vector.multi_reduction <maximumf>, %slice3A_133, %reduce_max3A_134 [1] : vector<32x512xf32> to vector<32xf32>
    %reshape3A_136 = vector.shape_cast %reduce_max3A_135 : vector<32xf32> to vector<1x32xf32>
    %mul3A_137 = arith.constant 32 : i32
    %mul3A_138 = arith.muli %arg0, %mul3A_137 : i32
    %add3A_139 = arith.constant 11 : i32
    %add3A_140 = arith.addi %mul3A_138, %add3A_139 : i32
    %swap3A_141 = arith.index_cast %add3A_140 : i32 to index
    %swap3A_142 = arith.constant 0 : index
    %swap3A_143 = vector.load %arg4[%swap3A_141, %swap3A_142] : memref<1984x32xf32, #tpu.memory_space<vmem>>, vector<1x32xf32>
    tpu.vector_store %arg4[%swap3A_141, %swap3A_142], %reshape3A_136 {strides = array<i32>} : memref<1984x32xf32, #tpu.memory_space<vmem>>, vector<1x32xf32>,
    %slice3A_144 = vector.extract_strided_slice %select_n3A {offsets = [0, 6144], sizes = [32, 512], strides = [1, 1]} : vector<32x16384xf32> to vector<32x512xf32>
    %reduce_max3A_145 = arith.constant dense<0xFF800000> : vector<32xf32>
    %reduce_max3A_146 = vector.multi_reduction <maximumf>, %slice3A_144, %reduce_max3A_145 [1] : vector<32x512xf32> to vector<32xf32>
    %reshape3A_147 = vector.shape_cast %reduce_max3A_146 : vector<32xf32> to vector<1x32xf32>
    %mul3A_148 = arith.constant 32 : i32
    %mul3A_149 = arith.muli %arg0, %mul3A_148 : i32
    %add3A_150 = arith.constant 12 : i32
    %add3A_151 = arith.addi %mul3A_149, %add3A_150 : i32
    %swap3A_152 = arith.index_cast %add3A_151 : i32 to index
    %swap3A_153 = arith.constant 0 : index
    %swap3A_154 = vector.load %arg4[%swap3A_152, %swap3A_153] : memref<1984x32xf32, #tpu.memory_space<vmem>>, vector<1x32xf32>
    tpu.vector_store %arg4[%swap3A_152, %swap3A_153], %reshape3A_147 {strides = array<i32>} : memref<1984x32xf32, #tpu.memory_space<vmem>>, vector<1x32xf32>,
    %slice3A_155 = vector.extract_strided_slice %select_n3A {offsets = [0, 6656], sizes = [32, 512], strides = [1, 1]} : vector<32x16384xf32> to vector<32x512xf32>
    %reduce_max3A_156 = arith.constant dense<0xFF800000> : vector<32xf32>
    %reduce_max3A_157 = vector.multi_reduction <maximumf>, %slice3A_155, %reduce_max3A_156 [1] : vector<32x512xf32> to vector<32xf32>
    %reshape3A_158 = vector.shape_cast %reduce_max3A_157 : vector<32xf32> to vector<1x32xf32>
    %mul3A_159 = arith.constant 32 : i32
    %mul3A_160 = arith.muli %arg0, %mul3A_159 : i32
    %add3A_161 = arith.constant 13 : i32
    %add3A_162 = arith.addi %mul3A_160, %add3A_161 : i32
    %swap3A_163 = arith.index_cast %add3A_162 : i32 to index
    %swap3A_164 = arith.constant 0 : index
    %swap3A_165 = vector.load %arg4[%swap3A_163, %swap3A_164] : memref<1984x32xf32, #tpu.memory_space<vmem>>, vector<1x32xf32>
    tpu.vector_store %arg4[%swap3A_163, %swap3A_164], %reshape3A_158 {strides = array<i32>} : memref<1984x32xf32, #tpu.memory_space<vmem>>, vector<1x32xf32>,
    %slice3A_166 = vector.extract_strided_slice %select_n3A {offsets = [0, 7168], sizes = [32, 512], strides = [1, 1]} : vector<32x16384xf32> to vector<32x512xf32>
    %reduce_max3A_167 = arith.constant dense<0xFF800000> : vector<32xf32>
    %reduce_max3A_168 = vector.multi_reduction <maximumf>, %slice3A_166, %reduce_max3A_167 [1] : vector<32x512xf32> to vector<32xf32>
    %reshape3A_169 = vector.shape_cast %reduce_max3A_168 : vector<32xf32> to vector<1x32xf32>
    %mul3A_170 = arith.constant 32 : i32
    %mul3A_171 = arith.muli %arg0, %mul3A_170 : i32
    %add3A_172 = arith.constant 14 : i32
    %add3A_173 = arith.addi %mul3A_171, %add3A_172 : i32
    %swap3A_174 = arith.index_cast %add3A_173 : i32 to index
    %swap3A_175 = arith.constant 0 : index
    %swap3A_176 = vector.load %arg4[%swap3A_174, %swap3A_175] : memref<1984x32xf32, #tpu.memory_space<vmem>>, vector<1x32xf32>
    tpu.vector_store %arg4[%swap3A_174, %swap3A_175], %reshape3A_169 {strides = array<i32>} : memref<1984x32xf32, #tpu.memory_space<vmem>>, vector<1x32xf32>,
    %slice3A_177 = vector.extract_strided_slice %select_n3A {offsets = [0, 7680], sizes = [32, 512], strides = [1, 1]} : vector<32x16384xf32> to vector<32x512xf32>
    %reduce_max3A_178 = arith.constant dense<0xFF800000> : vector<32xf32>
    %reduce_max3A_179 = vector.multi_reduction <maximumf>, %slice3A_177, %reduce_max3A_178 [1] : vector<32x512xf32> to vector<32xf32>
    %reshape3A_180 = vector.shape_cast %reduce_max3A_179 : vector<32xf32> to vector<1x32xf32>
    %mul3A_181 = arith.constant 32 : i32
    %mul3A_182 = arith.muli %arg0, %mul3A_181 : i32
    %add3A_183 = arith.constant 15 : i32
    %add3A_184 = arith.addi %mul3A_182, %add3A_183 : i32
    %swap3A_185 = arith.index_cast %add3A_184 : i32 to index
    %swap3A_186 = arith.constant 0 : index
    %swap3A_187 = vector.load %arg4[%swap3A_185, %swap3A_186] : memref<1984x32xf32, #tpu.memory_space<vmem>>, vector<1x32xf32>
    tpu.vector_store %arg4[%swap3A_185, %swap3A_186], %reshape3A_180 {strides = array<i32>} : memref<1984x32xf32, #tpu.memory_space<vmem>>, vector<1x32xf32>,
    %slice3A_188 = vector.extract_strided_slice %select_n3A {offsets = [0, 8192], sizes = [32, 512], strides = [1, 1]} : vector<32x16384xf32> to vector<32x512xf32>
    %reduce_max3A_189 = arith.constant dense<0xFF800000> : vector<32xf32>
    %reduce_max3A_190 = vector.multi_reduction <maximumf>, %slice3A_188, %reduce_max3A_189 [1] : vector<32x512xf32> to vector<32xf32>
    %reshape3A_191 = vector.shape_cast %reduce_max3A_190 : vector<32xf32> to vector<1x32xf32>
    %mul3A_192 = arith.constant 32 : i32
    %mul3A_193 = arith.muli %arg0, %mul3A_192 : i32
    %add3A_194 = arith.constant 16 : i32
    %add3A_195 = arith.addi %mul3A_193, %add3A_194 : i32
    %swap3A_196 = arith.index_cast %add3A_195 : i32 to index
    %swap3A_197 = arith.constant 0 : index
    %swap3A_198 = vector.load %arg4[%swap3A_196, %swap3A_197] : memref<1984x32xf32, #tpu.memory_space<vmem>>, vector<1x32xf32>
    tpu.vector_store %arg4[%swap3A_196, %swap3A_197], %reshape3A_191 {strides = array<i32>} : memref<1984x32xf32, #tpu.memory_space<vmem>>, vector<1x32xf32>,
    %slice3A_199 = vector.extract_strided_slice %select_n3A {offsets = [0, 8704], sizes = [32, 512], strides = [1, 1]} : vector<32x16384xf32> to vector<32x512xf32>
    %reduce_max3A_200 = arith.constant dense<0xFF800000> : vector<32xf32>
    %reduce_max3A_201 = vector.multi_reduction <maximumf>, %slice3A_199, %reduce_max3A_200 [1] : vector<32x512xf32> to vector<32xf32>
    %reshape3A_202 = vector.shape_cast %reduce_max3A_201 : vector<32xf32> to vector<1x32xf32>
    %mul3A_203 = arith.constant 32 : i32
    %mul3A_204 = arith.muli %arg0, %mul3A_203 : i32
    %add3A_205 = arith.constant 17 : i32
    %add3A_206 = arith.addi %mul3A_204, %add3A_205 : i32
    %swap3A_207 = arith.index_cast %add3A_206 : i32 to index
    %swap3A_208 = arith.constant 0 : index
    %swap3A_209 = vector.load %arg4[%swap3A_207, %swap3A_208] : memref<1984x32xf32, #tpu.memory_space<vmem>>, vector<1x32xf32>
    tpu.vector_store %arg4[%swap3A_207, %swap3A_208], %reshape3A_202 {strides = array<i32>} : memref<1984x32xf32, #tpu.memory_space<vmem>>, vector<1x32xf32>,
    %slice3A_210 = vector.extract_strided_slice %select_n3A {offsets = [0, 9216], sizes = [32, 512], strides = [1, 1]} : vector<32x16384xf32> to vector<32x512xf32>
    %reduce_max3A_211 = arith.constant dense<0xFF800000> : vector<32xf32>
    %reduce_max3A_212 = vector.multi_reduction <maximumf>, %slice3A_210, %reduce_max3A_211 [1] : vector<32x512xf32> to vector<32xf32>
    %reshape3A_213 = vector.shape_cast %reduce_max3A_212 : vector<32xf32> to vector<1x32xf32>
    %mul3A_214 = arith.constant 32 : i32
    %mul3A_215 = arith.muli %arg0, %mul3A_214 : i32
    %add3A_216 = arith.constant 18 : i32
    %add3A_217 = arith.addi %mul3A_215, %add3A_216 : i32
    %swap3A_218 = arith.index_cast %add3A_217 : i32 to index
    %swap3A_219 = arith.constant 0 : index
    %swap3A_220 = vector.load %arg4[%swap3A_218, %swap3A_219] : memref<1984x32xf32, #tpu.memory_space<vmem>>, vector<1x32xf32>
    tpu.vector_store %arg4[%swap3A_218, %swap3A_219], %reshape3A_213 {strides = array<i32>} : memref<1984x32xf32, #tpu.memory_space<vmem>>, vector<1x32xf32>,
    %slice3A_221 = vector.extract_strided_slice %select_n3A {offsets = [0, 9728], sizes = [32, 512], strides = [1, 1]} : vector<32x16384xf32> to vector<32x512xf32>
    %reduce_max3A_222 = arith.constant dense<0xFF800000> : vector<32xf32>
    %reduce_max3A_223 = vector.multi_reduction <maximumf>, %slice3A_221, %reduce_max3A_222 [1] : vector<32x512xf32> to vector<32xf32>
    %reshape3A_224 = vector.shape_cast %reduce_max3A_223 : vector<32xf32> to vector<1x32xf32>
    %mul3A_225 = arith.constant 32 : i32
    %mul3A_226 = arith.muli %arg0, %mul3A_225 : i32
    %add3A_227 = arith.constant 19 : i32
    %add3A_228 = arith.addi %mul3A_226, %add3A_227 : i32
    %swap3A_229 = arith.index_cast %add3A_228 : i32 to index
    %swap3A_230 = arith.constant 0 : index
    %swap3A_231 = vector.load %arg4[%swap3A_229, %swap3A_230] : memref<1984x32xf32, #tpu.memory_space<vmem>>, vector<1x32xf32>
    tpu.vector_store %arg4[%swap3A_229, %swap3A_230], %reshape3A_224 {strides = array<i32>} : memref<1984x32xf32, #tpu.memory_space<vmem>>, vector<1x32xf32>,
    %slice3A_232 = vector.extract_strided_slice %select_n3A {offsets = [0, 10240], sizes = [32, 512], strides = [1, 1]} : vector<32x16384xf32> to vector<32x512xf32>
    %reduce_max3A_233 = arith.constant dense<0xFF800000> : vector<32xf32>
    %reduce_max3A_234 = vector.multi_reduction <maximumf>, %slice3A_232, %reduce_max3A_233 [1] : vector<32x512xf32> to vector<32xf32>
    %reshape3A_235 = vector.shape_cast %reduce_max3A_234 : vector<32xf32> to vector<1x32xf32>
    %mul3A_236 = arith.constant 32 : i32
    %mul3A_237 = arith.muli %arg0, %mul3A_236 : i32
    %add3A_238 = arith.constant 20 : i32
    %add3A_239 = arith.addi %mul3A_237, %add3A_238 : i32
    %swap3A_240 = arith.index_cast %add3A_239 : i32 to index
    %swap3A_241 = arith.constant 0 : index
    %swap3A_242 = vector.load %arg4[%swap3A_240, %swap3A_241] : memref<1984x32xf32, #tpu.memory_space<vmem>>, vector<1x32xf32>
    tpu.vector_store %arg4[%swap3A_240, %swap3A_241], %reshape3A_235 {strides = array<i32>} : memref<1984x32xf32, #tpu.memory_space<vmem>>, vector<1x32xf32>,
    %slice3A_243 = vector.extract_strided_slice %select_n3A {offsets = [0, 10752], sizes = [32, 512], strides = [1, 1]} : vector<32x16384xf32> to vector<32x512xf32>
    %reduce_max3A_244 = arith.constant dense<0xFF800000> : vector<32xf32>
    %reduce_max3A_245 = vector.multi_reduction <maximumf>, %slice3A_243, %reduce_max3A_244 [1] : vector<32x512xf32> to vector<32xf32>
    %reshape3A_246 = vector.shape_cast %reduce_max3A_245 : vector<32xf32> to vector<1x32xf32>
    %mul3A_247 = arith.constant 32 : i32
    %mul3A_248 = arith.muli %arg0, %mul3A_247 : i32
    %add3A_249 = arith.constant 21 : i32
    %add3A_250 = arith.addi %mul3A_248, %add3A_249 : i32
    %swap3A_251 = arith.index_cast %add3A_250 : i32 to index
    %swap3A_252 = arith.constant 0 : index
    %swap3A_253 = vector.load %arg4[%swap3A_251, %swap3A_252] : memref<1984x32xf32, #tpu.memory_space<vmem>>, vector<1x32xf32>
    tpu.vector_store %arg4[%swap3A_251, %swap3A_252], %reshape3A_246 {strides = array<i32>} : memref<1984x32xf32, #tpu.memory_space<vmem>>, vector<1x32xf32>,
    %slice3A_254 = vector.extract_strided_slice %select_n3A {offsets = [0, 11264], sizes = [32, 512], strides = [1, 1]} : vector<32x16384xf32> to vector<32x512xf32>
    %reduce_max3A_255 = arith.constant dense<0xFF800000> : vector<32xf32>
    %reduce_max3A_256 = vector.multi_reduction <maximumf>, %slice3A_254, %reduce_max3A_255 [1] : vector<32x512xf32> to vector<32xf32>
    %reshape3A_257 = vector.shape_cast %reduce_max3A_256 : vector<32xf32> to vector<1x32xf32>
    %mul3A_258 = arith.constant 32 : i32
    %mul3A_259 = arith.muli %arg0, %mul3A_258 : i32
    %add3A_260 = arith.constant 22 : i32
    %add3A_261 = arith.addi %mul3A_259, %add3A_260 : i32
    %swap3A_262 = arith.index_cast %add3A_261 : i32 to index
    %swap3A_263 = arith.constant 0 : index
    %swap3A_264 = vector.load %arg4[%swap3A_262, %swap3A_263] : memref<1984x32xf32, #tpu.memory_space<vmem>>, vector<1x32xf32>
    tpu.vector_store %arg4[%swap3A_262, %swap3A_263], %reshape3A_257 {strides = array<i32>} : memref<1984x32xf32, #tpu.memory_space<vmem>>, vector<1x32xf32>,
    %slice3A_265 = vector.extract_strided_slice %select_n3A {offsets = [0, 11776], sizes = [32, 512], strides = [1, 1]} : vector<32x16384xf32> to vector<32x512xf32>
    %reduce_max3A_266 = arith.constant dense<0xFF800000> : vector<32xf32>
    %reduce_max3A_267 = vector.multi_reduction <maximumf>, %slice3A_265, %reduce_max3A_266 [1] : vector<32x512xf32> to vector<32xf32>
    %reshape3A_268 = vector.shape_cast %reduce_max3A_267 : vector<32xf32> to vector<1x32xf32>
    %mul3A_269 = arith.constant 32 : i32
    %mul3A_270 = arith.muli %arg0, %mul3A_269 : i32
    %add3A_271 = arith.constant 23 : i32
    %add3A_272 = arith.addi %mul3A_270, %add3A_271 : i32
    %swap3A_273 = arith.index_cast %add3A_272 : i32 to index
    %swap3A_274 = arith.constant 0 : index
    %swap3A_275 = vector.load %arg4[%swap3A_273, %swap3A_274] : memref<1984x32xf32, #tpu.memory_space<vmem>>, vector<1x32xf32>
    tpu.vector_store %arg4[%swap3A_273, %swap3A_274], %reshape3A_268 {strides = array<i32>} : memref<1984x32xf32, #tpu.memory_space<vmem>>, vector<1x32xf32>,
    %slice3A_276 = vector.extract_strided_slice %select_n3A {offsets = [0, 12288], sizes = [32, 512], strides = [1, 1]} : vector<32x16384xf32> to vector<32x512xf32>
    %reduce_max3A_277 = arith.constant dense<0xFF800000> : vector<32xf32>
    %reduce_max3A_278 = vector.multi_reduction <maximumf>, %slice3A_276, %reduce_max3A_277 [1] : vector<32x512xf32> to vector<32xf32>
    %reshape3A_279 = vector.shape_cast %reduce_max3A_278 : vector<32xf32> to vector<1x32xf32>
    %mul3A_280 = arith.constant 32 : i32
    %mul3A_281 = arith.muli %arg0, %mul3A_280 : i32
    %add3A_282 = arith.constant 24 : i32
    %add3A_283 = arith.addi %mul3A_281, %add3A_282 : i32
    %swap3A_284 = arith.index_cast %add3A_283 : i32 to index
    %swap3A_285 = arith.constant 0 : index
    %swap3A_286 = vector.load %arg4[%swap3A_284, %swap3A_285] : memref<1984x32xf32, #tpu.memory_space<vmem>>, vector<1x32xf32>
    tpu.vector_store %arg4[%swap3A_284, %swap3A_285], %reshape3A_279 {strides = array<i32>} : memref<1984x32xf32, #tpu.memory_space<vmem>>, vector<1x32xf32>,
    %slice3A_287 = vector.extract_strided_slice %select_n3A {offsets = [0, 12800], sizes = [32, 512], strides = [1, 1]} : vector<32x16384xf32> to vector<32x512xf32>
    %reduce_max3A_288 = arith.constant dense<0xFF800000> : vector<32xf32>
    %reduce_max3A_289 = vector.multi_reduction <maximumf>, %slice3A_287, %reduce_max3A_288 [1] : vector<32x512xf32> to vector<32xf32>
    %reshape3A_290 = vector.shape_cast %reduce_max3A_289 : vector<32xf32> to vector<1x32xf32>
    %mul3A_291 = arith.constant 32 : i32
    %mul3A_292 = arith.muli %arg0, %mul3A_291 : i32
    %add3A_293 = arith.constant 25 : i32
    %add3A_294 = arith.addi %mul3A_292, %add3A_293 : i32
    %swap3A_295 = arith.index_cast %add3A_294 : i32 to index
    %swap3A_296 = arith.constant 0 : index
    %swap3A_297 = vector.load %arg4[%swap3A_295, %swap3A_296] : memref<1984x32xf32, #tpu.memory_space<vmem>>, vector<1x32xf32>
    tpu.vector_store %arg4[%swap3A_295, %swap3A_296], %reshape3A_290 {strides = array<i32>} : memref<1984x32xf32, #tpu.memory_space<vmem>>, vector<1x32xf32>,
    %slice3A_298 = vector.extract_strided_slice %select_n3A {offsets = [0, 13312], sizes = [32, 512], strides = [1, 1]} : vector<32x16384xf32> to vector<32x512xf32>
    %reduce_max3A_299 = arith.constant dense<0xFF800000> : vector<32xf32>
    %reduce_max3A_300 = vector.multi_reduction <maximumf>, %slice3A_298, %reduce_max3A_299 [1] : vector<32x512xf32> to vector<32xf32>
    %reshape3A_301 = vector.shape_cast %reduce_max3A_300 : vector<32xf32> to vector<1x32xf32>
    %mul3A_302 = arith.constant 32 : i32
    %mul3A_303 = arith.muli %arg0, %mul3A_302 : i32
    %add3A_304 = arith.constant 26 : i32
    %add3A_305 = arith.addi %mul3A_303, %add3A_304 : i32
    %swap3A_306 = arith.index_cast %add3A_305 : i32 to index
    %swap3A_307 = arith.constant 0 : index
    %swap3A_308 = vector.load %arg4[%swap3A_306, %swap3A_307] : memref<1984x32xf32, #tpu.memory_space<vmem>>, vector<1x32xf32>
    tpu.vector_store %arg4[%swap3A_306, %swap3A_307], %reshape3A_301 {strides = array<i32>} : memref<1984x32xf32, #tpu.memory_space<vmem>>, vector<1x32xf32>,
    %slice3A_309 = vector.extract_strided_slice %select_n3A {offsets = [0, 13824], sizes = [32, 512], strides = [1, 1]} : vector<32x16384xf32> to vector<32x512xf32>
    %reduce_max3A_310 = arith.constant dense<0xFF800000> : vector<32xf32>
    %reduce_max3A_311 = vector.multi_reduction <maximumf>, %slice3A_309, %reduce_max3A_310 [1] : vector<32x512xf32> to vector<32xf32>
    %reshape3A_312 = vector.shape_cast %reduce_max3A_311 : vector<32xf32> to vector<1x32xf32>
    %mul3A_313 = arith.constant 32 : i32
    %mul3A_314 = arith.muli %arg0, %mul3A_313 : i32
    %add3A_315 = arith.constant 27 : i32
    %add3A_316 = arith.addi %mul3A_314, %add3A_315 : i32
    %swap3A_317 = arith.index_cast %add3A_316 : i32 to index
    %swap3A_318 = arith.constant 0 : index
    %swap3A_319 = vector.load %arg4[%swap3A_317, %swap3A_318] : memref<1984x32xf32, #tpu.memory_space<vmem>>, vector<1x32xf32>
    tpu.vector_store %arg4[%swap3A_317, %swap3A_318], %reshape3A_312 {strides = array<i32>} : memref<1984x32xf32, #tpu.memory_space<vmem>>, vector<1x32xf32>,
    %slice3A_320 = vector.extract_strided_slice %select_n3A {offsets = [0, 14336], sizes = [32, 512], strides = [1, 1]} : vector<32x16384xf32> to vector<32x512xf32>
    %reduce_max3A_321 = arith.constant dense<0xFF800000> : vector<32xf32>
    %reduce_max3A_322 = vector.multi_reduction <maximumf>, %slice3A_320, %reduce_max3A_321 [1] : vector<32x512xf32> to vector<32xf32>
    %reshape3A_323 = vector.shape_cast %reduce_max3A_322 : vector<32xf32> to vector<1x32xf32>
    %mul3A_324 = arith.constant 32 : i32
    %mul3A_325 = arith.muli %arg0, %mul3A_324 : i32
    %add3A_326 = arith.constant 28 : i32
    %add3A_327 = arith.addi %mul3A_325, %add3A_326 : i32
    %swap3A_328 = arith.index_cast %add3A_327 : i32 to index
    %swap3A_329 = arith.constant 0 : index
    %swap3A_330 = vector.load %arg4[%swap3A_328, %swap3A_329] : memref<1984x32xf32, #tpu.memory_space<vmem>>, vector<1x32xf32>
    tpu.vector_store %arg4[%swap3A_328, %swap3A_329], %reshape3A_323 {strides = array<i32>} : memref<1984x32xf32, #tpu.memory_space<vmem>>, vector<1x32xf32>,
    %slice3A_331 = vector.extract_strided_slice %select_n3A {offsets = [0, 14848], sizes = [32, 512], strides = [1, 1]} : vector<32x16384xf32> to vector<32x512xf32>
    %reduce_max3A_332 = arith.constant dense<0xFF800000> : vector<32xf32>
    %reduce_max3A_333 = vector.multi_reduction <maximumf>, %slice3A_331, %reduce_max3A_332 [1] : vector<32x512xf32> to vector<32xf32>
    %reshape3A_334 = vector.shape_cast %reduce_max3A_333 : vector<32xf32> to vector<1x32xf32>
    %mul3A_335 = arith.constant 32 : i32
    %mul3A_336 = arith.muli %arg0, %mul3A_335 : i32
    %add3A_337 = arith.constant 29 : i32
    %add3A_338 = arith.addi %mul3A_336, %add3A_337 : i32
    %swap3A_339 = arith.index_cast %add3A_338 : i32 to index
    %swap3A_340 = arith.constant 0 : index
    %swap3A_341 = vector.load %arg4[%swap3A_339, %swap3A_340] : memref<1984x32xf32, #tpu.memory_space<vmem>>, vector<1x32xf32>
    tpu.vector_store %arg4[%swap3A_339, %swap3A_340], %reshape3A_334 {strides = array<i32>} : memref<1984x32xf32, #tpu.memory_space<vmem>>, vector<1x32xf32>,
    %slice3A_342 = vector.extract_strided_slice %select_n3A {offsets = [0, 15360], sizes = [32, 512], strides = [1, 1]} : vector<32x16384xf32> to vector<32x512xf32>
    %reduce_max3A_343 = arith.constant dense<0xFF800000> : vector<32xf32>
    %reduce_max3A_344 = vector.multi_reduction <maximumf>, %slice3A_342, %reduce_max3A_343 [1] : vector<32x512xf32> to vector<32xf32>
    %reshape3A_345 = vector.shape_cast %reduce_max3A_344 : vector<32xf32> to vector<1x32xf32>
    %mul3A_346 = arith.constant 32 : i32
    %mul3A_347 = arith.muli %arg0, %mul3A_346 : i32
    %add3A_348 = arith.constant 30 : i32
    %add3A_349 = arith.addi %mul3A_347, %add3A_348 : i32
    %swap3A_350 = arith.index_cast %add3A_349 : i32 to index
    %swap3A_351 = arith.constant 0 : index
    %swap3A_352 = vector.load %arg4[%swap3A_350, %swap3A_351] : memref<1984x32xf32, #tpu.memory_space<vmem>>, vector<1x32xf32>
    tpu.vector_store %arg4[%swap3A_350, %swap3A_351], %reshape3A_345 {strides = array<i32>} : memref<1984x32xf32, #tpu.memory_space<vmem>>, vector<1x32xf32>,
    %slice3A_353 = vector.extract_strided_slice %select_n3A {offsets = [0, 15872], sizes = [32, 512], strides = [1, 1]} : vector<32x16384xf32> to vector<32x512xf32>
    %reduce_max3A_354 = arith.constant dense<0xFF800000> : vector<32xf32>
    %reduce_max3A_355 = vector.multi_reduction <maximumf>, %slice3A_353, %reduce_max3A_354 [1] : vector<32x512xf32> to vector<32xf32>
    %reshape3A_356 = vector.shape_cast %reduce_max3A_355 : vector<32xf32> to vector<1x32xf32>
    %mul3A_357 = arith.constant 32 : i32
    %mul3A_358 = arith.muli %arg0, %mul3A_357 : i32
    %add3A_359 = arith.constant 31 : i32
    %add3A_360 = arith.addi %mul3A_358, %add3A_359 : i32
    %swap3A_361 = arith.index_cast %add3A_360 : i32 to index
    %swap3A_362 = arith.constant 0 : index
    %swap3A_363 = vector.load %arg4[%swap3A_361, %swap3A_362] : memref<1984x32xf32, #tpu.memory_space<vmem>>, vector<1x32xf32>
    tpu.vector_store %arg4[%swap3A_361, %swap3A_362], %reshape3A_356 {strides = array<i32>} : memref<1984x32xf32, #tpu.memory_space<vmem>>, vector<1x32xf32>,
    %eq3A = arith.constant 61 : i32
    %eq3A_364 = arith.cmpi eq, %arg0, %eq3A : i32
    %convert_element_type3A = arith.extui %eq3A_364 : i1 to i32
    %cond3A = arith.constant 0 : i32
    %cond3A_365 = arith.cmpi ne, %convert_element_type3A, %cond3A : i32
    scf.if %cond3A_365 {
      %get3A_366 = arith.constant 0 : index
      %get3A_367 = arith.constant 0 : index
      %get3A_368 = vector.load %arg4[%get3A_366, %get3A_367] : memref<1984x32xf32, #tpu.memory_space<vmem>>, vector<1984x32xf32>
      %iota3A_369 = tpu.iota {dimensions = array<i32: 0>} : vector<1984x32xi32>
      %reduce_max3A_370 = arith.constant dense<0xFF800000> : vector<32xf32>
      %reduce_max3A_371 = vector.multi_reduction <maximumf>, %get3A_368, %reduce_max3A_370 [0] : vector<1984x32xf32> to vector<32xf32>
      %broadcast_in_dim3A_372 = vector.shape_cast %reduce_max3A_371 : vector<32xf32> to vector<1x32xf32>
      %eq3A_373 = vector.broadcast %broadcast_in_dim3A_372 : vector<1x32xf32> to vector<1984x32xf32>
      %eq3A_374 = arith.cmpf oeq, %get3A_368, %eq3A_373 : vector<1984x32xf32>
      %jit3A_375 = arith.constant 1984 : i32
      %broadcast_in_dim3A_376 = vector.broadcast %jit3A_375 : i32 to vector<1984x32xi32>
      %select_n3A_377 = arith.select %eq3A_374, %iota3A_369, %broadcast_in_dim3A_376 : vector<1984x32xi1>, vector<1984x32xi32>
      %reduce_min3A = arith.constant dense<2147483647> : vector<32xi32>
      %reduce_min3A_378 = vector.multi_reduction <minsi>, %select_n3A_377, %reduce_min3A [0] : vector<1984x32xi32> to vector<32xi32>
      %broadcast_in_dim3A_379 = vector.shape_cast %reduce_min3A_378 : vector<32xi32> to vector<1x32xi32>
      %swap3A_380 = arith.constant 0 : index
      %swap3A_381 = arith.constant 0 : index
      %swap3A_382 = vector.load %arg3[%swap3A_380, %swap3A_381] : memref<8x32xi32, #tpu.memory_space<vmem>>, vector<1x32xi32>
      tpu.vector_store %arg3[%swap3A_380, %swap3A_381], %broadcast_in_dim3A_379 {strides = array<i32>} : memref<8x32xi32, #tpu.memory_space<vmem>>, vector<1x32xi32>,
      %eq3A_383 = vector.broadcast %broadcast_in_dim3A_379 : vector<1x32xi32> to vector<1984x32xi32>
      %eq3A_384 = arith.cmpi eq, %iota3A_369, %eq3A_383 : vector<1984x32xi32>
      %jit3A_385 = arith.constant 0xFF800000 : f32
      %broadcast_in_dim3A_386 = vector.broadcast %jit3A_385 : f32 to vector<1984x32xf32>
      %select_n3A_387 = arith.select %eq3A_384, %broadcast_in_dim3A_386, %get3A_368 : vector<1984x32xi1>, vector<1984x32xf32>
      %reduce_max3A_388 = arith.constant dense<0xFF800000> : vector<32xf32>
      %reduce_max3A_389 = vector.multi_reduction <maximumf>, %select_n3A_387, %reduce_max3A_388 [0] : vector<1984x32xf32> to vector<32xf32>
      %broadcast_in_dim3A_390 = vector.shape_cast %reduce_max3A_389 : vector<32xf32> to vector<1x32xf32>
      %eq3A_391 = vector.broadcast %broadcast_in_dim3A_390 : vector<1x32xf32> to vector<1984x32xf32>
      %eq3A_392 = arith.cmpf oeq, %select_n3A_387, %eq3A_391 : vector<1984x32xf32>
      %jit3A_393 = arith.constant 1984 : i32
      %broadcast_in_dim3A_394 = vector.broadcast %jit3A_393 : i32 to vector<1984x32xi32>
      %select_n3A_395 = arith.select %eq3A_392, %iota3A_369, %broadcast_in_dim3A_394 : vector<1984x32xi1>, vector<1984x32xi32>
      %reduce_min3A_396 = arith.constant dense<2147483647> : vector<32xi32>
      %reduce_min3A_397 = vector.multi_reduction <minsi>, %select_n3A_395, %reduce_min3A_396 [0] : vector<1984x32xi32> to vector<32xi32>
      %broadcast_in_dim3A_398 = vector.shape_cast %reduce_min3A_397 : vector<32xi32> to vector<1x32xi32>
      %swap3A_399 = arith.constant 1 : index
      %swap3A_400 = arith.constant 0 : index
      %swap3A_401 = vector.load %arg3[%swap3A_399, %swap3A_400] : memref<8x32xi32, #tpu.memory_space<vmem>>, vector<1x32xi32>
      tpu.vector_store %arg3[%swap3A_399, %swap3A_400], %broadcast_in_dim3A_398 {strides = array<i32>} : memref<8x32xi32, #tpu.memory_space<vmem>>, vector<1x32xi32>,
      %eq3A_402 = vector.broadcast %broadcast_in_dim3A_398 : vector<1x32xi32> to vector<1984x32xi32>
      %eq3A_403 = arith.cmpi eq, %iota3A_369, %eq3A_402 : vector<1984x32xi32>
      %jit3A_404 = arith.constant 0xFF800000 : f32
      %broadcast_in_dim3A_405 = vector.broadcast %jit3A_404 : f32 to vector<1984x32xf32>
      %select_n3A_406 = arith.select %eq3A_403, %broadcast_in_dim3A_405, %select_n3A_387 : vector<1984x32xi1>, vector<1984x32xf32>
      %reduce_max3A_407 = arith.constant dense<0xFF800000> : vector<32xf32>
      %reduce_max3A_408 = vector.multi_reduction <maximumf>, %select_n3A_406, %reduce_max3A_407 [0] : vector<1984x32xf32> to vector<32xf32>
      %broadcast_in_dim3A_409 = vector.shape_cast %reduce_max3A_408 : vector<32xf32> to vector<1x32xf32>
      %eq3A_410 = vector.broadcast %broadcast_in_dim3A_409 : vector<1x32xf32> to vector<1984x32xf32>
      %eq3A_411 = arith.cmpf oeq, %select_n3A_406, %eq3A_410 : vector<1984x32xf32>
      %jit3A_412 = arith.constant 1984 : i32
      %broadcast_in_dim3A_413 = vector.broadcast %jit3A_412 : i32 to vector<1984x32xi32>
      %select_n3A_414 = arith.select %eq3A_411, %iota3A_369, %broadcast_in_dim3A_413 : vector<1984x32xi1>, vector<1984x32xi32>
      %reduce_min3A_415 = arith.constant dense<2147483647> : vector<32xi32>
      %reduce_min3A_416 = vector.multi_reduction <minsi>, %select_n3A_414, %reduce_min3A_415 [0] : vector<1984x32xi32> to vector<32xi32>
      %broadcast_in_dim3A_417 = vector.shape_cast %reduce_min3A_416 : vector<32xi32> to vector<1x32xi32>
      %swap3A_418 = arith.constant 2 : index
      %swap3A_419 = arith.constant 0 : index
      %swap3A_420 = vector.load %arg3[%swap3A_418, %swap3A_419] : memref<8x32xi32, #tpu.memory_space<vmem>>, vector<1x32xi32>
      tpu.vector_store %arg3[%swap3A_418, %swap3A_419], %broadcast_in_dim3A_417 {strides = array<i32>} : memref<8x32xi32, #tpu.memory_space<vmem>>, vector<1x32xi32>,
      %eq3A_421 = vector.broadcast %broadcast_in_dim3A_417 : vector<1x32xi32> to vector<1984x32xi32>
      %eq3A_422 = arith.cmpi eq, %iota3A_369, %eq3A_421 : vector<1984x32xi32>
      %jit3A_423 = arith.constant 0xFF800000 : f32
      %broadcast_in_dim3A_424 = vector.broadcast %jit3A_423 : f32 to vector<1984x32xf32>
      %select_n3A_425 = arith.select %eq3A_422, %broadcast_in_dim3A_424, %select_n3A_406 : vector<1984x32xi1>, vector<1984x32xf32>
      %reduce_max3A_426 = arith.constant dense<0xFF800000> : vector<32xf32>
      %reduce_max3A_427 = vector.multi_reduction <maximumf>, %select_n3A_425, %reduce_max3A_426 [0] : vector<1984x32xf32> to vector<32xf32>
      %broadcast_in_dim3A_428 = vector.shape_cast %reduce_max3A_427 : vector<32xf32> to vector<1x32xf32>
      %eq3A_429 = vector.broadcast %broadcast_in_dim3A_428 : vector<1x32xf32> to vector<1984x32xf32>
      %eq3A_430 = arith.cmpf oeq, %select_n3A_425, %eq3A_429 : vector<1984x32xf32>
      %jit3A_431 = arith.constant 1984 : i32
      %broadcast_in_dim3A_432 = vector.broadcast %jit3A_431 : i32 to vector<1984x32xi32>
      %select_n3A_433 = arith.select %eq3A_430, %iota3A_369, %broadcast_in_dim3A_432 : vector<1984x32xi1>, vector<1984x32xi32>
      %reduce_min3A_434 = arith.constant dense<2147483647> : vector<32xi32>
      %reduce_min3A_435 = vector.multi_reduction <minsi>, %select_n3A_433, %reduce_min3A_434 [0] : vector<1984x32xi32> to vector<32xi32>
      %broadcast_in_dim3A_436 = vector.shape_cast %reduce_min3A_435 : vector<32xi32> to vector<1x32xi32>
      %swap3A_437 = arith.constant 3 : index
      %swap3A_438 = arith.constant 0 : index
      %swap3A_439 = vector.load %arg3[%swap3A_437, %swap3A_438] : memref<8x32xi32, #tpu.memory_space<vmem>>, vector<1x32xi32>
      tpu.vector_store %arg3[%swap3A_437, %swap3A_438], %broadcast_in_dim3A_436 {strides = array<i32>} : memref<8x32xi32, #tpu.memory_space<vmem>>, vector<1x32xi32>,
      %eq3A_440 = vector.broadcast %broadcast_in_dim3A_436 : vector<1x32xi32> to vector<1984x32xi32>
      %eq3A_441 = arith.cmpi eq, %iota3A_369, %eq3A_440 : vector<1984x32xi32>
      %jit3A_442 = arith.constant 0xFF800000 : f32
      %broadcast_in_dim3A_443 = vector.broadcast %jit3A_442 : f32 to vector<1984x32xf32>
      %select_n3A_444 = arith.select %eq3A_441, %broadcast_in_dim3A_443, %select_n3A_425 : vector<1984x32xi1>, vector<1984x32xf32>
      %reduce_max3A_445 = arith.constant dense<0xFF800000> : vector<32xf32>
      %reduce_max3A_446 = vector.multi_reduction <maximumf>, %select_n3A_444, %reduce_max3A_445 [0] : vector<1984x32xf32> to vector<32xf32>
      %broadcast_in_dim3A_447 = vector.shape_cast %reduce_max3A_446 : vector<32xf32> to vector<1x32xf32>
      %eq3A_448 = vector.broadcast %broadcast_in_dim3A_447 : vector<1x32xf32> to vector<1984x32xf32>
      %eq3A_449 = arith.cmpf oeq, %select_n3A_444, %eq3A_448 : vector<1984x32xf32>
      %jit3A_450 = arith.constant 1984 : i32
      %broadcast_in_dim3A_451 = vector.broadcast %jit3A_450 : i32 to vector<1984x32xi32>
      %select_n3A_452 = arith.select %eq3A_449, %iota3A_369, %broadcast_in_dim3A_451 : vector<1984x32xi1>, vector<1984x32xi32>
      %reduce_min3A_453 = arith.constant dense<2147483647> : vector<32xi32>
      %reduce_min3A_454 = vector.multi_reduction <minsi>, %select_n3A_452, %reduce_min3A_453 [0] : vector<1984x32xi32> to vector<32xi32>
      %broadcast_in_dim3A_455 = vector.shape_cast %reduce_min3A_454 : vector<32xi32> to vector<1x32xi32>
      %swap3A_456 = arith.constant 4 : index
      %swap3A_457 = arith.constant 0 : index
      %swap3A_458 = vector.load %arg3[%swap3A_456, %swap3A_457] : memref<8x32xi32, #tpu.memory_space<vmem>>, vector<1x32xi32>
      tpu.vector_store %arg3[%swap3A_456, %swap3A_457], %broadcast_in_dim3A_455 {strides = array<i32>} : memref<8x32xi32, #tpu.memory_space<vmem>>, vector<1x32xi32>,
      %eq3A_459 = vector.broadcast %broadcast_in_dim3A_455 : vector<1x32xi32> to vector<1984x32xi32>
      %eq3A_460 = arith.cmpi eq, %iota3A_369, %eq3A_459 : vector<1984x32xi32>
      %jit3A_461 = arith.constant 0xFF800000 : f32
      %broadcast_in_dim3A_462 = vector.broadcast %jit3A_461 : f32 to vector<1984x32xf32>
      %select_n3A_463 = arith.select %eq3A_460, %broadcast_in_dim3A_462, %select_n3A_444 : vector<1984x32xi1>, vector<1984x32xf32>
      %reduce_max3A_464 = arith.constant dense<0xFF800000> : vector<32xf32>
      %reduce_max3A_465 = vector.multi_reduction <maximumf>, %select_n3A_463, %reduce_max3A_464 [0] : vector<1984x32xf32> to vector<32xf32>
      %broadcast_in_dim3A_466 = vector.shape_cast %reduce_max3A_465 : vector<32xf32> to vector<1x32xf32>
      %eq3A_467 = vector.broadcast %broadcast_in_dim3A_466 : vector<1x32xf32> to vector<1984x32xf32>
      %eq3A_468 = arith.cmpf oeq, %select_n3A_463, %eq3A_467 : vector<1984x32xf32>
      %jit3A_469 = arith.constant 1984 : i32
      %broadcast_in_dim3A_470 = vector.broadcast %jit3A_469 : i32 to vector<1984x32xi32>
      %select_n3A_471 = arith.select %eq3A_468, %iota3A_369, %broadcast_in_dim3A_470 : vector<1984x32xi1>, vector<1984x32xi32>
      %reduce_min3A_472 = arith.constant dense<2147483647> : vector<32xi32>
      %reduce_min3A_473 = vector.multi_reduction <minsi>, %select_n3A_471, %reduce_min3A_472 [0] : vector<1984x32xi32> to vector<32xi32>
      %broadcast_in_dim3A_474 = vector.shape_cast %reduce_min3A_473 : vector<32xi32> to vector<1x32xi32>
      %swap3A_475 = arith.constant 5 : index
      %swap3A_476 = arith.constant 0 : index
      %swap3A_477 = vector.load %arg3[%swap3A_475, %swap3A_476] : memref<8x32xi32, #tpu.memory_space<vmem>>, vector<1x32xi32>
      tpu.vector_store %arg3[%swap3A_475, %swap3A_476], %broadcast_in_dim3A_474 {strides = array<i32>} : memref<8x32xi32, #tpu.memory_space<vmem>>, vector<1x32xi32>,
      %eq3A_478 = vector.broadcast %broadcast_in_dim3A_474 : vector<1x32xi32> to vector<1984x32xi32>
      %eq3A_479 = arith.cmpi eq, %iota3A_369, %eq3A_478 : vector<1984x32xi32>
      %jit3A_480 = arith.constant 0xFF800000 : f32
      %broadcast_in_dim3A_481 = vector.broadcast %jit3A_480 : f32 to vector<1984x32xf32>
      %select_n3A_482 = arith.select %eq3A_479, %broadcast_in_dim3A_481, %select_n3A_463 : vector<1984x32xi1>, vector<1984x32xf32>
      %reduce_max3A_483 = arith.constant dense<0xFF800000> : vector<32xf32>
      %reduce_max3A_484 = vector.multi_reduction <maximumf>, %select_n3A_482, %reduce_max3A_483 [0] : vector<1984x32xf32> to vector<32xf32>
      %broadcast_in_dim3A_485 = vector.shape_cast %reduce_max3A_484 : vector<32xf32> to vector<1x32xf32>
      %eq3A_486 = vector.broadcast %broadcast_in_dim3A_485 : vector<1x32xf32> to vector<1984x32xf32>
      %eq3A_487 = arith.cmpf oeq, %select_n3A_482, %eq3A_486 : vector<1984x32xf32>
      %jit3A_488 = arith.constant 1984 : i32
      %broadcast_in_dim3A_489 = vector.broadcast %jit3A_488 : i32 to vector<1984x32xi32>
      %select_n3A_490 = arith.select %eq3A_487, %iota3A_369, %broadcast_in_dim3A_489 : vector<1984x32xi1>, vector<1984x32xi32>
      %reduce_min3A_491 = arith.constant dense<2147483647> : vector<32xi32>
      %reduce_min3A_492 = vector.multi_reduction <minsi>, %select_n3A_490, %reduce_min3A_491 [0] : vector<1984x32xi32> to vector<32xi32>
      %broadcast_in_dim3A_493 = vector.shape_cast %reduce_min3A_492 : vector<32xi32> to vector<1x32xi32>
      %swap3A_494 = arith.constant 6 : index
      %swap3A_495 = arith.constant 0 : index
      %swap3A_496 = vector.load %arg3[%swap3A_494, %swap3A_495] : memref<8x32xi32, #tpu.memory_space<vmem>>, vector<1x32xi32>
      tpu.vector_store %arg3[%swap3A_494, %swap3A_495], %broadcast_in_dim3A_493 {strides = array<i32>} : memref<8x32xi32, #tpu.memory_space<vmem>>, vector<1x32xi32>,
      %eq3A_497 = vector.broadcast %broadcast_in_dim3A_493 : vector<1x32xi32> to vector<1984x32xi32>
      %eq3A_498 = arith.cmpi eq, %iota3A_369, %eq3A_497 : vector<1984x32xi32>
      %jit3A_499 = arith.constant 0xFF800000 : f32
      %broadcast_in_dim3A_500 = vector.broadcast %jit3A_499 : f32 to vector<1984x32xf32>
      %select_n3A_501 = arith.select %eq3A_498, %broadcast_in_dim3A_500, %select_n3A_482 : vector<1984x32xi1>, vector<1984x32xf32>
      %reduce_max3A_502 = arith.constant dense<0xFF800000> : vector<32xf32>
      %reduce_max3A_503 = vector.multi_reduction <maximumf>, %select_n3A_501, %reduce_max3A_502 [0] : vector<1984x32xf32> to vector<32xf32>
      %broadcast_in_dim3A_504 = vector.shape_cast %reduce_max3A_503 : vector<32xf32> to vector<1x32xf32>
      %eq3A_505 = vector.broadcast %broadcast_in_dim3A_504 : vector<1x32xf32> to vector<1984x32xf32>
      %eq3A_506 = arith.cmpf oeq, %select_n3A_501, %eq3A_505 : vector<1984x32xf32>
      %jit3A_507 = arith.constant 1984 : i32
      %broadcast_in_dim3A_508 = vector.broadcast %jit3A_507 : i32 to vector<1984x32xi32>
      %select_n3A_509 = arith.select %eq3A_506, %iota3A_369, %broadcast_in_dim3A_508 : vector<1984x32xi1>, vector<1984x32xi32>
      %reduce_min3A_510 = arith.constant dense<2147483647> : vector<32xi32>
      %reduce_min3A_511 = vector.multi_reduction <minsi>, %select_n3A_509, %reduce_min3A_510 [0] : vector<1984x32xi32> to vector<32xi32>
      %broadcast_in_dim3A_512 = vector.shape_cast %reduce_min3A_511 : vector<32xi32> to vector<1x32xi32>
      %swap3A_513 = arith.constant 7 : index
      %swap3A_514 = arith.constant 0 : index
      %swap3A_515 = vector.load %arg3[%swap3A_513, %swap3A_514] : memref<8x32xi32, #tpu.memory_space<vmem>>, vector<1x32xi32>
      tpu.vector_store %arg3[%swap3A_513, %swap3A_514], %broadcast_in_dim3A_512 {strides = array<i32>} : memref<8x32xi32, #tpu.memory_space<vmem>>, vector<1x32xi32>,
    } else {
    }
    return
  }
  func.func @transform_0(%arg0: i32) -> (i32, i32) {
    %c0_i32 = arith.constant 0 : i32
    %c0_i32_0 = arith.constant 0 : i32
    return %c0_i32, %arg0 : i32, i32
  }
  func.func @transform_1(%arg0: i32) -> (i32, i32) {
    %c0_i32 = arith.constant 0 : i32
    %c0_i32_0 = arith.constant 0 : i32
    return %c0_i32, %arg0 : i32, i32
  }
  func.func @transform_2(%arg0: i32) -> (i32, i32) {
    %c0_i32 = arith.constant 0 : i32
    %c0_i32_0 = arith.constant 0 : i32
    %c0_i32_1 = arith.constant 0 : i32
    return %c0_i32, %c0_i32_0 : i32, i32
  }
}

module attributes {stable_mosaic.version = 14 : i64} {
  func.func @_select_body(%arg0: i32, %arg1: i32, %arg2: memref<8x32xi32, #tpu.memory_space<smem>>, %arg3: memref<8x512xf32, #tpu.memory_space<vmem>>, %arg4: memref<8x512xf32, #tpu.memory_space<vmem>>, %arg5: memref<8x512xf32, #tpu.memory_space<vmem>>, %arg6: memref<8x512xf32, #tpu.memory_space<vmem>>, %arg7: memref<8x512xf32, #tpu.memory_space<vmem>>, %arg8: memref<8x512xf32, #tpu.memory_space<vmem>>, %arg9: memref<8x512xf32, #tpu.memory_space<vmem>>, %arg10: memref<8x512xf32, #tpu.memory_space<vmem>>, %arg11: memref<8x512xf32, #tpu.memory_space<vmem>>, %arg12: memref<8x512xf32, #tpu.memory_space<vmem>>, %arg13: memref<8x512xf32, #tpu.memory_space<vmem>>, %arg14: memref<8x512xf32, #tpu.memory_space<vmem>>, %arg15: memref<8x512xf32, #tpu.memory_space<vmem>>, %arg16: memref<8x512xf32, #tpu.memory_space<vmem>>, %arg17: memref<8x512xf32, #tpu.memory_space<vmem>>, %arg18: memref<8x512xf32, #tpu.memory_space<vmem>>, %arg19: memref<1x8x8xf32, #tpu.memory_space<vmem>>, %arg20: memref<1x8x8xi32, #tpu.memory_space<vmem>>, %arg21: memref<64x512xf32, #tpu.memory_space<vmem>>, %arg22: memref<64x512xf32, #tpu.memory_space<vmem>>) attributes {dimension_semantics = [#tpu.dimension_semantics<arbitrary>, #tpu.dimension_semantics<arbitrary>], iteration_bounds = array<i64: 4, 8>, scalar_prefetch = 1 : i64, scratch_operands = 2 : i64, tpu.core_type = #tpu.core_type<tc>, window_params = [{transform_indices = @transform_0, window_bounds = array<i64: 8, 512>}, {transform_indices = @transform_1, window_bounds = array<i64: 8, 512>}, {transform_indices = @transform_2, window_bounds = array<i64: 8, 512>}, {transform_indices = @transform_3, window_bounds = array<i64: 8, 512>}, {transform_indices = @transform_4, window_bounds = array<i64: 8, 512>}, {transform_indices = @transform_5, window_bounds = array<i64: 8, 512>}, {transform_indices = @transform_6, window_bounds = array<i64: 8, 512>}, {transform_indices = @transform_7, window_bounds = array<i64: 8, 512>}, {transform_indices = @transform_8, window_bounds = array<i64: 8, 512>}, {transform_indices = @transform_9, window_bounds = array<i64: 8, 512>}, {transform_indices = @transform_10, window_bounds = array<i64: 8, 512>}, {transform_indices = @transform_11, window_bounds = array<i64: 8, 512>}, {transform_indices = @transform_12, window_bounds = array<i64: 8, 512>}, {transform_indices = @transform_13, window_bounds = array<i64: 8, 512>}, {transform_indices = @transform_14, window_bounds = array<i64: 8, 512>}, {transform_indices = @transform_15, window_bounds = array<i64: 8, 512>}, {transform_indices = @transform_16, window_bounds = array<i64: 1, 8, 8>}, {transform_indices = @transform_17, window_bounds = array<i64: 1, 8, 8>}]} {
    %iota3A = tpu.iota {dimensions = array<i32: 0>} : vector<8x512xi32>
    %eq3A = arith.constant 0 : i32
    %eq3A_0 = vector.broadcast %eq3A : i32 to vector<8x512xi32>
    %eq3A_1 = arith.cmpi eq, %iota3A, %eq3A_0 : vector<8x512xi32>
    %get3A = arith.constant 0 : index
    %get3A_2 = arith.constant 0 : index
    %get3A_3 = vector.load %arg3[%get3A, %get3A_2] : memref<8x512xf32, #tpu.memory_space<vmem>>, vector<8x512xf32>
    %jit3A = arith.constant 0xFF800000 : f32
    %broadcast_in_dim3A = vector.broadcast %jit3A : f32 to vector<8x512xf32>
    %select_n3A = arith.select %eq3A_1, %get3A_3, %broadcast_in_dim3A : vector<8x512xi1>, vector<8x512xf32>
    %reduce_max3A = arith.constant dense<0xFF800000> : vector<512xf32>
    %reduce_max3A_4 = vector.multi_reduction <maximumf>, %select_n3A, %reduce_max3A [0] : vector<8x512xf32> to vector<512xf32>
    %broadcast_in_dim3A_5 = vector.shape_cast %reduce_max3A_4 : vector<512xf32> to vector<1x512xf32>
    %add3A = arith.constant 0 : i32
    %add3A_6 = arith.addi %add3A, %arg1 : i32
    %swap3A = arith.index_cast %add3A_6 : i32 to index
    %swap3A_7 = arith.constant 0 : index
    %swap3A_8 = vector.load %arg21[%swap3A, %swap3A_7] : memref<64x512xf32, #tpu.memory_space<vmem>>, vector<1x512xf32>
    tpu.vector_store %arg21[%swap3A, %swap3A_7], %broadcast_in_dim3A_5 {strides = array<i32>} : memref<64x512xf32, #tpu.memory_space<vmem>>, vector<1x512xf32>,
    %get3A_9 = arith.constant 0 : index
    %get3A_10 = arith.constant 0 : index
    %get3A_11 = vector.load %arg11[%get3A_9, %get3A_10] : memref<8x512xf32, #tpu.memory_space<vmem>>, vector<8x512xf32>
    %jit3A_12 = arith.constant 0xFF800000 : f32
    %broadcast_in_dim3A_13 = vector.broadcast %jit3A_12 : f32 to vector<8x512xf32>
    %select_n3A_14 = arith.select %eq3A_1, %get3A_11, %broadcast_in_dim3A_13 : vector<8x512xi1>, vector<8x512xf32>
    %reduce_max3A_15 = arith.constant dense<0xFF800000> : vector<512xf32>
    %reduce_max3A_16 = vector.multi_reduction <maximumf>, %select_n3A_14, %reduce_max3A_15 [0] : vector<8x512xf32> to vector<512xf32>
    %broadcast_in_dim3A_17 = vector.shape_cast %reduce_max3A_16 : vector<512xf32> to vector<1x512xf32>
    %add3A_18 = arith.constant 0 : i32
    %add3A_19 = arith.addi %add3A_18, %arg1 : i32
    %swap3A_20 = arith.index_cast %add3A_19 : i32 to index
    %swap3A_21 = arith.constant 0 : index
    %swap3A_22 = vector.load %arg22[%swap3A_20, %swap3A_21] : memref<64x512xf32, #tpu.memory_space<vmem>>, vector<1x512xf32>
    tpu.vector_store %arg22[%swap3A_20, %swap3A_21], %broadcast_in_dim3A_17 {strides = array<i32>} : memref<64x512xf32, #tpu.memory_space<vmem>>, vector<1x512xf32>,
    %eq3A_23 = arith.constant 1 : i32
    %eq3A_24 = vector.broadcast %eq3A_23 : i32 to vector<8x512xi32>
    %eq3A_25 = arith.cmpi eq, %iota3A, %eq3A_24 : vector<8x512xi32>
    %get3A_26 = arith.constant 0 : index
    %get3A_27 = arith.constant 0 : index
    %get3A_28 = vector.load %arg4[%get3A_26, %get3A_27] : memref<8x512xf32, #tpu.memory_space<vmem>>, vector<8x512xf32>
    %jit3A_29 = arith.constant 0xFF800000 : f32
    %broadcast_in_dim3A_30 = vector.broadcast %jit3A_29 : f32 to vector<8x512xf32>
    %select_n3A_31 = arith.select %eq3A_25, %get3A_28, %broadcast_in_dim3A_30 : vector<8x512xi1>, vector<8x512xf32>
    %reduce_max3A_32 = arith.constant dense<0xFF800000> : vector<512xf32>
    %reduce_max3A_33 = vector.multi_reduction <maximumf>, %select_n3A_31, %reduce_max3A_32 [0] : vector<8x512xf32> to vector<512xf32>
    %broadcast_in_dim3A_34 = vector.shape_cast %reduce_max3A_33 : vector<512xf32> to vector<1x512xf32>
    %add3A_35 = arith.constant 8 : i32
    %add3A_36 = arith.addi %add3A_35, %arg1 : i32
    %swap3A_37 = arith.index_cast %add3A_36 : i32 to index
    %swap3A_38 = arith.constant 0 : index
    %swap3A_39 = vector.load %arg21[%swap3A_37, %swap3A_38] : memref<64x512xf32, #tpu.memory_space<vmem>>, vector<1x512xf32>
    tpu.vector_store %arg21[%swap3A_37, %swap3A_38], %broadcast_in_dim3A_34 {strides = array<i32>} : memref<64x512xf32, #tpu.memory_space<vmem>>, vector<1x512xf32>,
    %get3A_40 = arith.constant 0 : index
    %get3A_41 = arith.constant 0 : index
    %get3A_42 = vector.load %arg12[%get3A_40, %get3A_41] : memref<8x512xf32, #tpu.memory_space<vmem>>, vector<8x512xf32>
    %jit3A_43 = arith.constant 0xFF800000 : f32
    %broadcast_in_dim3A_44 = vector.broadcast %jit3A_43 : f32 to vector<8x512xf32>
    %select_n3A_45 = arith.select %eq3A_25, %get3A_42, %broadcast_in_dim3A_44 : vector<8x512xi1>, vector<8x512xf32>
    %reduce_max3A_46 = arith.constant dense<0xFF800000> : vector<512xf32>
    %reduce_max3A_47 = vector.multi_reduction <maximumf>, %select_n3A_45, %reduce_max3A_46 [0] : vector<8x512xf32> to vector<512xf32>
    %broadcast_in_dim3A_48 = vector.shape_cast %reduce_max3A_47 : vector<512xf32> to vector<1x512xf32>
    %add3A_49 = arith.constant 8 : i32
    %add3A_50 = arith.addi %add3A_49, %arg1 : i32
    %swap3A_51 = arith.index_cast %add3A_50 : i32 to index
    %swap3A_52 = arith.constant 0 : index
    %swap3A_53 = vector.load %arg22[%swap3A_51, %swap3A_52] : memref<64x512xf32, #tpu.memory_space<vmem>>, vector<1x512xf32>
    tpu.vector_store %arg22[%swap3A_51, %swap3A_52], %broadcast_in_dim3A_48 {strides = array<i32>} : memref<64x512xf32, #tpu.memory_space<vmem>>, vector<1x512xf32>,
    %eq3A_54 = arith.constant 2 : i32
    %eq3A_55 = vector.broadcast %eq3A_54 : i32 to vector<8x512xi32>
    %eq3A_56 = arith.cmpi eq, %iota3A, %eq3A_55 : vector<8x512xi32>
    %get3A_57 = arith.constant 0 : index
    %get3A_58 = arith.constant 0 : index
    %get3A_59 = vector.load %arg5[%get3A_57, %get3A_58] : memref<8x512xf32, #tpu.memory_space<vmem>>, vector<8x512xf32>
    %jit3A_60 = arith.constant 0xFF800000 : f32
    %broadcast_in_dim3A_61 = vector.broadcast %jit3A_60 : f32 to vector<8x512xf32>
    %select_n3A_62 = arith.select %eq3A_56, %get3A_59, %broadcast_in_dim3A_61 : vector<8x512xi1>, vector<8x512xf32>
    %reduce_max3A_63 = arith.constant dense<0xFF800000> : vector<512xf32>
    %reduce_max3A_64 = vector.multi_reduction <maximumf>, %select_n3A_62, %reduce_max3A_63 [0] : vector<8x512xf32> to vector<512xf32>
    %broadcast_in_dim3A_65 = vector.shape_cast %reduce_max3A_64 : vector<512xf32> to vector<1x512xf32>
    %add3A_66 = arith.constant 16 : i32
    %add3A_67 = arith.addi %add3A_66, %arg1 : i32
    %swap3A_68 = arith.index_cast %add3A_67 : i32 to index
    %swap3A_69 = arith.constant 0 : index
    %swap3A_70 = vector.load %arg21[%swap3A_68, %swap3A_69] : memref<64x512xf32, #tpu.memory_space<vmem>>, vector<1x512xf32>
    tpu.vector_store %arg21[%swap3A_68, %swap3A_69], %broadcast_in_dim3A_65 {strides = array<i32>} : memref<64x512xf32, #tpu.memory_space<vmem>>, vector<1x512xf32>,
    %get3A_71 = arith.constant 0 : index
    %get3A_72 = arith.constant 0 : index
    %get3A_73 = vector.load %arg13[%get3A_71, %get3A_72] : memref<8x512xf32, #tpu.memory_space<vmem>>, vector<8x512xf32>
    %jit3A_74 = arith.constant 0xFF800000 : f32
    %broadcast_in_dim3A_75 = vector.broadcast %jit3A_74 : f32 to vector<8x512xf32>
    %select_n3A_76 = arith.select %eq3A_56, %get3A_73, %broadcast_in_dim3A_75 : vector<8x512xi1>, vector<8x512xf32>
    %reduce_max3A_77 = arith.constant dense<0xFF800000> : vector<512xf32>
    %reduce_max3A_78 = vector.multi_reduction <maximumf>, %select_n3A_76, %reduce_max3A_77 [0] : vector<8x512xf32> to vector<512xf32>
    %broadcast_in_dim3A_79 = vector.shape_cast %reduce_max3A_78 : vector<512xf32> to vector<1x512xf32>
    %add3A_80 = arith.constant 16 : i32
    %add3A_81 = arith.addi %add3A_80, %arg1 : i32
    %swap3A_82 = arith.index_cast %add3A_81 : i32 to index
    %swap3A_83 = arith.constant 0 : index
    %swap3A_84 = vector.load %arg22[%swap3A_82, %swap3A_83] : memref<64x512xf32, #tpu.memory_space<vmem>>, vector<1x512xf32>
    tpu.vector_store %arg22[%swap3A_82, %swap3A_83], %broadcast_in_dim3A_79 {strides = array<i32>} : memref<64x512xf32, #tpu.memory_space<vmem>>, vector<1x512xf32>,
    %eq3A_85 = arith.constant 3 : i32
    %eq3A_86 = vector.broadcast %eq3A_85 : i32 to vector<8x512xi32>
    %eq3A_87 = arith.cmpi eq, %iota3A, %eq3A_86 : vector<8x512xi32>
    %get3A_88 = arith.constant 0 : index
    %get3A_89 = arith.constant 0 : index
    %get3A_90 = vector.load %arg6[%get3A_88, %get3A_89] : memref<8x512xf32, #tpu.memory_space<vmem>>, vector<8x512xf32>
    %jit3A_91 = arith.constant 0xFF800000 : f32
    %broadcast_in_dim3A_92 = vector.broadcast %jit3A_91 : f32 to vector<8x512xf32>
    %select_n3A_93 = arith.select %eq3A_87, %get3A_90, %broadcast_in_dim3A_92 : vector<8x512xi1>, vector<8x512xf32>
    %reduce_max3A_94 = arith.constant dense<0xFF800000> : vector<512xf32>
    %reduce_max3A_95 = vector.multi_reduction <maximumf>, %select_n3A_93, %reduce_max3A_94 [0] : vector<8x512xf32> to vector<512xf32>
    %broadcast_in_dim3A_96 = vector.shape_cast %reduce_max3A_95 : vector<512xf32> to vector<1x512xf32>
    %add3A_97 = arith.constant 24 : i32
    %add3A_98 = arith.addi %add3A_97, %arg1 : i32
    %swap3A_99 = arith.index_cast %add3A_98 : i32 to index
    %swap3A_100 = arith.constant 0 : index
    %swap3A_101 = vector.load %arg21[%swap3A_99, %swap3A_100] : memref<64x512xf32, #tpu.memory_space<vmem>>, vector<1x512xf32>
    tpu.vector_store %arg21[%swap3A_99, %swap3A_100], %broadcast_in_dim3A_96 {strides = array<i32>} : memref<64x512xf32, #tpu.memory_space<vmem>>, vector<1x512xf32>,
    %get3A_102 = arith.constant 0 : index
    %get3A_103 = arith.constant 0 : index
    %get3A_104 = vector.load %arg14[%get3A_102, %get3A_103] : memref<8x512xf32, #tpu.memory_space<vmem>>, vector<8x512xf32>
    %jit3A_105 = arith.constant 0xFF800000 : f32
    %broadcast_in_dim3A_106 = vector.broadcast %jit3A_105 : f32 to vector<8x512xf32>
    %select_n3A_107 = arith.select %eq3A_87, %get3A_104, %broadcast_in_dim3A_106 : vector<8x512xi1>, vector<8x512xf32>
    %reduce_max3A_108 = arith.constant dense<0xFF800000> : vector<512xf32>
    %reduce_max3A_109 = vector.multi_reduction <maximumf>, %select_n3A_107, %reduce_max3A_108 [0] : vector<8x512xf32> to vector<512xf32>
    %broadcast_in_dim3A_110 = vector.shape_cast %reduce_max3A_109 : vector<512xf32> to vector<1x512xf32>
    %add3A_111 = arith.constant 24 : i32
    %add3A_112 = arith.addi %add3A_111, %arg1 : i32
    %swap3A_113 = arith.index_cast %add3A_112 : i32 to index
    %swap3A_114 = arith.constant 0 : index
    %swap3A_115 = vector.load %arg22[%swap3A_113, %swap3A_114] : memref<64x512xf32, #tpu.memory_space<vmem>>, vector<1x512xf32>
    tpu.vector_store %arg22[%swap3A_113, %swap3A_114], %broadcast_in_dim3A_110 {strides = array<i32>} : memref<64x512xf32, #tpu.memory_space<vmem>>, vector<1x512xf32>,
    %eq3A_116 = arith.constant 4 : i32
    %eq3A_117 = vector.broadcast %eq3A_116 : i32 to vector<8x512xi32>
    %eq3A_118 = arith.cmpi eq, %iota3A, %eq3A_117 : vector<8x512xi32>
    %get3A_119 = arith.constant 0 : index
    %get3A_120 = arith.constant 0 : index
    %get3A_121 = vector.load %arg7[%get3A_119, %get3A_120] : memref<8x512xf32, #tpu.memory_space<vmem>>, vector<8x512xf32>
    %jit3A_122 = arith.constant 0xFF800000 : f32
    %broadcast_in_dim3A_123 = vector.broadcast %jit3A_122 : f32 to vector<8x512xf32>
    %select_n3A_124 = arith.select %eq3A_118, %get3A_121, %broadcast_in_dim3A_123 : vector<8x512xi1>, vector<8x512xf32>
    %reduce_max3A_125 = arith.constant dense<0xFF800000> : vector<512xf32>
    %reduce_max3A_126 = vector.multi_reduction <maximumf>, %select_n3A_124, %reduce_max3A_125 [0] : vector<8x512xf32> to vector<512xf32>
    %broadcast_in_dim3A_127 = vector.shape_cast %reduce_max3A_126 : vector<512xf32> to vector<1x512xf32>
    %add3A_128 = arith.constant 32 : i32
    %add3A_129 = arith.addi %add3A_128, %arg1 : i32
    %swap3A_130 = arith.index_cast %add3A_129 : i32 to index
    %swap3A_131 = arith.constant 0 : index
    %swap3A_132 = vector.load %arg21[%swap3A_130, %swap3A_131] : memref<64x512xf32, #tpu.memory_space<vmem>>, vector<1x512xf32>
    tpu.vector_store %arg21[%swap3A_130, %swap3A_131], %broadcast_in_dim3A_127 {strides = array<i32>} : memref<64x512xf32, #tpu.memory_space<vmem>>, vector<1x512xf32>,
    %get3A_133 = arith.constant 0 : index
    %get3A_134 = arith.constant 0 : index
    %get3A_135 = vector.load %arg15[%get3A_133, %get3A_134] : memref<8x512xf32, #tpu.memory_space<vmem>>, vector<8x512xf32>
    %jit3A_136 = arith.constant 0xFF800000 : f32
    %broadcast_in_dim3A_137 = vector.broadcast %jit3A_136 : f32 to vector<8x512xf32>
    %select_n3A_138 = arith.select %eq3A_118, %get3A_135, %broadcast_in_dim3A_137 : vector<8x512xi1>, vector<8x512xf32>
    %reduce_max3A_139 = arith.constant dense<0xFF800000> : vector<512xf32>
    %reduce_max3A_140 = vector.multi_reduction <maximumf>, %select_n3A_138, %reduce_max3A_139 [0] : vector<8x512xf32> to vector<512xf32>
    %broadcast_in_dim3A_141 = vector.shape_cast %reduce_max3A_140 : vector<512xf32> to vector<1x512xf32>
    %add3A_142 = arith.constant 32 : i32
    %add3A_143 = arith.addi %add3A_142, %arg1 : i32
    %swap3A_144 = arith.index_cast %add3A_143 : i32 to index
    %swap3A_145 = arith.constant 0 : index
    %swap3A_146 = vector.load %arg22[%swap3A_144, %swap3A_145] : memref<64x512xf32, #tpu.memory_space<vmem>>, vector<1x512xf32>
    tpu.vector_store %arg22[%swap3A_144, %swap3A_145], %broadcast_in_dim3A_141 {strides = array<i32>} : memref<64x512xf32, #tpu.memory_space<vmem>>, vector<1x512xf32>,
    %eq3A_147 = arith.constant 5 : i32
    %eq3A_148 = vector.broadcast %eq3A_147 : i32 to vector<8x512xi32>
    %eq3A_149 = arith.cmpi eq, %iota3A, %eq3A_148 : vector<8x512xi32>
    %get3A_150 = arith.constant 0 : index
    %get3A_151 = arith.constant 0 : index
    %get3A_152 = vector.load %arg8[%get3A_150, %get3A_151] : memref<8x512xf32, #tpu.memory_space<vmem>>, vector<8x512xf32>
    %jit3A_153 = arith.constant 0xFF800000 : f32
    %broadcast_in_dim3A_154 = vector.broadcast %jit3A_153 : f32 to vector<8x512xf32>
    %select_n3A_155 = arith.select %eq3A_149, %get3A_152, %broadcast_in_dim3A_154 : vector<8x512xi1>, vector<8x512xf32>
    %reduce_max3A_156 = arith.constant dense<0xFF800000> : vector<512xf32>
    %reduce_max3A_157 = vector.multi_reduction <maximumf>, %select_n3A_155, %reduce_max3A_156 [0] : vector<8x512xf32> to vector<512xf32>
    %broadcast_in_dim3A_158 = vector.shape_cast %reduce_max3A_157 : vector<512xf32> to vector<1x512xf32>
    %add3A_159 = arith.constant 40 : i32
    %add3A_160 = arith.addi %add3A_159, %arg1 : i32
    %swap3A_161 = arith.index_cast %add3A_160 : i32 to index
    %swap3A_162 = arith.constant 0 : index
    %swap3A_163 = vector.load %arg21[%swap3A_161, %swap3A_162] : memref<64x512xf32, #tpu.memory_space<vmem>>, vector<1x512xf32>
    tpu.vector_store %arg21[%swap3A_161, %swap3A_162], %broadcast_in_dim3A_158 {strides = array<i32>} : memref<64x512xf32, #tpu.memory_space<vmem>>, vector<1x512xf32>,
    %get3A_164 = arith.constant 0 : index
    %get3A_165 = arith.constant 0 : index
    %get3A_166 = vector.load %arg16[%get3A_164, %get3A_165] : memref<8x512xf32, #tpu.memory_space<vmem>>, vector<8x512xf32>
    %jit3A_167 = arith.constant 0xFF800000 : f32
    %broadcast_in_dim3A_168 = vector.broadcast %jit3A_167 : f32 to vector<8x512xf32>
    %select_n3A_169 = arith.select %eq3A_149, %get3A_166, %broadcast_in_dim3A_168 : vector<8x512xi1>, vector<8x512xf32>
    %reduce_max3A_170 = arith.constant dense<0xFF800000> : vector<512xf32>
    %reduce_max3A_171 = vector.multi_reduction <maximumf>, %select_n3A_169, %reduce_max3A_170 [0] : vector<8x512xf32> to vector<512xf32>
    %broadcast_in_dim3A_172 = vector.shape_cast %reduce_max3A_171 : vector<512xf32> to vector<1x512xf32>
    %add3A_173 = arith.constant 40 : i32
    %add3A_174 = arith.addi %add3A_173, %arg1 : i32
    %swap3A_175 = arith.index_cast %add3A_174 : i32 to index
    %swap3A_176 = arith.constant 0 : index
    %swap3A_177 = vector.load %arg22[%swap3A_175, %swap3A_176] : memref<64x512xf32, #tpu.memory_space<vmem>>, vector<1x512xf32>
    tpu.vector_store %arg22[%swap3A_175, %swap3A_176], %broadcast_in_dim3A_172 {strides = array<i32>} : memref<64x512xf32, #tpu.memory_space<vmem>>, vector<1x512xf32>,
    %eq3A_178 = arith.constant 6 : i32
    %eq3A_179 = vector.broadcast %eq3A_178 : i32 to vector<8x512xi32>
    %eq3A_180 = arith.cmpi eq, %iota3A, %eq3A_179 : vector<8x512xi32>
    %get3A_181 = arith.constant 0 : index
    %get3A_182 = arith.constant 0 : index
    %get3A_183 = vector.load %arg9[%get3A_181, %get3A_182] : memref<8x512xf32, #tpu.memory_space<vmem>>, vector<8x512xf32>
    %jit3A_184 = arith.constant 0xFF800000 : f32
    %broadcast_in_dim3A_185 = vector.broadcast %jit3A_184 : f32 to vector<8x512xf32>
    %select_n3A_186 = arith.select %eq3A_180, %get3A_183, %broadcast_in_dim3A_185 : vector<8x512xi1>, vector<8x512xf32>
    %reduce_max3A_187 = arith.constant dense<0xFF800000> : vector<512xf32>
    %reduce_max3A_188 = vector.multi_reduction <maximumf>, %select_n3A_186, %reduce_max3A_187 [0] : vector<8x512xf32> to vector<512xf32>
    %broadcast_in_dim3A_189 = vector.shape_cast %reduce_max3A_188 : vector<512xf32> to vector<1x512xf32>
    %add3A_190 = arith.constant 48 : i32
    %add3A_191 = arith.addi %add3A_190, %arg1 : i32
    %swap3A_192 = arith.index_cast %add3A_191 : i32 to index
    %swap3A_193 = arith.constant 0 : index
    %swap3A_194 = vector.load %arg21[%swap3A_192, %swap3A_193] : memref<64x512xf32, #tpu.memory_space<vmem>>, vector<1x512xf32>
    tpu.vector_store %arg21[%swap3A_192, %swap3A_193], %broadcast_in_dim3A_189 {strides = array<i32>} : memref<64x512xf32, #tpu.memory_space<vmem>>, vector<1x512xf32>,
    %get3A_195 = arith.constant 0 : index
    %get3A_196 = arith.constant 0 : index
    %get3A_197 = vector.load %arg17[%get3A_195, %get3A_196] : memref<8x512xf32, #tpu.memory_space<vmem>>, vector<8x512xf32>
    %jit3A_198 = arith.constant 0xFF800000 : f32
    %broadcast_in_dim3A_199 = vector.broadcast %jit3A_198 : f32 to vector<8x512xf32>
    %select_n3A_200 = arith.select %eq3A_180, %get3A_197, %broadcast_in_dim3A_199 : vector<8x512xi1>, vector<8x512xf32>
    %reduce_max3A_201 = arith.constant dense<0xFF800000> : vector<512xf32>
    %reduce_max3A_202 = vector.multi_reduction <maximumf>, %select_n3A_200, %reduce_max3A_201 [0] : vector<8x512xf32> to vector<512xf32>
    %broadcast_in_dim3A_203 = vector.shape_cast %reduce_max3A_202 : vector<512xf32> to vector<1x512xf32>
    %add3A_204 = arith.constant 48 : i32
    %add3A_205 = arith.addi %add3A_204, %arg1 : i32
    %swap3A_206 = arith.index_cast %add3A_205 : i32 to index
    %swap3A_207 = arith.constant 0 : index
    %swap3A_208 = vector.load %arg22[%swap3A_206, %swap3A_207] : memref<64x512xf32, #tpu.memory_space<vmem>>, vector<1x512xf32>
    tpu.vector_store %arg22[%swap3A_206, %swap3A_207], %broadcast_in_dim3A_203 {strides = array<i32>} : memref<64x512xf32, #tpu.memory_space<vmem>>, vector<1x512xf32>,
    %eq3A_209 = arith.constant 7 : i32
    %eq3A_210 = vector.broadcast %eq3A_209 : i32 to vector<8x512xi32>
    %eq3A_211 = arith.cmpi eq, %iota3A, %eq3A_210 : vector<8x512xi32>
    %get3A_212 = arith.constant 0 : index
    %get3A_213 = arith.constant 0 : index
    %get3A_214 = vector.load %arg10[%get3A_212, %get3A_213] : memref<8x512xf32, #tpu.memory_space<vmem>>, vector<8x512xf32>
    %jit3A_215 = arith.constant 0xFF800000 : f32
    %broadcast_in_dim3A_216 = vector.broadcast %jit3A_215 : f32 to vector<8x512xf32>
    %select_n3A_217 = arith.select %eq3A_211, %get3A_214, %broadcast_in_dim3A_216 : vector<8x512xi1>, vector<8x512xf32>
    %reduce_max3A_218 = arith.constant dense<0xFF800000> : vector<512xf32>
    %reduce_max3A_219 = vector.multi_reduction <maximumf>, %select_n3A_217, %reduce_max3A_218 [0] : vector<8x512xf32> to vector<512xf32>
    %broadcast_in_dim3A_220 = vector.shape_cast %reduce_max3A_219 : vector<512xf32> to vector<1x512xf32>
    %add3A_221 = arith.constant 56 : i32
    %add3A_222 = arith.addi %add3A_221, %arg1 : i32
    %swap3A_223 = arith.index_cast %add3A_222 : i32 to index
    %swap3A_224 = arith.constant 0 : index
    %swap3A_225 = vector.load %arg21[%swap3A_223, %swap3A_224] : memref<64x512xf32, #tpu.memory_space<vmem>>, vector<1x512xf32>
    tpu.vector_store %arg21[%swap3A_223, %swap3A_224], %broadcast_in_dim3A_220 {strides = array<i32>} : memref<64x512xf32, #tpu.memory_space<vmem>>, vector<1x512xf32>,
    %get3A_226 = arith.constant 0 : index
    %get3A_227 = arith.constant 0 : index
    %get3A_228 = vector.load %arg18[%get3A_226, %get3A_227] : memref<8x512xf32, #tpu.memory_space<vmem>>, vector<8x512xf32>
    %jit3A_229 = arith.constant 0xFF800000 : f32
    %broadcast_in_dim3A_230 = vector.broadcast %jit3A_229 : f32 to vector<8x512xf32>
    %select_n3A_231 = arith.select %eq3A_211, %get3A_228, %broadcast_in_dim3A_230 : vector<8x512xi1>, vector<8x512xf32>
    %reduce_max3A_232 = arith.constant dense<0xFF800000> : vector<512xf32>
    %reduce_max3A_233 = vector.multi_reduction <maximumf>, %select_n3A_231, %reduce_max3A_232 [0] : vector<8x512xf32> to vector<512xf32>
    %broadcast_in_dim3A_234 = vector.shape_cast %reduce_max3A_233 : vector<512xf32> to vector<1x512xf32>
    %add3A_235 = arith.constant 56 : i32
    %add3A_236 = arith.addi %add3A_235, %arg1 : i32
    %swap3A_237 = arith.index_cast %add3A_236 : i32 to index
    %swap3A_238 = arith.constant 0 : index
    %swap3A_239 = vector.load %arg22[%swap3A_237, %swap3A_238] : memref<64x512xf32, #tpu.memory_space<vmem>>, vector<1x512xf32>
    tpu.vector_store %arg22[%swap3A_237, %swap3A_238], %broadcast_in_dim3A_234 {strides = array<i32>} : memref<64x512xf32, #tpu.memory_space<vmem>>, vector<1x512xf32>,
    %eq3A_240 = arith.constant 7 : i32
    %eq3A_241 = arith.cmpi eq, %arg1, %eq3A_240 : i32
    %convert_element_type3A = arith.extui %eq3A_241 : i1 to i32
    %cond3A = arith.constant 0 : i32
    %cond3A_242 = arith.cmpi ne, %convert_element_type3A, %cond3A : i32
    scf.if %cond3A_242 {
      %iota3A_243 = tpu.iota {dimensions = array<i32: 1>} : vector<1x512xi32>
      %get3A_244 = arith.constant 0 : index
      %get3A_245 = arith.constant 0 : index
      %get3A_246 = vector.load %arg21[%get3A_244, %get3A_245] : memref<64x512xf32, #tpu.memory_space<vmem>>, vector<8x512xf32>
      %get3A_247 = arith.constant 0 : index
      %get3A_248 = arith.constant 0 : index
      %get3A_249 = vector.load %arg22[%get3A_247, %get3A_248] : memref<64x512xf32, #tpu.memory_space<vmem>>, vector<8x512xf32>
      %jit3A_250 = arith.constant 9.99999997E-7 : f32
      %jit3A_251 = arith.constant 0.999998986 : f32
      %max3A = vector.broadcast %jit3A_250 : f32 to vector<8x512xf32>
      %max3A_252 = arith.maximumf %max3A, %get3A_249 : vector<8x512xf32>
      %min3A = vector.broadcast %jit3A_251 : f32 to vector<8x512xf32>
      %min3A_253 = arith.minimumf %min3A, %max3A_252 : vector<8x512xf32>
      %log3A = math.log %min3A_253 : vector<8x512xf32>
      %neg3A = arith.constant 0.000000e+00 : f32
      %neg3A_254 = vector.broadcast %neg3A : f32 to vector<8x512xf32>
      %neg3A_255 = arith.subf %neg3A_254, %log3A : vector<8x512xf32>
      %log3A_256 = math.log %neg3A_255 : vector<8x512xf32>
      %sub3A = arith.subf %get3A_246, %log3A_256 : vector<8x512xf32>
      %mul3A = arith.constant 8 : i32
      %mul3A_257 = arith.muli %arg0, %mul3A : i32
      %add3A_258 = arith.constant 0 : i32
      %add3A_259 = arith.addi %mul3A_257, %add3A_258 : i32
      %get3A_260 = arith.constant 0 : index
      %get3A_261 = arith.index_cast %add3A_259 : i32 to index
      %get3A_262 = memref.load %arg2[%get3A_260, %get3A_261] : memref<8x32xi32, #tpu.memory_space<smem>>
      %mul3A_263 = arith.constant 512 : i32
      %mul3A_264 = arith.muli %get3A_262, %mul3A_263 : i32
      %mul3A_265 = arith.constant 8 : i32
      %mul3A_266 = arith.muli %arg0, %mul3A_265 : i32
      %add3A_267 = arith.constant 0 : i32
      %add3A_268 = arith.addi %mul3A_266, %add3A_267 : i32
      %get3A_269 = arith.constant 1 : index
      %get3A_270 = arith.index_cast %add3A_268 : i32 to index
      %get3A_271 = memref.load %arg2[%get3A_269, %get3A_270] : memref<8x32xi32, #tpu.memory_space<smem>>
      %mul3A_272 = arith.constant 512 : i32
      %mul3A_273 = arith.muli %get3A_271, %mul3A_272 : i32
      %mul3A_274 = arith.constant 8 : i32
      %mul3A_275 = arith.muli %arg0, %mul3A_274 : i32
      %add3A_276 = arith.constant 0 : i32
      %add3A_277 = arith.addi %mul3A_275, %add3A_276 : i32
      %get3A_278 = arith.constant 2 : index
      %get3A_279 = arith.index_cast %add3A_277 : i32 to index
      %get3A_280 = memref.load %arg2[%get3A_278, %get3A_279] : memref<8x32xi32, #tpu.memory_space<smem>>
      %mul3A_281 = arith.constant 512 : i32
      %mul3A_282 = arith.muli %get3A_280, %mul3A_281 : i32
      %mul3A_283 = arith.constant 8 : i32
      %mul3A_284 = arith.muli %arg0, %mul3A_283 : i32
      %add3A_285 = arith.constant 0 : i32
      %add3A_286 = arith.addi %mul3A_284, %add3A_285 : i32
      %get3A_287 = arith.constant 3 : index
      %get3A_288 = arith.index_cast %add3A_286 : i32 to index
      %get3A_289 = memref.load %arg2[%get3A_287, %get3A_288] : memref<8x32xi32, #tpu.memory_space<smem>>
      %mul3A_290 = arith.constant 512 : i32
      %mul3A_291 = arith.muli %get3A_289, %mul3A_290 : i32
      %mul3A_292 = arith.constant 8 : i32
      %mul3A_293 = arith.muli %arg0, %mul3A_292 : i32
      %add3A_294 = arith.constant 0 : i32
      %add3A_295 = arith.addi %mul3A_293, %add3A_294 : i32
      %get3A_296 = arith.constant 4 : index
      %get3A_297 = arith.index_cast %add3A_295 : i32 to index
      %get3A_298 = memref.load %arg2[%get3A_296, %get3A_297] : memref<8x32xi32, #tpu.memory_space<smem>>
      %mul3A_299 = arith.constant 512 : i32
      %mul3A_300 = arith.muli %get3A_298, %mul3A_299 : i32
      %mul3A_301 = arith.constant 8 : i32
      %mul3A_302 = arith.muli %arg0, %mul3A_301 : i32
      %add3A_303 = arith.constant 0 : i32
      %add3A_304 = arith.addi %mul3A_302, %add3A_303 : i32
      %get3A_305 = arith.constant 5 : index
      %get3A_306 = arith.index_cast %add3A_304 : i32 to index
      %get3A_307 = memref.load %arg2[%get3A_305, %get3A_306] : memref<8x32xi32, #tpu.memory_space<smem>>
      %mul3A_308 = arith.constant 512 : i32
      %mul3A_309 = arith.muli %get3A_307, %mul3A_308 : i32
      %mul3A_310 = arith.constant 8 : i32
      %mul3A_311 = arith.muli %arg0, %mul3A_310 : i32
      %add3A_312 = arith.constant 0 : i32
      %add3A_313 = arith.addi %mul3A_311, %add3A_312 : i32
      %get3A_314 = arith.constant 6 : index
      %get3A_315 = arith.index_cast %add3A_313 : i32 to index
      %get3A_316 = memref.load %arg2[%get3A_314, %get3A_315] : memref<8x32xi32, #tpu.memory_space<smem>>
      %mul3A_317 = arith.constant 512 : i32
      %mul3A_318 = arith.muli %get3A_316, %mul3A_317 : i32
      %mul3A_319 = arith.constant 8 : i32
      %mul3A_320 = arith.muli %arg0, %mul3A_319 : i32
      %add3A_321 = arith.constant 0 : i32
      %add3A_322 = arith.addi %mul3A_320, %add3A_321 : i32
      %get3A_323 = arith.constant 7 : index
      %get3A_324 = arith.index_cast %add3A_322 : i32 to index
      %get3A_325 = memref.load %arg2[%get3A_323, %get3A_324] : memref<8x32xi32, #tpu.memory_space<smem>>
      %mul3A_326 = arith.constant 512 : i32
      %mul3A_327 = arith.muli %get3A_325, %mul3A_326 : i32
      %add3A_328 = vector.broadcast %mul3A_264 : i32 to vector<1x512xi32>
      %add3A_329 = arith.addi %add3A_328, %iota3A_243 : vector<1x512xi32>
      %add3A_330 = vector.broadcast %mul3A_273 : i32 to vector<1x512xi32>
      %add3A_331 = arith.addi %add3A_330, %iota3A_243 : vector<1x512xi32>
      %add3A_332 = vector.broadcast %mul3A_282 : i32 to vector<1x512xi32>
      %add3A_333 = arith.addi %add3A_332, %iota3A_243 : vector<1x512xi32>
      %add3A_334 = vector.broadcast %mul3A_291 : i32 to vector<1x512xi32>
      %add3A_335 = arith.addi %add3A_334, %iota3A_243 : vector<1x512xi32>
      %add3A_336 = vector.broadcast %mul3A_300 : i32 to vector<1x512xi32>
      %add3A_337 = arith.addi %add3A_336, %iota3A_243 : vector<1x512xi32>
      %add3A_338 = vector.broadcast %mul3A_309 : i32 to vector<1x512xi32>
      %add3A_339 = arith.addi %add3A_338, %iota3A_243 : vector<1x512xi32>
      %add3A_340 = vector.broadcast %mul3A_318 : i32 to vector<1x512xi32>
      %add3A_341 = arith.addi %add3A_340, %iota3A_243 : vector<1x512xi32>
      %add3A_342 = vector.broadcast %mul3A_327 : i32 to vector<1x512xi32>
      %add3A_343 = arith.addi %add3A_342, %iota3A_243 : vector<1x512xi32>
      %concatenate3A = tpu.concatenate %add3A_329, %add3A_331, %add3A_333, %add3A_335, %add3A_337, %add3A_339, %add3A_341, %add3A_343 in 0 : vector<1x512xi32>, vector<1x512xi32>, vector<1x512xi32>, vector<1x512xi32>, vector<1x512xi32>, vector<1x512xi32>, vector<1x512xi32>, vector<1x512xi32> -> vector<8x512xi32>
      %lt3A = arith.constant 1000000 : i32
      %lt3A_344 = vector.broadcast %lt3A : i32 to vector<8x512xi32>
      %lt3A_345 = arith.cmpi slt, %concatenate3A, %lt3A_344 : vector<8x512xi32>
      %jit3A_346 = arith.constant 0xFF800000 : f32
      %broadcast_in_dim3A_347 = vector.broadcast %jit3A_346 : f32 to vector<8x512xf32>
      %select_n3A_348 = arith.select %lt3A_345, %sub3A, %broadcast_in_dim3A_347 : vector<8x512xi1>, vector<8x512xf32>
      %reduce_max3A_349 = vector.shape_cast %select_n3A_348 : vector<8x512xf32> to vector<1x8x512xf32>
      %reduce_max3A_350 = arith.constant dense<0xFF800000> : vector<1xf32>
      %reduce_max3A_351 = vector.multi_reduction <maximumf>, %reduce_max3A_349, %reduce_max3A_350 [1, 2] : vector<1x8x512xf32> to vector<1xf32>
      %reduce_max3A_352 = vector.shape_cast %reduce_max3A_351 : vector<1xf32> to vector<1x1x1xf32>
      %reduce_max3A_353 = vector.extract %reduce_max3A_352[0, 0, 0] : f32 from vector<1x1x1xf32>
      %eq3A_354 = vector.broadcast %reduce_max3A_353 : f32 to vector<8x512xf32>
      %eq3A_355 = arith.cmpf oeq, %select_n3A_348, %eq3A_354 : vector<8x512xf32>
      %jit3A_356 = arith.constant 1073741824 : i32
      %broadcast_in_dim3A_357 = vector.broadcast %jit3A_356 : i32 to vector<8x512xi32>
      %select_n3A_358 = arith.select %eq3A_355, %concatenate3A, %broadcast_in_dim3A_357 : vector<8x512xi1>, vector<8x512xi32>
      %reduce_min3A = vector.shape_cast %select_n3A_358 : vector<8x512xi32> to vector<1x8x512xi32>
      %reduce_min3A_359 = arith.constant dense<2147483647> : vector<1xi32>
      %reduce_min3A_360 = vector.multi_reduction <minsi>, %reduce_min3A, %reduce_min3A_359 [1, 2] : vector<1x8x512xi32> to vector<1xi32>
      %reduce_min3A_361 = vector.shape_cast %reduce_min3A_360 : vector<1xi32> to vector<1x1x1xi32>
      %reduce_min3A_362 = vector.extract %reduce_min3A_361[0, 0, 0] : i32 from vector<1x1x1xi32>
      %eq3A_363 = vector.broadcast %reduce_min3A_362 : i32 to vector<8x512xi32>
      %eq3A_364 = arith.cmpi eq, %concatenate3A, %eq3A_363 : vector<8x512xi32>
      %jit3A_365 = arith.constant 0xFF800000 : f32
      %broadcast_in_dim3A_366 = vector.broadcast %jit3A_365 : f32 to vector<8x512xf32>
      %select_n3A_367 = arith.select %eq3A_364, %get3A_246, %broadcast_in_dim3A_366 : vector<8x512xi1>, vector<8x512xf32>
      %reduce_max3A_368 = vector.shape_cast %select_n3A_367 : vector<8x512xf32> to vector<1x8x512xf32>
      %reduce_max3A_369 = arith.constant dense<0xFF800000> : vector<1xf32>
      %reduce_max3A_370 = vector.multi_reduction <maximumf>, %reduce_max3A_368, %reduce_max3A_369 [1, 2] : vector<1x8x512xf32> to vector<1xf32>
      %reduce_max3A_371 = vector.shape_cast %reduce_max3A_370 : vector<1xf32> to vector<1x1x1xf32>
      %reduce_max3A_372 = vector.extract %reduce_max3A_371[0, 0, 0] : f32 from vector<1x1x1xf32>
      %eq3A_373 = vector.broadcast %reduce_min3A_362 : i32 to vector<8x512xi32>
      %eq3A_374 = arith.cmpi eq, %concatenate3A, %eq3A_373 : vector<8x512xi32>
      %jit3A_375 = arith.constant 0xFF800000 : f32
      %broadcast_in_dim3A_376 = vector.broadcast %jit3A_375 : f32 to vector<8x512xf32>
      %select_n3A_377 = arith.select %eq3A_374, %broadcast_in_dim3A_376, %select_n3A_348 : vector<8x512xi1>, vector<8x512xf32>
      %reduce_max3A_378 = vector.shape_cast %select_n3A_377 : vector<8x512xf32> to vector<1x8x512xf32>
      %reduce_max3A_379 = arith.constant dense<0xFF800000> : vector<1xf32>
      %reduce_max3A_380 = vector.multi_reduction <maximumf>, %reduce_max3A_378, %reduce_max3A_379 [1, 2] : vector<1x8x512xf32> to vector<1xf32>
      %reduce_max3A_381 = vector.shape_cast %reduce_max3A_380 : vector<1xf32> to vector<1x1x1xf32>
      %reduce_max3A_382 = vector.extract %reduce_max3A_381[0, 0, 0] : f32 from vector<1x1x1xf32>
      %eq3A_383 = vector.broadcast %reduce_max3A_382 : f32 to vector<8x512xf32>
      %eq3A_384 = arith.cmpf oeq, %select_n3A_377, %eq3A_383 : vector<8x512xf32>
      %jit3A_385 = arith.constant 1073741824 : i32
      %broadcast_in_dim3A_386 = vector.broadcast %jit3A_385 : i32 to vector<8x512xi32>
      %select_n3A_387 = arith.select %eq3A_384, %concatenate3A, %broadcast_in_dim3A_386 : vector<8x512xi1>, vector<8x512xi32>
      %reduce_min3A_388 = vector.shape_cast %select_n3A_387 : vector<8x512xi32> to vector<1x8x512xi32>
      %reduce_min3A_389 = arith.constant dense<2147483647> : vector<1xi32>
      %reduce_min3A_390 = vector.multi_reduction <minsi>, %reduce_min3A_388, %reduce_min3A_389 [1, 2] : vector<1x8x512xi32> to vector<1xi32>
      %reduce_min3A_391 = vector.shape_cast %reduce_min3A_390 : vector<1xi32> to vector<1x1x1xi32>
      %reduce_min3A_392 = vector.extract %reduce_min3A_391[0, 0, 0] : i32 from vector<1x1x1xi32>
      %eq3A_393 = vector.broadcast %reduce_min3A_392 : i32 to vector<8x512xi32>
      %eq3A_394 = arith.cmpi eq, %concatenate3A, %eq3A_393 : vector<8x512xi32>
      %jit3A_395 = arith.constant 0xFF800000 : f32
      %broadcast_in_dim3A_396 = vector.broadcast %jit3A_395 : f32 to vector<8x512xf32>
      %select_n3A_397 = arith.select %eq3A_394, %get3A_246, %broadcast_in_dim3A_396 : vector<8x512xi1>, vector<8x512xf32>
      %reduce_max3A_398 = vector.shape_cast %select_n3A_397 : vector<8x512xf32> to vector<1x8x512xf32>
      %reduce_max3A_399 = arith.constant dense<0xFF800000> : vector<1xf32>
      %reduce_max3A_400 = vector.multi_reduction <maximumf>, %reduce_max3A_398, %reduce_max3A_399 [1, 2] : vector<1x8x512xf32> to vector<1xf32>
      %reduce_max3A_401 = vector.shape_cast %reduce_max3A_400 : vector<1xf32> to vector<1x1x1xf32>
      %reduce_max3A_402 = vector.extract %reduce_max3A_401[0, 0, 0] : f32 from vector<1x1x1xf32>
      %eq3A_403 = vector.broadcast %reduce_min3A_392 : i32 to vector<8x512xi32>
      %eq3A_404 = arith.cmpi eq, %concatenate3A, %eq3A_403 : vector<8x512xi32>
      %jit3A_405 = arith.constant 0xFF800000 : f32
      %broadcast_in_dim3A_406 = vector.broadcast %jit3A_405 : f32 to vector<8x512xf32>
      %select_n3A_407 = arith.select %eq3A_404, %broadcast_in_dim3A_406, %select_n3A_377 : vector<8x512xi1>, vector<8x512xf32>
      %reduce_max3A_408 = vector.shape_cast %select_n3A_407 : vector<8x512xf32> to vector<1x8x512xf32>
      %reduce_max3A_409 = arith.constant dense<0xFF800000> : vector<1xf32>
      %reduce_max3A_410 = vector.multi_reduction <maximumf>, %reduce_max3A_408, %reduce_max3A_409 [1, 2] : vector<1x8x512xf32> to vector<1xf32>
      %reduce_max3A_411 = vector.shape_cast %reduce_max3A_410 : vector<1xf32> to vector<1x1x1xf32>
      %reduce_max3A_412 = vector.extract %reduce_max3A_411[0, 0, 0] : f32 from vector<1x1x1xf32>
      %eq3A_413 = vector.broadcast %reduce_max3A_412 : f32 to vector<8x512xf32>
      %eq3A_414 = arith.cmpf oeq, %select_n3A_407, %eq3A_413 : vector<8x512xf32>
      %jit3A_415 = arith.constant 1073741824 : i32
      %broadcast_in_dim3A_416 = vector.broadcast %jit3A_415 : i32 to vector<8x512xi32>
      %select_n3A_417 = arith.select %eq3A_414, %concatenate3A, %broadcast_in_dim3A_416 : vector<8x512xi1>, vector<8x512xi32>
      %reduce_min3A_418 = vector.shape_cast %select_n3A_417 : vector<8x512xi32> to vector<1x8x512xi32>
      %reduce_min3A_419 = arith.constant dense<2147483647> : vector<1xi32>
      %reduce_min3A_420 = vector.multi_reduction <minsi>, %reduce_min3A_418, %reduce_min3A_419 [1, 2] : vector<1x8x512xi32> to vector<1xi32>
      %reduce_min3A_421 = vector.shape_cast %reduce_min3A_420 : vector<1xi32> to vector<1x1x1xi32>
      %reduce_min3A_422 = vector.extract %reduce_min3A_421[0, 0, 0] : i32 from vector<1x1x1xi32>
      %eq3A_423 = vector.broadcast %reduce_min3A_422 : i32 to vector<8x512xi32>
      %eq3A_424 = arith.cmpi eq, %concatenate3A, %eq3A_423 : vector<8x512xi32>
      %jit3A_425 = arith.constant 0xFF800000 : f32
      %broadcast_in_dim3A_426 = vector.broadcast %jit3A_425 : f32 to vector<8x512xf32>
      %select_n3A_427 = arith.select %eq3A_424, %get3A_246, %broadcast_in_dim3A_426 : vector<8x512xi1>, vector<8x512xf32>
      %reduce_max3A_428 = vector.shape_cast %select_n3A_427 : vector<8x512xf32> to vector<1x8x512xf32>
      %reduce_max3A_429 = arith.constant dense<0xFF800000> : vector<1xf32>
      %reduce_max3A_430 = vector.multi_reduction <maximumf>, %reduce_max3A_428, %reduce_max3A_429 [1, 2] : vector<1x8x512xf32> to vector<1xf32>
      %reduce_max3A_431 = vector.shape_cast %reduce_max3A_430 : vector<1xf32> to vector<1x1x1xf32>
      %reduce_max3A_432 = vector.extract %reduce_max3A_431[0, 0, 0] : f32 from vector<1x1x1xf32>
      %eq3A_433 = vector.broadcast %reduce_min3A_422 : i32 to vector<8x512xi32>
      %eq3A_434 = arith.cmpi eq, %concatenate3A, %eq3A_433 : vector<8x512xi32>
      %jit3A_435 = arith.constant 0xFF800000 : f32
      %broadcast_in_dim3A_436 = vector.broadcast %jit3A_435 : f32 to vector<8x512xf32>
      %select_n3A_437 = arith.select %eq3A_434, %broadcast_in_dim3A_436, %select_n3A_407 : vector<8x512xi1>, vector<8x512xf32>
      %reduce_max3A_438 = vector.shape_cast %select_n3A_437 : vector<8x512xf32> to vector<1x8x512xf32>
      %reduce_max3A_439 = arith.constant dense<0xFF800000> : vector<1xf32>
      %reduce_max3A_440 = vector.multi_reduction <maximumf>, %reduce_max3A_438, %reduce_max3A_439 [1, 2] : vector<1x8x512xf32> to vector<1xf32>
      %reduce_max3A_441 = vector.shape_cast %reduce_max3A_440 : vector<1xf32> to vector<1x1x1xf32>
      %reduce_max3A_442 = vector.extract %reduce_max3A_441[0, 0, 0] : f32 from vector<1x1x1xf32>
      %eq3A_443 = vector.broadcast %reduce_max3A_442 : f32 to vector<8x512xf32>
      %eq3A_444 = arith.cmpf oeq, %select_n3A_437, %eq3A_443 : vector<8x512xf32>
      %jit3A_445 = arith.constant 1073741824 : i32
      %broadcast_in_dim3A_446 = vector.broadcast %jit3A_445 : i32 to vector<8x512xi32>
      %select_n3A_447 = arith.select %eq3A_444, %concatenate3A, %broadcast_in_dim3A_446 : vector<8x512xi1>, vector<8x512xi32>
      %reduce_min3A_448 = vector.shape_cast %select_n3A_447 : vector<8x512xi32> to vector<1x8x512xi32>
      %reduce_min3A_449 = arith.constant dense<2147483647> : vector<1xi32>
      %reduce_min3A_450 = vector.multi_reduction <minsi>, %reduce_min3A_448, %reduce_min3A_449 [1, 2] : vector<1x8x512xi32> to vector<1xi32>
      %reduce_min3A_451 = vector.shape_cast %reduce_min3A_450 : vector<1xi32> to vector<1x1x1xi32>
      %reduce_min3A_452 = vector.extract %reduce_min3A_451[0, 0, 0] : i32 from vector<1x1x1xi32>
      %eq3A_453 = vector.broadcast %reduce_min3A_452 : i32 to vector<8x512xi32>
      %eq3A_454 = arith.cmpi eq, %concatenate3A, %eq3A_453 : vector<8x512xi32>
      %jit3A_455 = arith.constant 0xFF800000 : f32
      %broadcast_in_dim3A_456 = vector.broadcast %jit3A_455 : f32 to vector<8x512xf32>
      %select_n3A_457 = arith.select %eq3A_454, %get3A_246, %broadcast_in_dim3A_456 : vector<8x512xi1>, vector<8x512xf32>
      %reduce_max3A_458 = vector.shape_cast %select_n3A_457 : vector<8x512xf32> to vector<1x8x512xf32>
      %reduce_max3A_459 = arith.constant dense<0xFF800000> : vector<1xf32>
      %reduce_max3A_460 = vector.multi_reduction <maximumf>, %reduce_max3A_458, %reduce_max3A_459 [1, 2] : vector<1x8x512xf32> to vector<1xf32>
      %reduce_max3A_461 = vector.shape_cast %reduce_max3A_460 : vector<1xf32> to vector<1x1x1xf32>
      %reduce_max3A_462 = vector.extract %reduce_max3A_461[0, 0, 0] : f32 from vector<1x1x1xf32>
      %eq3A_463 = vector.broadcast %reduce_min3A_452 : i32 to vector<8x512xi32>
      %eq3A_464 = arith.cmpi eq, %concatenate3A, %eq3A_463 : vector<8x512xi32>
      %jit3A_465 = arith.constant 0xFF800000 : f32
      %broadcast_in_dim3A_466 = vector.broadcast %jit3A_465 : f32 to vector<8x512xf32>
      %select_n3A_467 = arith.select %eq3A_464, %broadcast_in_dim3A_466, %select_n3A_437 : vector<8x512xi1>, vector<8x512xf32>
      %reduce_max3A_468 = vector.shape_cast %select_n3A_467 : vector<8x512xf32> to vector<1x8x512xf32>
      %reduce_max3A_469 = arith.constant dense<0xFF800000> : vector<1xf32>
      %reduce_max3A_470 = vector.multi_reduction <maximumf>, %reduce_max3A_468, %reduce_max3A_469 [1, 2] : vector<1x8x512xf32> to vector<1xf32>
      %reduce_max3A_471 = vector.shape_cast %reduce_max3A_470 : vector<1xf32> to vector<1x1x1xf32>
      %reduce_max3A_472 = vector.extract %reduce_max3A_471[0, 0, 0] : f32 from vector<1x1x1xf32>
      %eq3A_473 = vector.broadcast %reduce_max3A_472 : f32 to vector<8x512xf32>
      %eq3A_474 = arith.cmpf oeq, %select_n3A_467, %eq3A_473 : vector<8x512xf32>
      %jit3A_475 = arith.constant 1073741824 : i32
      %broadcast_in_dim3A_476 = vector.broadcast %jit3A_475 : i32 to vector<8x512xi32>
      %select_n3A_477 = arith.select %eq3A_474, %concatenate3A, %broadcast_in_dim3A_476 : vector<8x512xi1>, vector<8x512xi32>
      %reduce_min3A_478 = vector.shape_cast %select_n3A_477 : vector<8x512xi32> to vector<1x8x512xi32>
      %reduce_min3A_479 = arith.constant dense<2147483647> : vector<1xi32>
      %reduce_min3A_480 = vector.multi_reduction <minsi>, %reduce_min3A_478, %reduce_min3A_479 [1, 2] : vector<1x8x512xi32> to vector<1xi32>
      %reduce_min3A_481 = vector.shape_cast %reduce_min3A_480 : vector<1xi32> to vector<1x1x1xi32>
      %reduce_min3A_482 = vector.extract %reduce_min3A_481[0, 0, 0] : i32 from vector<1x1x1xi32>
      %eq3A_483 = vector.broadcast %reduce_min3A_482 : i32 to vector<8x512xi32>
      %eq3A_484 = arith.cmpi eq, %concatenate3A, %eq3A_483 : vector<8x512xi32>
      %jit3A_485 = arith.constant 0xFF800000 : f32
      %broadcast_in_dim3A_486 = vector.broadcast %jit3A_485 : f32 to vector<8x512xf32>
      %select_n3A_487 = arith.select %eq3A_484, %get3A_246, %broadcast_in_dim3A_486 : vector<8x512xi1>, vector<8x512xf32>
      %reduce_max3A_488 = vector.shape_cast %select_n3A_487 : vector<8x512xf32> to vector<1x8x512xf32>
      %reduce_max3A_489 = arith.constant dense<0xFF800000> : vector<1xf32>
      %reduce_max3A_490 = vector.multi_reduction <maximumf>, %reduce_max3A_488, %reduce_max3A_489 [1, 2] : vector<1x8x512xf32> to vector<1xf32>
      %reduce_max3A_491 = vector.shape_cast %reduce_max3A_490 : vector<1xf32> to vector<1x1x1xf32>
      %reduce_max3A_492 = vector.extract %reduce_max3A_491[0, 0, 0] : f32 from vector<1x1x1xf32>
      %eq3A_493 = vector.broadcast %reduce_min3A_482 : i32 to vector<8x512xi32>
      %eq3A_494 = arith.cmpi eq, %concatenate3A, %eq3A_493 : vector<8x512xi32>
      %jit3A_495 = arith.constant 0xFF800000 : f32
      %broadcast_in_dim3A_496 = vector.broadcast %jit3A_495 : f32 to vector<8x512xf32>
      %select_n3A_497 = arith.select %eq3A_494, %broadcast_in_dim3A_496, %select_n3A_467 : vector<8x512xi1>, vector<8x512xf32>
      %reduce_max3A_498 = vector.shape_cast %select_n3A_497 : vector<8x512xf32> to vector<1x8x512xf32>
      %reduce_max3A_499 = arith.constant dense<0xFF800000> : vector<1xf32>
      %reduce_max3A_500 = vector.multi_reduction <maximumf>, %reduce_max3A_498, %reduce_max3A_499 [1, 2] : vector<1x8x512xf32> to vector<1xf32>
      %reduce_max3A_501 = vector.shape_cast %reduce_max3A_500 : vector<1xf32> to vector<1x1x1xf32>
      %reduce_max3A_502 = vector.extract %reduce_max3A_501[0, 0, 0] : f32 from vector<1x1x1xf32>
      %eq3A_503 = vector.broadcast %reduce_max3A_502 : f32 to vector<8x512xf32>
      %eq3A_504 = arith.cmpf oeq, %select_n3A_497, %eq3A_503 : vector<8x512xf32>
      %jit3A_505 = arith.constant 1073741824 : i32
      %broadcast_in_dim3A_506 = vector.broadcast %jit3A_505 : i32 to vector<8x512xi32>
      %select_n3A_507 = arith.select %eq3A_504, %concatenate3A, %broadcast_in_dim3A_506 : vector<8x512xi1>, vector<8x512xi32>
      %reduce_min3A_508 = vector.shape_cast %select_n3A_507 : vector<8x512xi32> to vector<1x8x512xi32>
      %reduce_min3A_509 = arith.constant dense<2147483647> : vector<1xi32>
      %reduce_min3A_510 = vector.multi_reduction <minsi>, %reduce_min3A_508, %reduce_min3A_509 [1, 2] : vector<1x8x512xi32> to vector<1xi32>
      %reduce_min3A_511 = vector.shape_cast %reduce_min3A_510 : vector<1xi32> to vector<1x1x1xi32>
      %reduce_min3A_512 = vector.extract %reduce_min3A_511[0, 0, 0] : i32 from vector<1x1x1xi32>
      %eq3A_513 = vector.broadcast %reduce_min3A_512 : i32 to vector<8x512xi32>
      %eq3A_514 = arith.cmpi eq, %concatenate3A, %eq3A_513 : vector<8x512xi32>
      %jit3A_515 = arith.constant 0xFF800000 : f32
      %broadcast_in_dim3A_516 = vector.broadcast %jit3A_515 : f32 to vector<8x512xf32>
      %select_n3A_517 = arith.select %eq3A_514, %get3A_246, %broadcast_in_dim3A_516 : vector<8x512xi1>, vector<8x512xf32>
      %reduce_max3A_518 = vector.shape_cast %select_n3A_517 : vector<8x512xf32> to vector<1x8x512xf32>
      %reduce_max3A_519 = arith.constant dense<0xFF800000> : vector<1xf32>
      %reduce_max3A_520 = vector.multi_reduction <maximumf>, %reduce_max3A_518, %reduce_max3A_519 [1, 2] : vector<1x8x512xf32> to vector<1xf32>
      %reduce_max3A_521 = vector.shape_cast %reduce_max3A_520 : vector<1xf32> to vector<1x1x1xf32>
      %reduce_max3A_522 = vector.extract %reduce_max3A_521[0, 0, 0] : f32 from vector<1x1x1xf32>
      %eq3A_523 = vector.broadcast %reduce_min3A_512 : i32 to vector<8x512xi32>
      %eq3A_524 = arith.cmpi eq, %concatenate3A, %eq3A_523 : vector<8x512xi32>
      %jit3A_525 = arith.constant 0xFF800000 : f32
      %broadcast_in_dim3A_526 = vector.broadcast %jit3A_525 : f32 to vector<8x512xf32>
      %select_n3A_527 = arith.select %eq3A_524, %broadcast_in_dim3A_526, %select_n3A_497 : vector<8x512xi1>, vector<8x512xf32>
      %reduce_max3A_528 = vector.shape_cast %select_n3A_527 : vector<8x512xf32> to vector<1x8x512xf32>
      %reduce_max3A_529 = arith.constant dense<0xFF800000> : vector<1xf32>
      %reduce_max3A_530 = vector.multi_reduction <maximumf>, %reduce_max3A_528, %reduce_max3A_529 [1, 2] : vector<1x8x512xf32> to vector<1xf32>
      %reduce_max3A_531 = vector.shape_cast %reduce_max3A_530 : vector<1xf32> to vector<1x1x1xf32>
      %reduce_max3A_532 = vector.extract %reduce_max3A_531[0, 0, 0] : f32 from vector<1x1x1xf32>
      %eq3A_533 = vector.broadcast %reduce_max3A_532 : f32 to vector<8x512xf32>
      %eq3A_534 = arith.cmpf oeq, %select_n3A_527, %eq3A_533 : vector<8x512xf32>
      %jit3A_535 = arith.constant 1073741824 : i32
      %broadcast_in_dim3A_536 = vector.broadcast %jit3A_535 : i32 to vector<8x512xi32>
      %select_n3A_537 = arith.select %eq3A_534, %concatenate3A, %broadcast_in_dim3A_536 : vector<8x512xi1>, vector<8x512xi32>
      %reduce_min3A_538 = vector.shape_cast %select_n3A_537 : vector<8x512xi32> to vector<1x8x512xi32>
      %reduce_min3A_539 = arith.constant dense<2147483647> : vector<1xi32>
      %reduce_min3A_540 = vector.multi_reduction <minsi>, %reduce_min3A_538, %reduce_min3A_539 [1, 2] : vector<1x8x512xi32> to vector<1xi32>
      %reduce_min3A_541 = vector.shape_cast %reduce_min3A_540 : vector<1xi32> to vector<1x1x1xi32>
      %reduce_min3A_542 = vector.extract %reduce_min3A_541[0, 0, 0] : i32 from vector<1x1x1xi32>
      %eq3A_543 = vector.broadcast %reduce_min3A_542 : i32 to vector<8x512xi32>
      %eq3A_544 = arith.cmpi eq, %concatenate3A, %eq3A_543 : vector<8x512xi32>
      %jit3A_545 = arith.constant 0xFF800000 : f32
      %broadcast_in_dim3A_546 = vector.broadcast %jit3A_545 : f32 to vector<8x512xf32>
      %select_n3A_547 = arith.select %eq3A_544, %get3A_246, %broadcast_in_dim3A_546 : vector<8x512xi1>, vector<8x512xf32>
      %reduce_max3A_548 = vector.shape_cast %select_n3A_547 : vector<8x512xf32> to vector<1x8x512xf32>
      %reduce_max3A_549 = arith.constant dense<0xFF800000> : vector<1xf32>
      %reduce_max3A_550 = vector.multi_reduction <maximumf>, %reduce_max3A_548, %reduce_max3A_549 [1, 2] : vector<1x8x512xf32> to vector<1xf32>
      %reduce_max3A_551 = vector.shape_cast %reduce_max3A_550 : vector<1xf32> to vector<1x1x1xf32>
      %reduce_max3A_552 = vector.extract %reduce_max3A_551[0, 0, 0] : f32 from vector<1x1x1xf32>
      %eq3A_553 = vector.broadcast %reduce_min3A_542 : i32 to vector<8x512xi32>
      %eq3A_554 = arith.cmpi eq, %concatenate3A, %eq3A_553 : vector<8x512xi32>
      %jit3A_555 = arith.constant 0xFF800000 : f32
      %broadcast_in_dim3A_556 = vector.broadcast %jit3A_555 : f32 to vector<8x512xf32>
      %select_n3A_557 = arith.select %eq3A_554, %broadcast_in_dim3A_556, %select_n3A_527 : vector<8x512xi1>, vector<8x512xf32>
      %reduce_max3A_558 = vector.shape_cast %select_n3A_557 : vector<8x512xf32> to vector<1x8x512xf32>
      %reduce_max3A_559 = arith.constant dense<0xFF800000> : vector<1xf32>
      %reduce_max3A_560 = vector.multi_reduction <maximumf>, %reduce_max3A_558, %reduce_max3A_559 [1, 2] : vector<1x8x512xf32> to vector<1xf32>
      %reduce_max3A_561 = vector.shape_cast %reduce_max3A_560 : vector<1xf32> to vector<1x1x1xf32>
      %reduce_max3A_562 = vector.extract %reduce_max3A_561[0, 0, 0] : f32 from vector<1x1x1xf32>
      %eq3A_563 = vector.broadcast %reduce_max3A_562 : f32 to vector<8x512xf32>
      %eq3A_564 = arith.cmpf oeq, %select_n3A_557, %eq3A_563 : vector<8x512xf32>
      %jit3A_565 = arith.constant 1073741824 : i32
      %broadcast_in_dim3A_566 = vector.broadcast %jit3A_565 : i32 to vector<8x512xi32>
      %select_n3A_567 = arith.select %eq3A_564, %concatenate3A, %broadcast_in_dim3A_566 : vector<8x512xi1>, vector<8x512xi32>
      %reduce_min3A_568 = vector.shape_cast %select_n3A_567 : vector<8x512xi32> to vector<1x8x512xi32>
      %reduce_min3A_569 = arith.constant dense<2147483647> : vector<1xi32>
      %reduce_min3A_570 = vector.multi_reduction <minsi>, %reduce_min3A_568, %reduce_min3A_569 [1, 2] : vector<1x8x512xi32> to vector<1xi32>
      %reduce_min3A_571 = vector.shape_cast %reduce_min3A_570 : vector<1xi32> to vector<1x1x1xi32>
      %reduce_min3A_572 = vector.extract %reduce_min3A_571[0, 0, 0] : i32 from vector<1x1x1xi32>
      %eq3A_573 = vector.broadcast %reduce_min3A_572 : i32 to vector<8x512xi32>
      %eq3A_574 = arith.cmpi eq, %concatenate3A, %eq3A_573 : vector<8x512xi32>
      %jit3A_575 = arith.constant 0xFF800000 : f32
      %broadcast_in_dim3A_576 = vector.broadcast %jit3A_575 : f32 to vector<8x512xf32>
      %select_n3A_577 = arith.select %eq3A_574, %get3A_246, %broadcast_in_dim3A_576 : vector<8x512xi1>, vector<8x512xf32>
      %reduce_max3A_578 = vector.shape_cast %select_n3A_577 : vector<8x512xf32> to vector<1x8x512xf32>
      %reduce_max3A_579 = arith.constant dense<0xFF800000> : vector<1xf32>
      %reduce_max3A_580 = vector.multi_reduction <maximumf>, %reduce_max3A_578, %reduce_max3A_579 [1, 2] : vector<1x8x512xf32> to vector<1xf32>
      %reduce_max3A_581 = vector.shape_cast %reduce_max3A_580 : vector<1xf32> to vector<1x1x1xf32>
      %reduce_max3A_582 = vector.extract %reduce_max3A_581[0, 0, 0] : f32 from vector<1x1x1xf32>
      %reshape3A = vector.broadcast %reduce_min3A_362 : i32 to vector<1x1x1xi32>
      %reshape3A_583 = vector.broadcast %reduce_min3A_392 : i32 to vector<1x1x1xi32>
      %reshape3A_584 = vector.broadcast %reduce_min3A_422 : i32 to vector<1x1x1xi32>
      %reshape3A_585 = vector.broadcast %reduce_min3A_452 : i32 to vector<1x1x1xi32>
      %reshape3A_586 = vector.broadcast %reduce_min3A_482 : i32 to vector<1x1x1xi32>
      %reshape3A_587 = vector.broadcast %reduce_min3A_512 : i32 to vector<1x1x1xi32>
      %reshape3A_588 = vector.broadcast %reduce_min3A_542 : i32 to vector<1x1x1xi32>
      %reshape3A_589 = vector.broadcast %reduce_min3A_572 : i32 to vector<1x1x1xi32>
      %concatenate3A_590 = tpu.concatenate %reshape3A, %reshape3A_583, %reshape3A_584, %reshape3A_585, %reshape3A_586, %reshape3A_587, %reshape3A_588, %reshape3A_589 in 2 : vector<1x1x1xi32>, vector<1x1x1xi32>, vector<1x1x1xi32>, vector<1x1x1xi32>, vector<1x1x1xi32>, vector<1x1x1xi32>, vector<1x1x1xi32>, vector<1x1x1xi32> -> vector<1x1x8xi32>
      %reshape3A_591 = vector.broadcast %reduce_max3A_372 : f32 to vector<1x1x1xf32>
      %reshape3A_592 = vector.broadcast %reduce_max3A_402 : f32 to vector<1x1x1xf32>
      %reshape3A_593 = vector.broadcast %reduce_max3A_432 : f32 to vector<1x1x1xf32>
      %reshape3A_594 = vector.broadcast %reduce_max3A_462 : f32 to vector<1x1x1xf32>
      %reshape3A_595 = vector.broadcast %reduce_max3A_492 : f32 to vector<1x1x1xf32>
      %reshape3A_596 = vector.broadcast %reduce_max3A_522 : f32 to vector<1x1x1xf32>
      %reshape3A_597 = vector.broadcast %reduce_max3A_552 : f32 to vector<1x1x1xf32>
      %reshape3A_598 = vector.broadcast %reduce_max3A_582 : f32 to vector<1x1x1xf32>
      %concatenate3A_599 = tpu.concatenate %reshape3A_591, %reshape3A_592, %reshape3A_593, %reshape3A_594, %reshape3A_595, %reshape3A_596, %reshape3A_597, %reshape3A_598 in 2 : vector<1x1x1xf32>, vector<1x1x1xf32>, vector<1x1x1xf32>, vector<1x1x1xf32>, vector<1x1x1xf32>, vector<1x1x1xf32>, vector<1x1x1xf32>, vector<1x1x1xf32> -> vector<1x1x8xf32>
      %get3A_600 = arith.constant 8 : index
      %get3A_601 = arith.constant 0 : index
      %get3A_602 = vector.load %arg21[%get3A_600, %get3A_601] : memref<64x512xf32, #tpu.memory_space<vmem>>, vector<8x512xf32>
      %get3A_603 = arith.constant 8 : index
      %get3A_604 = arith.constant 0 : index
      %get3A_605 = vector.load %arg22[%get3A_603, %get3A_604] : memref<64x512xf32, #tpu.memory_space<vmem>>, vector<8x512xf32>
      %jit3A_606 = arith.constant 9.99999997E-7 : f32
      %jit3A_607 = arith.constant 0.999998986 : f32
      %max3A_608 = vector.broadcast %jit3A_606 : f32 to vector<8x512xf32>
      %max3A_609 = arith.maximumf %max3A_608, %get3A_605 : vector<8x512xf32>
      %min3A_610 = vector.broadcast %jit3A_607 : f32 to vector<8x512xf32>
      %min3A_611 = arith.minimumf %min3A_610, %max3A_609 : vector<8x512xf32>
      %log3A_612 = math.log %min3A_611 : vector<8x512xf32>
      %neg3A_613 = arith.constant 0.000000e+00 : f32
      %neg3A_614 = vector.broadcast %neg3A_613 : f32 to vector<8x512xf32>
      %neg3A_615 = arith.subf %neg3A_614, %log3A_612 : vector<8x512xf32>
      %log3A_616 = math.log %neg3A_615 : vector<8x512xf32>
      %sub3A_617 = arith.subf %get3A_602, %log3A_616 : vector<8x512xf32>
      %mul3A_618 = arith.constant 8 : i32
      %mul3A_619 = arith.muli %arg0, %mul3A_618 : i32
      %add3A_620 = arith.constant 1 : i32
      %add3A_621 = arith.addi %mul3A_619, %add3A_620 : i32
      %get3A_622 = arith.constant 0 : index
      %get3A_623 = arith.index_cast %add3A_621 : i32 to index
      %get3A_624 = memref.load %arg2[%get3A_622, %get3A_623] : memref<8x32xi32, #tpu.memory_space<smem>>
      %mul3A_625 = arith.constant 512 : i32
      %mul3A_626 = arith.muli %get3A_624, %mul3A_625 : i32
      %mul3A_627 = arith.constant 8 : i32
      %mul3A_628 = arith.muli %arg0, %mul3A_627 : i32
      %add3A_629 = arith.constant 1 : i32
      %add3A_630 = arith.addi %mul3A_628, %add3A_629 : i32
      %get3A_631 = arith.constant 1 : index
      %get3A_632 = arith.index_cast %add3A_630 : i32 to index
      %get3A_633 = memref.load %arg2[%get3A_631, %get3A_632] : memref<8x32xi32, #tpu.memory_space<smem>>
      %mul3A_634 = arith.constant 512 : i32
      %mul3A_635 = arith.muli %get3A_633, %mul3A_634 : i32
      %mul3A_636 = arith.constant 8 : i32
      %mul3A_637 = arith.muli %arg0, %mul3A_636 : i32
      %add3A_638 = arith.constant 1 : i32
      %add3A_639 = arith.addi %mul3A_637, %add3A_638 : i32
      %get3A_640 = arith.constant 2 : index
      %get3A_641 = arith.index_cast %add3A_639 : i32 to index
      %get3A_642 = memref.load %arg2[%get3A_640, %get3A_641] : memref<8x32xi32, #tpu.memory_space<smem>>
      %mul3A_643 = arith.constant 512 : i32
      %mul3A_644 = arith.muli %get3A_642, %mul3A_643 : i32
      %mul3A_645 = arith.constant 8 : i32
      %mul3A_646 = arith.muli %arg0, %mul3A_645 : i32
      %add3A_647 = arith.constant 1 : i32
      %add3A_648 = arith.addi %mul3A_646, %add3A_647 : i32
      %get3A_649 = arith.constant 3 : index
      %get3A_650 = arith.index_cast %add3A_648 : i32 to index
      %get3A_651 = memref.load %arg2[%get3A_649, %get3A_650] : memref<8x32xi32, #tpu.memory_space<smem>>
      %mul3A_652 = arith.constant 512 : i32
      %mul3A_653 = arith.muli %get3A_651, %mul3A_652 : i32
      %mul3A_654 = arith.constant 8 : i32
      %mul3A_655 = arith.muli %arg0, %mul3A_654 : i32
      %add3A_656 = arith.constant 1 : i32
      %add3A_657 = arith.addi %mul3A_655, %add3A_656 : i32
      %get3A_658 = arith.constant 4 : index
      %get3A_659 = arith.index_cast %add3A_657 : i32 to index
      %get3A_660 = memref.load %arg2[%get3A_658, %get3A_659] : memref<8x32xi32, #tpu.memory_space<smem>>
      %mul3A_661 = arith.constant 512 : i32
      %mul3A_662 = arith.muli %get3A_660, %mul3A_661 : i32
      %mul3A_663 = arith.constant 8 : i32
      %mul3A_664 = arith.muli %arg0, %mul3A_663 : i32
      %add3A_665 = arith.constant 1 : i32
      %add3A_666 = arith.addi %mul3A_664, %add3A_665 : i32
      %get3A_667 = arith.constant 5 : index
      %get3A_668 = arith.index_cast %add3A_666 : i32 to index
      %get3A_669 = memref.load %arg2[%get3A_667, %get3A_668] : memref<8x32xi32, #tpu.memory_space<smem>>
      %mul3A_670 = arith.constant 512 : i32
      %mul3A_671 = arith.muli %get3A_669, %mul3A_670 : i32
      %mul3A_672 = arith.constant 8 : i32
      %mul3A_673 = arith.muli %arg0, %mul3A_672 : i32
      %add3A_674 = arith.constant 1 : i32
      %add3A_675 = arith.addi %mul3A_673, %add3A_674 : i32
      %get3A_676 = arith.constant 6 : index
      %get3A_677 = arith.index_cast %add3A_675 : i32 to index
      %get3A_678 = memref.load %arg2[%get3A_676, %get3A_677] : memref<8x32xi32, #tpu.memory_space<smem>>
      %mul3A_679 = arith.constant 512 : i32
      %mul3A_680 = arith.muli %get3A_678, %mul3A_679 : i32
      %mul3A_681 = arith.constant 8 : i32
      %mul3A_682 = arith.muli %arg0, %mul3A_681 : i32
      %add3A_683 = arith.constant 1 : i32
      %add3A_684 = arith.addi %mul3A_682, %add3A_683 : i32
      %get3A_685 = arith.constant 7 : index
      %get3A_686 = arith.index_cast %add3A_684 : i32 to index
      %get3A_687 = memref.load %arg2[%get3A_685, %get3A_686] : memref<8x32xi32, #tpu.memory_space<smem>>
      %mul3A_688 = arith.constant 512 : i32
      %mul3A_689 = arith.muli %get3A_687, %mul3A_688 : i32
      %add3A_690 = vector.broadcast %mul3A_626 : i32 to vector<1x512xi32>
      %add3A_691 = arith.addi %add3A_690, %iota3A_243 : vector<1x512xi32>
      %add3A_692 = vector.broadcast %mul3A_635 : i32 to vector<1x512xi32>
      %add3A_693 = arith.addi %add3A_692, %iota3A_243 : vector<1x512xi32>
      %add3A_694 = vector.broadcast %mul3A_644 : i32 to vector<1x512xi32>
      %add3A_695 = arith.addi %add3A_694, %iota3A_243 : vector<1x512xi32>
      %add3A_696 = vector.broadcast %mul3A_653 : i32 to vector<1x512xi32>
      %add3A_697 = arith.addi %add3A_696, %iota3A_243 : vector<1x512xi32>
      %add3A_698 = vector.broadcast %mul3A_662 : i32 to vector<1x512xi32>
      %add3A_699 = arith.addi %add3A_698, %iota3A_243 : vector<1x512xi32>
      %add3A_700 = vector.broadcast %mul3A_671 : i32 to vector<1x512xi32>
      %add3A_701 = arith.addi %add3A_700, %iota3A_243 : vector<1x512xi32>
      %add3A_702 = vector.broadcast %mul3A_680 : i32 to vector<1x512xi32>
      %add3A_703 = arith.addi %add3A_702, %iota3A_243 : vector<1x512xi32>
      %add3A_704 = vector.broadcast %mul3A_689 : i32 to vector<1x512xi32>
      %add3A_705 = arith.addi %add3A_704, %iota3A_243 : vector<1x512xi32>
      %concatenate3A_706 = tpu.concatenate %add3A_691, %add3A_693, %add3A_695, %add3A_697, %add3A_699, %add3A_701, %add3A_703, %add3A_705 in 0 : vector<1x512xi32>, vector<1x512xi32>, vector<1x512xi32>, vector<1x512xi32>, vector<1x512xi32>, vector<1x512xi32>, vector<1x512xi32>, vector<1x512xi32> -> vector<8x512xi32>
      %lt3A_707 = arith.constant 1000000 : i32
      %lt3A_708 = vector.broadcast %lt3A_707 : i32 to vector<8x512xi32>
      %lt3A_709 = arith.cmpi slt, %concatenate3A_706, %lt3A_708 : vector<8x512xi32>
      %jit3A_710 = arith.constant 0xFF800000 : f32
      %broadcast_in_dim3A_711 = vector.broadcast %jit3A_710 : f32 to vector<8x512xf32>
      %select_n3A_712 = arith.select %lt3A_709, %sub3A_617, %broadcast_in_dim3A_711 : vector<8x512xi1>, vector<8x512xf32>
      %reduce_max3A_713 = vector.shape_cast %select_n3A_712 : vector<8x512xf32> to vector<1x8x512xf32>
      %reduce_max3A_714 = arith.constant dense<0xFF800000> : vector<1xf32>
      %reduce_max3A_715 = vector.multi_reduction <maximumf>, %reduce_max3A_713, %reduce_max3A_714 [1, 2] : vector<1x8x512xf32> to vector<1xf32>
      %reduce_max3A_716 = vector.shape_cast %reduce_max3A_715 : vector<1xf32> to vector<1x1x1xf32>
      %reduce_max3A_717 = vector.extract %reduce_max3A_716[0, 0, 0] : f32 from vector<1x1x1xf32>
      %eq3A_718 = vector.broadcast %reduce_max3A_717 : f32 to vector<8x512xf32>
      %eq3A_719 = arith.cmpf oeq, %select_n3A_712, %eq3A_718 : vector<8x512xf32>
      %jit3A_720 = arith.constant 1073741824 : i32
      %broadcast_in_dim3A_721 = vector.broadcast %jit3A_720 : i32 to vector<8x512xi32>
      %select_n3A_722 = arith.select %eq3A_719, %concatenate3A_706, %broadcast_in_dim3A_721 : vector<8x512xi1>, vector<8x512xi32>
      %reduce_min3A_723 = vector.shape_cast %select_n3A_722 : vector<8x512xi32> to vector<1x8x512xi32>
      %reduce_min3A_724 = arith.constant dense<2147483647> : vector<1xi32>
      %reduce_min3A_725 = vector.multi_reduction <minsi>, %reduce_min3A_723, %reduce_min3A_724 [1, 2] : vector<1x8x512xi32> to vector<1xi32>
      %reduce_min3A_726 = vector.shape_cast %reduce_min3A_725 : vector<1xi32> to vector<1x1x1xi32>
      %reduce_min3A_727 = vector.extract %reduce_min3A_726[0, 0, 0] : i32 from vector<1x1x1xi32>
      %eq3A_728 = vector.broadcast %reduce_min3A_727 : i32 to vector<8x512xi32>
      %eq3A_729 = arith.cmpi eq, %concatenate3A_706, %eq3A_728 : vector<8x512xi32>
      %jit3A_730 = arith.constant 0xFF800000 : f32
      %broadcast_in_dim3A_731 = vector.broadcast %jit3A_730 : f32 to vector<8x512xf32>
      %select_n3A_732 = arith.select %eq3A_729, %get3A_602, %broadcast_in_dim3A_731 : vector<8x512xi1>, vector<8x512xf32>
      %reduce_max3A_733 = vector.shape_cast %select_n3A_732 : vector<8x512xf32> to vector<1x8x512xf32>
      %reduce_max3A_734 = arith.constant dense<0xFF800000> : vector<1xf32>
      %reduce_max3A_735 = vector.multi_reduction <maximumf>, %reduce_max3A_733, %reduce_max3A_734 [1, 2] : vector<1x8x512xf32> to vector<1xf32>
      %reduce_max3A_736 = vector.shape_cast %reduce_max3A_735 : vector<1xf32> to vector<1x1x1xf32>
      %reduce_max3A_737 = vector.extract %reduce_max3A_736[0, 0, 0] : f32 from vector<1x1x1xf32>
      %eq3A_738 = vector.broadcast %reduce_min3A_727 : i32 to vector<8x512xi32>
      %eq3A_739 = arith.cmpi eq, %concatenate3A_706, %eq3A_738 : vector<8x512xi32>
      %jit3A_740 = arith.constant 0xFF800000 : f32
      %broadcast_in_dim3A_741 = vector.broadcast %jit3A_740 : f32 to vector<8x512xf32>
      %select_n3A_742 = arith.select %eq3A_739, %broadcast_in_dim3A_741, %select_n3A_712 : vector<8x512xi1>, vector<8x512xf32>
      %reduce_max3A_743 = vector.shape_cast %select_n3A_742 : vector<8x512xf32> to vector<1x8x512xf32>
      %reduce_max3A_744 = arith.constant dense<0xFF800000> : vector<1xf32>
      %reduce_max3A_745 = vector.multi_reduction <maximumf>, %reduce_max3A_743, %reduce_max3A_744 [1, 2] : vector<1x8x512xf32> to vector<1xf32>
      %reduce_max3A_746 = vector.shape_cast %reduce_max3A_745 : vector<1xf32> to vector<1x1x1xf32>
      %reduce_max3A_747 = vector.extract %reduce_max3A_746[0, 0, 0] : f32 from vector<1x1x1xf32>
      %eq3A_748 = vector.broadcast %reduce_max3A_747 : f32 to vector<8x512xf32>
      %eq3A_749 = arith.cmpf oeq, %select_n3A_742, %eq3A_748 : vector<8x512xf32>
      %jit3A_750 = arith.constant 1073741824 : i32
      %broadcast_in_dim3A_751 = vector.broadcast %jit3A_750 : i32 to vector<8x512xi32>
      %select_n3A_752 = arith.select %eq3A_749, %concatenate3A_706, %broadcast_in_dim3A_751 : vector<8x512xi1>, vector<8x512xi32>
      %reduce_min3A_753 = vector.shape_cast %select_n3A_752 : vector<8x512xi32> to vector<1x8x512xi32>
      %reduce_min3A_754 = arith.constant dense<2147483647> : vector<1xi32>
      %reduce_min3A_755 = vector.multi_reduction <minsi>, %reduce_min3A_753, %reduce_min3A_754 [1, 2] : vector<1x8x512xi32> to vector<1xi32>
      %reduce_min3A_756 = vector.shape_cast %reduce_min3A_755 : vector<1xi32> to vector<1x1x1xi32>
      %reduce_min3A_757 = vector.extract %reduce_min3A_756[0, 0, 0] : i32 from vector<1x1x1xi32>
      %eq3A_758 = vector.broadcast %reduce_min3A_757 : i32 to vector<8x512xi32>
      %eq3A_759 = arith.cmpi eq, %concatenate3A_706, %eq3A_758 : vector<8x512xi32>
      %jit3A_760 = arith.constant 0xFF800000 : f32
      %broadcast_in_dim3A_761 = vector.broadcast %jit3A_760 : f32 to vector<8x512xf32>
      %select_n3A_762 = arith.select %eq3A_759, %get3A_602, %broadcast_in_dim3A_761 : vector<8x512xi1>, vector<8x512xf32>
      %reduce_max3A_763 = vector.shape_cast %select_n3A_762 : vector<8x512xf32> to vector<1x8x512xf32>
      %reduce_max3A_764 = arith.constant dense<0xFF800000> : vector<1xf32>
      %reduce_max3A_765 = vector.multi_reduction <maximumf>, %reduce_max3A_763, %reduce_max3A_764 [1, 2] : vector<1x8x512xf32> to vector<1xf32>
      %reduce_max3A_766 = vector.shape_cast %reduce_max3A_765 : vector<1xf32> to vector<1x1x1xf32>
      %reduce_max3A_767 = vector.extract %reduce_max3A_766[0, 0, 0] : f32 from vector<1x1x1xf32>
      %eq3A_768 = vector.broadcast %reduce_min3A_757 : i32 to vector<8x512xi32>
      %eq3A_769 = arith.cmpi eq, %concatenate3A_706, %eq3A_768 : vector<8x512xi32>
      %jit3A_770 = arith.constant 0xFF800000 : f32
      %broadcast_in_dim3A_771 = vector.broadcast %jit3A_770 : f32 to vector<8x512xf32>
      %select_n3A_772 = arith.select %eq3A_769, %broadcast_in_dim3A_771, %select_n3A_742 : vector<8x512xi1>, vector<8x512xf32>
      %reduce_max3A_773 = vector.shape_cast %select_n3A_772 : vector<8x512xf32> to vector<1x8x512xf32>
      %reduce_max3A_774 = arith.constant dense<0xFF800000> : vector<1xf32>
      %reduce_max3A_775 = vector.multi_reduction <maximumf>, %reduce_max3A_773, %reduce_max3A_774 [1, 2] : vector<1x8x512xf32> to vector<1xf32>
      %reduce_max3A_776 = vector.shape_cast %reduce_max3A_775 : vector<1xf32> to vector<1x1x1xf32>
      %reduce_max3A_777 = vector.extract %reduce_max3A_776[0, 0, 0] : f32 from vector<1x1x1xf32>
      %eq3A_778 = vector.broadcast %reduce_max3A_777 : f32 to vector<8x512xf32>
      %eq3A_779 = arith.cmpf oeq, %select_n3A_772, %eq3A_778 : vector<8x512xf32>
      %jit3A_780 = arith.constant 1073741824 : i32
      %broadcast_in_dim3A_781 = vector.broadcast %jit3A_780 : i32 to vector<8x512xi32>
      %select_n3A_782 = arith.select %eq3A_779, %concatenate3A_706, %broadcast_in_dim3A_781 : vector<8x512xi1>, vector<8x512xi32>
      %reduce_min3A_783 = vector.shape_cast %select_n3A_782 : vector<8x512xi32> to vector<1x8x512xi32>
      %reduce_min3A_784 = arith.constant dense<2147483647> : vector<1xi32>
      %reduce_min3A_785 = vector.multi_reduction <minsi>, %reduce_min3A_783, %reduce_min3A_784 [1, 2] : vector<1x8x512xi32> to vector<1xi32>
      %reduce_min3A_786 = vector.shape_cast %reduce_min3A_785 : vector<1xi32> to vector<1x1x1xi32>
      %reduce_min3A_787 = vector.extract %reduce_min3A_786[0, 0, 0] : i32 from vector<1x1x1xi32>
      %eq3A_788 = vector.broadcast %reduce_min3A_787 : i32 to vector<8x512xi32>
      %eq3A_789 = arith.cmpi eq, %concatenate3A_706, %eq3A_788 : vector<8x512xi32>
      %jit3A_790 = arith.constant 0xFF800000 : f32
      %broadcast_in_dim3A_791 = vector.broadcast %jit3A_790 : f32 to vector<8x512xf32>
      %select_n3A_792 = arith.select %eq3A_789, %get3A_602, %broadcast_in_dim3A_791 : vector<8x512xi1>, vector<8x512xf32>
      %reduce_max3A_793 = vector.shape_cast %select_n3A_792 : vector<8x512xf32> to vector<1x8x512xf32>
      %reduce_max3A_794 = arith.constant dense<0xFF800000> : vector<1xf32>
      %reduce_max3A_795 = vector.multi_reduction <maximumf>, %reduce_max3A_793, %reduce_max3A_794 [1, 2] : vector<1x8x512xf32> to vector<1xf32>
      %reduce_max3A_796 = vector.shape_cast %reduce_max3A_795 : vector<1xf32> to vector<1x1x1xf32>
      %reduce_max3A_797 = vector.extract %reduce_max3A_796[0, 0, 0] : f32 from vector<1x1x1xf32>
      %eq3A_798 = vector.broadcast %reduce_min3A_787 : i32 to vector<8x512xi32>
      %eq3A_799 = arith.cmpi eq, %concatenate3A_706, %eq3A_798 : vector<8x512xi32>
      %jit3A_800 = arith.constant 0xFF800000 : f32
      %broadcast_in_dim3A_801 = vector.broadcast %jit3A_800 : f32 to vector<8x512xf32>
      %select_n3A_802 = arith.select %eq3A_799, %broadcast_in_dim3A_801, %select_n3A_772 : vector<8x512xi1>, vector<8x512xf32>
      %reduce_max3A_803 = vector.shape_cast %select_n3A_802 : vector<8x512xf32> to vector<1x8x512xf32>
      %reduce_max3A_804 = arith.constant dense<0xFF800000> : vector<1xf32>
      %reduce_max3A_805 = vector.multi_reduction <maximumf>, %reduce_max3A_803, %reduce_max3A_804 [1, 2] : vector<1x8x512xf32> to vector<1xf32>
      %reduce_max3A_806 = vector.shape_cast %reduce_max3A_805 : vector<1xf32> to vector<1x1x1xf32>
      %reduce_max3A_807 = vector.extract %reduce_max3A_806[0, 0, 0] : f32 from vector<1x1x1xf32>
      %eq3A_808 = vector.broadcast %reduce_max3A_807 : f32 to vector<8x512xf32>
      %eq3A_809 = arith.cmpf oeq, %select_n3A_802, %eq3A_808 : vector<8x512xf32>
      %jit3A_810 = arith.constant 1073741824 : i32
      %broadcast_in_dim3A_811 = vector.broadcast %jit3A_810 : i32 to vector<8x512xi32>
      %select_n3A_812 = arith.select %eq3A_809, %concatenate3A_706, %broadcast_in_dim3A_811 : vector<8x512xi1>, vector<8x512xi32>
      %reduce_min3A_813 = vector.shape_cast %select_n3A_812 : vector<8x512xi32> to vector<1x8x512xi32>
      %reduce_min3A_814 = arith.constant dense<2147483647> : vector<1xi32>
      %reduce_min3A_815 = vector.multi_reduction <minsi>, %reduce_min3A_813, %reduce_min3A_814 [1, 2] : vector<1x8x512xi32> to vector<1xi32>
      %reduce_min3A_816 = vector.shape_cast %reduce_min3A_815 : vector<1xi32> to vector<1x1x1xi32>
      %reduce_min3A_817 = vector.extract %reduce_min3A_816[0, 0, 0] : i32 from vector<1x1x1xi32>
      %eq3A_818 = vector.broadcast %reduce_min3A_817 : i32 to vector<8x512xi32>
      %eq3A_819 = arith.cmpi eq, %concatenate3A_706, %eq3A_818 : vector<8x512xi32>
      %jit3A_820 = arith.constant 0xFF800000 : f32
      %broadcast_in_dim3A_821 = vector.broadcast %jit3A_820 : f32 to vector<8x512xf32>
      %select_n3A_822 = arith.select %eq3A_819, %get3A_602, %broadcast_in_dim3A_821 : vector<8x512xi1>, vector<8x512xf32>
      %reduce_max3A_823 = vector.shape_cast %select_n3A_822 : vector<8x512xf32> to vector<1x8x512xf32>
      %reduce_max3A_824 = arith.constant dense<0xFF800000> : vector<1xf32>
      %reduce_max3A_825 = vector.multi_reduction <maximumf>, %reduce_max3A_823, %reduce_max3A_824 [1, 2] : vector<1x8x512xf32> to vector<1xf32>
      %reduce_max3A_826 = vector.shape_cast %reduce_max3A_825 : vector<1xf32> to vector<1x1x1xf32>
      %reduce_max3A_827 = vector.extract %reduce_max3A_826[0, 0, 0] : f32 from vector<1x1x1xf32>
      %eq3A_828 = vector.broadcast %reduce_min3A_817 : i32 to vector<8x512xi32>
      %eq3A_829 = arith.cmpi eq, %concatenate3A_706, %eq3A_828 : vector<8x512xi32>
      %jit3A_830 = arith.constant 0xFF800000 : f32
      %broadcast_in_dim3A_831 = vector.broadcast %jit3A_830 : f32 to vector<8x512xf32>
      %select_n3A_832 = arith.select %eq3A_829, %broadcast_in_dim3A_831, %select_n3A_802 : vector<8x512xi1>, vector<8x512xf32>
      %reduce_max3A_833 = vector.shape_cast %select_n3A_832 : vector<8x512xf32> to vector<1x8x512xf32>
      %reduce_max3A_834 = arith.constant dense<0xFF800000> : vector<1xf32>
      %reduce_max3A_835 = vector.multi_reduction <maximumf>, %reduce_max3A_833, %reduce_max3A_834 [1, 2] : vector<1x8x512xf32> to vector<1xf32>
      %reduce_max3A_836 = vector.shape_cast %reduce_max3A_835 : vector<1xf32> to vector<1x1x1xf32>
      %reduce_max3A_837 = vector.extract %reduce_max3A_836[0, 0, 0] : f32 from vector<1x1x1xf32>
      %eq3A_838 = vector.broadcast %reduce_max3A_837 : f32 to vector<8x512xf32>
      %eq3A_839 = arith.cmpf oeq, %select_n3A_832, %eq3A_838 : vector<8x512xf32>
      %jit3A_840 = arith.constant 1073741824 : i32
      %broadcast_in_dim3A_841 = vector.broadcast %jit3A_840 : i32 to vector<8x512xi32>
      %select_n3A_842 = arith.select %eq3A_839, %concatenate3A_706, %broadcast_in_dim3A_841 : vector<8x512xi1>, vector<8x512xi32>
      %reduce_min3A_843 = vector.shape_cast %select_n3A_842 : vector<8x512xi32> to vector<1x8x512xi32>
      %reduce_min3A_844 = arith.constant dense<2147483647> : vector<1xi32>
      %reduce_min3A_845 = vector.multi_reduction <minsi>, %reduce_min3A_843, %reduce_min3A_844 [1, 2] : vector<1x8x512xi32> to vector<1xi32>
      %reduce_min3A_846 = vector.shape_cast %reduce_min3A_845 : vector<1xi32> to vector<1x1x1xi32>
      %reduce_min3A_847 = vector.extract %reduce_min3A_846[0, 0, 0] : i32 from vector<1x1x1xi32>
      %eq3A_848 = vector.broadcast %reduce_min3A_847 : i32 to vector<8x512xi32>
      %eq3A_849 = arith.cmpi eq, %concatenate3A_706, %eq3A_848 : vector<8x512xi32>
      %jit3A_850 = arith.constant 0xFF800000 : f32
      %broadcast_in_dim3A_851 = vector.broadcast %jit3A_850 : f32 to vector<8x512xf32>
      %select_n3A_852 = arith.select %eq3A_849, %get3A_602, %broadcast_in_dim3A_851 : vector<8x512xi1>, vector<8x512xf32>
      %reduce_max3A_853 = vector.shape_cast %select_n3A_852 : vector<8x512xf32> to vector<1x8x512xf32>
      %reduce_max3A_854 = arith.constant dense<0xFF800000> : vector<1xf32>
      %reduce_max3A_855 = vector.multi_reduction <maximumf>, %reduce_max3A_853, %reduce_max3A_854 [1, 2] : vector<1x8x512xf32> to vector<1xf32>
      %reduce_max3A_856 = vector.shape_cast %reduce_max3A_855 : vector<1xf32> to vector<1x1x1xf32>
      %reduce_max3A_857 = vector.extract %reduce_max3A_856[0, 0, 0] : f32 from vector<1x1x1xf32>
      %eq3A_858 = vector.broadcast %reduce_min3A_847 : i32 to vector<8x512xi32>
      %eq3A_859 = arith.cmpi eq, %concatenate3A_706, %eq3A_858 : vector<8x512xi32>
      %jit3A_860 = arith.constant 0xFF800000 : f32
      %broadcast_in_dim3A_861 = vector.broadcast %jit3A_860 : f32 to vector<8x512xf32>
      %select_n3A_862 = arith.select %eq3A_859, %broadcast_in_dim3A_861, %select_n3A_832 : vector<8x512xi1>, vector<8x512xf32>
      %reduce_max3A_863 = vector.shape_cast %select_n3A_862 : vector<8x512xf32> to vector<1x8x512xf32>
      %reduce_max3A_864 = arith.constant dense<0xFF800000> : vector<1xf32>
      %reduce_max3A_865 = vector.multi_reduction <maximumf>, %reduce_max3A_863, %reduce_max3A_864 [1, 2] : vector<1x8x512xf32> to vector<1xf32>
      %reduce_max3A_866 = vector.shape_cast %reduce_max3A_865 : vector<1xf32> to vector<1x1x1xf32>
      %reduce_max3A_867 = vector.extract %reduce_max3A_866[0, 0, 0] : f32 from vector<1x1x1xf32>
      %eq3A_868 = vector.broadcast %reduce_max3A_867 : f32 to vector<8x512xf32>
      %eq3A_869 = arith.cmpf oeq, %select_n3A_862, %eq3A_868 : vector<8x512xf32>
      %jit3A_870 = arith.constant 1073741824 : i32
      %broadcast_in_dim3A_871 = vector.broadcast %jit3A_870 : i32 to vector<8x512xi32>
      %select_n3A_872 = arith.select %eq3A_869, %concatenate3A_706, %broadcast_in_dim3A_871 : vector<8x512xi1>, vector<8x512xi32>
      %reduce_min3A_873 = vector.shape_cast %select_n3A_872 : vector<8x512xi32> to vector<1x8x512xi32>
      %reduce_min3A_874 = arith.constant dense<2147483647> : vector<1xi32>
      %reduce_min3A_875 = vector.multi_reduction <minsi>, %reduce_min3A_873, %reduce_min3A_874 [1, 2] : vector<1x8x512xi32> to vector<1xi32>
      %reduce_min3A_876 = vector.shape_cast %reduce_min3A_875 : vector<1xi32> to vector<1x1x1xi32>
      %reduce_min3A_877 = vector.extract %reduce_min3A_876[0, 0, 0] : i32 from vector<1x1x1xi32>
      %eq3A_878 = vector.broadcast %reduce_min3A_877 : i32 to vector<8x512xi32>
      %eq3A_879 = arith.cmpi eq, %concatenate3A_706, %eq3A_878 : vector<8x512xi32>
      %jit3A_880 = arith.constant 0xFF800000 : f32
      %broadcast_in_dim3A_881 = vector.broadcast %jit3A_880 : f32 to vector<8x512xf32>
      %select_n3A_882 = arith.select %eq3A_879, %get3A_602, %broadcast_in_dim3A_881 : vector<8x512xi1>, vector<8x512xf32>
      %reduce_max3A_883 = vector.shape_cast %select_n3A_882 : vector<8x512xf32> to vector<1x8x512xf32>
      %reduce_max3A_884 = arith.constant dense<0xFF800000> : vector<1xf32>
      %reduce_max3A_885 = vector.multi_reduction <maximumf>, %reduce_max3A_883, %reduce_max3A_884 [1, 2] : vector<1x8x512xf32> to vector<1xf32>
      %reduce_max3A_886 = vector.shape_cast %reduce_max3A_885 : vector<1xf32> to vector<1x1x1xf32>
      %reduce_max3A_887 = vector.extract %reduce_max3A_886[0, 0, 0] : f32 from vector<1x1x1xf32>
      %eq3A_888 = vector.broadcast %reduce_min3A_877 : i32 to vector<8x512xi32>
      %eq3A_889 = arith.cmpi eq, %concatenate3A_706, %eq3A_888 : vector<8x512xi32>
      %jit3A_890 = arith.constant 0xFF800000 : f32
      %broadcast_in_dim3A_891 = vector.broadcast %jit3A_890 : f32 to vector<8x512xf32>
      %select_n3A_892 = arith.select %eq3A_889, %broadcast_in_dim3A_891, %select_n3A_862 : vector<8x512xi1>, vector<8x512xf32>
      %reduce_max3A_893 = vector.shape_cast %select_n3A_892 : vector<8x512xf32> to vector<1x8x512xf32>
      %reduce_max3A_894 = arith.constant dense<0xFF800000> : vector<1xf32>
      %reduce_max3A_895 = vector.multi_reduction <maximumf>, %reduce_max3A_893, %reduce_max3A_894 [1, 2] : vector<1x8x512xf32> to vector<1xf32>
      %reduce_max3A_896 = vector.shape_cast %reduce_max3A_895 : vector<1xf32> to vector<1x1x1xf32>
      %reduce_max3A_897 = vector.extract %reduce_max3A_896[0, 0, 0] : f32 from vector<1x1x1xf32>
      %eq3A_898 = vector.broadcast %reduce_max3A_897 : f32 to vector<8x512xf32>
      %eq3A_899 = arith.cmpf oeq, %select_n3A_892, %eq3A_898 : vector<8x512xf32>
      %jit3A_900 = arith.constant 1073741824 : i32
      %broadcast_in_dim3A_901 = vector.broadcast %jit3A_900 : i32 to vector<8x512xi32>
      %select_n3A_902 = arith.select %eq3A_899, %concatenate3A_706, %broadcast_in_dim3A_901 : vector<8x512xi1>, vector<8x512xi32>
      %reduce_min3A_903 = vector.shape_cast %select_n3A_902 : vector<8x512xi32> to vector<1x8x512xi32>
      %reduce_min3A_904 = arith.constant dense<2147483647> : vector<1xi32>
      %reduce_min3A_905 = vector.multi_reduction <minsi>, %reduce_min3A_903, %reduce_min3A_904 [1, 2] : vector<1x8x512xi32> to vector<1xi32>
      %reduce_min3A_906 = vector.shape_cast %reduce_min3A_905 : vector<1xi32> to vector<1x1x1xi32>
      %reduce_min3A_907 = vector.extract %reduce_min3A_906[0, 0, 0] : i32 from vector<1x1x1xi32>
      %eq3A_908 = vector.broadcast %reduce_min3A_907 : i32 to vector<8x512xi32>
      %eq3A_909 = arith.cmpi eq, %concatenate3A_706, %eq3A_908 : vector<8x512xi32>
      %jit3A_910 = arith.constant 0xFF800000 : f32
      %broadcast_in_dim3A_911 = vector.broadcast %jit3A_910 : f32 to vector<8x512xf32>
      %select_n3A_912 = arith.select %eq3A_909, %get3A_602, %broadcast_in_dim3A_911 : vector<8x512xi1>, vector<8x512xf32>
      %reduce_max3A_913 = vector.shape_cast %select_n3A_912 : vector<8x512xf32> to vector<1x8x512xf32>
      %reduce_max3A_914 = arith.constant dense<0xFF800000> : vector<1xf32>
      %reduce_max3A_915 = vector.multi_reduction <maximumf>, %reduce_max3A_913, %reduce_max3A_914 [1, 2] : vector<1x8x512xf32> to vector<1xf32>
      %reduce_max3A_916 = vector.shape_cast %reduce_max3A_915 : vector<1xf32> to vector<1x1x1xf32>
      %reduce_max3A_917 = vector.extract %reduce_max3A_916[0, 0, 0] : f32 from vector<1x1x1xf32>
      %eq3A_918 = vector.broadcast %reduce_min3A_907 : i32 to vector<8x512xi32>
      %eq3A_919 = arith.cmpi eq, %concatenate3A_706, %eq3A_918 : vector<8x512xi32>
      %jit3A_920 = arith.constant 0xFF800000 : f32
      %broadcast_in_dim3A_921 = vector.broadcast %jit3A_920 : f32 to vector<8x512xf32>
      %select_n3A_922 = arith.select %eq3A_919, %broadcast_in_dim3A_921, %select_n3A_892 : vector<8x512xi1>, vector<8x512xf32>
      %reduce_max3A_923 = vector.shape_cast %select_n3A_922 : vector<8x512xf32> to vector<1x8x512xf32>
      %reduce_max3A_924 = arith.constant dense<0xFF800000> : vector<1xf32>
      %reduce_max3A_925 = vector.multi_reduction <maximumf>, %reduce_max3A_923, %reduce_max3A_924 [1, 2] : vector<1x8x512xf32> to vector<1xf32>
      %reduce_max3A_926 = vector.shape_cast %reduce_max3A_925 : vector<1xf32> to vector<1x1x1xf32>
      %reduce_max3A_927 = vector.extract %reduce_max3A_926[0, 0, 0] : f32 from vector<1x1x1xf32>
      %eq3A_928 = vector.broadcast %reduce_max3A_927 : f32 to vector<8x512xf32>
      %eq3A_929 = arith.cmpf oeq, %select_n3A_922, %eq3A_928 : vector<8x512xf32>
      %jit3A_930 = arith.constant 1073741824 : i32
      %broadcast_in_dim3A_931 = vector.broadcast %jit3A_930 : i32 to vector<8x512xi32>
      %select_n3A_932 = arith.select %eq3A_929, %concatenate3A_706, %broadcast_in_dim3A_931 : vector<8x512xi1>, vector<8x512xi32>
      %reduce_min3A_933 = vector.shape_cast %select_n3A_932 : vector<8x512xi32> to vector<1x8x512xi32>
      %reduce_min3A_934 = arith.constant dense<2147483647> : vector<1xi32>
      %reduce_min3A_935 = vector.multi_reduction <minsi>, %reduce_min3A_933, %reduce_min3A_934 [1, 2] : vector<1x8x512xi32> to vector<1xi32>
      %reduce_min3A_936 = vector.shape_cast %reduce_min3A_935 : vector<1xi32> to vector<1x1x1xi32>
      %reduce_min3A_937 = vector.extract %reduce_min3A_936[0, 0, 0] : i32 from vector<1x1x1xi32>
      %eq3A_938 = vector.broadcast %reduce_min3A_937 : i32 to vector<8x512xi32>
      %eq3A_939 = arith.cmpi eq, %concatenate3A_706, %eq3A_938 : vector<8x512xi32>
      %jit3A_940 = arith.constant 0xFF800000 : f32
      %broadcast_in_dim3A_941 = vector.broadcast %jit3A_940 : f32 to vector<8x512xf32>
      %select_n3A_942 = arith.select %eq3A_939, %get3A_602, %broadcast_in_dim3A_941 : vector<8x512xi1>, vector<8x512xf32>
      %reduce_max3A_943 = vector.shape_cast %select_n3A_942 : vector<8x512xf32> to vector<1x8x512xf32>
      %reduce_max3A_944 = arith.constant dense<0xFF800000> : vector<1xf32>
      %reduce_max3A_945 = vector.multi_reduction <maximumf>, %reduce_max3A_943, %reduce_max3A_944 [1, 2] : vector<1x8x512xf32> to vector<1xf32>
      %reduce_max3A_946 = vector.shape_cast %reduce_max3A_945 : vector<1xf32> to vector<1x1x1xf32>
      %reduce_max3A_947 = vector.extract %reduce_max3A_946[0, 0, 0] : f32 from vector<1x1x1xf32>
      %reshape3A_948 = vector.broadcast %reduce_min3A_727 : i32 to vector<1x1x1xi32>
      %reshape3A_949 = vector.broadcast %reduce_min3A_757 : i32 to vector<1x1x1xi32>
      %reshape3A_950 = vector.broadcast %reduce_min3A_787 : i32 to vector<1x1x1xi32>
      %reshape3A_951 = vector.broadcast %reduce_min3A_817 : i32 to vector<1x1x1xi32>
      %reshape3A_952 = vector.broadcast %reduce_min3A_847 : i32 to vector<1x1x1xi32>
      %reshape3A_953 = vector.broadcast %reduce_min3A_877 : i32 to vector<1x1x1xi32>
      %reshape3A_954 = vector.broadcast %reduce_min3A_907 : i32 to vector<1x1x1xi32>
      %reshape3A_955 = vector.broadcast %reduce_min3A_937 : i32 to vector<1x1x1xi32>
      %concatenate3A_956 = tpu.concatenate %reshape3A_948, %reshape3A_949, %reshape3A_950, %reshape3A_951, %reshape3A_952, %reshape3A_953, %reshape3A_954, %reshape3A_955 in 2 : vector<1x1x1xi32>, vector<1x1x1xi32>, vector<1x1x1xi32>, vector<1x1x1xi32>, vector<1x1x1xi32>, vector<1x1x1xi32>, vector<1x1x1xi32>, vector<1x1x1xi32> -> vector<1x1x8xi32>
      %reshape3A_957 = vector.broadcast %reduce_max3A_737 : f32 to vector<1x1x1xf32>
      %reshape3A_958 = vector.broadcast %reduce_max3A_767 : f32 to vector<1x1x1xf32>
      %reshape3A_959 = vector.broadcast %reduce_max3A_797 : f32 to vector<1x1x1xf32>
      %reshape3A_960 = vector.broadcast %reduce_max3A_827 : f32 to vector<1x1x1xf32>
      %reshape3A_961 = vector.broadcast %reduce_max3A_857 : f32 to vector<1x1x1xf32>
      %reshape3A_962 = vector.broadcast %reduce_max3A_887 : f32 to vector<1x1x1xf32>
      %reshape3A_963 = vector.broadcast %reduce_max3A_917 : f32 to vector<1x1x1xf32>
      %reshape3A_964 = vector.broadcast %reduce_max3A_947 : f32 to vector<1x1x1xf32>
      %concatenate3A_965 = tpu.concatenate %reshape3A_957, %reshape3A_958, %reshape3A_959, %reshape3A_960, %reshape3A_961, %reshape3A_962, %reshape3A_963, %reshape3A_964 in 2 : vector<1x1x1xf32>, vector<1x1x1xf32>, vector<1x1x1xf32>, vector<1x1x1xf32>, vector<1x1x1xf32>, vector<1x1x1xf32>, vector<1x1x1xf32>, vector<1x1x1xf32> -> vector<1x1x8xf32>
      %get3A_966 = arith.constant 16 : index
      %get3A_967 = arith.constant 0 : index
      %get3A_968 = vector.load %arg21[%get3A_966, %get3A_967] : memref<64x512xf32, #tpu.memory_space<vmem>>, vector<8x512xf32>
      %get3A_969 = arith.constant 16 : index
      %get3A_970 = arith.constant 0 : index
      %get3A_971 = vector.load %arg22[%get3A_969, %get3A_970] : memref<64x512xf32, #tpu.memory_space<vmem>>, vector<8x512xf32>
      %jit3A_972 = arith.constant 9.99999997E-7 : f32
      %jit3A_973 = arith.constant 0.999998986 : f32
      %max3A_974 = vector.broadcast %jit3A_972 : f32 to vector<8x512xf32>
      %max3A_975 = arith.maximumf %max3A_974, %get3A_971 : vector<8x512xf32>
      %min3A_976 = vector.broadcast %jit3A_973 : f32 to vector<8x512xf32>
      %min3A_977 = arith.minimumf %min3A_976, %max3A_975 : vector<8x512xf32>
      %log3A_978 = math.log %min3A_977 : vector<8x512xf32>
      %neg3A_979 = arith.constant 0.000000e+00 : f32
      %neg3A_980 = vector.broadcast %neg3A_979 : f32 to vector<8x512xf32>
      %neg3A_981 = arith.subf %neg3A_980, %log3A_978 : vector<8x512xf32>
      %log3A_982 = math.log %neg3A_981 : vector<8x512xf32>
      %sub3A_983 = arith.subf %get3A_968, %log3A_982 : vector<8x512xf32>
      %mul3A_984 = arith.constant 8 : i32
      %mul3A_985 = arith.muli %arg0, %mul3A_984 : i32
      %add3A_986 = arith.constant 2 : i32
      %add3A_987 = arith.addi %mul3A_985, %add3A_986 : i32
      %get3A_988 = arith.constant 0 : index
      %get3A_989 = arith.index_cast %add3A_987 : i32 to index
      %get3A_990 = memref.load %arg2[%get3A_988, %get3A_989] : memref<8x32xi32, #tpu.memory_space<smem>>
      %mul3A_991 = arith.constant 512 : i32
      %mul3A_992 = arith.muli %get3A_990, %mul3A_991 : i32
      %mul3A_993 = arith.constant 8 : i32
      %mul3A_994 = arith.muli %arg0, %mul3A_993 : i32
      %add3A_995 = arith.constant 2 : i32
      %add3A_996 = arith.addi %mul3A_994, %add3A_995 : i32
      %get3A_997 = arith.constant 1 : index
      %get3A_998 = arith.index_cast %add3A_996 : i32 to index
      %get3A_999 = memref.load %arg2[%get3A_997, %get3A_998] : memref<8x32xi32, #tpu.memory_space<smem>>
      %mul3A_1000 = arith.constant 512 : i32
      %mul3A_1001 = arith.muli %get3A_999, %mul3A_1000 : i32
      %mul3A_1002 = arith.constant 8 : i32
      %mul3A_1003 = arith.muli %arg0, %mul3A_1002 : i32
      %add3A_1004 = arith.constant 2 : i32
      %add3A_1005 = arith.addi %mul3A_1003, %add3A_1004 : i32
      %get3A_1006 = arith.constant 2 : index
      %get3A_1007 = arith.index_cast %add3A_1005 : i32 to index
      %get3A_1008 = memref.load %arg2[%get3A_1006, %get3A_1007] : memref<8x32xi32, #tpu.memory_space<smem>>
      %mul3A_1009 = arith.constant 512 : i32
      %mul3A_1010 = arith.muli %get3A_1008, %mul3A_1009 : i32
      %mul3A_1011 = arith.constant 8 : i32
      %mul3A_1012 = arith.muli %arg0, %mul3A_1011 : i32
      %add3A_1013 = arith.constant 2 : i32
      %add3A_1014 = arith.addi %mul3A_1012, %add3A_1013 : i32
      %get3A_1015 = arith.constant 3 : index
      %get3A_1016 = arith.index_cast %add3A_1014 : i32 to index
      %get3A_1017 = memref.load %arg2[%get3A_1015, %get3A_1016] : memref<8x32xi32, #tpu.memory_space<smem>>
      %mul3A_1018 = arith.constant 512 : i32
      %mul3A_1019 = arith.muli %get3A_1017, %mul3A_1018 : i32
      %mul3A_1020 = arith.constant 8 : i32
      %mul3A_1021 = arith.muli %arg0, %mul3A_1020 : i32
      %add3A_1022 = arith.constant 2 : i32
      %add3A_1023 = arith.addi %mul3A_1021, %add3A_1022 : i32
      %get3A_1024 = arith.constant 4 : index
      %get3A_1025 = arith.index_cast %add3A_1023 : i32 to index
      %get3A_1026 = memref.load %arg2[%get3A_1024, %get3A_1025] : memref<8x32xi32, #tpu.memory_space<smem>>
      %mul3A_1027 = arith.constant 512 : i32
      %mul3A_1028 = arith.muli %get3A_1026, %mul3A_1027 : i32
      %mul3A_1029 = arith.constant 8 : i32
      %mul3A_1030 = arith.muli %arg0, %mul3A_1029 : i32
      %add3A_1031 = arith.constant 2 : i32
      %add3A_1032 = arith.addi %mul3A_1030, %add3A_1031 : i32
      %get3A_1033 = arith.constant 5 : index
      %get3A_1034 = arith.index_cast %add3A_1032 : i32 to index
      %get3A_1035 = memref.load %arg2[%get3A_1033, %get3A_1034] : memref<8x32xi32, #tpu.memory_space<smem>>
      %mul3A_1036 = arith.constant 512 : i32
      %mul3A_1037 = arith.muli %get3A_1035, %mul3A_1036 : i32
      %mul3A_1038 = arith.constant 8 : i32
      %mul3A_1039 = arith.muli %arg0, %mul3A_1038 : i32
      %add3A_1040 = arith.constant 2 : i32
      %add3A_1041 = arith.addi %mul3A_1039, %add3A_1040 : i32
      %get3A_1042 = arith.constant 6 : index
      %get3A_1043 = arith.index_cast %add3A_1041 : i32 to index
      %get3A_1044 = memref.load %arg2[%get3A_1042, %get3A_1043] : memref<8x32xi32, #tpu.memory_space<smem>>
      %mul3A_1045 = arith.constant 512 : i32
      %mul3A_1046 = arith.muli %get3A_1044, %mul3A_1045 : i32
      %mul3A_1047 = arith.constant 8 : i32
      %mul3A_1048 = arith.muli %arg0, %mul3A_1047 : i32
      %add3A_1049 = arith.constant 2 : i32
      %add3A_1050 = arith.addi %mul3A_1048, %add3A_1049 : i32
      %get3A_1051 = arith.constant 7 : index
      %get3A_1052 = arith.index_cast %add3A_1050 : i32 to index
      %get3A_1053 = memref.load %arg2[%get3A_1051, %get3A_1052] : memref<8x32xi32, #tpu.memory_space<smem>>
      %mul3A_1054 = arith.constant 512 : i32
      %mul3A_1055 = arith.muli %get3A_1053, %mul3A_1054 : i32
      %add3A_1056 = vector.broadcast %mul3A_992 : i32 to vector<1x512xi32>
      %add3A_1057 = arith.addi %add3A_1056, %iota3A_243 : vector<1x512xi32>
      %add3A_1058 = vector.broadcast %mul3A_1001 : i32 to vector<1x512xi32>
      %add3A_1059 = arith.addi %add3A_1058, %iota3A_243 : vector<1x512xi32>
      %add3A_1060 = vector.broadcast %mul3A_1010 : i32 to vector<1x512xi32>
      %add3A_1061 = arith.addi %add3A_1060, %iota3A_243 : vector<1x512xi32>
      %add3A_1062 = vector.broadcast %mul3A_1019 : i32 to vector<1x512xi32>
      %add3A_1063 = arith.addi %add3A_1062, %iota3A_243 : vector<1x512xi32>
      %add3A_1064 = vector.broadcast %mul3A_1028 : i32 to vector<1x512xi32>
      %add3A_1065 = arith.addi %add3A_1064, %iota3A_243 : vector<1x512xi32>
      %add3A_1066 = vector.broadcast %mul3A_1037 : i32 to vector<1x512xi32>
      %add3A_1067 = arith.addi %add3A_1066, %iota3A_243 : vector<1x512xi32>
      %add3A_1068 = vector.broadcast %mul3A_1046 : i32 to vector<1x512xi32>
      %add3A_1069 = arith.addi %add3A_1068, %iota3A_243 : vector<1x512xi32>
      %add3A_1070 = vector.broadcast %mul3A_1055 : i32 to vector<1x512xi32>
      %add3A_1071 = arith.addi %add3A_1070, %iota3A_243 : vector<1x512xi32>
      %concatenate3A_1072 = tpu.concatenate %add3A_1057, %add3A_1059, %add3A_1061, %add3A_1063, %add3A_1065, %add3A_1067, %add3A_1069, %add3A_1071 in 0 : vector<1x512xi32>, vector<1x512xi32>, vector<1x512xi32>, vector<1x512xi32>, vector<1x512xi32>, vector<1x512xi32>, vector<1x512xi32>, vector<1x512xi32> -> vector<8x512xi32>
      %lt3A_1073 = arith.constant 1000000 : i32
      %lt3A_1074 = vector.broadcast %lt3A_1073 : i32 to vector<8x512xi32>
      %lt3A_1075 = arith.cmpi slt, %concatenate3A_1072, %lt3A_1074 : vector<8x512xi32>
      %jit3A_1076 = arith.constant 0xFF800000 : f32
      %broadcast_in_dim3A_1077 = vector.broadcast %jit3A_1076 : f32 to vector<8x512xf32>
      %select_n3A_1078 = arith.select %lt3A_1075, %sub3A_983, %broadcast_in_dim3A_1077 : vector<8x512xi1>, vector<8x512xf32>
      %reduce_max3A_1079 = vector.shape_cast %select_n3A_1078 : vector<8x512xf32> to vector<1x8x512xf32>
      %reduce_max3A_1080 = arith.constant dense<0xFF800000> : vector<1xf32>
      %reduce_max3A_1081 = vector.multi_reduction <maximumf>, %reduce_max3A_1079, %reduce_max3A_1080 [1, 2] : vector<1x8x512xf32> to vector<1xf32>
      %reduce_max3A_1082 = vector.shape_cast %reduce_max3A_1081 : vector<1xf32> to vector<1x1x1xf32>
      %reduce_max3A_1083 = vector.extract %reduce_max3A_1082[0, 0, 0] : f32 from vector<1x1x1xf32>
      %eq3A_1084 = vector.broadcast %reduce_max3A_1083 : f32 to vector<8x512xf32>
      %eq3A_1085 = arith.cmpf oeq, %select_n3A_1078, %eq3A_1084 : vector<8x512xf32>
      %jit3A_1086 = arith.constant 1073741824 : i32
      %broadcast_in_dim3A_1087 = vector.broadcast %jit3A_1086 : i32 to vector<8x512xi32>
      %select_n3A_1088 = arith.select %eq3A_1085, %concatenate3A_1072, %broadcast_in_dim3A_1087 : vector<8x512xi1>, vector<8x512xi32>
      %reduce_min3A_1089 = vector.shape_cast %select_n3A_1088 : vector<8x512xi32> to vector<1x8x512xi32>
      %reduce_min3A_1090 = arith.constant dense<2147483647> : vector<1xi32>
      %reduce_min3A_1091 = vector.multi_reduction <minsi>, %reduce_min3A_1089, %reduce_min3A_1090 [1, 2] : vector<1x8x512xi32> to vector<1xi32>
      %reduce_min3A_1092 = vector.shape_cast %reduce_min3A_1091 : vector<1xi32> to vector<1x1x1xi32>
      %reduce_min3A_1093 = vector.extract %reduce_min3A_1092[0, 0, 0] : i32 from vector<1x1x1xi32>
      %eq3A_1094 = vector.broadcast %reduce_min3A_1093 : i32 to vector<8x512xi32>
      %eq3A_1095 = arith.cmpi eq, %concatenate3A_1072, %eq3A_1094 : vector<8x512xi32>
      %jit3A_1096 = arith.constant 0xFF800000 : f32
      %broadcast_in_dim3A_1097 = vector.broadcast %jit3A_1096 : f32 to vector<8x512xf32>
      %select_n3A_1098 = arith.select %eq3A_1095, %get3A_968, %broadcast_in_dim3A_1097 : vector<8x512xi1>, vector<8x512xf32>
      %reduce_max3A_1099 = vector.shape_cast %select_n3A_1098 : vector<8x512xf32> to vector<1x8x512xf32>
      %reduce_max3A_1100 = arith.constant dense<0xFF800000> : vector<1xf32>
      %reduce_max3A_1101 = vector.multi_reduction <maximumf>, %reduce_max3A_1099, %reduce_max3A_1100 [1, 2] : vector<1x8x512xf32> to vector<1xf32>
      %reduce_max3A_1102 = vector.shape_cast %reduce_max3A_1101 : vector<1xf32> to vector<1x1x1xf32>
      %reduce_max3A_1103 = vector.extract %reduce_max3A_1102[0, 0, 0] : f32 from vector<1x1x1xf32>
      %eq3A_1104 = vector.broadcast %reduce_min3A_1093 : i32 to vector<8x512xi32>
      %eq3A_1105 = arith.cmpi eq, %concatenate3A_1072, %eq3A_1104 : vector<8x512xi32>
      %jit3A_1106 = arith.constant 0xFF800000 : f32
      %broadcast_in_dim3A_1107 = vector.broadcast %jit3A_1106 : f32 to vector<8x512xf32>
      %select_n3A_1108 = arith.select %eq3A_1105, %broadcast_in_dim3A_1107, %select_n3A_1078 : vector<8x512xi1>, vector<8x512xf32>
      %reduce_max3A_1109 = vector.shape_cast %select_n3A_1108 : vector<8x512xf32> to vector<1x8x512xf32>
      %reduce_max3A_1110 = arith.constant dense<0xFF800000> : vector<1xf32>
      %reduce_max3A_1111 = vector.multi_reduction <maximumf>, %reduce_max3A_1109, %reduce_max3A_1110 [1, 2] : vector<1x8x512xf32> to vector<1xf32>
      %reduce_max3A_1112 = vector.shape_cast %reduce_max3A_1111 : vector<1xf32> to vector<1x1x1xf32>
      %reduce_max3A_1113 = vector.extract %reduce_max3A_1112[0, 0, 0] : f32 from vector<1x1x1xf32>
      %eq3A_1114 = vector.broadcast %reduce_max3A_1113 : f32 to vector<8x512xf32>
      %eq3A_1115 = arith.cmpf oeq, %select_n3A_1108, %eq3A_1114 : vector<8x512xf32>
      %jit3A_1116 = arith.constant 1073741824 : i32
      %broadcast_in_dim3A_1117 = vector.broadcast %jit3A_1116 : i32 to vector<8x512xi32>
      %select_n3A_1118 = arith.select %eq3A_1115, %concatenate3A_1072, %broadcast_in_dim3A_1117 : vector<8x512xi1>, vector<8x512xi32>
      %reduce_min3A_1119 = vector.shape_cast %select_n3A_1118 : vector<8x512xi32> to vector<1x8x512xi32>
      %reduce_min3A_1120 = arith.constant dense<2147483647> : vector<1xi32>
      %reduce_min3A_1121 = vector.multi_reduction <minsi>, %reduce_min3A_1119, %reduce_min3A_1120 [1, 2] : vector<1x8x512xi32> to vector<1xi32>
      %reduce_min3A_1122 = vector.shape_cast %reduce_min3A_1121 : vector<1xi32> to vector<1x1x1xi32>
      %reduce_min3A_1123 = vector.extract %reduce_min3A_1122[0, 0, 0] : i32 from vector<1x1x1xi32>
      %eq3A_1124 = vector.broadcast %reduce_min3A_1123 : i32 to vector<8x512xi32>
      %eq3A_1125 = arith.cmpi eq, %concatenate3A_1072, %eq3A_1124 : vector<8x512xi32>
      %jit3A_1126 = arith.constant 0xFF800000 : f32
      %broadcast_in_dim3A_1127 = vector.broadcast %jit3A_1126 : f32 to vector<8x512xf32>
      %select_n3A_1128 = arith.select %eq3A_1125, %get3A_968, %broadcast_in_dim3A_1127 : vector<8x512xi1>, vector<8x512xf32>
      %reduce_max3A_1129 = vector.shape_cast %select_n3A_1128 : vector<8x512xf32> to vector<1x8x512xf32>
      %reduce_max3A_1130 = arith.constant dense<0xFF800000> : vector<1xf32>
      %reduce_max3A_1131 = vector.multi_reduction <maximumf>, %reduce_max3A_1129, %reduce_max3A_1130 [1, 2] : vector<1x8x512xf32> to vector<1xf32>
      %reduce_max3A_1132 = vector.shape_cast %reduce_max3A_1131 : vector<1xf32> to vector<1x1x1xf32>
      %reduce_max3A_1133 = vector.extract %reduce_max3A_1132[0, 0, 0] : f32 from vector<1x1x1xf32>
      %eq3A_1134 = vector.broadcast %reduce_min3A_1123 : i32 to vector<8x512xi32>
      %eq3A_1135 = arith.cmpi eq, %concatenate3A_1072, %eq3A_1134 : vector<8x512xi32>
      %jit3A_1136 = arith.constant 0xFF800000 : f32
      %broadcast_in_dim3A_1137 = vector.broadcast %jit3A_1136 : f32 to vector<8x512xf32>
      %select_n3A_1138 = arith.select %eq3A_1135, %broadcast_in_dim3A_1137, %select_n3A_1108 : vector<8x512xi1>, vector<8x512xf32>
      %reduce_max3A_1139 = vector.shape_cast %select_n3A_1138 : vector<8x512xf32> to vector<1x8x512xf32>
      %reduce_max3A_1140 = arith.constant dense<0xFF800000> : vector<1xf32>
      %reduce_max3A_1141 = vector.multi_reduction <maximumf>, %reduce_max3A_1139, %reduce_max3A_1140 [1, 2] : vector<1x8x512xf32> to vector<1xf32>
      %reduce_max3A_1142 = vector.shape_cast %reduce_max3A_1141 : vector<1xf32> to vector<1x1x1xf32>
      %reduce_max3A_1143 = vector.extract %reduce_max3A_1142[0, 0, 0] : f32 from vector<1x1x1xf32>
      %eq3A_1144 = vector.broadcast %reduce_max3A_1143 : f32 to vector<8x512xf32>
      %eq3A_1145 = arith.cmpf oeq, %select_n3A_1138, %eq3A_1144 : vector<8x512xf32>
      %jit3A_1146 = arith.constant 1073741824 : i32
      %broadcast_in_dim3A_1147 = vector.broadcast %jit3A_1146 : i32 to vector<8x512xi32>
      %select_n3A_1148 = arith.select %eq3A_1145, %concatenate3A_1072, %broadcast_in_dim3A_1147 : vector<8x512xi1>, vector<8x512xi32>
      %reduce_min3A_1149 = vector.shape_cast %select_n3A_1148 : vector<8x512xi32> to vector<1x8x512xi32>
      %reduce_min3A_1150 = arith.constant dense<2147483647> : vector<1xi32>
      %reduce_min3A_1151 = vector.multi_reduction <minsi>, %reduce_min3A_1149, %reduce_min3A_1150 [1, 2] : vector<1x8x512xi32> to vector<1xi32>
      %reduce_min3A_1152 = vector.shape_cast %reduce_min3A_1151 : vector<1xi32> to vector<1x1x1xi32>
      %reduce_min3A_1153 = vector.extract %reduce_min3A_1152[0, 0, 0] : i32 from vector<1x1x1xi32>
      %eq3A_1154 = vector.broadcast %reduce_min3A_1153 : i32 to vector<8x512xi32>
      %eq3A_1155 = arith.cmpi eq, %concatenate3A_1072, %eq3A_1154 : vector<8x512xi32>
      %jit3A_1156 = arith.constant 0xFF800000 : f32
      %broadcast_in_dim3A_1157 = vector.broadcast %jit3A_1156 : f32 to vector<8x512xf32>
      %select_n3A_1158 = arith.select %eq3A_1155, %get3A_968, %broadcast_in_dim3A_1157 : vector<8x512xi1>, vector<8x512xf32>
      %reduce_max3A_1159 = vector.shape_cast %select_n3A_1158 : vector<8x512xf32> to vector<1x8x512xf32>
      %reduce_max3A_1160 = arith.constant dense<0xFF800000> : vector<1xf32>
      %reduce_max3A_1161 = vector.multi_reduction <maximumf>, %reduce_max3A_1159, %reduce_max3A_1160 [1, 2] : vector<1x8x512xf32> to vector<1xf32>
      %reduce_max3A_1162 = vector.shape_cast %reduce_max3A_1161 : vector<1xf32> to vector<1x1x1xf32>
      %reduce_max3A_1163 = vector.extract %reduce_max3A_1162[0, 0, 0] : f32 from vector<1x1x1xf32>
      %eq3A_1164 = vector.broadcast %reduce_min3A_1153 : i32 to vector<8x512xi32>
      %eq3A_1165 = arith.cmpi eq, %concatenate3A_1072, %eq3A_1164 : vector<8x512xi32>
      %jit3A_1166 = arith.constant 0xFF800000 : f32
      %broadcast_in_dim3A_1167 = vector.broadcast %jit3A_1166 : f32 to vector<8x512xf32>
      %select_n3A_1168 = arith.select %eq3A_1165, %broadcast_in_dim3A_1167, %select_n3A_1138 : vector<8x512xi1>, vector<8x512xf32>
      %reduce_max3A_1169 = vector.shape_cast %select_n3A_1168 : vector<8x512xf32> to vector<1x8x512xf32>
      %reduce_max3A_1170 = arith.constant dense<0xFF800000> : vector<1xf32>
      %reduce_max3A_1171 = vector.multi_reduction <maximumf>, %reduce_max3A_1169, %reduce_max3A_1170 [1, 2] : vector<1x8x512xf32> to vector<1xf32>
      %reduce_max3A_1172 = vector.shape_cast %reduce_max3A_1171 : vector<1xf32> to vector<1x1x1xf32>
      %reduce_max3A_1173 = vector.extract %reduce_max3A_1172[0, 0, 0] : f32 from vector<1x1x1xf32>
      %eq3A_1174 = vector.broadcast %reduce_max3A_1173 : f32 to vector<8x512xf32>
      %eq3A_1175 = arith.cmpf oeq, %select_n3A_1168, %eq3A_1174 : vector<8x512xf32>
      %jit3A_1176 = arith.constant 1073741824 : i32
      %broadcast_in_dim3A_1177 = vector.broadcast %jit3A_1176 : i32 to vector<8x512xi32>
      %select_n3A_1178 = arith.select %eq3A_1175, %concatenate3A_1072, %broadcast_in_dim3A_1177 : vector<8x512xi1>, vector<8x512xi32>
      %reduce_min3A_1179 = vector.shape_cast %select_n3A_1178 : vector<8x512xi32> to vector<1x8x512xi32>
      %reduce_min3A_1180 = arith.constant dense<2147483647> : vector<1xi32>
      %reduce_min3A_1181 = vector.multi_reduction <minsi>, %reduce_min3A_1179, %reduce_min3A_1180 [1, 2] : vector<1x8x512xi32> to vector<1xi32>
      %reduce_min3A_1182 = vector.shape_cast %reduce_min3A_1181 : vector<1xi32> to vector<1x1x1xi32>
      %reduce_min3A_1183 = vector.extract %reduce_min3A_1182[0, 0, 0] : i32 from vector<1x1x1xi32>
      %eq3A_1184 = vector.broadcast %reduce_min3A_1183 : i32 to vector<8x512xi32>
      %eq3A_1185 = arith.cmpi eq, %concatenate3A_1072, %eq3A_1184 : vector<8x512xi32>
      %jit3A_1186 = arith.constant 0xFF800000 : f32
      %broadcast_in_dim3A_1187 = vector.broadcast %jit3A_1186 : f32 to vector<8x512xf32>
      %select_n3A_1188 = arith.select %eq3A_1185, %get3A_968, %broadcast_in_dim3A_1187 : vector<8x512xi1>, vector<8x512xf32>
      %reduce_max3A_1189 = vector.shape_cast %select_n3A_1188 : vector<8x512xf32> to vector<1x8x512xf32>
      %reduce_max3A_1190 = arith.constant dense<0xFF800000> : vector<1xf32>
      %reduce_max3A_1191 = vector.multi_reduction <maximumf>, %reduce_max3A_1189, %reduce_max3A_1190 [1, 2] : vector<1x8x512xf32> to vector<1xf32>
      %reduce_max3A_1192 = vector.shape_cast %reduce_max3A_1191 : vector<1xf32> to vector<1x1x1xf32>
      %reduce_max3A_1193 = vector.extract %reduce_max3A_1192[0, 0, 0] : f32 from vector<1x1x1xf32>
      %eq3A_1194 = vector.broadcast %reduce_min3A_1183 : i32 to vector<8x512xi32>
      %eq3A_1195 = arith.cmpi eq, %concatenate3A_1072, %eq3A_1194 : vector<8x512xi32>
      %jit3A_1196 = arith.constant 0xFF800000 : f32
      %broadcast_in_dim3A_1197 = vector.broadcast %jit3A_1196 : f32 to vector<8x512xf32>
      %select_n3A_1198 = arith.select %eq3A_1195, %broadcast_in_dim3A_1197, %select_n3A_1168 : vector<8x512xi1>, vector<8x512xf32>
      %reduce_max3A_1199 = vector.shape_cast %select_n3A_1198 : vector<8x512xf32> to vector<1x8x512xf32>
      %reduce_max3A_1200 = arith.constant dense<0xFF800000> : vector<1xf32>
      %reduce_max3A_1201 = vector.multi_reduction <maximumf>, %reduce_max3A_1199, %reduce_max3A_1200 [1, 2] : vector<1x8x512xf32> to vector<1xf32>
      %reduce_max3A_1202 = vector.shape_cast %reduce_max3A_1201 : vector<1xf32> to vector<1x1x1xf32>
      %reduce_max3A_1203 = vector.extract %reduce_max3A_1202[0, 0, 0] : f32 from vector<1x1x1xf32>
      %eq3A_1204 = vector.broadcast %reduce_max3A_1203 : f32 to vector<8x512xf32>
      %eq3A_1205 = arith.cmpf oeq, %select_n3A_1198, %eq3A_1204 : vector<8x512xf32>
      %jit3A_1206 = arith.constant 1073741824 : i32
      %broadcast_in_dim3A_1207 = vector.broadcast %jit3A_1206 : i32 to vector<8x512xi32>
      %select_n3A_1208 = arith.select %eq3A_1205, %concatenate3A_1072, %broadcast_in_dim3A_1207 : vector<8x512xi1>, vector<8x512xi32>
      %reduce_min3A_1209 = vector.shape_cast %select_n3A_1208 : vector<8x512xi32> to vector<1x8x512xi32>
      %reduce_min3A_1210 = arith.constant dense<2147483647> : vector<1xi32>
      %reduce_min3A_1211 = vector.multi_reduction <minsi>, %reduce_min3A_1209, %reduce_min3A_1210 [1, 2] : vector<1x8x512xi32> to vector<1xi32>
      %reduce_min3A_1212 = vector.shape_cast %reduce_min3A_1211 : vector<1xi32> to vector<1x1x1xi32>
      %reduce_min3A_1213 = vector.extract %reduce_min3A_1212[0, 0, 0] : i32 from vector<1x1x1xi32>
      %eq3A_1214 = vector.broadcast %reduce_min3A_1213 : i32 to vector<8x512xi32>
      %eq3A_1215 = arith.cmpi eq, %concatenate3A_1072, %eq3A_1214 : vector<8x512xi32>
      %jit3A_1216 = arith.constant 0xFF800000 : f32
      %broadcast_in_dim3A_1217 = vector.broadcast %jit3A_1216 : f32 to vector<8x512xf32>
      %select_n3A_1218 = arith.select %eq3A_1215, %get3A_968, %broadcast_in_dim3A_1217 : vector<8x512xi1>, vector<8x512xf32>
      %reduce_max3A_1219 = vector.shape_cast %select_n3A_1218 : vector<8x512xf32> to vector<1x8x512xf32>
      %reduce_max3A_1220 = arith.constant dense<0xFF800000> : vector<1xf32>
      %reduce_max3A_1221 = vector.multi_reduction <maximumf>, %reduce_max3A_1219, %reduce_max3A_1220 [1, 2] : vector<1x8x512xf32> to vector<1xf32>
      %reduce_max3A_1222 = vector.shape_cast %reduce_max3A_1221 : vector<1xf32> to vector<1x1x1xf32>
      %reduce_max3A_1223 = vector.extract %reduce_max3A_1222[0, 0, 0] : f32 from vector<1x1x1xf32>
      %eq3A_1224 = vector.broadcast %reduce_min3A_1213 : i32 to vector<8x512xi32>
      %eq3A_1225 = arith.cmpi eq, %concatenate3A_1072, %eq3A_1224 : vector<8x512xi32>
      %jit3A_1226 = arith.constant 0xFF800000 : f32
      %broadcast_in_dim3A_1227 = vector.broadcast %jit3A_1226 : f32 to vector<8x512xf32>
      %select_n3A_1228 = arith.select %eq3A_1225, %broadcast_in_dim3A_1227, %select_n3A_1198 : vector<8x512xi1>, vector<8x512xf32>
      %reduce_max3A_1229 = vector.shape_cast %select_n3A_1228 : vector<8x512xf32> to vector<1x8x512xf32>
      %reduce_max3A_1230 = arith.constant dense<0xFF800000> : vector<1xf32>
      %reduce_max3A_1231 = vector.multi_reduction <maximumf>, %reduce_max3A_1229, %reduce_max3A_1230 [1, 2] : vector<1x8x512xf32> to vector<1xf32>
      %reduce_max3A_1232 = vector.shape_cast %reduce_max3A_1231 : vector<1xf32> to vector<1x1x1xf32>
      %reduce_max3A_1233 = vector.extract %reduce_max3A_1232[0, 0, 0] : f32 from vector<1x1x1xf32>
      %eq3A_1234 = vector.broadcast %reduce_max3A_1233 : f32 to vector<8x512xf32>
      %eq3A_1235 = arith.cmpf oeq, %select_n3A_1228, %eq3A_1234 : vector<8x512xf32>
      %jit3A_1236 = arith.constant 1073741824 : i32
      %broadcast_in_dim3A_1237 = vector.broadcast %jit3A_1236 : i32 to vector<8x512xi32>
      %select_n3A_1238 = arith.select %eq3A_1235, %concatenate3A_1072, %broadcast_in_dim3A_1237 : vector<8x512xi1>, vector<8x512xi32>
      %reduce_min3A_1239 = vector.shape_cast %select_n3A_1238 : vector<8x512xi32> to vector<1x8x512xi32>
      %reduce_min3A_1240 = arith.constant dense<2147483647> : vector<1xi32>
      %reduce_min3A_1241 = vector.multi_reduction <minsi>, %reduce_min3A_1239, %reduce_min3A_1240 [1, 2] : vector<1x8x512xi32> to vector<1xi32>
      %reduce_min3A_1242 = vector.shape_cast %reduce_min3A_1241 : vector<1xi32> to vector<1x1x1xi32>
      %reduce_min3A_1243 = vector.extract %reduce_min3A_1242[0, 0, 0] : i32 from vector<1x1x1xi32>
      %eq3A_1244 = vector.broadcast %reduce_min3A_1243 : i32 to vector<8x512xi32>
      %eq3A_1245 = arith.cmpi eq, %concatenate3A_1072, %eq3A_1244 : vector<8x512xi32>
      %jit3A_1246 = arith.constant 0xFF800000 : f32
      %broadcast_in_dim3A_1247 = vector.broadcast %jit3A_1246 : f32 to vector<8x512xf32>
      %select_n3A_1248 = arith.select %eq3A_1245, %get3A_968, %broadcast_in_dim3A_1247 : vector<8x512xi1>, vector<8x512xf32>
      %reduce_max3A_1249 = vector.shape_cast %select_n3A_1248 : vector<8x512xf32> to vector<1x8x512xf32>
      %reduce_max3A_1250 = arith.constant dense<0xFF800000> : vector<1xf32>
      %reduce_max3A_1251 = vector.multi_reduction <maximumf>, %reduce_max3A_1249, %reduce_max3A_1250 [1, 2] : vector<1x8x512xf32> to vector<1xf32>
      %reduce_max3A_1252 = vector.shape_cast %reduce_max3A_1251 : vector<1xf32> to vector<1x1x1xf32>
      %reduce_max3A_1253 = vector.extract %reduce_max3A_1252[0, 0, 0] : f32 from vector<1x1x1xf32>
      %eq3A_1254 = vector.broadcast %reduce_min3A_1243 : i32 to vector<8x512xi32>
      %eq3A_1255 = arith.cmpi eq, %concatenate3A_1072, %eq3A_1254 : vector<8x512xi32>
      %jit3A_1256 = arith.constant 0xFF800000 : f32
      %broadcast_in_dim3A_1257 = vector.broadcast %jit3A_1256 : f32 to vector<8x512xf32>
      %select_n3A_1258 = arith.select %eq3A_1255, %broadcast_in_dim3A_1257, %select_n3A_1228 : vector<8x512xi1>, vector<8x512xf32>
      %reduce_max3A_1259 = vector.shape_cast %select_n3A_1258 : vector<8x512xf32> to vector<1x8x512xf32>
      %reduce_max3A_1260 = arith.constant dense<0xFF800000> : vector<1xf32>
      %reduce_max3A_1261 = vector.multi_reduction <maximumf>, %reduce_max3A_1259, %reduce_max3A_1260 [1, 2] : vector<1x8x512xf32> to vector<1xf32>
      %reduce_max3A_1262 = vector.shape_cast %reduce_max3A_1261 : vector<1xf32> to vector<1x1x1xf32>
      %reduce_max3A_1263 = vector.extract %reduce_max3A_1262[0, 0, 0] : f32 from vector<1x1x1xf32>
      %eq3A_1264 = vector.broadcast %reduce_max3A_1263 : f32 to vector<8x512xf32>
      %eq3A_1265 = arith.cmpf oeq, %select_n3A_1258, %eq3A_1264 : vector<8x512xf32>
      %jit3A_1266 = arith.constant 1073741824 : i32
      %broadcast_in_dim3A_1267 = vector.broadcast %jit3A_1266 : i32 to vector<8x512xi32>
      %select_n3A_1268 = arith.select %eq3A_1265, %concatenate3A_1072, %broadcast_in_dim3A_1267 : vector<8x512xi1>, vector<8x512xi32>
      %reduce_min3A_1269 = vector.shape_cast %select_n3A_1268 : vector<8x512xi32> to vector<1x8x512xi32>
      %reduce_min3A_1270 = arith.constant dense<2147483647> : vector<1xi32>
      %reduce_min3A_1271 = vector.multi_reduction <minsi>, %reduce_min3A_1269, %reduce_min3A_1270 [1, 2] : vector<1x8x512xi32> to vector<1xi32>
      %reduce_min3A_1272 = vector.shape_cast %reduce_min3A_1271 : vector<1xi32> to vector<1x1x1xi32>
      %reduce_min3A_1273 = vector.extract %reduce_min3A_1272[0, 0, 0] : i32 from vector<1x1x1xi32>
      %eq3A_1274 = vector.broadcast %reduce_min3A_1273 : i32 to vector<8x512xi32>
      %eq3A_1275 = arith.cmpi eq, %concatenate3A_1072, %eq3A_1274 : vector<8x512xi32>
      %jit3A_1276 = arith.constant 0xFF800000 : f32
      %broadcast_in_dim3A_1277 = vector.broadcast %jit3A_1276 : f32 to vector<8x512xf32>
      %select_n3A_1278 = arith.select %eq3A_1275, %get3A_968, %broadcast_in_dim3A_1277 : vector<8x512xi1>, vector<8x512xf32>
      %reduce_max3A_1279 = vector.shape_cast %select_n3A_1278 : vector<8x512xf32> to vector<1x8x512xf32>
      %reduce_max3A_1280 = arith.constant dense<0xFF800000> : vector<1xf32>
      %reduce_max3A_1281 = vector.multi_reduction <maximumf>, %reduce_max3A_1279, %reduce_max3A_1280 [1, 2] : vector<1x8x512xf32> to vector<1xf32>
      %reduce_max3A_1282 = vector.shape_cast %reduce_max3A_1281 : vector<1xf32> to vector<1x1x1xf32>
      %reduce_max3A_1283 = vector.extract %reduce_max3A_1282[0, 0, 0] : f32 from vector<1x1x1xf32>
      %eq3A_1284 = vector.broadcast %reduce_min3A_1273 : i32 to vector<8x512xi32>
      %eq3A_1285 = arith.cmpi eq, %concatenate3A_1072, %eq3A_1284 : vector<8x512xi32>
      %jit3A_1286 = arith.constant 0xFF800000 : f32
      %broadcast_in_dim3A_1287 = vector.broadcast %jit3A_1286 : f32 to vector<8x512xf32>
      %select_n3A_1288 = arith.select %eq3A_1285, %broadcast_in_dim3A_1287, %select_n3A_1258 : vector<8x512xi1>, vector<8x512xf32>
      %reduce_max3A_1289 = vector.shape_cast %select_n3A_1288 : vector<8x512xf32> to vector<1x8x512xf32>
      %reduce_max3A_1290 = arith.constant dense<0xFF800000> : vector<1xf32>
      %reduce_max3A_1291 = vector.multi_reduction <maximumf>, %reduce_max3A_1289, %reduce_max3A_1290 [1, 2] : vector<1x8x512xf32> to vector<1xf32>
      %reduce_max3A_1292 = vector.shape_cast %reduce_max3A_1291 : vector<1xf32> to vector<1x1x1xf32>
      %reduce_max3A_1293 = vector.extract %reduce_max3A_1292[0, 0, 0] : f32 from vector<1x1x1xf32>
      %eq3A_1294 = vector.broadcast %reduce_max3A_1293 : f32 to vector<8x512xf32>
      %eq3A_1295 = arith.cmpf oeq, %select_n3A_1288, %eq3A_1294 : vector<8x512xf32>
      %jit3A_1296 = arith.constant 1073741824 : i32
      %broadcast_in_dim3A_1297 = vector.broadcast %jit3A_1296 : i32 to vector<8x512xi32>
      %select_n3A_1298 = arith.select %eq3A_1295, %concatenate3A_1072, %broadcast_in_dim3A_1297 : vector<8x512xi1>, vector<8x512xi32>
      %reduce_min3A_1299 = vector.shape_cast %select_n3A_1298 : vector<8x512xi32> to vector<1x8x512xi32>
      %reduce_min3A_1300 = arith.constant dense<2147483647> : vector<1xi32>
      %reduce_min3A_1301 = vector.multi_reduction <minsi>, %reduce_min3A_1299, %reduce_min3A_1300 [1, 2] : vector<1x8x512xi32> to vector<1xi32>
      %reduce_min3A_1302 = vector.shape_cast %reduce_min3A_1301 : vector<1xi32> to vector<1x1x1xi32>
      %reduce_min3A_1303 = vector.extract %reduce_min3A_1302[0, 0, 0] : i32 from vector<1x1x1xi32>
      %eq3A_1304 = vector.broadcast %reduce_min3A_1303 : i32 to vector<8x512xi32>
      %eq3A_1305 = arith.cmpi eq, %concatenate3A_1072, %eq3A_1304 : vector<8x512xi32>
      %jit3A_1306 = arith.constant 0xFF800000 : f32
      %broadcast_in_dim3A_1307 = vector.broadcast %jit3A_1306 : f32 to vector<8x512xf32>
      %select_n3A_1308 = arith.select %eq3A_1305, %get3A_968, %broadcast_in_dim3A_1307 : vector<8x512xi1>, vector<8x512xf32>
      %reduce_max3A_1309 = vector.shape_cast %select_n3A_1308 : vector<8x512xf32> to vector<1x8x512xf32>
      %reduce_max3A_1310 = arith.constant dense<0xFF800000> : vector<1xf32>
      %reduce_max3A_1311 = vector.multi_reduction <maximumf>, %reduce_max3A_1309, %reduce_max3A_1310 [1, 2] : vector<1x8x512xf32> to vector<1xf32>
      %reduce_max3A_1312 = vector.shape_cast %reduce_max3A_1311 : vector<1xf32> to vector<1x1x1xf32>
      %reduce_max3A_1313 = vector.extract %reduce_max3A_1312[0, 0, 0] : f32 from vector<1x1x1xf32>
      %reshape3A_1314 = vector.broadcast %reduce_min3A_1093 : i32 to vector<1x1x1xi32>
      %reshape3A_1315 = vector.broadcast %reduce_min3A_1123 : i32 to vector<1x1x1xi32>
      %reshape3A_1316 = vector.broadcast %reduce_min3A_1153 : i32 to vector<1x1x1xi32>
      %reshape3A_1317 = vector.broadcast %reduce_min3A_1183 : i32 to vector<1x1x1xi32>
      %reshape3A_1318 = vector.broadcast %reduce_min3A_1213 : i32 to vector<1x1x1xi32>
      %reshape3A_1319 = vector.broadcast %reduce_min3A_1243 : i32 to vector<1x1x1xi32>
      %reshape3A_1320 = vector.broadcast %reduce_min3A_1273 : i32 to vector<1x1x1xi32>
      %reshape3A_1321 = vector.broadcast %reduce_min3A_1303 : i32 to vector<1x1x1xi32>
      %concatenate3A_1322 = tpu.concatenate %reshape3A_1314, %reshape3A_1315, %reshape3A_1316, %reshape3A_1317, %reshape3A_1318, %reshape3A_1319, %reshape3A_1320, %reshape3A_1321 in 2 : vector<1x1x1xi32>, vector<1x1x1xi32>, vector<1x1x1xi32>, vector<1x1x1xi32>, vector<1x1x1xi32>, vector<1x1x1xi32>, vector<1x1x1xi32>, vector<1x1x1xi32> -> vector<1x1x8xi32>
      %reshape3A_1323 = vector.broadcast %reduce_max3A_1103 : f32 to vector<1x1x1xf32>
      %reshape3A_1324 = vector.broadcast %reduce_max3A_1133 : f32 to vector<1x1x1xf32>
      %reshape3A_1325 = vector.broadcast %reduce_max3A_1163 : f32 to vector<1x1x1xf32>
      %reshape3A_1326 = vector.broadcast %reduce_max3A_1193 : f32 to vector<1x1x1xf32>
      %reshape3A_1327 = vector.broadcast %reduce_max3A_1223 : f32 to vector<1x1x1xf32>
      %reshape3A_1328 = vector.broadcast %reduce_max3A_1253 : f32 to vector<1x1x1xf32>
      %reshape3A_1329 = vector.broadcast %reduce_max3A_1283 : f32 to vector<1x1x1xf32>
      %reshape3A_1330 = vector.broadcast %reduce_max3A_1313 : f32 to vector<1x1x1xf32>
      %concatenate3A_1331 = tpu.concatenate %reshape3A_1323, %reshape3A_1324, %reshape3A_1325, %reshape3A_1326, %reshape3A_1327, %reshape3A_1328, %reshape3A_1329, %reshape3A_1330 in 2 : vector<1x1x1xf32>, vector<1x1x1xf32>, vector<1x1x1xf32>, vector<1x1x1xf32>, vector<1x1x1xf32>, vector<1x1x1xf32>, vector<1x1x1xf32>, vector<1x1x1xf32> -> vector<1x1x8xf32>
      %get3A_1332 = arith.constant 24 : index
      %get3A_1333 = arith.constant 0 : index
      %get3A_1334 = vector.load %arg21[%get3A_1332, %get3A_1333] : memref<64x512xf32, #tpu.memory_space<vmem>>, vector<8x512xf32>
      %get3A_1335 = arith.constant 24 : index
      %get3A_1336 = arith.constant 0 : index
      %get3A_1337 = vector.load %arg22[%get3A_1335, %get3A_1336] : memref<64x512xf32, #tpu.memory_space<vmem>>, vector<8x512xf32>
      %jit3A_1338 = arith.constant 9.99999997E-7 : f32
      %jit3A_1339 = arith.constant 0.999998986 : f32
      %max3A_1340 = vector.broadcast %jit3A_1338 : f32 to vector<8x512xf32>
      %max3A_1341 = arith.maximumf %max3A_1340, %get3A_1337 : vector<8x512xf32>
      %min3A_1342 = vector.broadcast %jit3A_1339 : f32 to vector<8x512xf32>
      %min3A_1343 = arith.minimumf %min3A_1342, %max3A_1341 : vector<8x512xf32>
      %log3A_1344 = math.log %min3A_1343 : vector<8x512xf32>
      %neg3A_1345 = arith.constant 0.000000e+00 : f32
      %neg3A_1346 = vector.broadcast %neg3A_1345 : f32 to vector<8x512xf32>
      %neg3A_1347 = arith.subf %neg3A_1346, %log3A_1344 : vector<8x512xf32>
      %log3A_1348 = math.log %neg3A_1347 : vector<8x512xf32>
      %sub3A_1349 = arith.subf %get3A_1334, %log3A_1348 : vector<8x512xf32>
      %mul3A_1350 = arith.constant 8 : i32
      %mul3A_1351 = arith.muli %arg0, %mul3A_1350 : i32
      %add3A_1352 = arith.constant 3 : i32
      %add3A_1353 = arith.addi %mul3A_1351, %add3A_1352 : i32
      %get3A_1354 = arith.constant 0 : index
      %get3A_1355 = arith.index_cast %add3A_1353 : i32 to index
      %get3A_1356 = memref.load %arg2[%get3A_1354, %get3A_1355] : memref<8x32xi32, #tpu.memory_space<smem>>
      %mul3A_1357 = arith.constant 512 : i32
      %mul3A_1358 = arith.muli %get3A_1356, %mul3A_1357 : i32
      %mul3A_1359 = arith.constant 8 : i32
      %mul3A_1360 = arith.muli %arg0, %mul3A_1359 : i32
      %add3A_1361 = arith.constant 3 : i32
      %add3A_1362 = arith.addi %mul3A_1360, %add3A_1361 : i32
      %get3A_1363 = arith.constant 1 : index
      %get3A_1364 = arith.index_cast %add3A_1362 : i32 to index
      %get3A_1365 = memref.load %arg2[%get3A_1363, %get3A_1364] : memref<8x32xi32, #tpu.memory_space<smem>>
      %mul3A_1366 = arith.constant 512 : i32
      %mul3A_1367 = arith.muli %get3A_1365, %mul3A_1366 : i32
      %mul3A_1368 = arith.constant 8 : i32
      %mul3A_1369 = arith.muli %arg0, %mul3A_1368 : i32
      %add3A_1370 = arith.constant 3 : i32
      %add3A_1371 = arith.addi %mul3A_1369, %add3A_1370 : i32
      %get3A_1372 = arith.constant 2 : index
      %get3A_1373 = arith.index_cast %add3A_1371 : i32 to index
      %get3A_1374 = memref.load %arg2[%get3A_1372, %get3A_1373] : memref<8x32xi32, #tpu.memory_space<smem>>
      %mul3A_1375 = arith.constant 512 : i32
      %mul3A_1376 = arith.muli %get3A_1374, %mul3A_1375 : i32
      %mul3A_1377 = arith.constant 8 : i32
      %mul3A_1378 = arith.muli %arg0, %mul3A_1377 : i32
      %add3A_1379 = arith.constant 3 : i32
      %add3A_1380 = arith.addi %mul3A_1378, %add3A_1379 : i32
      %get3A_1381 = arith.constant 3 : index
      %get3A_1382 = arith.index_cast %add3A_1380 : i32 to index
      %get3A_1383 = memref.load %arg2[%get3A_1381, %get3A_1382] : memref<8x32xi32, #tpu.memory_space<smem>>
      %mul3A_1384 = arith.constant 512 : i32
      %mul3A_1385 = arith.muli %get3A_1383, %mul3A_1384 : i32
      %mul3A_1386 = arith.constant 8 : i32
      %mul3A_1387 = arith.muli %arg0, %mul3A_1386 : i32
      %add3A_1388 = arith.constant 3 : i32
      %add3A_1389 = arith.addi %mul3A_1387, %add3A_1388 : i32
      %get3A_1390 = arith.constant 4 : index
      %get3A_1391 = arith.index_cast %add3A_1389 : i32 to index
      %get3A_1392 = memref.load %arg2[%get3A_1390, %get3A_1391] : memref<8x32xi32, #tpu.memory_space<smem>>
      %mul3A_1393 = arith.constant 512 : i32
      %mul3A_1394 = arith.muli %get3A_1392, %mul3A_1393 : i32
      %mul3A_1395 = arith.constant 8 : i32
      %mul3A_1396 = arith.muli %arg0, %mul3A_1395 : i32
      %add3A_1397 = arith.constant 3 : i32
      %add3A_1398 = arith.addi %mul3A_1396, %add3A_1397 : i32
      %get3A_1399 = arith.constant 5 : index
      %get3A_1400 = arith.index_cast %add3A_1398 : i32 to index
      %get3A_1401 = memref.load %arg2[%get3A_1399, %get3A_1400] : memref<8x32xi32, #tpu.memory_space<smem>>
      %mul3A_1402 = arith.constant 512 : i32
      %mul3A_1403 = arith.muli %get3A_1401, %mul3A_1402 : i32
      %mul3A_1404 = arith.constant 8 : i32
      %mul3A_1405 = arith.muli %arg0, %mul3A_1404 : i32
      %add3A_1406 = arith.constant 3 : i32
      %add3A_1407 = arith.addi %mul3A_1405, %add3A_1406 : i32
      %get3A_1408 = arith.constant 6 : index
      %get3A_1409 = arith.index_cast %add3A_1407 : i32 to index
      %get3A_1410 = memref.load %arg2[%get3A_1408, %get3A_1409] : memref<8x32xi32, #tpu.memory_space<smem>>
      %mul3A_1411 = arith.constant 512 : i32
      %mul3A_1412 = arith.muli %get3A_1410, %mul3A_1411 : i32
      %mul3A_1413 = arith.constant 8 : i32
      %mul3A_1414 = arith.muli %arg0, %mul3A_1413 : i32
      %add3A_1415 = arith.constant 3 : i32
      %add3A_1416 = arith.addi %mul3A_1414, %add3A_1415 : i32
      %get3A_1417 = arith.constant 7 : index
      %get3A_1418 = arith.index_cast %add3A_1416 : i32 to index
      %get3A_1419 = memref.load %arg2[%get3A_1417, %get3A_1418] : memref<8x32xi32, #tpu.memory_space<smem>>
      %mul3A_1420 = arith.constant 512 : i32
      %mul3A_1421 = arith.muli %get3A_1419, %mul3A_1420 : i32
      %add3A_1422 = vector.broadcast %mul3A_1358 : i32 to vector<1x512xi32>
      %add3A_1423 = arith.addi %add3A_1422, %iota3A_243 : vector<1x512xi32>
      %add3A_1424 = vector.broadcast %mul3A_1367 : i32 to vector<1x512xi32>
      %add3A_1425 = arith.addi %add3A_1424, %iota3A_243 : vector<1x512xi32>
      %add3A_1426 = vector.broadcast %mul3A_1376 : i32 to vector<1x512xi32>
      %add3A_1427 = arith.addi %add3A_1426, %iota3A_243 : vector<1x512xi32>
      %add3A_1428 = vector.broadcast %mul3A_1385 : i32 to vector<1x512xi32>
      %add3A_1429 = arith.addi %add3A_1428, %iota3A_243 : vector<1x512xi32>
      %add3A_1430 = vector.broadcast %mul3A_1394 : i32 to vector<1x512xi32>
      %add3A_1431 = arith.addi %add3A_1430, %iota3A_243 : vector<1x512xi32>
      %add3A_1432 = vector.broadcast %mul3A_1403 : i32 to vector<1x512xi32>
      %add3A_1433 = arith.addi %add3A_1432, %iota3A_243 : vector<1x512xi32>
      %add3A_1434 = vector.broadcast %mul3A_1412 : i32 to vector<1x512xi32>
      %add3A_1435 = arith.addi %add3A_1434, %iota3A_243 : vector<1x512xi32>
      %add3A_1436 = vector.broadcast %mul3A_1421 : i32 to vector<1x512xi32>
      %add3A_1437 = arith.addi %add3A_1436, %iota3A_243 : vector<1x512xi32>
      %concatenate3A_1438 = tpu.concatenate %add3A_1423, %add3A_1425, %add3A_1427, %add3A_1429, %add3A_1431, %add3A_1433, %add3A_1435, %add3A_1437 in 0 : vector<1x512xi32>, vector<1x512xi32>, vector<1x512xi32>, vector<1x512xi32>, vector<1x512xi32>, vector<1x512xi32>, vector<1x512xi32>, vector<1x512xi32> -> vector<8x512xi32>
      %lt3A_1439 = arith.constant 1000000 : i32
      %lt3A_1440 = vector.broadcast %lt3A_1439 : i32 to vector<8x512xi32>
      %lt3A_1441 = arith.cmpi slt, %concatenate3A_1438, %lt3A_1440 : vector<8x512xi32>
      %jit3A_1442 = arith.constant 0xFF800000 : f32
      %broadcast_in_dim3A_1443 = vector.broadcast %jit3A_1442 : f32 to vector<8x512xf32>
      %select_n3A_1444 = arith.select %lt3A_1441, %sub3A_1349, %broadcast_in_dim3A_1443 : vector<8x512xi1>, vector<8x512xf32>
      %reduce_max3A_1445 = vector.shape_cast %select_n3A_1444 : vector<8x512xf32> to vector<1x8x512xf32>
      %reduce_max3A_1446 = arith.constant dense<0xFF800000> : vector<1xf32>
      %reduce_max3A_1447 = vector.multi_reduction <maximumf>, %reduce_max3A_1445, %reduce_max3A_1446 [1, 2] : vector<1x8x512xf32> to vector<1xf32>
      %reduce_max3A_1448 = vector.shape_cast %reduce_max3A_1447 : vector<1xf32> to vector<1x1x1xf32>
      %reduce_max3A_1449 = vector.extract %reduce_max3A_1448[0, 0, 0] : f32 from vector<1x1x1xf32>
      %eq3A_1450 = vector.broadcast %reduce_max3A_1449 : f32 to vector<8x512xf32>
      %eq3A_1451 = arith.cmpf oeq, %select_n3A_1444, %eq3A_1450 : vector<8x512xf32>
      %jit3A_1452 = arith.constant 1073741824 : i32
      %broadcast_in_dim3A_1453 = vector.broadcast %jit3A_1452 : i32 to vector<8x512xi32>
      %select_n3A_1454 = arith.select %eq3A_1451, %concatenate3A_1438, %broadcast_in_dim3A_1453 : vector<8x512xi1>, vector<8x512xi32>
      %reduce_min3A_1455 = vector.shape_cast %select_n3A_1454 : vector<8x512xi32> to vector<1x8x512xi32>
      %reduce_min3A_1456 = arith.constant dense<2147483647> : vector<1xi32>
      %reduce_min3A_1457 = vector.multi_reduction <minsi>, %reduce_min3A_1455, %reduce_min3A_1456 [1, 2] : vector<1x8x512xi32> to vector<1xi32>
      %reduce_min3A_1458 = vector.shape_cast %reduce_min3A_1457 : vector<1xi32> to vector<1x1x1xi32>
      %reduce_min3A_1459 = vector.extract %reduce_min3A_1458[0, 0, 0] : i32 from vector<1x1x1xi32>
      %eq3A_1460 = vector.broadcast %reduce_min3A_1459 : i32 to vector<8x512xi32>
      %eq3A_1461 = arith.cmpi eq, %concatenate3A_1438, %eq3A_1460 : vector<8x512xi32>
      %jit3A_1462 = arith.constant 0xFF800000 : f32
      %broadcast_in_dim3A_1463 = vector.broadcast %jit3A_1462 : f32 to vector<8x512xf32>
      %select_n3A_1464 = arith.select %eq3A_1461, %get3A_1334, %broadcast_in_dim3A_1463 : vector<8x512xi1>, vector<8x512xf32>
      %reduce_max3A_1465 = vector.shape_cast %select_n3A_1464 : vector<8x512xf32> to vector<1x8x512xf32>
      %reduce_max3A_1466 = arith.constant dense<0xFF800000> : vector<1xf32>
      %reduce_max3A_1467 = vector.multi_reduction <maximumf>, %reduce_max3A_1465, %reduce_max3A_1466 [1, 2] : vector<1x8x512xf32> to vector<1xf32>
      %reduce_max3A_1468 = vector.shape_cast %reduce_max3A_1467 : vector<1xf32> to vector<1x1x1xf32>
      %reduce_max3A_1469 = vector.extract %reduce_max3A_1468[0, 0, 0] : f32 from vector<1x1x1xf32>
      %eq3A_1470 = vector.broadcast %reduce_min3A_1459 : i32 to vector<8x512xi32>
      %eq3A_1471 = arith.cmpi eq, %concatenate3A_1438, %eq3A_1470 : vector<8x512xi32>
      %jit3A_1472 = arith.constant 0xFF800000 : f32
      %broadcast_in_dim3A_1473 = vector.broadcast %jit3A_1472 : f32 to vector<8x512xf32>
      %select_n3A_1474 = arith.select %eq3A_1471, %broadcast_in_dim3A_1473, %select_n3A_1444 : vector<8x512xi1>, vector<8x512xf32>
      %reduce_max3A_1475 = vector.shape_cast %select_n3A_1474 : vector<8x512xf32> to vector<1x8x512xf32>
      %reduce_max3A_1476 = arith.constant dense<0xFF800000> : vector<1xf32>
      %reduce_max3A_1477 = vector.multi_reduction <maximumf>, %reduce_max3A_1475, %reduce_max3A_1476 [1, 2] : vector<1x8x512xf32> to vector<1xf32>
      %reduce_max3A_1478 = vector.shape_cast %reduce_max3A_1477 : vector<1xf32> to vector<1x1x1xf32>
      %reduce_max3A_1479 = vector.extract %reduce_max3A_1478[0, 0, 0] : f32 from vector<1x1x1xf32>
      %eq3A_1480 = vector.broadcast %reduce_max3A_1479 : f32 to vector<8x512xf32>
      %eq3A_1481 = arith.cmpf oeq, %select_n3A_1474, %eq3A_1480 : vector<8x512xf32>
      %jit3A_1482 = arith.constant 1073741824 : i32
      %broadcast_in_dim3A_1483 = vector.broadcast %jit3A_1482 : i32 to vector<8x512xi32>
      %select_n3A_1484 = arith.select %eq3A_1481, %concatenate3A_1438, %broadcast_in_dim3A_1483 : vector<8x512xi1>, vector<8x512xi32>
      %reduce_min3A_1485 = vector.shape_cast %select_n3A_1484 : vector<8x512xi32> to vector<1x8x512xi32>
      %reduce_min3A_1486 = arith.constant dense<2147483647> : vector<1xi32>
      %reduce_min3A_1487 = vector.multi_reduction <minsi>, %reduce_min3A_1485, %reduce_min3A_1486 [1, 2] : vector<1x8x512xi32> to vector<1xi32>
      %reduce_min3A_1488 = vector.shape_cast %reduce_min3A_1487 : vector<1xi32> to vector<1x1x1xi32>
      %reduce_min3A_1489 = vector.extract %reduce_min3A_1488[0, 0, 0] : i32 from vector<1x1x1xi32>
      %eq3A_1490 = vector.broadcast %reduce_min3A_1489 : i32 to vector<8x512xi32>
      %eq3A_1491 = arith.cmpi eq, %concatenate3A_1438, %eq3A_1490 : vector<8x512xi32>
      %jit3A_1492 = arith.constant 0xFF800000 : f32
      %broadcast_in_dim3A_1493 = vector.broadcast %jit3A_1492 : f32 to vector<8x512xf32>
      %select_n3A_1494 = arith.select %eq3A_1491, %get3A_1334, %broadcast_in_dim3A_1493 : vector<8x512xi1>, vector<8x512xf32>
      %reduce_max3A_1495 = vector.shape_cast %select_n3A_1494 : vector<8x512xf32> to vector<1x8x512xf32>
      %reduce_max3A_1496 = arith.constant dense<0xFF800000> : vector<1xf32>
      %reduce_max3A_1497 = vector.multi_reduction <maximumf>, %reduce_max3A_1495, %reduce_max3A_1496 [1, 2] : vector<1x8x512xf32> to vector<1xf32>
      %reduce_max3A_1498 = vector.shape_cast %reduce_max3A_1497 : vector<1xf32> to vector<1x1x1xf32>
      %reduce_max3A_1499 = vector.extract %reduce_max3A_1498[0, 0, 0] : f32 from vector<1x1x1xf32>
      %eq3A_1500 = vector.broadcast %reduce_min3A_1489 : i32 to vector<8x512xi32>
      %eq3A_1501 = arith.cmpi eq, %concatenate3A_1438, %eq3A_1500 : vector<8x512xi32>
      %jit3A_1502 = arith.constant 0xFF800000 : f32
      %broadcast_in_dim3A_1503 = vector.broadcast %jit3A_1502 : f32 to vector<8x512xf32>
      %select_n3A_1504 = arith.select %eq3A_1501, %broadcast_in_dim3A_1503, %select_n3A_1474 : vector<8x512xi1>, vector<8x512xf32>
      %reduce_max3A_1505 = vector.shape_cast %select_n3A_1504 : vector<8x512xf32> to vector<1x8x512xf32>
      %reduce_max3A_1506 = arith.constant dense<0xFF800000> : vector<1xf32>
      %reduce_max3A_1507 = vector.multi_reduction <maximumf>, %reduce_max3A_1505, %reduce_max3A_1506 [1, 2] : vector<1x8x512xf32> to vector<1xf32>
      %reduce_max3A_1508 = vector.shape_cast %reduce_max3A_1507 : vector<1xf32> to vector<1x1x1xf32>
      %reduce_max3A_1509 = vector.extract %reduce_max3A_1508[0, 0, 0] : f32 from vector<1x1x1xf32>
      %eq3A_1510 = vector.broadcast %reduce_max3A_1509 : f32 to vector<8x512xf32>
      %eq3A_1511 = arith.cmpf oeq, %select_n3A_1504, %eq3A_1510 : vector<8x512xf32>
      %jit3A_1512 = arith.constant 1073741824 : i32
      %broadcast_in_dim3A_1513 = vector.broadcast %jit3A_1512 : i32 to vector<8x512xi32>
      %select_n3A_1514 = arith.select %eq3A_1511, %concatenate3A_1438, %broadcast_in_dim3A_1513 : vector<8x512xi1>, vector<8x512xi32>
      %reduce_min3A_1515 = vector.shape_cast %select_n3A_1514 : vector<8x512xi32> to vector<1x8x512xi32>
      %reduce_min3A_1516 = arith.constant dense<2147483647> : vector<1xi32>
      %reduce_min3A_1517 = vector.multi_reduction <minsi>, %reduce_min3A_1515, %reduce_min3A_1516 [1, 2] : vector<1x8x512xi32> to vector<1xi32>
      %reduce_min3A_1518 = vector.shape_cast %reduce_min3A_1517 : vector<1xi32> to vector<1x1x1xi32>
      %reduce_min3A_1519 = vector.extract %reduce_min3A_1518[0, 0, 0] : i32 from vector<1x1x1xi32>
      %eq3A_1520 = vector.broadcast %reduce_min3A_1519 : i32 to vector<8x512xi32>
      %eq3A_1521 = arith.cmpi eq, %concatenate3A_1438, %eq3A_1520 : vector<8x512xi32>
      %jit3A_1522 = arith.constant 0xFF800000 : f32
      %broadcast_in_dim3A_1523 = vector.broadcast %jit3A_1522 : f32 to vector<8x512xf32>
      %select_n3A_1524 = arith.select %eq3A_1521, %get3A_1334, %broadcast_in_dim3A_1523 : vector<8x512xi1>, vector<8x512xf32>
      %reduce_max3A_1525 = vector.shape_cast %select_n3A_1524 : vector<8x512xf32> to vector<1x8x512xf32>
      %reduce_max3A_1526 = arith.constant dense<0xFF800000> : vector<1xf32>
      %reduce_max3A_1527 = vector.multi_reduction <maximumf>, %reduce_max3A_1525, %reduce_max3A_1526 [1, 2] : vector<1x8x512xf32> to vector<1xf32>
      %reduce_max3A_1528 = vector.shape_cast %reduce_max3A_1527 : vector<1xf32> to vector<1x1x1xf32>
      %reduce_max3A_1529 = vector.extract %reduce_max3A_1528[0, 0, 0] : f32 from vector<1x1x1xf32>
      %eq3A_1530 = vector.broadcast %reduce_min3A_1519 : i32 to vector<8x512xi32>
      %eq3A_1531 = arith.cmpi eq, %concatenate3A_1438, %eq3A_1530 : vector<8x512xi32>
      %jit3A_1532 = arith.constant 0xFF800000 : f32
      %broadcast_in_dim3A_1533 = vector.broadcast %jit3A_1532 : f32 to vector<8x512xf32>
      %select_n3A_1534 = arith.select %eq3A_1531, %broadcast_in_dim3A_1533, %select_n3A_1504 : vector<8x512xi1>, vector<8x512xf32>
      %reduce_max3A_1535 = vector.shape_cast %select_n3A_1534 : vector<8x512xf32> to vector<1x8x512xf32>
      %reduce_max3A_1536 = arith.constant dense<0xFF800000> : vector<1xf32>
      %reduce_max3A_1537 = vector.multi_reduction <maximumf>, %reduce_max3A_1535, %reduce_max3A_1536 [1, 2] : vector<1x8x512xf32> to vector<1xf32>
      %reduce_max3A_1538 = vector.shape_cast %reduce_max3A_1537 : vector<1xf32> to vector<1x1x1xf32>
      %reduce_max3A_1539 = vector.extract %reduce_max3A_1538[0, 0, 0] : f32 from vector<1x1x1xf32>
      %eq3A_1540 = vector.broadcast %reduce_max3A_1539 : f32 to vector<8x512xf32>
      %eq3A_1541 = arith.cmpf oeq, %select_n3A_1534, %eq3A_1540 : vector<8x512xf32>
      %jit3A_1542 = arith.constant 1073741824 : i32
      %broadcast_in_dim3A_1543 = vector.broadcast %jit3A_1542 : i32 to vector<8x512xi32>
      %select_n3A_1544 = arith.select %eq3A_1541, %concatenate3A_1438, %broadcast_in_dim3A_1543 : vector<8x512xi1>, vector<8x512xi32>
      %reduce_min3A_1545 = vector.shape_cast %select_n3A_1544 : vector<8x512xi32> to vector<1x8x512xi32>
      %reduce_min3A_1546 = arith.constant dense<2147483647> : vector<1xi32>
      %reduce_min3A_1547 = vector.multi_reduction <minsi>, %reduce_min3A_1545, %reduce_min3A_1546 [1, 2] : vector<1x8x512xi32> to vector<1xi32>
      %reduce_min3A_1548 = vector.shape_cast %reduce_min3A_1547 : vector<1xi32> to vector<1x1x1xi32>
      %reduce_min3A_1549 = vector.extract %reduce_min3A_1548[0, 0, 0] : i32 from vector<1x1x1xi32>
      %eq3A_1550 = vector.broadcast %reduce_min3A_1549 : i32 to vector<8x512xi32>
      %eq3A_1551 = arith.cmpi eq, %concatenate3A_1438, %eq3A_1550 : vector<8x512xi32>
      %jit3A_1552 = arith.constant 0xFF800000 : f32
      %broadcast_in_dim3A_1553 = vector.broadcast %jit3A_1552 : f32 to vector<8x512xf32>
      %select_n3A_1554 = arith.select %eq3A_1551, %get3A_1334, %broadcast_in_dim3A_1553 : vector<8x512xi1>, vector<8x512xf32>
      %reduce_max3A_1555 = vector.shape_cast %select_n3A_1554 : vector<8x512xf32> to vector<1x8x512xf32>
      %reduce_max3A_1556 = arith.constant dense<0xFF800000> : vector<1xf32>
      %reduce_max3A_1557 = vector.multi_reduction <maximumf>, %reduce_max3A_1555, %reduce_max3A_1556 [1, 2] : vector<1x8x512xf32> to vector<1xf32>
      %reduce_max3A_1558 = vector.shape_cast %reduce_max3A_1557 : vector<1xf32> to vector<1x1x1xf32>
      %reduce_max3A_1559 = vector.extract %reduce_max3A_1558[0, 0, 0] : f32 from vector<1x1x1xf32>
      %eq3A_1560 = vector.broadcast %reduce_min3A_1549 : i32 to vector<8x512xi32>
      %eq3A_1561 = arith.cmpi eq, %concatenate3A_1438, %eq3A_1560 : vector<8x512xi32>
      %jit3A_1562 = arith.constant 0xFF800000 : f32
      %broadcast_in_dim3A_1563 = vector.broadcast %jit3A_1562 : f32 to vector<8x512xf32>
      %select_n3A_1564 = arith.select %eq3A_1561, %broadcast_in_dim3A_1563, %select_n3A_1534 : vector<8x512xi1>, vector<8x512xf32>
      %reduce_max3A_1565 = vector.shape_cast %select_n3A_1564 : vector<8x512xf32> to vector<1x8x512xf32>
      %reduce_max3A_1566 = arith.constant dense<0xFF800000> : vector<1xf32>
      %reduce_max3A_1567 = vector.multi_reduction <maximumf>, %reduce_max3A_1565, %reduce_max3A_1566 [1, 2] : vector<1x8x512xf32> to vector<1xf32>
      %reduce_max3A_1568 = vector.shape_cast %reduce_max3A_1567 : vector<1xf32> to vector<1x1x1xf32>
      %reduce_max3A_1569 = vector.extract %reduce_max3A_1568[0, 0, 0] : f32 from vector<1x1x1xf32>
      %eq3A_1570 = vector.broadcast %reduce_max3A_1569 : f32 to vector<8x512xf32>
      %eq3A_1571 = arith.cmpf oeq, %select_n3A_1564, %eq3A_1570 : vector<8x512xf32>
      %jit3A_1572 = arith.constant 1073741824 : i32
      %broadcast_in_dim3A_1573 = vector.broadcast %jit3A_1572 : i32 to vector<8x512xi32>
      %select_n3A_1574 = arith.select %eq3A_1571, %concatenate3A_1438, %broadcast_in_dim3A_1573 : vector<8x512xi1>, vector<8x512xi32>
      %reduce_min3A_1575 = vector.shape_cast %select_n3A_1574 : vector<8x512xi32> to vector<1x8x512xi32>
      %reduce_min3A_1576 = arith.constant dense<2147483647> : vector<1xi32>
      %reduce_min3A_1577 = vector.multi_reduction <minsi>, %reduce_min3A_1575, %reduce_min3A_1576 [1, 2] : vector<1x8x512xi32> to vector<1xi32>
      %reduce_min3A_1578 = vector.shape_cast %reduce_min3A_1577 : vector<1xi32> to vector<1x1x1xi32>
      %reduce_min3A_1579 = vector.extract %reduce_min3A_1578[0, 0, 0] : i32 from vector<1x1x1xi32>
      %eq3A_1580 = vector.broadcast %reduce_min3A_1579 : i32 to vector<8x512xi32>
      %eq3A_1581 = arith.cmpi eq, %concatenate3A_1438, %eq3A_1580 : vector<8x512xi32>
      %jit3A_1582 = arith.constant 0xFF800000 : f32
      %broadcast_in_dim3A_1583 = vector.broadcast %jit3A_1582 : f32 to vector<8x512xf32>
      %select_n3A_1584 = arith.select %eq3A_1581, %get3A_1334, %broadcast_in_dim3A_1583 : vector<8x512xi1>, vector<8x512xf32>
      %reduce_max3A_1585 = vector.shape_cast %select_n3A_1584 : vector<8x512xf32> to vector<1x8x512xf32>
      %reduce_max3A_1586 = arith.constant dense<0xFF800000> : vector<1xf32>
      %reduce_max3A_1587 = vector.multi_reduction <maximumf>, %reduce_max3A_1585, %reduce_max3A_1586 [1, 2] : vector<1x8x512xf32> to vector<1xf32>
      %reduce_max3A_1588 = vector.shape_cast %reduce_max3A_1587 : vector<1xf32> to vector<1x1x1xf32>
      %reduce_max3A_1589 = vector.extract %reduce_max3A_1588[0, 0, 0] : f32 from vector<1x1x1xf32>
      %eq3A_1590 = vector.broadcast %reduce_min3A_1579 : i32 to vector<8x512xi32>
      %eq3A_1591 = arith.cmpi eq, %concatenate3A_1438, %eq3A_1590 : vector<8x512xi32>
      %jit3A_1592 = arith.constant 0xFF800000 : f32
      %broadcast_in_dim3A_1593 = vector.broadcast %jit3A_1592 : f32 to vector<8x512xf32>
      %select_n3A_1594 = arith.select %eq3A_1591, %broadcast_in_dim3A_1593, %select_n3A_1564 : vector<8x512xi1>, vector<8x512xf32>
      %reduce_max3A_1595 = vector.shape_cast %select_n3A_1594 : vector<8x512xf32> to vector<1x8x512xf32>
      %reduce_max3A_1596 = arith.constant dense<0xFF800000> : vector<1xf32>
      %reduce_max3A_1597 = vector.multi_reduction <maximumf>, %reduce_max3A_1595, %reduce_max3A_1596 [1, 2] : vector<1x8x512xf32> to vector<1xf32>
      %reduce_max3A_1598 = vector.shape_cast %reduce_max3A_1597 : vector<1xf32> to vector<1x1x1xf32>
      %reduce_max3A_1599 = vector.extract %reduce_max3A_1598[0, 0, 0] : f32 from vector<1x1x1xf32>
      %eq3A_1600 = vector.broadcast %reduce_max3A_1599 : f32 to vector<8x512xf32>
      %eq3A_1601 = arith.cmpf oeq, %select_n3A_1594, %eq3A_1600 : vector<8x512xf32>
      %jit3A_1602 = arith.constant 1073741824 : i32
      %broadcast_in_dim3A_1603 = vector.broadcast %jit3A_1602 : i32 to vector<8x512xi32>
      %select_n3A_1604 = arith.select %eq3A_1601, %concatenate3A_1438, %broadcast_in_dim3A_1603 : vector<8x512xi1>, vector<8x512xi32>
      %reduce_min3A_1605 = vector.shape_cast %select_n3A_1604 : vector<8x512xi32> to vector<1x8x512xi32>
      %reduce_min3A_1606 = arith.constant dense<2147483647> : vector<1xi32>
      %reduce_min3A_1607 = vector.multi_reduction <minsi>, %reduce_min3A_1605, %reduce_min3A_1606 [1, 2] : vector<1x8x512xi32> to vector<1xi32>
      %reduce_min3A_1608 = vector.shape_cast %reduce_min3A_1607 : vector<1xi32> to vector<1x1x1xi32>
      %reduce_min3A_1609 = vector.extract %reduce_min3A_1608[0, 0, 0] : i32 from vector<1x1x1xi32>
      %eq3A_1610 = vector.broadcast %reduce_min3A_1609 : i32 to vector<8x512xi32>
      %eq3A_1611 = arith.cmpi eq, %concatenate3A_1438, %eq3A_1610 : vector<8x512xi32>
      %jit3A_1612 = arith.constant 0xFF800000 : f32
      %broadcast_in_dim3A_1613 = vector.broadcast %jit3A_1612 : f32 to vector<8x512xf32>
      %select_n3A_1614 = arith.select %eq3A_1611, %get3A_1334, %broadcast_in_dim3A_1613 : vector<8x512xi1>, vector<8x512xf32>
      %reduce_max3A_1615 = vector.shape_cast %select_n3A_1614 : vector<8x512xf32> to vector<1x8x512xf32>
      %reduce_max3A_1616 = arith.constant dense<0xFF800000> : vector<1xf32>
      %reduce_max3A_1617 = vector.multi_reduction <maximumf>, %reduce_max3A_1615, %reduce_max3A_1616 [1, 2] : vector<1x8x512xf32> to vector<1xf32>
      %reduce_max3A_1618 = vector.shape_cast %reduce_max3A_1617 : vector<1xf32> to vector<1x1x1xf32>
      %reduce_max3A_1619 = vector.extract %reduce_max3A_1618[0, 0, 0] : f32 from vector<1x1x1xf32>
      %eq3A_1620 = vector.broadcast %reduce_min3A_1609 : i32 to vector<8x512xi32>
      %eq3A_1621 = arith.cmpi eq, %concatenate3A_1438, %eq3A_1620 : vector<8x512xi32>
      %jit3A_1622 = arith.constant 0xFF800000 : f32
      %broadcast_in_dim3A_1623 = vector.broadcast %jit3A_1622 : f32 to vector<8x512xf32>
      %select_n3A_1624 = arith.select %eq3A_1621, %broadcast_in_dim3A_1623, %select_n3A_1594 : vector<8x512xi1>, vector<8x512xf32>
      %reduce_max3A_1625 = vector.shape_cast %select_n3A_1624 : vector<8x512xf32> to vector<1x8x512xf32>
      %reduce_max3A_1626 = arith.constant dense<0xFF800000> : vector<1xf32>
      %reduce_max3A_1627 = vector.multi_reduction <maximumf>, %reduce_max3A_1625, %reduce_max3A_1626 [1, 2] : vector<1x8x512xf32> to vector<1xf32>
      %reduce_max3A_1628 = vector.shape_cast %reduce_max3A_1627 : vector<1xf32> to vector<1x1x1xf32>
      %reduce_max3A_1629 = vector.extract %reduce_max3A_1628[0, 0, 0] : f32 from vector<1x1x1xf32>
      %eq3A_1630 = vector.broadcast %reduce_max3A_1629 : f32 to vector<8x512xf32>
      %eq3A_1631 = arith.cmpf oeq, %select_n3A_1624, %eq3A_1630 : vector<8x512xf32>
      %jit3A_1632 = arith.constant 1073741824 : i32
      %broadcast_in_dim3A_1633 = vector.broadcast %jit3A_1632 : i32 to vector<8x512xi32>
      %select_n3A_1634 = arith.select %eq3A_1631, %concatenate3A_1438, %broadcast_in_dim3A_1633 : vector<8x512xi1>, vector<8x512xi32>
      %reduce_min3A_1635 = vector.shape_cast %select_n3A_1634 : vector<8x512xi32> to vector<1x8x512xi32>
      %reduce_min3A_1636 = arith.constant dense<2147483647> : vector<1xi32>
      %reduce_min3A_1637 = vector.multi_reduction <minsi>, %reduce_min3A_1635, %reduce_min3A_1636 [1, 2] : vector<1x8x512xi32> to vector<1xi32>
      %reduce_min3A_1638 = vector.shape_cast %reduce_min3A_1637 : vector<1xi32> to vector<1x1x1xi32>
      %reduce_min3A_1639 = vector.extract %reduce_min3A_1638[0, 0, 0] : i32 from vector<1x1x1xi32>
      %eq3A_1640 = vector.broadcast %reduce_min3A_1639 : i32 to vector<8x512xi32>
      %eq3A_1641 = arith.cmpi eq, %concatenate3A_1438, %eq3A_1640 : vector<8x512xi32>
      %jit3A_1642 = arith.constant 0xFF800000 : f32
      %broadcast_in_dim3A_1643 = vector.broadcast %jit3A_1642 : f32 to vector<8x512xf32>
      %select_n3A_1644 = arith.select %eq3A_1641, %get3A_1334, %broadcast_in_dim3A_1643 : vector<8x512xi1>, vector<8x512xf32>
      %reduce_max3A_1645 = vector.shape_cast %select_n3A_1644 : vector<8x512xf32> to vector<1x8x512xf32>
      %reduce_max3A_1646 = arith.constant dense<0xFF800000> : vector<1xf32>
      %reduce_max3A_1647 = vector.multi_reduction <maximumf>, %reduce_max3A_1645, %reduce_max3A_1646 [1, 2] : vector<1x8x512xf32> to vector<1xf32>
      %reduce_max3A_1648 = vector.shape_cast %reduce_max3A_1647 : vector<1xf32> to vector<1x1x1xf32>
      %reduce_max3A_1649 = vector.extract %reduce_max3A_1648[0, 0, 0] : f32 from vector<1x1x1xf32>
      %eq3A_1650 = vector.broadcast %reduce_min3A_1639 : i32 to vector<8x512xi32>
      %eq3A_1651 = arith.cmpi eq, %concatenate3A_1438, %eq3A_1650 : vector<8x512xi32>
      %jit3A_1652 = arith.constant 0xFF800000 : f32
      %broadcast_in_dim3A_1653 = vector.broadcast %jit3A_1652 : f32 to vector<8x512xf32>
      %select_n3A_1654 = arith.select %eq3A_1651, %broadcast_in_dim3A_1653, %select_n3A_1624 : vector<8x512xi1>, vector<8x512xf32>
      %reduce_max3A_1655 = vector.shape_cast %select_n3A_1654 : vector<8x512xf32> to vector<1x8x512xf32>
      %reduce_max3A_1656 = arith.constant dense<0xFF800000> : vector<1xf32>
      %reduce_max3A_1657 = vector.multi_reduction <maximumf>, %reduce_max3A_1655, %reduce_max3A_1656 [1, 2] : vector<1x8x512xf32> to vector<1xf32>
      %reduce_max3A_1658 = vector.shape_cast %reduce_max3A_1657 : vector<1xf32> to vector<1x1x1xf32>
      %reduce_max3A_1659 = vector.extract %reduce_max3A_1658[0, 0, 0] : f32 from vector<1x1x1xf32>
      %eq3A_1660 = vector.broadcast %reduce_max3A_1659 : f32 to vector<8x512xf32>
      %eq3A_1661 = arith.cmpf oeq, %select_n3A_1654, %eq3A_1660 : vector<8x512xf32>
      %jit3A_1662 = arith.constant 1073741824 : i32
      %broadcast_in_dim3A_1663 = vector.broadcast %jit3A_1662 : i32 to vector<8x512xi32>
      %select_n3A_1664 = arith.select %eq3A_1661, %concatenate3A_1438, %broadcast_in_dim3A_1663 : vector<8x512xi1>, vector<8x512xi32>
      %reduce_min3A_1665 = vector.shape_cast %select_n3A_1664 : vector<8x512xi32> to vector<1x8x512xi32>
      %reduce_min3A_1666 = arith.constant dense<2147483647> : vector<1xi32>
      %reduce_min3A_1667 = vector.multi_reduction <minsi>, %reduce_min3A_1665, %reduce_min3A_1666 [1, 2] : vector<1x8x512xi32> to vector<1xi32>
      %reduce_min3A_1668 = vector.shape_cast %reduce_min3A_1667 : vector<1xi32> to vector<1x1x1xi32>
      %reduce_min3A_1669 = vector.extract %reduce_min3A_1668[0, 0, 0] : i32 from vector<1x1x1xi32>
      %eq3A_1670 = vector.broadcast %reduce_min3A_1669 : i32 to vector<8x512xi32>
      %eq3A_1671 = arith.cmpi eq, %concatenate3A_1438, %eq3A_1670 : vector<8x512xi32>
      %jit3A_1672 = arith.constant 0xFF800000 : f32
      %broadcast_in_dim3A_1673 = vector.broadcast %jit3A_1672 : f32 to vector<8x512xf32>
      %select_n3A_1674 = arith.select %eq3A_1671, %get3A_1334, %broadcast_in_dim3A_1673 : vector<8x512xi1>, vector<8x512xf32>
      %reduce_max3A_1675 = vector.shape_cast %select_n3A_1674 : vector<8x512xf32> to vector<1x8x512xf32>
      %reduce_max3A_1676 = arith.constant dense<0xFF800000> : vector<1xf32>
      %reduce_max3A_1677 = vector.multi_reduction <maximumf>, %reduce_max3A_1675, %reduce_max3A_1676 [1, 2] : vector<1x8x512xf32> to vector<1xf32>
      %reduce_max3A_1678 = vector.shape_cast %reduce_max3A_1677 : vector<1xf32> to vector<1x1x1xf32>
      %reduce_max3A_1679 = vector.extract %reduce_max3A_1678[0, 0, 0] : f32 from vector<1x1x1xf32>
      %reshape3A_1680 = vector.broadcast %reduce_min3A_1459 : i32 to vector<1x1x1xi32>
      %reshape3A_1681 = vector.broadcast %reduce_min3A_1489 : i32 to vector<1x1x1xi32>
      %reshape3A_1682 = vector.broadcast %reduce_min3A_1519 : i32 to vector<1x1x1xi32>
      %reshape3A_1683 = vector.broadcast %reduce_min3A_1549 : i32 to vector<1x1x1xi32>
      %reshape3A_1684 = vector.broadcast %reduce_min3A_1579 : i32 to vector<1x1x1xi32>
      %reshape3A_1685 = vector.broadcast %reduce_min3A_1609 : i32 to vector<1x1x1xi32>
      %reshape3A_1686 = vector.broadcast %reduce_min3A_1639 : i32 to vector<1x1x1xi32>
      %reshape3A_1687 = vector.broadcast %reduce_min3A_1669 : i32 to vector<1x1x1xi32>
      %concatenate3A_1688 = tpu.concatenate %reshape3A_1680, %reshape3A_1681, %reshape3A_1682, %reshape3A_1683, %reshape3A_1684, %reshape3A_1685, %reshape3A_1686, %reshape3A_1687 in 2 : vector<1x1x1xi32>, vector<1x1x1xi32>, vector<1x1x1xi32>, vector<1x1x1xi32>, vector<1x1x1xi32>, vector<1x1x1xi32>, vector<1x1x1xi32>, vector<1x1x1xi32> -> vector<1x1x8xi32>
      %reshape3A_1689 = vector.broadcast %reduce_max3A_1469 : f32 to vector<1x1x1xf32>
      %reshape3A_1690 = vector.broadcast %reduce_max3A_1499 : f32 to vector<1x1x1xf32>
      %reshape3A_1691 = vector.broadcast %reduce_max3A_1529 : f32 to vector<1x1x1xf32>
      %reshape3A_1692 = vector.broadcast %reduce_max3A_1559 : f32 to vector<1x1x1xf32>
      %reshape3A_1693 = vector.broadcast %reduce_max3A_1589 : f32 to vector<1x1x1xf32>
      %reshape3A_1694 = vector.broadcast %reduce_max3A_1619 : f32 to vector<1x1x1xf32>
      %reshape3A_1695 = vector.broadcast %reduce_max3A_1649 : f32 to vector<1x1x1xf32>
      %reshape3A_1696 = vector.broadcast %reduce_max3A_1679 : f32 to vector<1x1x1xf32>
      %concatenate3A_1697 = tpu.concatenate %reshape3A_1689, %reshape3A_1690, %reshape3A_1691, %reshape3A_1692, %reshape3A_1693, %reshape3A_1694, %reshape3A_1695, %reshape3A_1696 in 2 : vector<1x1x1xf32>, vector<1x1x1xf32>, vector<1x1x1xf32>, vector<1x1x1xf32>, vector<1x1x1xf32>, vector<1x1x1xf32>, vector<1x1x1xf32>, vector<1x1x1xf32> -> vector<1x1x8xf32>
      %get3A_1698 = arith.constant 32 : index
      %get3A_1699 = arith.constant 0 : index
      %get3A_1700 = vector.load %arg21[%get3A_1698, %get3A_1699] : memref<64x512xf32, #tpu.memory_space<vmem>>, vector<8x512xf32>
      %get3A_1701 = arith.constant 32 : index
      %get3A_1702 = arith.constant 0 : index
      %get3A_1703 = vector.load %arg22[%get3A_1701, %get3A_1702] : memref<64x512xf32, #tpu.memory_space<vmem>>, vector<8x512xf32>
      %jit3A_1704 = arith.constant 9.99999997E-7 : f32
      %jit3A_1705 = arith.constant 0.999998986 : f32
      %max3A_1706 = vector.broadcast %jit3A_1704 : f32 to vector<8x512xf32>
      %max3A_1707 = arith.maximumf %max3A_1706, %get3A_1703 : vector<8x512xf32>
      %min3A_1708 = vector.broadcast %jit3A_1705 : f32 to vector<8x512xf32>
      %min3A_1709 = arith.minimumf %min3A_1708, %max3A_1707 : vector<8x512xf32>
      %log3A_1710 = math.log %min3A_1709 : vector<8x512xf32>
      %neg3A_1711 = arith.constant 0.000000e+00 : f32
      %neg3A_1712 = vector.broadcast %neg3A_1711 : f32 to vector<8x512xf32>
      %neg3A_1713 = arith.subf %neg3A_1712, %log3A_1710 : vector<8x512xf32>
      %log3A_1714 = math.log %neg3A_1713 : vector<8x512xf32>
      %sub3A_1715 = arith.subf %get3A_1700, %log3A_1714 : vector<8x512xf32>
      %mul3A_1716 = arith.constant 8 : i32
      %mul3A_1717 = arith.muli %arg0, %mul3A_1716 : i32
      %add3A_1718 = arith.constant 4 : i32
      %add3A_1719 = arith.addi %mul3A_1717, %add3A_1718 : i32
      %get3A_1720 = arith.constant 0 : index
      %get3A_1721 = arith.index_cast %add3A_1719 : i32 to index
      %get3A_1722 = memref.load %arg2[%get3A_1720, %get3A_1721] : memref<8x32xi32, #tpu.memory_space<smem>>
      %mul3A_1723 = arith.constant 512 : i32
      %mul3A_1724 = arith.muli %get3A_1722, %mul3A_1723 : i32
      %mul3A_1725 = arith.constant 8 : i32
      %mul3A_1726 = arith.muli %arg0, %mul3A_1725 : i32
      %add3A_1727 = arith.constant 4 : i32
      %add3A_1728 = arith.addi %mul3A_1726, %add3A_1727 : i32
      %get3A_1729 = arith.constant 1 : index
      %get3A_1730 = arith.index_cast %add3A_1728 : i32 to index
      %get3A_1731 = memref.load %arg2[%get3A_1729, %get3A_1730] : memref<8x32xi32, #tpu.memory_space<smem>>
      %mul3A_1732 = arith.constant 512 : i32
      %mul3A_1733 = arith.muli %get3A_1731, %mul3A_1732 : i32
      %mul3A_1734 = arith.constant 8 : i32
      %mul3A_1735 = arith.muli %arg0, %mul3A_1734 : i32
      %add3A_1736 = arith.constant 4 : i32
      %add3A_1737 = arith.addi %mul3A_1735, %add3A_1736 : i32
      %get3A_1738 = arith.constant 2 : index
      %get3A_1739 = arith.index_cast %add3A_1737 : i32 to index
      %get3A_1740 = memref.load %arg2[%get3A_1738, %get3A_1739] : memref<8x32xi32, #tpu.memory_space<smem>>
      %mul3A_1741 = arith.constant 512 : i32
      %mul3A_1742 = arith.muli %get3A_1740, %mul3A_1741 : i32
      %mul3A_1743 = arith.constant 8 : i32
      %mul3A_1744 = arith.muli %arg0, %mul3A_1743 : i32
      %add3A_1745 = arith.constant 4 : i32
      %add3A_1746 = arith.addi %mul3A_1744, %add3A_1745 : i32
      %get3A_1747 = arith.constant 3 : index
      %get3A_1748 = arith.index_cast %add3A_1746 : i32 to index
      %get3A_1749 = memref.load %arg2[%get3A_1747, %get3A_1748] : memref<8x32xi32, #tpu.memory_space<smem>>
      %mul3A_1750 = arith.constant 512 : i32
      %mul3A_1751 = arith.muli %get3A_1749, %mul3A_1750 : i32
      %mul3A_1752 = arith.constant 8 : i32
      %mul3A_1753 = arith.muli %arg0, %mul3A_1752 : i32
      %add3A_1754 = arith.constant 4 : i32
      %add3A_1755 = arith.addi %mul3A_1753, %add3A_1754 : i32
      %get3A_1756 = arith.constant 4 : index
      %get3A_1757 = arith.index_cast %add3A_1755 : i32 to index
      %get3A_1758 = memref.load %arg2[%get3A_1756, %get3A_1757] : memref<8x32xi32, #tpu.memory_space<smem>>
      %mul3A_1759 = arith.constant 512 : i32
      %mul3A_1760 = arith.muli %get3A_1758, %mul3A_1759 : i32
      %mul3A_1761 = arith.constant 8 : i32
      %mul3A_1762 = arith.muli %arg0, %mul3A_1761 : i32
      %add3A_1763 = arith.constant 4 : i32
      %add3A_1764 = arith.addi %mul3A_1762, %add3A_1763 : i32
      %get3A_1765 = arith.constant 5 : index
      %get3A_1766 = arith.index_cast %add3A_1764 : i32 to index
      %get3A_1767 = memref.load %arg2[%get3A_1765, %get3A_1766] : memref<8x32xi32, #tpu.memory_space<smem>>
      %mul3A_1768 = arith.constant 512 : i32
      %mul3A_1769 = arith.muli %get3A_1767, %mul3A_1768 : i32
      %mul3A_1770 = arith.constant 8 : i32
      %mul3A_1771 = arith.muli %arg0, %mul3A_1770 : i32
      %add3A_1772 = arith.constant 4 : i32
      %add3A_1773 = arith.addi %mul3A_1771, %add3A_1772 : i32
      %get3A_1774 = arith.constant 6 : index
      %get3A_1775 = arith.index_cast %add3A_1773 : i32 to index
      %get3A_1776 = memref.load %arg2[%get3A_1774, %get3A_1775] : memref<8x32xi32, #tpu.memory_space<smem>>
      %mul3A_1777 = arith.constant 512 : i32
      %mul3A_1778 = arith.muli %get3A_1776, %mul3A_1777 : i32
      %mul3A_1779 = arith.constant 8 : i32
      %mul3A_1780 = arith.muli %arg0, %mul3A_1779 : i32
      %add3A_1781 = arith.constant 4 : i32
      %add3A_1782 = arith.addi %mul3A_1780, %add3A_1781 : i32
      %get3A_1783 = arith.constant 7 : index
      %get3A_1784 = arith.index_cast %add3A_1782 : i32 to index
      %get3A_1785 = memref.load %arg2[%get3A_1783, %get3A_1784] : memref<8x32xi32, #tpu.memory_space<smem>>
      %mul3A_1786 = arith.constant 512 : i32
      %mul3A_1787 = arith.muli %get3A_1785, %mul3A_1786 : i32
      %add3A_1788 = vector.broadcast %mul3A_1724 : i32 to vector<1x512xi32>
      %add3A_1789 = arith.addi %add3A_1788, %iota3A_243 : vector<1x512xi32>
      %add3A_1790 = vector.broadcast %mul3A_1733 : i32 to vector<1x512xi32>
      %add3A_1791 = arith.addi %add3A_1790, %iota3A_243 : vector<1x512xi32>
      %add3A_1792 = vector.broadcast %mul3A_1742 : i32 to vector<1x512xi32>
      %add3A_1793 = arith.addi %add3A_1792, %iota3A_243 : vector<1x512xi32>
      %add3A_1794 = vector.broadcast %mul3A_1751 : i32 to vector<1x512xi32>
      %add3A_1795 = arith.addi %add3A_1794, %iota3A_243 : vector<1x512xi32>
      %add3A_1796 = vector.broadcast %mul3A_1760 : i32 to vector<1x512xi32>
      %add3A_1797 = arith.addi %add3A_1796, %iota3A_243 : vector<1x512xi32>
      %add3A_1798 = vector.broadcast %mul3A_1769 : i32 to vector<1x512xi32>
      %add3A_1799 = arith.addi %add3A_1798, %iota3A_243 : vector<1x512xi32>
      %add3A_1800 = vector.broadcast %mul3A_1778 : i32 to vector<1x512xi32>
      %add3A_1801 = arith.addi %add3A_1800, %iota3A_243 : vector<1x512xi32>
      %add3A_1802 = vector.broadcast %mul3A_1787 : i32 to vector<1x512xi32>
      %add3A_1803 = arith.addi %add3A_1802, %iota3A_243 : vector<1x512xi32>
      %concatenate3A_1804 = tpu.concatenate %add3A_1789, %add3A_1791, %add3A_1793, %add3A_1795, %add3A_1797, %add3A_1799, %add3A_1801, %add3A_1803 in 0 : vector<1x512xi32>, vector<1x512xi32>, vector<1x512xi32>, vector<1x512xi32>, vector<1x512xi32>, vector<1x512xi32>, vector<1x512xi32>, vector<1x512xi32> -> vector<8x512xi32>
      %lt3A_1805 = arith.constant 1000000 : i32
      %lt3A_1806 = vector.broadcast %lt3A_1805 : i32 to vector<8x512xi32>
      %lt3A_1807 = arith.cmpi slt, %concatenate3A_1804, %lt3A_1806 : vector<8x512xi32>
      %jit3A_1808 = arith.constant 0xFF800000 : f32
      %broadcast_in_dim3A_1809 = vector.broadcast %jit3A_1808 : f32 to vector<8x512xf32>
      %select_n3A_1810 = arith.select %lt3A_1807, %sub3A_1715, %broadcast_in_dim3A_1809 : vector<8x512xi1>, vector<8x512xf32>
      %reduce_max3A_1811 = vector.shape_cast %select_n3A_1810 : vector<8x512xf32> to vector<1x8x512xf32>
      %reduce_max3A_1812 = arith.constant dense<0xFF800000> : vector<1xf32>
      %reduce_max3A_1813 = vector.multi_reduction <maximumf>, %reduce_max3A_1811, %reduce_max3A_1812 [1, 2] : vector<1x8x512xf32> to vector<1xf32>
      %reduce_max3A_1814 = vector.shape_cast %reduce_max3A_1813 : vector<1xf32> to vector<1x1x1xf32>
      %reduce_max3A_1815 = vector.extract %reduce_max3A_1814[0, 0, 0] : f32 from vector<1x1x1xf32>
      %eq3A_1816 = vector.broadcast %reduce_max3A_1815 : f32 to vector<8x512xf32>
      %eq3A_1817 = arith.cmpf oeq, %select_n3A_1810, %eq3A_1816 : vector<8x512xf32>
      %jit3A_1818 = arith.constant 1073741824 : i32
      %broadcast_in_dim3A_1819 = vector.broadcast %jit3A_1818 : i32 to vector<8x512xi32>
      %select_n3A_1820 = arith.select %eq3A_1817, %concatenate3A_1804, %broadcast_in_dim3A_1819 : vector<8x512xi1>, vector<8x512xi32>
      %reduce_min3A_1821 = vector.shape_cast %select_n3A_1820 : vector<8x512xi32> to vector<1x8x512xi32>
      %reduce_min3A_1822 = arith.constant dense<2147483647> : vector<1xi32>
      %reduce_min3A_1823 = vector.multi_reduction <minsi>, %reduce_min3A_1821, %reduce_min3A_1822 [1, 2] : vector<1x8x512xi32> to vector<1xi32>
      %reduce_min3A_1824 = vector.shape_cast %reduce_min3A_1823 : vector<1xi32> to vector<1x1x1xi32>
      %reduce_min3A_1825 = vector.extract %reduce_min3A_1824[0, 0, 0] : i32 from vector<1x1x1xi32>
      %eq3A_1826 = vector.broadcast %reduce_min3A_1825 : i32 to vector<8x512xi32>
      %eq3A_1827 = arith.cmpi eq, %concatenate3A_1804, %eq3A_1826 : vector<8x512xi32>
      %jit3A_1828 = arith.constant 0xFF800000 : f32
      %broadcast_in_dim3A_1829 = vector.broadcast %jit3A_1828 : f32 to vector<8x512xf32>
      %select_n3A_1830 = arith.select %eq3A_1827, %get3A_1700, %broadcast_in_dim3A_1829 : vector<8x512xi1>, vector<8x512xf32>
      %reduce_max3A_1831 = vector.shape_cast %select_n3A_1830 : vector<8x512xf32> to vector<1x8x512xf32>
      %reduce_max3A_1832 = arith.constant dense<0xFF800000> : vector<1xf32>
      %reduce_max3A_1833 = vector.multi_reduction <maximumf>, %reduce_max3A_1831, %reduce_max3A_1832 [1, 2] : vector<1x8x512xf32> to vector<1xf32>
      %reduce_max3A_1834 = vector.shape_cast %reduce_max3A_1833 : vector<1xf32> to vector<1x1x1xf32>
      %reduce_max3A_1835 = vector.extract %reduce_max3A_1834[0, 0, 0] : f32 from vector<1x1x1xf32>
      %eq3A_1836 = vector.broadcast %reduce_min3A_1825 : i32 to vector<8x512xi32>
      %eq3A_1837 = arith.cmpi eq, %concatenate3A_1804, %eq3A_1836 : vector<8x512xi32>
      %jit3A_1838 = arith.constant 0xFF800000 : f32
      %broadcast_in_dim3A_1839 = vector.broadcast %jit3A_1838 : f32 to vector<8x512xf32>
      %select_n3A_1840 = arith.select %eq3A_1837, %broadcast_in_dim3A_1839, %select_n3A_1810 : vector<8x512xi1>, vector<8x512xf32>
      %reduce_max3A_1841 = vector.shape_cast %select_n3A_1840 : vector<8x512xf32> to vector<1x8x512xf32>
      %reduce_max3A_1842 = arith.constant dense<0xFF800000> : vector<1xf32>
      %reduce_max3A_1843 = vector.multi_reduction <maximumf>, %reduce_max3A_1841, %reduce_max3A_1842 [1, 2] : vector<1x8x512xf32> to vector<1xf32>
      %reduce_max3A_1844 = vector.shape_cast %reduce_max3A_1843 : vector<1xf32> to vector<1x1x1xf32>
      %reduce_max3A_1845 = vector.extract %reduce_max3A_1844[0, 0, 0] : f32 from vector<1x1x1xf32>
      %eq3A_1846 = vector.broadcast %reduce_max3A_1845 : f32 to vector<8x512xf32>
      %eq3A_1847 = arith.cmpf oeq, %select_n3A_1840, %eq3A_1846 : vector<8x512xf32>
      %jit3A_1848 = arith.constant 1073741824 : i32
      %broadcast_in_dim3A_1849 = vector.broadcast %jit3A_1848 : i32 to vector<8x512xi32>
      %select_n3A_1850 = arith.select %eq3A_1847, %concatenate3A_1804, %broadcast_in_dim3A_1849 : vector<8x512xi1>, vector<8x512xi32>
      %reduce_min3A_1851 = vector.shape_cast %select_n3A_1850 : vector<8x512xi32> to vector<1x8x512xi32>
      %reduce_min3A_1852 = arith.constant dense<2147483647> : vector<1xi32>
      %reduce_min3A_1853 = vector.multi_reduction <minsi>, %reduce_min3A_1851, %reduce_min3A_1852 [1, 2] : vector<1x8x512xi32> to vector<1xi32>
      %reduce_min3A_1854 = vector.shape_cast %reduce_min3A_1853 : vector<1xi32> to vector<1x1x1xi32>
      %reduce_min3A_1855 = vector.extract %reduce_min3A_1854[0, 0, 0] : i32 from vector<1x1x1xi32>
      %eq3A_1856 = vector.broadcast %reduce_min3A_1855 : i32 to vector<8x512xi32>
      %eq3A_1857 = arith.cmpi eq, %concatenate3A_1804, %eq3A_1856 : vector<8x512xi32>
      %jit3A_1858 = arith.constant 0xFF800000 : f32
      %broadcast_in_dim3A_1859 = vector.broadcast %jit3A_1858 : f32 to vector<8x512xf32>
      %select_n3A_1860 = arith.select %eq3A_1857, %get3A_1700, %broadcast_in_dim3A_1859 : vector<8x512xi1>, vector<8x512xf32>
      %reduce_max3A_1861 = vector.shape_cast %select_n3A_1860 : vector<8x512xf32> to vector<1x8x512xf32>
      %reduce_max3A_1862 = arith.constant dense<0xFF800000> : vector<1xf32>
      %reduce_max3A_1863 = vector.multi_reduction <maximumf>, %reduce_max3A_1861, %reduce_max3A_1862 [1, 2] : vector<1x8x512xf32> to vector<1xf32>
      %reduce_max3A_1864 = vector.shape_cast %reduce_max3A_1863 : vector<1xf32> to vector<1x1x1xf32>
      %reduce_max3A_1865 = vector.extract %reduce_max3A_1864[0, 0, 0] : f32 from vector<1x1x1xf32>
      %eq3A_1866 = vector.broadcast %reduce_min3A_1855 : i32 to vector<8x512xi32>
      %eq3A_1867 = arith.cmpi eq, %concatenate3A_1804, %eq3A_1866 : vector<8x512xi32>
      %jit3A_1868 = arith.constant 0xFF800000 : f32
      %broadcast_in_dim3A_1869 = vector.broadcast %jit3A_1868 : f32 to vector<8x512xf32>
      %select_n3A_1870 = arith.select %eq3A_1867, %broadcast_in_dim3A_1869, %select_n3A_1840 : vector<8x512xi1>, vector<8x512xf32>
      %reduce_max3A_1871 = vector.shape_cast %select_n3A_1870 : vector<8x512xf32> to vector<1x8x512xf32>
      %reduce_max3A_1872 = arith.constant dense<0xFF800000> : vector<1xf32>
      %reduce_max3A_1873 = vector.multi_reduction <maximumf>, %reduce_max3A_1871, %reduce_max3A_1872 [1, 2] : vector<1x8x512xf32> to vector<1xf32>
      %reduce_max3A_1874 = vector.shape_cast %reduce_max3A_1873 : vector<1xf32> to vector<1x1x1xf32>
      %reduce_max3A_1875 = vector.extract %reduce_max3A_1874[0, 0, 0] : f32 from vector<1x1x1xf32>
      %eq3A_1876 = vector.broadcast %reduce_max3A_1875 : f32 to vector<8x512xf32>
      %eq3A_1877 = arith.cmpf oeq, %select_n3A_1870, %eq3A_1876 : vector<8x512xf32>
      %jit3A_1878 = arith.constant 1073741824 : i32
      %broadcast_in_dim3A_1879 = vector.broadcast %jit3A_1878 : i32 to vector<8x512xi32>
      %select_n3A_1880 = arith.select %eq3A_1877, %concatenate3A_1804, %broadcast_in_dim3A_1879 : vector<8x512xi1>, vector<8x512xi32>
      %reduce_min3A_1881 = vector.shape_cast %select_n3A_1880 : vector<8x512xi32> to vector<1x8x512xi32>
      %reduce_min3A_1882 = arith.constant dense<2147483647> : vector<1xi32>
      %reduce_min3A_1883 = vector.multi_reduction <minsi>, %reduce_min3A_1881, %reduce_min3A_1882 [1, 2] : vector<1x8x512xi32> to vector<1xi32>
      %reduce_min3A_1884 = vector.shape_cast %reduce_min3A_1883 : vector<1xi32> to vector<1x1x1xi32>
      %reduce_min3A_1885 = vector.extract %reduce_min3A_1884[0, 0, 0] : i32 from vector<1x1x1xi32>
      %eq3A_1886 = vector.broadcast %reduce_min3A_1885 : i32 to vector<8x512xi32>
      %eq3A_1887 = arith.cmpi eq, %concatenate3A_1804, %eq3A_1886 : vector<8x512xi32>
      %jit3A_1888 = arith.constant 0xFF800000 : f32
      %broadcast_in_dim3A_1889 = vector.broadcast %jit3A_1888 : f32 to vector<8x512xf32>
      %select_n3A_1890 = arith.select %eq3A_1887, %get3A_1700, %broadcast_in_dim3A_1889 : vector<8x512xi1>, vector<8x512xf32>
      %reduce_max3A_1891 = vector.shape_cast %select_n3A_1890 : vector<8x512xf32> to vector<1x8x512xf32>
      %reduce_max3A_1892 = arith.constant dense<0xFF800000> : vector<1xf32>
      %reduce_max3A_1893 = vector.multi_reduction <maximumf>, %reduce_max3A_1891, %reduce_max3A_1892 [1, 2] : vector<1x8x512xf32> to vector<1xf32>
      %reduce_max3A_1894 = vector.shape_cast %reduce_max3A_1893 : vector<1xf32> to vector<1x1x1xf32>
      %reduce_max3A_1895 = vector.extract %reduce_max3A_1894[0, 0, 0] : f32 from vector<1x1x1xf32>
      %eq3A_1896 = vector.broadcast %reduce_min3A_1885 : i32 to vector<8x512xi32>
      %eq3A_1897 = arith.cmpi eq, %concatenate3A_1804, %eq3A_1896 : vector<8x512xi32>
      %jit3A_1898 = arith.constant 0xFF800000 : f32
      %broadcast_in_dim3A_1899 = vector.broadcast %jit3A_1898 : f32 to vector<8x512xf32>
      %select_n3A_1900 = arith.select %eq3A_1897, %broadcast_in_dim3A_1899, %select_n3A_1870 : vector<8x512xi1>, vector<8x512xf32>
      %reduce_max3A_1901 = vector.shape_cast %select_n3A_1900 : vector<8x512xf32> to vector<1x8x512xf32>
      %reduce_max3A_1902 = arith.constant dense<0xFF800000> : vector<1xf32>
      %reduce_max3A_1903 = vector.multi_reduction <maximumf>, %reduce_max3A_1901, %reduce_max3A_1902 [1, 2] : vector<1x8x512xf32> to vector<1xf32>
      %reduce_max3A_1904 = vector.shape_cast %reduce_max3A_1903 : vector<1xf32> to vector<1x1x1xf32>
      %reduce_max3A_1905 = vector.extract %reduce_max3A_1904[0, 0, 0] : f32 from vector<1x1x1xf32>
      %eq3A_1906 = vector.broadcast %reduce_max3A_1905 : f32 to vector<8x512xf32>
      %eq3A_1907 = arith.cmpf oeq, %select_n3A_1900, %eq3A_1906 : vector<8x512xf32>
      %jit3A_1908 = arith.constant 1073741824 : i32
      %broadcast_in_dim3A_1909 = vector.broadcast %jit3A_1908 : i32 to vector<8x512xi32>
      %select_n3A_1910 = arith.select %eq3A_1907, %concatenate3A_1804, %broadcast_in_dim3A_1909 : vector<8x512xi1>, vector<8x512xi32>
      %reduce_min3A_1911 = vector.shape_cast %select_n3A_1910 : vector<8x512xi32> to vector<1x8x512xi32>
      %reduce_min3A_1912 = arith.constant dense<2147483647> : vector<1xi32>
      %reduce_min3A_1913 = vector.multi_reduction <minsi>, %reduce_min3A_1911, %reduce_min3A_1912 [1, 2] : vector<1x8x512xi32> to vector<1xi32>
      %reduce_min3A_1914 = vector.shape_cast %reduce_min3A_1913 : vector<1xi32> to vector<1x1x1xi32>
      %reduce_min3A_1915 = vector.extract %reduce_min3A_1914[0, 0, 0] : i32 from vector<1x1x1xi32>
      %eq3A_1916 = vector.broadcast %reduce_min3A_1915 : i32 to vector<8x512xi32>
      %eq3A_1917 = arith.cmpi eq, %concatenate3A_1804, %eq3A_1916 : vector<8x512xi32>
      %jit3A_1918 = arith.constant 0xFF800000 : f32
      %broadcast_in_dim3A_1919 = vector.broadcast %jit3A_1918 : f32 to vector<8x512xf32>
      %select_n3A_1920 = arith.select %eq3A_1917, %get3A_1700, %broadcast_in_dim3A_1919 : vector<8x512xi1>, vector<8x512xf32>
      %reduce_max3A_1921 = vector.shape_cast %select_n3A_1920 : vector<8x512xf32> to vector<1x8x512xf32>
      %reduce_max3A_1922 = arith.constant dense<0xFF800000> : vector<1xf32>
      %reduce_max3A_1923 = vector.multi_reduction <maximumf>, %reduce_max3A_1921, %reduce_max3A_1922 [1, 2] : vector<1x8x512xf32> to vector<1xf32>
      %reduce_max3A_1924 = vector.shape_cast %reduce_max3A_1923 : vector<1xf32> to vector<1x1x1xf32>
      %reduce_max3A_1925 = vector.extract %reduce_max3A_1924[0, 0, 0] : f32 from vector<1x1x1xf32>
      %eq3A_1926 = vector.broadcast %reduce_min3A_1915 : i32 to vector<8x512xi32>
      %eq3A_1927 = arith.cmpi eq, %concatenate3A_1804, %eq3A_1926 : vector<8x512xi32>
      %jit3A_1928 = arith.constant 0xFF800000 : f32
      %broadcast_in_dim3A_1929 = vector.broadcast %jit3A_1928 : f32 to vector<8x512xf32>
      %select_n3A_1930 = arith.select %eq3A_1927, %broadcast_in_dim3A_1929, %select_n3A_1900 : vector<8x512xi1>, vector<8x512xf32>
      %reduce_max3A_1931 = vector.shape_cast %select_n3A_1930 : vector<8x512xf32> to vector<1x8x512xf32>
      %reduce_max3A_1932 = arith.constant dense<0xFF800000> : vector<1xf32>
      %reduce_max3A_1933 = vector.multi_reduction <maximumf>, %reduce_max3A_1931, %reduce_max3A_1932 [1, 2] : vector<1x8x512xf32> to vector<1xf32>
      %reduce_max3A_1934 = vector.shape_cast %reduce_max3A_1933 : vector<1xf32> to vector<1x1x1xf32>
      %reduce_max3A_1935 = vector.extract %reduce_max3A_1934[0, 0, 0] : f32 from vector<1x1x1xf32>
      %eq3A_1936 = vector.broadcast %reduce_max3A_1935 : f32 to vector<8x512xf32>
      %eq3A_1937 = arith.cmpf oeq, %select_n3A_1930, %eq3A_1936 : vector<8x512xf32>
      %jit3A_1938 = arith.constant 1073741824 : i32
      %broadcast_in_dim3A_1939 = vector.broadcast %jit3A_1938 : i32 to vector<8x512xi32>
      %select_n3A_1940 = arith.select %eq3A_1937, %concatenate3A_1804, %broadcast_in_dim3A_1939 : vector<8x512xi1>, vector<8x512xi32>
      %reduce_min3A_1941 = vector.shape_cast %select_n3A_1940 : vector<8x512xi32> to vector<1x8x512xi32>
      %reduce_min3A_1942 = arith.constant dense<2147483647> : vector<1xi32>
      %reduce_min3A_1943 = vector.multi_reduction <minsi>, %reduce_min3A_1941, %reduce_min3A_1942 [1, 2] : vector<1x8x512xi32> to vector<1xi32>
      %reduce_min3A_1944 = vector.shape_cast %reduce_min3A_1943 : vector<1xi32> to vector<1x1x1xi32>
      %reduce_min3A_1945 = vector.extract %reduce_min3A_1944[0, 0, 0] : i32 from vector<1x1x1xi32>
      %eq3A_1946 = vector.broadcast %reduce_min3A_1945 : i32 to vector<8x512xi32>
      %eq3A_1947 = arith.cmpi eq, %concatenate3A_1804, %eq3A_1946 : vector<8x512xi32>
      %jit3A_1948 = arith.constant 0xFF800000 : f32
      %broadcast_in_dim3A_1949 = vector.broadcast %jit3A_1948 : f32 to vector<8x512xf32>
      %select_n3A_1950 = arith.select %eq3A_1947, %get3A_1700, %broadcast_in_dim3A_1949 : vector<8x512xi1>, vector<8x512xf32>
      %reduce_max3A_1951 = vector.shape_cast %select_n3A_1950 : vector<8x512xf32> to vector<1x8x512xf32>
      %reduce_max3A_1952 = arith.constant dense<0xFF800000> : vector<1xf32>
      %reduce_max3A_1953 = vector.multi_reduction <maximumf>, %reduce_max3A_1951, %reduce_max3A_1952 [1, 2] : vector<1x8x512xf32> to vector<1xf32>
      %reduce_max3A_1954 = vector.shape_cast %reduce_max3A_1953 : vector<1xf32> to vector<1x1x1xf32>
      %reduce_max3A_1955 = vector.extract %reduce_max3A_1954[0, 0, 0] : f32 from vector<1x1x1xf32>
      %eq3A_1956 = vector.broadcast %reduce_min3A_1945 : i32 to vector<8x512xi32>
      %eq3A_1957 = arith.cmpi eq, %concatenate3A_1804, %eq3A_1956 : vector<8x512xi32>
      %jit3A_1958 = arith.constant 0xFF800000 : f32
      %broadcast_in_dim3A_1959 = vector.broadcast %jit3A_1958 : f32 to vector<8x512xf32>
      %select_n3A_1960 = arith.select %eq3A_1957, %broadcast_in_dim3A_1959, %select_n3A_1930 : vector<8x512xi1>, vector<8x512xf32>
      %reduce_max3A_1961 = vector.shape_cast %select_n3A_1960 : vector<8x512xf32> to vector<1x8x512xf32>
      %reduce_max3A_1962 = arith.constant dense<0xFF800000> : vector<1xf32>
      %reduce_max3A_1963 = vector.multi_reduction <maximumf>, %reduce_max3A_1961, %reduce_max3A_1962 [1, 2] : vector<1x8x512xf32> to vector<1xf32>
      %reduce_max3A_1964 = vector.shape_cast %reduce_max3A_1963 : vector<1xf32> to vector<1x1x1xf32>
      %reduce_max3A_1965 = vector.extract %reduce_max3A_1964[0, 0, 0] : f32 from vector<1x1x1xf32>
      %eq3A_1966 = vector.broadcast %reduce_max3A_1965 : f32 to vector<8x512xf32>
      %eq3A_1967 = arith.cmpf oeq, %select_n3A_1960, %eq3A_1966 : vector<8x512xf32>
      %jit3A_1968 = arith.constant 1073741824 : i32
      %broadcast_in_dim3A_1969 = vector.broadcast %jit3A_1968 : i32 to vector<8x512xi32>
      %select_n3A_1970 = arith.select %eq3A_1967, %concatenate3A_1804, %broadcast_in_dim3A_1969 : vector<8x512xi1>, vector<8x512xi32>
      %reduce_min3A_1971 = vector.shape_cast %select_n3A_1970 : vector<8x512xi32> to vector<1x8x512xi32>
      %reduce_min3A_1972 = arith.constant dense<2147483647> : vector<1xi32>
      %reduce_min3A_1973 = vector.multi_reduction <minsi>, %reduce_min3A_1971, %reduce_min3A_1972 [1, 2] : vector<1x8x512xi32> to vector<1xi32>
      %reduce_min3A_1974 = vector.shape_cast %reduce_min3A_1973 : vector<1xi32> to vector<1x1x1xi32>
      %reduce_min3A_1975 = vector.extract %reduce_min3A_1974[0, 0, 0] : i32 from vector<1x1x1xi32>
      %eq3A_1976 = vector.broadcast %reduce_min3A_1975 : i32 to vector<8x512xi32>
      %eq3A_1977 = arith.cmpi eq, %concatenate3A_1804, %eq3A_1976 : vector<8x512xi32>
      %jit3A_1978 = arith.constant 0xFF800000 : f32
      %broadcast_in_dim3A_1979 = vector.broadcast %jit3A_1978 : f32 to vector<8x512xf32>
      %select_n3A_1980 = arith.select %eq3A_1977, %get3A_1700, %broadcast_in_dim3A_1979 : vector<8x512xi1>, vector<8x512xf32>
      %reduce_max3A_1981 = vector.shape_cast %select_n3A_1980 : vector<8x512xf32> to vector<1x8x512xf32>
      %reduce_max3A_1982 = arith.constant dense<0xFF800000> : vector<1xf32>
      %reduce_max3A_1983 = vector.multi_reduction <maximumf>, %reduce_max3A_1981, %reduce_max3A_1982 [1, 2] : vector<1x8x512xf32> to vector<1xf32>
      %reduce_max3A_1984 = vector.shape_cast %reduce_max3A_1983 : vector<1xf32> to vector<1x1x1xf32>
      %reduce_max3A_1985 = vector.extract %reduce_max3A_1984[0, 0, 0] : f32 from vector<1x1x1xf32>
      %eq3A_1986 = vector.broadcast %reduce_min3A_1975 : i32 to vector<8x512xi32>
      %eq3A_1987 = arith.cmpi eq, %concatenate3A_1804, %eq3A_1986 : vector<8x512xi32>
      %jit3A_1988 = arith.constant 0xFF800000 : f32
      %broadcast_in_dim3A_1989 = vector.broadcast %jit3A_1988 : f32 to vector<8x512xf32>
      %select_n3A_1990 = arith.select %eq3A_1987, %broadcast_in_dim3A_1989, %select_n3A_1960 : vector<8x512xi1>, vector<8x512xf32>
      %reduce_max3A_1991 = vector.shape_cast %select_n3A_1990 : vector<8x512xf32> to vector<1x8x512xf32>
      %reduce_max3A_1992 = arith.constant dense<0xFF800000> : vector<1xf32>
      %reduce_max3A_1993 = vector.multi_reduction <maximumf>, %reduce_max3A_1991, %reduce_max3A_1992 [1, 2] : vector<1x8x512xf32> to vector<1xf32>
      %reduce_max3A_1994 = vector.shape_cast %reduce_max3A_1993 : vector<1xf32> to vector<1x1x1xf32>
      %reduce_max3A_1995 = vector.extract %reduce_max3A_1994[0, 0, 0] : f32 from vector<1x1x1xf32>
      %eq3A_1996 = vector.broadcast %reduce_max3A_1995 : f32 to vector<8x512xf32>
      %eq3A_1997 = arith.cmpf oeq, %select_n3A_1990, %eq3A_1996 : vector<8x512xf32>
      %jit3A_1998 = arith.constant 1073741824 : i32
      %broadcast_in_dim3A_1999 = vector.broadcast %jit3A_1998 : i32 to vector<8x512xi32>
      %select_n3A_2000 = arith.select %eq3A_1997, %concatenate3A_1804, %broadcast_in_dim3A_1999 : vector<8x512xi1>, vector<8x512xi32>
      %reduce_min3A_2001 = vector.shape_cast %select_n3A_2000 : vector<8x512xi32> to vector<1x8x512xi32>
      %reduce_min3A_2002 = arith.constant dense<2147483647> : vector<1xi32>
      %reduce_min3A_2003 = vector.multi_reduction <minsi>, %reduce_min3A_2001, %reduce_min3A_2002 [1, 2] : vector<1x8x512xi32> to vector<1xi32>
      %reduce_min3A_2004 = vector.shape_cast %reduce_min3A_2003 : vector<1xi32> to vector<1x1x1xi32>
      %reduce_min3A_2005 = vector.extract %reduce_min3A_2004[0, 0, 0] : i32 from vector<1x1x1xi32>
      %eq3A_2006 = vector.broadcast %reduce_min3A_2005 : i32 to vector<8x512xi32>
      %eq3A_2007 = arith.cmpi eq, %concatenate3A_1804, %eq3A_2006 : vector<8x512xi32>
      %jit3A_2008 = arith.constant 0xFF800000 : f32
      %broadcast_in_dim3A_2009 = vector.broadcast %jit3A_2008 : f32 to vector<8x512xf32>
      %select_n3A_2010 = arith.select %eq3A_2007, %get3A_1700, %broadcast_in_dim3A_2009 : vector<8x512xi1>, vector<8x512xf32>
      %reduce_max3A_2011 = vector.shape_cast %select_n3A_2010 : vector<8x512xf32> to vector<1x8x512xf32>
      %reduce_max3A_2012 = arith.constant dense<0xFF800000> : vector<1xf32>
      %reduce_max3A_2013 = vector.multi_reduction <maximumf>, %reduce_max3A_2011, %reduce_max3A_2012 [1, 2] : vector<1x8x512xf32> to vector<1xf32>
      %reduce_max3A_2014 = vector.shape_cast %reduce_max3A_2013 : vector<1xf32> to vector<1x1x1xf32>
      %reduce_max3A_2015 = vector.extract %reduce_max3A_2014[0, 0, 0] : f32 from vector<1x1x1xf32>
      %eq3A_2016 = vector.broadcast %reduce_min3A_2005 : i32 to vector<8x512xi32>
      %eq3A_2017 = arith.cmpi eq, %concatenate3A_1804, %eq3A_2016 : vector<8x512xi32>
      %jit3A_2018 = arith.constant 0xFF800000 : f32
      %broadcast_in_dim3A_2019 = vector.broadcast %jit3A_2018 : f32 to vector<8x512xf32>
      %select_n3A_2020 = arith.select %eq3A_2017, %broadcast_in_dim3A_2019, %select_n3A_1990 : vector<8x512xi1>, vector<8x512xf32>
      %reduce_max3A_2021 = vector.shape_cast %select_n3A_2020 : vector<8x512xf32> to vector<1x8x512xf32>
      %reduce_max3A_2022 = arith.constant dense<0xFF800000> : vector<1xf32>
      %reduce_max3A_2023 = vector.multi_reduction <maximumf>, %reduce_max3A_2021, %reduce_max3A_2022 [1, 2] : vector<1x8x512xf32> to vector<1xf32>
      %reduce_max3A_2024 = vector.shape_cast %reduce_max3A_2023 : vector<1xf32> to vector<1x1x1xf32>
      %reduce_max3A_2025 = vector.extract %reduce_max3A_2024[0, 0, 0] : f32 from vector<1x1x1xf32>
      %eq3A_2026 = vector.broadcast %reduce_max3A_2025 : f32 to vector<8x512xf32>
      %eq3A_2027 = arith.cmpf oeq, %select_n3A_2020, %eq3A_2026 : vector<8x512xf32>
      %jit3A_2028 = arith.constant 1073741824 : i32
      %broadcast_in_dim3A_2029 = vector.broadcast %jit3A_2028 : i32 to vector<8x512xi32>
      %select_n3A_2030 = arith.select %eq3A_2027, %concatenate3A_1804, %broadcast_in_dim3A_2029 : vector<8x512xi1>, vector<8x512xi32>
      %reduce_min3A_2031 = vector.shape_cast %select_n3A_2030 : vector<8x512xi32> to vector<1x8x512xi32>
      %reduce_min3A_2032 = arith.constant dense<2147483647> : vector<1xi32>
      %reduce_min3A_2033 = vector.multi_reduction <minsi>, %reduce_min3A_2031, %reduce_min3A_2032 [1, 2] : vector<1x8x512xi32> to vector<1xi32>
      %reduce_min3A_2034 = vector.shape_cast %reduce_min3A_2033 : vector<1xi32> to vector<1x1x1xi32>
      %reduce_min3A_2035 = vector.extract %reduce_min3A_2034[0, 0, 0] : i32 from vector<1x1x1xi32>
      %eq3A_2036 = vector.broadcast %reduce_min3A_2035 : i32 to vector<8x512xi32>
      %eq3A_2037 = arith.cmpi eq, %concatenate3A_1804, %eq3A_2036 : vector<8x512xi32>
      %jit3A_2038 = arith.constant 0xFF800000 : f32
      %broadcast_in_dim3A_2039 = vector.broadcast %jit3A_2038 : f32 to vector<8x512xf32>
      %select_n3A_2040 = arith.select %eq3A_2037, %get3A_1700, %broadcast_in_dim3A_2039 : vector<8x512xi1>, vector<8x512xf32>
      %reduce_max3A_2041 = vector.shape_cast %select_n3A_2040 : vector<8x512xf32> to vector<1x8x512xf32>
      %reduce_max3A_2042 = arith.constant dense<0xFF800000> : vector<1xf32>
      %reduce_max3A_2043 = vector.multi_reduction <maximumf>, %reduce_max3A_2041, %reduce_max3A_2042 [1, 2] : vector<1x8x512xf32> to vector<1xf32>
      %reduce_max3A_2044 = vector.shape_cast %reduce_max3A_2043 : vector<1xf32> to vector<1x1x1xf32>
      %reduce_max3A_2045 = vector.extract %reduce_max3A_2044[0, 0, 0] : f32 from vector<1x1x1xf32>
      %reshape3A_2046 = vector.broadcast %reduce_min3A_1825 : i32 to vector<1x1x1xi32>
      %reshape3A_2047 = vector.broadcast %reduce_min3A_1855 : i32 to vector<1x1x1xi32>
      %reshape3A_2048 = vector.broadcast %reduce_min3A_1885 : i32 to vector<1x1x1xi32>
      %reshape3A_2049 = vector.broadcast %reduce_min3A_1915 : i32 to vector<1x1x1xi32>
      %reshape3A_2050 = vector.broadcast %reduce_min3A_1945 : i32 to vector<1x1x1xi32>
      %reshape3A_2051 = vector.broadcast %reduce_min3A_1975 : i32 to vector<1x1x1xi32>
      %reshape3A_2052 = vector.broadcast %reduce_min3A_2005 : i32 to vector<1x1x1xi32>
      %reshape3A_2053 = vector.broadcast %reduce_min3A_2035 : i32 to vector<1x1x1xi32>
      %concatenate3A_2054 = tpu.concatenate %reshape3A_2046, %reshape3A_2047, %reshape3A_2048, %reshape3A_2049, %reshape3A_2050, %reshape3A_2051, %reshape3A_2052, %reshape3A_2053 in 2 : vector<1x1x1xi32>, vector<1x1x1xi32>, vector<1x1x1xi32>, vector<1x1x1xi32>, vector<1x1x1xi32>, vector<1x1x1xi32>, vector<1x1x1xi32>, vector<1x1x1xi32> -> vector<1x1x8xi32>
      %reshape3A_2055 = vector.broadcast %reduce_max3A_1835 : f32 to vector<1x1x1xf32>
      %reshape3A_2056 = vector.broadcast %reduce_max3A_1865 : f32 to vector<1x1x1xf32>
      %reshape3A_2057 = vector.broadcast %reduce_max3A_1895 : f32 to vector<1x1x1xf32>
      %reshape3A_2058 = vector.broadcast %reduce_max3A_1925 : f32 to vector<1x1x1xf32>
      %reshape3A_2059 = vector.broadcast %reduce_max3A_1955 : f32 to vector<1x1x1xf32>
      %reshape3A_2060 = vector.broadcast %reduce_max3A_1985 : f32 to vector<1x1x1xf32>
      %reshape3A_2061 = vector.broadcast %reduce_max3A_2015 : f32 to vector<1x1x1xf32>
      %reshape3A_2062 = vector.broadcast %reduce_max3A_2045 : f32 to vector<1x1x1xf32>
      %concatenate3A_2063 = tpu.concatenate %reshape3A_2055, %reshape3A_2056, %reshape3A_2057, %reshape3A_2058, %reshape3A_2059, %reshape3A_2060, %reshape3A_2061, %reshape3A_2062 in 2 : vector<1x1x1xf32>, vector<1x1x1xf32>, vector<1x1x1xf32>, vector<1x1x1xf32>, vector<1x1x1xf32>, vector<1x1x1xf32>, vector<1x1x1xf32>, vector<1x1x1xf32> -> vector<1x1x8xf32>
      %get3A_2064 = arith.constant 40 : index
      %get3A_2065 = arith.constant 0 : index
      %get3A_2066 = vector.load %arg21[%get3A_2064, %get3A_2065] : memref<64x512xf32, #tpu.memory_space<vmem>>, vector<8x512xf32>
      %get3A_2067 = arith.constant 40 : index
      %get3A_2068 = arith.constant 0 : index
      %get3A_2069 = vector.load %arg22[%get3A_2067, %get3A_2068] : memref<64x512xf32, #tpu.memory_space<vmem>>, vector<8x512xf32>
      %jit3A_2070 = arith.constant 9.99999997E-7 : f32
      %jit3A_2071 = arith.constant 0.999998986 : f32
      %max3A_2072 = vector.broadcast %jit3A_2070 : f32 to vector<8x512xf32>
      %max3A_2073 = arith.maximumf %max3A_2072, %get3A_2069 : vector<8x512xf32>
      %min3A_2074 = vector.broadcast %jit3A_2071 : f32 to vector<8x512xf32>
      %min3A_2075 = arith.minimumf %min3A_2074, %max3A_2073 : vector<8x512xf32>
      %log3A_2076 = math.log %min3A_2075 : vector<8x512xf32>
      %neg3A_2077 = arith.constant 0.000000e+00 : f32
      %neg3A_2078 = vector.broadcast %neg3A_2077 : f32 to vector<8x512xf32>
      %neg3A_2079 = arith.subf %neg3A_2078, %log3A_2076 : vector<8x512xf32>
      %log3A_2080 = math.log %neg3A_2079 : vector<8x512xf32>
      %sub3A_2081 = arith.subf %get3A_2066, %log3A_2080 : vector<8x512xf32>
      %mul3A_2082 = arith.constant 8 : i32
      %mul3A_2083 = arith.muli %arg0, %mul3A_2082 : i32
      %add3A_2084 = arith.constant 5 : i32
      %add3A_2085 = arith.addi %mul3A_2083, %add3A_2084 : i32
      %get3A_2086 = arith.constant 0 : index
      %get3A_2087 = arith.index_cast %add3A_2085 : i32 to index
      %get3A_2088 = memref.load %arg2[%get3A_2086, %get3A_2087] : memref<8x32xi32, #tpu.memory_space<smem>>
      %mul3A_2089 = arith.constant 512 : i32
      %mul3A_2090 = arith.muli %get3A_2088, %mul3A_2089 : i32
      %mul3A_2091 = arith.constant 8 : i32
      %mul3A_2092 = arith.muli %arg0, %mul3A_2091 : i32
      %add3A_2093 = arith.constant 5 : i32
      %add3A_2094 = arith.addi %mul3A_2092, %add3A_2093 : i32
      %get3A_2095 = arith.constant 1 : index
      %get3A_2096 = arith.index_cast %add3A_2094 : i32 to index
      %get3A_2097 = memref.load %arg2[%get3A_2095, %get3A_2096] : memref<8x32xi32, #tpu.memory_space<smem>>
      %mul3A_2098 = arith.constant 512 : i32
      %mul3A_2099 = arith.muli %get3A_2097, %mul3A_2098 : i32
      %mul3A_2100 = arith.constant 8 : i32
      %mul3A_2101 = arith.muli %arg0, %mul3A_2100 : i32
      %add3A_2102 = arith.constant 5 : i32
      %add3A_2103 = arith.addi %mul3A_2101, %add3A_2102 : i32
      %get3A_2104 = arith.constant 2 : index
      %get3A_2105 = arith.index_cast %add3A_2103 : i32 to index
      %get3A_2106 = memref.load %arg2[%get3A_2104, %get3A_2105] : memref<8x32xi32, #tpu.memory_space<smem>>
      %mul3A_2107 = arith.constant 512 : i32
      %mul3A_2108 = arith.muli %get3A_2106, %mul3A_2107 : i32
      %mul3A_2109 = arith.constant 8 : i32
      %mul3A_2110 = arith.muli %arg0, %mul3A_2109 : i32
      %add3A_2111 = arith.constant 5 : i32
      %add3A_2112 = arith.addi %mul3A_2110, %add3A_2111 : i32
      %get3A_2113 = arith.constant 3 : index
      %get3A_2114 = arith.index_cast %add3A_2112 : i32 to index
      %get3A_2115 = memref.load %arg2[%get3A_2113, %get3A_2114] : memref<8x32xi32, #tpu.memory_space<smem>>
      %mul3A_2116 = arith.constant 512 : i32
      %mul3A_2117 = arith.muli %get3A_2115, %mul3A_2116 : i32
      %mul3A_2118 = arith.constant 8 : i32
      %mul3A_2119 = arith.muli %arg0, %mul3A_2118 : i32
      %add3A_2120 = arith.constant 5 : i32
      %add3A_2121 = arith.addi %mul3A_2119, %add3A_2120 : i32
      %get3A_2122 = arith.constant 4 : index
      %get3A_2123 = arith.index_cast %add3A_2121 : i32 to index
      %get3A_2124 = memref.load %arg2[%get3A_2122, %get3A_2123] : memref<8x32xi32, #tpu.memory_space<smem>>
      %mul3A_2125 = arith.constant 512 : i32
      %mul3A_2126 = arith.muli %get3A_2124, %mul3A_2125 : i32
      %mul3A_2127 = arith.constant 8 : i32
      %mul3A_2128 = arith.muli %arg0, %mul3A_2127 : i32
      %add3A_2129 = arith.constant 5 : i32
      %add3A_2130 = arith.addi %mul3A_2128, %add3A_2129 : i32
      %get3A_2131 = arith.constant 5 : index
      %get3A_2132 = arith.index_cast %add3A_2130 : i32 to index
      %get3A_2133 = memref.load %arg2[%get3A_2131, %get3A_2132] : memref<8x32xi32, #tpu.memory_space<smem>>
      %mul3A_2134 = arith.constant 512 : i32
      %mul3A_2135 = arith.muli %get3A_2133, %mul3A_2134 : i32
      %mul3A_2136 = arith.constant 8 : i32
      %mul3A_2137 = arith.muli %arg0, %mul3A_2136 : i32
      %add3A_2138 = arith.constant 5 : i32
      %add3A_2139 = arith.addi %mul3A_2137, %add3A_2138 : i32
      %get3A_2140 = arith.constant 6 : index
      %get3A_2141 = arith.index_cast %add3A_2139 : i32 to index
      %get3A_2142 = memref.load %arg2[%get3A_2140, %get3A_2141] : memref<8x32xi32, #tpu.memory_space<smem>>
      %mul3A_2143 = arith.constant 512 : i32
      %mul3A_2144 = arith.muli %get3A_2142, %mul3A_2143 : i32
      %mul3A_2145 = arith.constant 8 : i32
      %mul3A_2146 = arith.muli %arg0, %mul3A_2145 : i32
      %add3A_2147 = arith.constant 5 : i32
      %add3A_2148 = arith.addi %mul3A_2146, %add3A_2147 : i32
      %get3A_2149 = arith.constant 7 : index
      %get3A_2150 = arith.index_cast %add3A_2148 : i32 to index
      %get3A_2151 = memref.load %arg2[%get3A_2149, %get3A_2150] : memref<8x32xi32, #tpu.memory_space<smem>>
      %mul3A_2152 = arith.constant 512 : i32
      %mul3A_2153 = arith.muli %get3A_2151, %mul3A_2152 : i32
      %add3A_2154 = vector.broadcast %mul3A_2090 : i32 to vector<1x512xi32>
      %add3A_2155 = arith.addi %add3A_2154, %iota3A_243 : vector<1x512xi32>
      %add3A_2156 = vector.broadcast %mul3A_2099 : i32 to vector<1x512xi32>
      %add3A_2157 = arith.addi %add3A_2156, %iota3A_243 : vector<1x512xi32>
      %add3A_2158 = vector.broadcast %mul3A_2108 : i32 to vector<1x512xi32>
      %add3A_2159 = arith.addi %add3A_2158, %iota3A_243 : vector<1x512xi32>
      %add3A_2160 = vector.broadcast %mul3A_2117 : i32 to vector<1x512xi32>
      %add3A_2161 = arith.addi %add3A_2160, %iota3A_243 : vector<1x512xi32>
      %add3A_2162 = vector.broadcast %mul3A_2126 : i32 to vector<1x512xi32>
      %add3A_2163 = arith.addi %add3A_2162, %iota3A_243 : vector<1x512xi32>
      %add3A_2164 = vector.broadcast %mul3A_2135 : i32 to vector<1x512xi32>
      %add3A_2165 = arith.addi %add3A_2164, %iota3A_243 : vector<1x512xi32>
      %add3A_2166 = vector.broadcast %mul3A_2144 : i32 to vector<1x512xi32>
      %add3A_2167 = arith.addi %add3A_2166, %iota3A_243 : vector<1x512xi32>
      %add3A_2168 = vector.broadcast %mul3A_2153 : i32 to vector<1x512xi32>
      %add3A_2169 = arith.addi %add3A_2168, %iota3A_243 : vector<1x512xi32>
      %concatenate3A_2170 = tpu.concatenate %add3A_2155, %add3A_2157, %add3A_2159, %add3A_2161, %add3A_2163, %add3A_2165, %add3A_2167, %add3A_2169 in 0 : vector<1x512xi32>, vector<1x512xi32>, vector<1x512xi32>, vector<1x512xi32>, vector<1x512xi32>, vector<1x512xi32>, vector<1x512xi32>, vector<1x512xi32> -> vector<8x512xi32>
      %lt3A_2171 = arith.constant 1000000 : i32
      %lt3A_2172 = vector.broadcast %lt3A_2171 : i32 to vector<8x512xi32>
      %lt3A_2173 = arith.cmpi slt, %concatenate3A_2170, %lt3A_2172 : vector<8x512xi32>
      %jit3A_2174 = arith.constant 0xFF800000 : f32
      %broadcast_in_dim3A_2175 = vector.broadcast %jit3A_2174 : f32 to vector<8x512xf32>
      %select_n3A_2176 = arith.select %lt3A_2173, %sub3A_2081, %broadcast_in_dim3A_2175 : vector<8x512xi1>, vector<8x512xf32>
      %reduce_max3A_2177 = vector.shape_cast %select_n3A_2176 : vector<8x512xf32> to vector<1x8x512xf32>
      %reduce_max3A_2178 = arith.constant dense<0xFF800000> : vector<1xf32>
      %reduce_max3A_2179 = vector.multi_reduction <maximumf>, %reduce_max3A_2177, %reduce_max3A_2178 [1, 2] : vector<1x8x512xf32> to vector<1xf32>
      %reduce_max3A_2180 = vector.shape_cast %reduce_max3A_2179 : vector<1xf32> to vector<1x1x1xf32>
      %reduce_max3A_2181 = vector.extract %reduce_max3A_2180[0, 0, 0] : f32 from vector<1x1x1xf32>
      %eq3A_2182 = vector.broadcast %reduce_max3A_2181 : f32 to vector<8x512xf32>
      %eq3A_2183 = arith.cmpf oeq, %select_n3A_2176, %eq3A_2182 : vector<8x512xf32>
      %jit3A_2184 = arith.constant 1073741824 : i32
      %broadcast_in_dim3A_2185 = vector.broadcast %jit3A_2184 : i32 to vector<8x512xi32>
      %select_n3A_2186 = arith.select %eq3A_2183, %concatenate3A_2170, %broadcast_in_dim3A_2185 : vector<8x512xi1>, vector<8x512xi32>
      %reduce_min3A_2187 = vector.shape_cast %select_n3A_2186 : vector<8x512xi32> to vector<1x8x512xi32>
      %reduce_min3A_2188 = arith.constant dense<2147483647> : vector<1xi32>
      %reduce_min3A_2189 = vector.multi_reduction <minsi>, %reduce_min3A_2187, %reduce_min3A_2188 [1, 2] : vector<1x8x512xi32> to vector<1xi32>
      %reduce_min3A_2190 = vector.shape_cast %reduce_min3A_2189 : vector<1xi32> to vector<1x1x1xi32>
      %reduce_min3A_2191 = vector.extract %reduce_min3A_2190[0, 0, 0] : i32 from vector<1x1x1xi32>
      %eq3A_2192 = vector.broadcast %reduce_min3A_2191 : i32 to vector<8x512xi32>
      %eq3A_2193 = arith.cmpi eq, %concatenate3A_2170, %eq3A_2192 : vector<8x512xi32>
      %jit3A_2194 = arith.constant 0xFF800000 : f32
      %broadcast_in_dim3A_2195 = vector.broadcast %jit3A_2194 : f32 to vector<8x512xf32>
      %select_n3A_2196 = arith.select %eq3A_2193, %get3A_2066, %broadcast_in_dim3A_2195 : vector<8x512xi1>, vector<8x512xf32>
      %reduce_max3A_2197 = vector.shape_cast %select_n3A_2196 : vector<8x512xf32> to vector<1x8x512xf32>
      %reduce_max3A_2198 = arith.constant dense<0xFF800000> : vector<1xf32>
      %reduce_max3A_2199 = vector.multi_reduction <maximumf>, %reduce_max3A_2197, %reduce_max3A_2198 [1, 2] : vector<1x8x512xf32> to vector<1xf32>
      %reduce_max3A_2200 = vector.shape_cast %reduce_max3A_2199 : vector<1xf32> to vector<1x1x1xf32>
      %reduce_max3A_2201 = vector.extract %reduce_max3A_2200[0, 0, 0] : f32 from vector<1x1x1xf32>
      %eq3A_2202 = vector.broadcast %reduce_min3A_2191 : i32 to vector<8x512xi32>
      %eq3A_2203 = arith.cmpi eq, %concatenate3A_2170, %eq3A_2202 : vector<8x512xi32>
      %jit3A_2204 = arith.constant 0xFF800000 : f32
      %broadcast_in_dim3A_2205 = vector.broadcast %jit3A_2204 : f32 to vector<8x512xf32>
      %select_n3A_2206 = arith.select %eq3A_2203, %broadcast_in_dim3A_2205, %select_n3A_2176 : vector<8x512xi1>, vector<8x512xf32>
      %reduce_max3A_2207 = vector.shape_cast %select_n3A_2206 : vector<8x512xf32> to vector<1x8x512xf32>
      %reduce_max3A_2208 = arith.constant dense<0xFF800000> : vector<1xf32>
      %reduce_max3A_2209 = vector.multi_reduction <maximumf>, %reduce_max3A_2207, %reduce_max3A_2208 [1, 2] : vector<1x8x512xf32> to vector<1xf32>
      %reduce_max3A_2210 = vector.shape_cast %reduce_max3A_2209 : vector<1xf32> to vector<1x1x1xf32>
      %reduce_max3A_2211 = vector.extract %reduce_max3A_2210[0, 0, 0] : f32 from vector<1x1x1xf32>
      %eq3A_2212 = vector.broadcast %reduce_max3A_2211 : f32 to vector<8x512xf32>
      %eq3A_2213 = arith.cmpf oeq, %select_n3A_2206, %eq3A_2212 : vector<8x512xf32>
      %jit3A_2214 = arith.constant 1073741824 : i32
      %broadcast_in_dim3A_2215 = vector.broadcast %jit3A_2214 : i32 to vector<8x512xi32>
      %select_n3A_2216 = arith.select %eq3A_2213, %concatenate3A_2170, %broadcast_in_dim3A_2215 : vector<8x512xi1>, vector<8x512xi32>
      %reduce_min3A_2217 = vector.shape_cast %select_n3A_2216 : vector<8x512xi32> to vector<1x8x512xi32>
      %reduce_min3A_2218 = arith.constant dense<2147483647> : vector<1xi32>
      %reduce_min3A_2219 = vector.multi_reduction <minsi>, %reduce_min3A_2217, %reduce_min3A_2218 [1, 2] : vector<1x8x512xi32> to vector<1xi32>
      %reduce_min3A_2220 = vector.shape_cast %reduce_min3A_2219 : vector<1xi32> to vector<1x1x1xi32>
      %reduce_min3A_2221 = vector.extract %reduce_min3A_2220[0, 0, 0] : i32 from vector<1x1x1xi32>
      %eq3A_2222 = vector.broadcast %reduce_min3A_2221 : i32 to vector<8x512xi32>
      %eq3A_2223 = arith.cmpi eq, %concatenate3A_2170, %eq3A_2222 : vector<8x512xi32>
      %jit3A_2224 = arith.constant 0xFF800000 : f32
      %broadcast_in_dim3A_2225 = vector.broadcast %jit3A_2224 : f32 to vector<8x512xf32>
      %select_n3A_2226 = arith.select %eq3A_2223, %get3A_2066, %broadcast_in_dim3A_2225 : vector<8x512xi1>, vector<8x512xf32>
      %reduce_max3A_2227 = vector.shape_cast %select_n3A_2226 : vector<8x512xf32> to vector<1x8x512xf32>
      %reduce_max3A_2228 = arith.constant dense<0xFF800000> : vector<1xf32>
      %reduce_max3A_2229 = vector.multi_reduction <maximumf>, %reduce_max3A_2227, %reduce_max3A_2228 [1, 2] : vector<1x8x512xf32> to vector<1xf32>
      %reduce_max3A_2230 = vector.shape_cast %reduce_max3A_2229 : vector<1xf32> to vector<1x1x1xf32>
      %reduce_max3A_2231 = vector.extract %reduce_max3A_2230[0, 0, 0] : f32 from vector<1x1x1xf32>
      %eq3A_2232 = vector.broadcast %reduce_min3A_2221 : i32 to vector<8x512xi32>
      %eq3A_2233 = arith.cmpi eq, %concatenate3A_2170, %eq3A_2232 : vector<8x512xi32>
      %jit3A_2234 = arith.constant 0xFF800000 : f32
      %broadcast_in_dim3A_2235 = vector.broadcast %jit3A_2234 : f32 to vector<8x512xf32>
      %select_n3A_2236 = arith.select %eq3A_2233, %broadcast_in_dim3A_2235, %select_n3A_2206 : vector<8x512xi1>, vector<8x512xf32>
      %reduce_max3A_2237 = vector.shape_cast %select_n3A_2236 : vector<8x512xf32> to vector<1x8x512xf32>
      %reduce_max3A_2238 = arith.constant dense<0xFF800000> : vector<1xf32>
      %reduce_max3A_2239 = vector.multi_reduction <maximumf>, %reduce_max3A_2237, %reduce_max3A_2238 [1, 2] : vector<1x8x512xf32> to vector<1xf32>
      %reduce_max3A_2240 = vector.shape_cast %reduce_max3A_2239 : vector<1xf32> to vector<1x1x1xf32>
      %reduce_max3A_2241 = vector.extract %reduce_max3A_2240[0, 0, 0] : f32 from vector<1x1x1xf32>
      %eq3A_2242 = vector.broadcast %reduce_max3A_2241 : f32 to vector<8x512xf32>
      %eq3A_2243 = arith.cmpf oeq, %select_n3A_2236, %eq3A_2242 : vector<8x512xf32>
      %jit3A_2244 = arith.constant 1073741824 : i32
      %broadcast_in_dim3A_2245 = vector.broadcast %jit3A_2244 : i32 to vector<8x512xi32>
      %select_n3A_2246 = arith.select %eq3A_2243, %concatenate3A_2170, %broadcast_in_dim3A_2245 : vector<8x512xi1>, vector<8x512xi32>
      %reduce_min3A_2247 = vector.shape_cast %select_n3A_2246 : vector<8x512xi32> to vector<1x8x512xi32>
      %reduce_min3A_2248 = arith.constant dense<2147483647> : vector<1xi32>
      %reduce_min3A_2249 = vector.multi_reduction <minsi>, %reduce_min3A_2247, %reduce_min3A_2248 [1, 2] : vector<1x8x512xi32> to vector<1xi32>
      %reduce_min3A_2250 = vector.shape_cast %reduce_min3A_2249 : vector<1xi32> to vector<1x1x1xi32>
      %reduce_min3A_2251 = vector.extract %reduce_min3A_2250[0, 0, 0] : i32 from vector<1x1x1xi32>
      %eq3A_2252 = vector.broadcast %reduce_min3A_2251 : i32 to vector<8x512xi32>
      %eq3A_2253 = arith.cmpi eq, %concatenate3A_2170, %eq3A_2252 : vector<8x512xi32>
      %jit3A_2254 = arith.constant 0xFF800000 : f32
      %broadcast_in_dim3A_2255 = vector.broadcast %jit3A_2254 : f32 to vector<8x512xf32>
      %select_n3A_2256 = arith.select %eq3A_2253, %get3A_2066, %broadcast_in_dim3A_2255 : vector<8x512xi1>, vector<8x512xf32>
      %reduce_max3A_2257 = vector.shape_cast %select_n3A_2256 : vector<8x512xf32> to vector<1x8x512xf32>
      %reduce_max3A_2258 = arith.constant dense<0xFF800000> : vector<1xf32>
      %reduce_max3A_2259 = vector.multi_reduction <maximumf>, %reduce_max3A_2257, %reduce_max3A_2258 [1, 2] : vector<1x8x512xf32> to vector<1xf32>
      %reduce_max3A_2260 = vector.shape_cast %reduce_max3A_2259 : vector<1xf32> to vector<1x1x1xf32>
      %reduce_max3A_2261 = vector.extract %reduce_max3A_2260[0, 0, 0] : f32 from vector<1x1x1xf32>
      %eq3A_2262 = vector.broadcast %reduce_min3A_2251 : i32 to vector<8x512xi32>
      %eq3A_2263 = arith.cmpi eq, %concatenate3A_2170, %eq3A_2262 : vector<8x512xi32>
      %jit3A_2264 = arith.constant 0xFF800000 : f32
      %broadcast_in_dim3A_2265 = vector.broadcast %jit3A_2264 : f32 to vector<8x512xf32>
      %select_n3A_2266 = arith.select %eq3A_2263, %broadcast_in_dim3A_2265, %select_n3A_2236 : vector<8x512xi1>, vector<8x512xf32>
      %reduce_max3A_2267 = vector.shape_cast %select_n3A_2266 : vector<8x512xf32> to vector<1x8x512xf32>
      %reduce_max3A_2268 = arith.constant dense<0xFF800000> : vector<1xf32>
      %reduce_max3A_2269 = vector.multi_reduction <maximumf>, %reduce_max3A_2267, %reduce_max3A_2268 [1, 2] : vector<1x8x512xf32> to vector<1xf32>
      %reduce_max3A_2270 = vector.shape_cast %reduce_max3A_2269 : vector<1xf32> to vector<1x1x1xf32>
      %reduce_max3A_2271 = vector.extract %reduce_max3A_2270[0, 0, 0] : f32 from vector<1x1x1xf32>
      %eq3A_2272 = vector.broadcast %reduce_max3A_2271 : f32 to vector<8x512xf32>
      %eq3A_2273 = arith.cmpf oeq, %select_n3A_2266, %eq3A_2272 : vector<8x512xf32>
      %jit3A_2274 = arith.constant 1073741824 : i32
      %broadcast_in_dim3A_2275 = vector.broadcast %jit3A_2274 : i32 to vector<8x512xi32>
      %select_n3A_2276 = arith.select %eq3A_2273, %concatenate3A_2170, %broadcast_in_dim3A_2275 : vector<8x512xi1>, vector<8x512xi32>
      %reduce_min3A_2277 = vector.shape_cast %select_n3A_2276 : vector<8x512xi32> to vector<1x8x512xi32>
      %reduce_min3A_2278 = arith.constant dense<2147483647> : vector<1xi32>
      %reduce_min3A_2279 = vector.multi_reduction <minsi>, %reduce_min3A_2277, %reduce_min3A_2278 [1, 2] : vector<1x8x512xi32> to vector<1xi32>
      %reduce_min3A_2280 = vector.shape_cast %reduce_min3A_2279 : vector<1xi32> to vector<1x1x1xi32>
      %reduce_min3A_2281 = vector.extract %reduce_min3A_2280[0, 0, 0] : i32 from vector<1x1x1xi32>
      %eq3A_2282 = vector.broadcast %reduce_min3A_2281 : i32 to vector<8x512xi32>
      %eq3A_2283 = arith.cmpi eq, %concatenate3A_2170, %eq3A_2282 : vector<8x512xi32>
      %jit3A_2284 = arith.constant 0xFF800000 : f32
      %broadcast_in_dim3A_2285 = vector.broadcast %jit3A_2284 : f32 to vector<8x512xf32>
      %select_n3A_2286 = arith.select %eq3A_2283, %get3A_2066, %broadcast_in_dim3A_2285 : vector<8x512xi1>, vector<8x512xf32>
      %reduce_max3A_2287 = vector.shape_cast %select_n3A_2286 : vector<8x512xf32> to vector<1x8x512xf32>
      %reduce_max3A_2288 = arith.constant dense<0xFF800000> : vector<1xf32>
      %reduce_max3A_2289 = vector.multi_reduction <maximumf>, %reduce_max3A_2287, %reduce_max3A_2288 [1, 2] : vector<1x8x512xf32> to vector<1xf32>
      %reduce_max3A_2290 = vector.shape_cast %reduce_max3A_2289 : vector<1xf32> to vector<1x1x1xf32>
      %reduce_max3A_2291 = vector.extract %reduce_max3A_2290[0, 0, 0] : f32 from vector<1x1x1xf32>
      %eq3A_2292 = vector.broadcast %reduce_min3A_2281 : i32 to vector<8x512xi32>
      %eq3A_2293 = arith.cmpi eq, %concatenate3A_2170, %eq3A_2292 : vector<8x512xi32>
      %jit3A_2294 = arith.constant 0xFF800000 : f32
      %broadcast_in_dim3A_2295 = vector.broadcast %jit3A_2294 : f32 to vector<8x512xf32>
      %select_n3A_2296 = arith.select %eq3A_2293, %broadcast_in_dim3A_2295, %select_n3A_2266 : vector<8x512xi1>, vector<8x512xf32>
      %reduce_max3A_2297 = vector.shape_cast %select_n3A_2296 : vector<8x512xf32> to vector<1x8x512xf32>
      %reduce_max3A_2298 = arith.constant dense<0xFF800000> : vector<1xf32>
      %reduce_max3A_2299 = vector.multi_reduction <maximumf>, %reduce_max3A_2297, %reduce_max3A_2298 [1, 2] : vector<1x8x512xf32> to vector<1xf32>
      %reduce_max3A_2300 = vector.shape_cast %reduce_max3A_2299 : vector<1xf32> to vector<1x1x1xf32>
      %reduce_max3A_2301 = vector.extract %reduce_max3A_2300[0, 0, 0] : f32 from vector<1x1x1xf32>
      %eq3A_2302 = vector.broadcast %reduce_max3A_2301 : f32 to vector<8x512xf32>
      %eq3A_2303 = arith.cmpf oeq, %select_n3A_2296, %eq3A_2302 : vector<8x512xf32>
      %jit3A_2304 = arith.constant 1073741824 : i32
      %broadcast_in_dim3A_2305 = vector.broadcast %jit3A_2304 : i32 to vector<8x512xi32>
      %select_n3A_2306 = arith.select %eq3A_2303, %concatenate3A_2170, %broadcast_in_dim3A_2305 : vector<8x512xi1>, vector<8x512xi32>
      %reduce_min3A_2307 = vector.shape_cast %select_n3A_2306 : vector<8x512xi32> to vector<1x8x512xi32>
      %reduce_min3A_2308 = arith.constant dense<2147483647> : vector<1xi32>
      %reduce_min3A_2309 = vector.multi_reduction <minsi>, %reduce_min3A_2307, %reduce_min3A_2308 [1, 2] : vector<1x8x512xi32> to vector<1xi32>
      %reduce_min3A_2310 = vector.shape_cast %reduce_min3A_2309 : vector<1xi32> to vector<1x1x1xi32>
      %reduce_min3A_2311 = vector.extract %reduce_min3A_2310[0, 0, 0] : i32 from vector<1x1x1xi32>
      %eq3A_2312 = vector.broadcast %reduce_min3A_2311 : i32 to vector<8x512xi32>
      %eq3A_2313 = arith.cmpi eq, %concatenate3A_2170, %eq3A_2312 : vector<8x512xi32>
      %jit3A_2314 = arith.constant 0xFF800000 : f32
      %broadcast_in_dim3A_2315 = vector.broadcast %jit3A_2314 : f32 to vector<8x512xf32>
      %select_n3A_2316 = arith.select %eq3A_2313, %get3A_2066, %broadcast_in_dim3A_2315 : vector<8x512xi1>, vector<8x512xf32>
      %reduce_max3A_2317 = vector.shape_cast %select_n3A_2316 : vector<8x512xf32> to vector<1x8x512xf32>
      %reduce_max3A_2318 = arith.constant dense<0xFF800000> : vector<1xf32>
      %reduce_max3A_2319 = vector.multi_reduction <maximumf>, %reduce_max3A_2317, %reduce_max3A_2318 [1, 2] : vector<1x8x512xf32> to vector<1xf32>
      %reduce_max3A_2320 = vector.shape_cast %reduce_max3A_2319 : vector<1xf32> to vector<1x1x1xf32>
      %reduce_max3A_2321 = vector.extract %reduce_max3A_2320[0, 0, 0] : f32 from vector<1x1x1xf32>
      %eq3A_2322 = vector.broadcast %reduce_min3A_2311 : i32 to vector<8x512xi32>
      %eq3A_2323 = arith.cmpi eq, %concatenate3A_2170, %eq3A_2322 : vector<8x512xi32>
      %jit3A_2324 = arith.constant 0xFF800000 : f32
      %broadcast_in_dim3A_2325 = vector.broadcast %jit3A_2324 : f32 to vector<8x512xf32>
      %select_n3A_2326 = arith.select %eq3A_2323, %broadcast_in_dim3A_2325, %select_n3A_2296 : vector<8x512xi1>, vector<8x512xf32>
      %reduce_max3A_2327 = vector.shape_cast %select_n3A_2326 : vector<8x512xf32> to vector<1x8x512xf32>
      %reduce_max3A_2328 = arith.constant dense<0xFF800000> : vector<1xf32>
      %reduce_max3A_2329 = vector.multi_reduction <maximumf>, %reduce_max3A_2327, %reduce_max3A_2328 [1, 2] : vector<1x8x512xf32> to vector<1xf32>
      %reduce_max3A_2330 = vector.shape_cast %reduce_max3A_2329 : vector<1xf32> to vector<1x1x1xf32>
      %reduce_max3A_2331 = vector.extract %reduce_max3A_2330[0, 0, 0] : f32 from vector<1x1x1xf32>
      %eq3A_2332 = vector.broadcast %reduce_max3A_2331 : f32 to vector<8x512xf32>
      %eq3A_2333 = arith.cmpf oeq, %select_n3A_2326, %eq3A_2332 : vector<8x512xf32>
      %jit3A_2334 = arith.constant 1073741824 : i32
      %broadcast_in_dim3A_2335 = vector.broadcast %jit3A_2334 : i32 to vector<8x512xi32>
      %select_n3A_2336 = arith.select %eq3A_2333, %concatenate3A_2170, %broadcast_in_dim3A_2335 : vector<8x512xi1>, vector<8x512xi32>
      %reduce_min3A_2337 = vector.shape_cast %select_n3A_2336 : vector<8x512xi32> to vector<1x8x512xi32>
      %reduce_min3A_2338 = arith.constant dense<2147483647> : vector<1xi32>
      %reduce_min3A_2339 = vector.multi_reduction <minsi>, %reduce_min3A_2337, %reduce_min3A_2338 [1, 2] : vector<1x8x512xi32> to vector<1xi32>
      %reduce_min3A_2340 = vector.shape_cast %reduce_min3A_2339 : vector<1xi32> to vector<1x1x1xi32>
      %reduce_min3A_2341 = vector.extract %reduce_min3A_2340[0, 0, 0] : i32 from vector<1x1x1xi32>
      %eq3A_2342 = vector.broadcast %reduce_min3A_2341 : i32 to vector<8x512xi32>
      %eq3A_2343 = arith.cmpi eq, %concatenate3A_2170, %eq3A_2342 : vector<8x512xi32>
      %jit3A_2344 = arith.constant 0xFF800000 : f32
      %broadcast_in_dim3A_2345 = vector.broadcast %jit3A_2344 : f32 to vector<8x512xf32>
      %select_n3A_2346 = arith.select %eq3A_2343, %get3A_2066, %broadcast_in_dim3A_2345 : vector<8x512xi1>, vector<8x512xf32>
      %reduce_max3A_2347 = vector.shape_cast %select_n3A_2346 : vector<8x512xf32> to vector<1x8x512xf32>
      %reduce_max3A_2348 = arith.constant dense<0xFF800000> : vector<1xf32>
      %reduce_max3A_2349 = vector.multi_reduction <maximumf>, %reduce_max3A_2347, %reduce_max3A_2348 [1, 2] : vector<1x8x512xf32> to vector<1xf32>
      %reduce_max3A_2350 = vector.shape_cast %reduce_max3A_2349 : vector<1xf32> to vector<1x1x1xf32>
      %reduce_max3A_2351 = vector.extract %reduce_max3A_2350[0, 0, 0] : f32 from vector<1x1x1xf32>
      %eq3A_2352 = vector.broadcast %reduce_min3A_2341 : i32 to vector<8x512xi32>
      %eq3A_2353 = arith.cmpi eq, %concatenate3A_2170, %eq3A_2352 : vector<8x512xi32>
      %jit3A_2354 = arith.constant 0xFF800000 : f32
      %broadcast_in_dim3A_2355 = vector.broadcast %jit3A_2354 : f32 to vector<8x512xf32>
      %select_n3A_2356 = arith.select %eq3A_2353, %broadcast_in_dim3A_2355, %select_n3A_2326 : vector<8x512xi1>, vector<8x512xf32>
      %reduce_max3A_2357 = vector.shape_cast %select_n3A_2356 : vector<8x512xf32> to vector<1x8x512xf32>
      %reduce_max3A_2358 = arith.constant dense<0xFF800000> : vector<1xf32>
      %reduce_max3A_2359 = vector.multi_reduction <maximumf>, %reduce_max3A_2357, %reduce_max3A_2358 [1, 2] : vector<1x8x512xf32> to vector<1xf32>
      %reduce_max3A_2360 = vector.shape_cast %reduce_max3A_2359 : vector<1xf32> to vector<1x1x1xf32>
      %reduce_max3A_2361 = vector.extract %reduce_max3A_2360[0, 0, 0] : f32 from vector<1x1x1xf32>
      %eq3A_2362 = vector.broadcast %reduce_max3A_2361 : f32 to vector<8x512xf32>
      %eq3A_2363 = arith.cmpf oeq, %select_n3A_2356, %eq3A_2362 : vector<8x512xf32>
      %jit3A_2364 = arith.constant 1073741824 : i32
      %broadcast_in_dim3A_2365 = vector.broadcast %jit3A_2364 : i32 to vector<8x512xi32>
      %select_n3A_2366 = arith.select %eq3A_2363, %concatenate3A_2170, %broadcast_in_dim3A_2365 : vector<8x512xi1>, vector<8x512xi32>
      %reduce_min3A_2367 = vector.shape_cast %select_n3A_2366 : vector<8x512xi32> to vector<1x8x512xi32>
      %reduce_min3A_2368 = arith.constant dense<2147483647> : vector<1xi32>
      %reduce_min3A_2369 = vector.multi_reduction <minsi>, %reduce_min3A_2367, %reduce_min3A_2368 [1, 2] : vector<1x8x512xi32> to vector<1xi32>
      %reduce_min3A_2370 = vector.shape_cast %reduce_min3A_2369 : vector<1xi32> to vector<1x1x1xi32>
      %reduce_min3A_2371 = vector.extract %reduce_min3A_2370[0, 0, 0] : i32 from vector<1x1x1xi32>
      %eq3A_2372 = vector.broadcast %reduce_min3A_2371 : i32 to vector<8x512xi32>
      %eq3A_2373 = arith.cmpi eq, %concatenate3A_2170, %eq3A_2372 : vector<8x512xi32>
      %jit3A_2374 = arith.constant 0xFF800000 : f32
      %broadcast_in_dim3A_2375 = vector.broadcast %jit3A_2374 : f32 to vector<8x512xf32>
      %select_n3A_2376 = arith.select %eq3A_2373, %get3A_2066, %broadcast_in_dim3A_2375 : vector<8x512xi1>, vector<8x512xf32>
      %reduce_max3A_2377 = vector.shape_cast %select_n3A_2376 : vector<8x512xf32> to vector<1x8x512xf32>
      %reduce_max3A_2378 = arith.constant dense<0xFF800000> : vector<1xf32>
      %reduce_max3A_2379 = vector.multi_reduction <maximumf>, %reduce_max3A_2377, %reduce_max3A_2378 [1, 2] : vector<1x8x512xf32> to vector<1xf32>
      %reduce_max3A_2380 = vector.shape_cast %reduce_max3A_2379 : vector<1xf32> to vector<1x1x1xf32>
      %reduce_max3A_2381 = vector.extract %reduce_max3A_2380[0, 0, 0] : f32 from vector<1x1x1xf32>
      %eq3A_2382 = vector.broadcast %reduce_min3A_2371 : i32 to vector<8x512xi32>
      %eq3A_2383 = arith.cmpi eq, %concatenate3A_2170, %eq3A_2382 : vector<8x512xi32>
      %jit3A_2384 = arith.constant 0xFF800000 : f32
      %broadcast_in_dim3A_2385 = vector.broadcast %jit3A_2384 : f32 to vector<8x512xf32>
      %select_n3A_2386 = arith.select %eq3A_2383, %broadcast_in_dim3A_2385, %select_n3A_2356 : vector<8x512xi1>, vector<8x512xf32>
      %reduce_max3A_2387 = vector.shape_cast %select_n3A_2386 : vector<8x512xf32> to vector<1x8x512xf32>
      %reduce_max3A_2388 = arith.constant dense<0xFF800000> : vector<1xf32>
      %reduce_max3A_2389 = vector.multi_reduction <maximumf>, %reduce_max3A_2387, %reduce_max3A_2388 [1, 2] : vector<1x8x512xf32> to vector<1xf32>
      %reduce_max3A_2390 = vector.shape_cast %reduce_max3A_2389 : vector<1xf32> to vector<1x1x1xf32>
      %reduce_max3A_2391 = vector.extract %reduce_max3A_2390[0, 0, 0] : f32 from vector<1x1x1xf32>
      %eq3A_2392 = vector.broadcast %reduce_max3A_2391 : f32 to vector<8x512xf32>
      %eq3A_2393 = arith.cmpf oeq, %select_n3A_2386, %eq3A_2392 : vector<8x512xf32>
      %jit3A_2394 = arith.constant 1073741824 : i32
      %broadcast_in_dim3A_2395 = vector.broadcast %jit3A_2394 : i32 to vector<8x512xi32>
      %select_n3A_2396 = arith.select %eq3A_2393, %concatenate3A_2170, %broadcast_in_dim3A_2395 : vector<8x512xi1>, vector<8x512xi32>
      %reduce_min3A_2397 = vector.shape_cast %select_n3A_2396 : vector<8x512xi32> to vector<1x8x512xi32>
      %reduce_min3A_2398 = arith.constant dense<2147483647> : vector<1xi32>
      %reduce_min3A_2399 = vector.multi_reduction <minsi>, %reduce_min3A_2397, %reduce_min3A_2398 [1, 2] : vector<1x8x512xi32> to vector<1xi32>
      %reduce_min3A_2400 = vector.shape_cast %reduce_min3A_2399 : vector<1xi32> to vector<1x1x1xi32>
      %reduce_min3A_2401 = vector.extract %reduce_min3A_2400[0, 0, 0] : i32 from vector<1x1x1xi32>
      %eq3A_2402 = vector.broadcast %reduce_min3A_2401 : i32 to vector<8x512xi32>
      %eq3A_2403 = arith.cmpi eq, %concatenate3A_2170, %eq3A_2402 : vector<8x512xi32>
      %jit3A_2404 = arith.constant 0xFF800000 : f32
      %broadcast_in_dim3A_2405 = vector.broadcast %jit3A_2404 : f32 to vector<8x512xf32>
      %select_n3A_2406 = arith.select %eq3A_2403, %get3A_2066, %broadcast_in_dim3A_2405 : vector<8x512xi1>, vector<8x512xf32>
      %reduce_max3A_2407 = vector.shape_cast %select_n3A_2406 : vector<8x512xf32> to vector<1x8x512xf32>
      %reduce_max3A_2408 = arith.constant dense<0xFF800000> : vector<1xf32>
      %reduce_max3A_2409 = vector.multi_reduction <maximumf>, %reduce_max3A_2407, %reduce_max3A_2408 [1, 2] : vector<1x8x512xf32> to vector<1xf32>
      %reduce_max3A_2410 = vector.shape_cast %reduce_max3A_2409 : vector<1xf32> to vector<1x1x1xf32>
      %reduce_max3A_2411 = vector.extract %reduce_max3A_2410[0, 0, 0] : f32 from vector<1x1x1xf32>
      %reshape3A_2412 = vector.broadcast %reduce_min3A_2191 : i32 to vector<1x1x1xi32>
      %reshape3A_2413 = vector.broadcast %reduce_min3A_2221 : i32 to vector<1x1x1xi32>
      %reshape3A_2414 = vector.broadcast %reduce_min3A_2251 : i32 to vector<1x1x1xi32>
      %reshape3A_2415 = vector.broadcast %reduce_min3A_2281 : i32 to vector<1x1x1xi32>
      %reshape3A_2416 = vector.broadcast %reduce_min3A_2311 : i32 to vector<1x1x1xi32>
      %reshape3A_2417 = vector.broadcast %reduce_min3A_2341 : i32 to vector<1x1x1xi32>
      %reshape3A_2418 = vector.broadcast %reduce_min3A_2371 : i32 to vector<1x1x1xi32>
      %reshape3A_2419 = vector.broadcast %reduce_min3A_2401 : i32 to vector<1x1x1xi32>
      %concatenate3A_2420 = tpu.concatenate %reshape3A_2412, %reshape3A_2413, %reshape3A_2414, %reshape3A_2415, %reshape3A_2416, %reshape3A_2417, %reshape3A_2418, %reshape3A_2419 in 2 : vector<1x1x1xi32>, vector<1x1x1xi32>, vector<1x1x1xi32>, vector<1x1x1xi32>, vector<1x1x1xi32>, vector<1x1x1xi32>, vector<1x1x1xi32>, vector<1x1x1xi32> -> vector<1x1x8xi32>
      %reshape3A_2421 = vector.broadcast %reduce_max3A_2201 : f32 to vector<1x1x1xf32>
      %reshape3A_2422 = vector.broadcast %reduce_max3A_2231 : f32 to vector<1x1x1xf32>
      %reshape3A_2423 = vector.broadcast %reduce_max3A_2261 : f32 to vector<1x1x1xf32>
      %reshape3A_2424 = vector.broadcast %reduce_max3A_2291 : f32 to vector<1x1x1xf32>
      %reshape3A_2425 = vector.broadcast %reduce_max3A_2321 : f32 to vector<1x1x1xf32>
      %reshape3A_2426 = vector.broadcast %reduce_max3A_2351 : f32 to vector<1x1x1xf32>
      %reshape3A_2427 = vector.broadcast %reduce_max3A_2381 : f32 to vector<1x1x1xf32>
      %reshape3A_2428 = vector.broadcast %reduce_max3A_2411 : f32 to vector<1x1x1xf32>
      %concatenate3A_2429 = tpu.concatenate %reshape3A_2421, %reshape3A_2422, %reshape3A_2423, %reshape3A_2424, %reshape3A_2425, %reshape3A_2426, %reshape3A_2427, %reshape3A_2428 in 2 : vector<1x1x1xf32>, vector<1x1x1xf32>, vector<1x1x1xf32>, vector<1x1x1xf32>, vector<1x1x1xf32>, vector<1x1x1xf32>, vector<1x1x1xf32>, vector<1x1x1xf32> -> vector<1x1x8xf32>
      %get3A_2430 = arith.constant 48 : index
      %get3A_2431 = arith.constant 0 : index
      %get3A_2432 = vector.load %arg21[%get3A_2430, %get3A_2431] : memref<64x512xf32, #tpu.memory_space<vmem>>, vector<8x512xf32>
      %get3A_2433 = arith.constant 48 : index
      %get3A_2434 = arith.constant 0 : index
      %get3A_2435 = vector.load %arg22[%get3A_2433, %get3A_2434] : memref<64x512xf32, #tpu.memory_space<vmem>>, vector<8x512xf32>
      %jit3A_2436 = arith.constant 9.99999997E-7 : f32
      %jit3A_2437 = arith.constant 0.999998986 : f32
      %max3A_2438 = vector.broadcast %jit3A_2436 : f32 to vector<8x512xf32>
      %max3A_2439 = arith.maximumf %max3A_2438, %get3A_2435 : vector<8x512xf32>
      %min3A_2440 = vector.broadcast %jit3A_2437 : f32 to vector<8x512xf32>
      %min3A_2441 = arith.minimumf %min3A_2440, %max3A_2439 : vector<8x512xf32>
      %log3A_2442 = math.log %min3A_2441 : vector<8x512xf32>
      %neg3A_2443 = arith.constant 0.000000e+00 : f32
      %neg3A_2444 = vector.broadcast %neg3A_2443 : f32 to vector<8x512xf32>
      %neg3A_2445 = arith.subf %neg3A_2444, %log3A_2442 : vector<8x512xf32>
      %log3A_2446 = math.log %neg3A_2445 : vector<8x512xf32>
      %sub3A_2447 = arith.subf %get3A_2432, %log3A_2446 : vector<8x512xf32>
      %mul3A_2448 = arith.constant 8 : i32
      %mul3A_2449 = arith.muli %arg0, %mul3A_2448 : i32
      %add3A_2450 = arith.constant 6 : i32
      %add3A_2451 = arith.addi %mul3A_2449, %add3A_2450 : i32
      %get3A_2452 = arith.constant 0 : index
      %get3A_2453 = arith.index_cast %add3A_2451 : i32 to index
      %get3A_2454 = memref.load %arg2[%get3A_2452, %get3A_2453] : memref<8x32xi32, #tpu.memory_space<smem>>
      %mul3A_2455 = arith.constant 512 : i32
      %mul3A_2456 = arith.muli %get3A_2454, %mul3A_2455 : i32
      %mul3A_2457 = arith.constant 8 : i32
      %mul3A_2458 = arith.muli %arg0, %mul3A_2457 : i32
      %add3A_2459 = arith.constant 6 : i32
      %add3A_2460 = arith.addi %mul3A_2458, %add3A_2459 : i32
      %get3A_2461 = arith.constant 1 : index
      %get3A_2462 = arith.index_cast %add3A_2460 : i32 to index
      %get3A_2463 = memref.load %arg2[%get3A_2461, %get3A_2462] : memref<8x32xi32, #tpu.memory_space<smem>>
      %mul3A_2464 = arith.constant 512 : i32
      %mul3A_2465 = arith.muli %get3A_2463, %mul3A_2464 : i32
      %mul3A_2466 = arith.constant 8 : i32
      %mul3A_2467 = arith.muli %arg0, %mul3A_2466 : i32
      %add3A_2468 = arith.constant 6 : i32
      %add3A_2469 = arith.addi %mul3A_2467, %add3A_2468 : i32
      %get3A_2470 = arith.constant 2 : index
      %get3A_2471 = arith.index_cast %add3A_2469 : i32 to index
      %get3A_2472 = memref.load %arg2[%get3A_2470, %get3A_2471] : memref<8x32xi32, #tpu.memory_space<smem>>
      %mul3A_2473 = arith.constant 512 : i32
      %mul3A_2474 = arith.muli %get3A_2472, %mul3A_2473 : i32
      %mul3A_2475 = arith.constant 8 : i32
      %mul3A_2476 = arith.muli %arg0, %mul3A_2475 : i32
      %add3A_2477 = arith.constant 6 : i32
      %add3A_2478 = arith.addi %mul3A_2476, %add3A_2477 : i32
      %get3A_2479 = arith.constant 3 : index
      %get3A_2480 = arith.index_cast %add3A_2478 : i32 to index
      %get3A_2481 = memref.load %arg2[%get3A_2479, %get3A_2480] : memref<8x32xi32, #tpu.memory_space<smem>>
      %mul3A_2482 = arith.constant 512 : i32
      %mul3A_2483 = arith.muli %get3A_2481, %mul3A_2482 : i32
      %mul3A_2484 = arith.constant 8 : i32
      %mul3A_2485 = arith.muli %arg0, %mul3A_2484 : i32
      %add3A_2486 = arith.constant 6 : i32
      %add3A_2487 = arith.addi %mul3A_2485, %add3A_2486 : i32
      %get3A_2488 = arith.constant 4 : index
      %get3A_2489 = arith.index_cast %add3A_2487 : i32 to index
      %get3A_2490 = memref.load %arg2[%get3A_2488, %get3A_2489] : memref<8x32xi32, #tpu.memory_space<smem>>
      %mul3A_2491 = arith.constant 512 : i32
      %mul3A_2492 = arith.muli %get3A_2490, %mul3A_2491 : i32
      %mul3A_2493 = arith.constant 8 : i32
      %mul3A_2494 = arith.muli %arg0, %mul3A_2493 : i32
      %add3A_2495 = arith.constant 6 : i32
      %add3A_2496 = arith.addi %mul3A_2494, %add3A_2495 : i32
      %get3A_2497 = arith.constant 5 : index
      %get3A_2498 = arith.index_cast %add3A_2496 : i32 to index
      %get3A_2499 = memref.load %arg2[%get3A_2497, %get3A_2498] : memref<8x32xi32, #tpu.memory_space<smem>>
      %mul3A_2500 = arith.constant 512 : i32
      %mul3A_2501 = arith.muli %get3A_2499, %mul3A_2500 : i32
      %mul3A_2502 = arith.constant 8 : i32
      %mul3A_2503 = arith.muli %arg0, %mul3A_2502 : i32
      %add3A_2504 = arith.constant 6 : i32
      %add3A_2505 = arith.addi %mul3A_2503, %add3A_2504 : i32
      %get3A_2506 = arith.constant 6 : index
      %get3A_2507 = arith.index_cast %add3A_2505 : i32 to index
      %get3A_2508 = memref.load %arg2[%get3A_2506, %get3A_2507] : memref<8x32xi32, #tpu.memory_space<smem>>
      %mul3A_2509 = arith.constant 512 : i32
      %mul3A_2510 = arith.muli %get3A_2508, %mul3A_2509 : i32
      %mul3A_2511 = arith.constant 8 : i32
      %mul3A_2512 = arith.muli %arg0, %mul3A_2511 : i32
      %add3A_2513 = arith.constant 6 : i32
      %add3A_2514 = arith.addi %mul3A_2512, %add3A_2513 : i32
      %get3A_2515 = arith.constant 7 : index
      %get3A_2516 = arith.index_cast %add3A_2514 : i32 to index
      %get3A_2517 = memref.load %arg2[%get3A_2515, %get3A_2516] : memref<8x32xi32, #tpu.memory_space<smem>>
      %mul3A_2518 = arith.constant 512 : i32
      %mul3A_2519 = arith.muli %get3A_2517, %mul3A_2518 : i32
      %add3A_2520 = vector.broadcast %mul3A_2456 : i32 to vector<1x512xi32>
      %add3A_2521 = arith.addi %add3A_2520, %iota3A_243 : vector<1x512xi32>
      %add3A_2522 = vector.broadcast %mul3A_2465 : i32 to vector<1x512xi32>
      %add3A_2523 = arith.addi %add3A_2522, %iota3A_243 : vector<1x512xi32>
      %add3A_2524 = vector.broadcast %mul3A_2474 : i32 to vector<1x512xi32>
      %add3A_2525 = arith.addi %add3A_2524, %iota3A_243 : vector<1x512xi32>
      %add3A_2526 = vector.broadcast %mul3A_2483 : i32 to vector<1x512xi32>
      %add3A_2527 = arith.addi %add3A_2526, %iota3A_243 : vector<1x512xi32>
      %add3A_2528 = vector.broadcast %mul3A_2492 : i32 to vector<1x512xi32>
      %add3A_2529 = arith.addi %add3A_2528, %iota3A_243 : vector<1x512xi32>
      %add3A_2530 = vector.broadcast %mul3A_2501 : i32 to vector<1x512xi32>
      %add3A_2531 = arith.addi %add3A_2530, %iota3A_243 : vector<1x512xi32>
      %add3A_2532 = vector.broadcast %mul3A_2510 : i32 to vector<1x512xi32>
      %add3A_2533 = arith.addi %add3A_2532, %iota3A_243 : vector<1x512xi32>
      %add3A_2534 = vector.broadcast %mul3A_2519 : i32 to vector<1x512xi32>
      %add3A_2535 = arith.addi %add3A_2534, %iota3A_243 : vector<1x512xi32>
      %concatenate3A_2536 = tpu.concatenate %add3A_2521, %add3A_2523, %add3A_2525, %add3A_2527, %add3A_2529, %add3A_2531, %add3A_2533, %add3A_2535 in 0 : vector<1x512xi32>, vector<1x512xi32>, vector<1x512xi32>, vector<1x512xi32>, vector<1x512xi32>, vector<1x512xi32>, vector<1x512xi32>, vector<1x512xi32> -> vector<8x512xi32>
      %lt3A_2537 = arith.constant 1000000 : i32
      %lt3A_2538 = vector.broadcast %lt3A_2537 : i32 to vector<8x512xi32>
      %lt3A_2539 = arith.cmpi slt, %concatenate3A_2536, %lt3A_2538 : vector<8x512xi32>
      %jit3A_2540 = arith.constant 0xFF800000 : f32
      %broadcast_in_dim3A_2541 = vector.broadcast %jit3A_2540 : f32 to vector<8x512xf32>
      %select_n3A_2542 = arith.select %lt3A_2539, %sub3A_2447, %broadcast_in_dim3A_2541 : vector<8x512xi1>, vector<8x512xf32>
      %reduce_max3A_2543 = vector.shape_cast %select_n3A_2542 : vector<8x512xf32> to vector<1x8x512xf32>
      %reduce_max3A_2544 = arith.constant dense<0xFF800000> : vector<1xf32>
      %reduce_max3A_2545 = vector.multi_reduction <maximumf>, %reduce_max3A_2543, %reduce_max3A_2544 [1, 2] : vector<1x8x512xf32> to vector<1xf32>
      %reduce_max3A_2546 = vector.shape_cast %reduce_max3A_2545 : vector<1xf32> to vector<1x1x1xf32>
      %reduce_max3A_2547 = vector.extract %reduce_max3A_2546[0, 0, 0] : f32 from vector<1x1x1xf32>
      %eq3A_2548 = vector.broadcast %reduce_max3A_2547 : f32 to vector<8x512xf32>
      %eq3A_2549 = arith.cmpf oeq, %select_n3A_2542, %eq3A_2548 : vector<8x512xf32>
      %jit3A_2550 = arith.constant 1073741824 : i32
      %broadcast_in_dim3A_2551 = vector.broadcast %jit3A_2550 : i32 to vector<8x512xi32>
      %select_n3A_2552 = arith.select %eq3A_2549, %concatenate3A_2536, %broadcast_in_dim3A_2551 : vector<8x512xi1>, vector<8x512xi32>
      %reduce_min3A_2553 = vector.shape_cast %select_n3A_2552 : vector<8x512xi32> to vector<1x8x512xi32>
      %reduce_min3A_2554 = arith.constant dense<2147483647> : vector<1xi32>
      %reduce_min3A_2555 = vector.multi_reduction <minsi>, %reduce_min3A_2553, %reduce_min3A_2554 [1, 2] : vector<1x8x512xi32> to vector<1xi32>
      %reduce_min3A_2556 = vector.shape_cast %reduce_min3A_2555 : vector<1xi32> to vector<1x1x1xi32>
      %reduce_min3A_2557 = vector.extract %reduce_min3A_2556[0, 0, 0] : i32 from vector<1x1x1xi32>
      %eq3A_2558 = vector.broadcast %reduce_min3A_2557 : i32 to vector<8x512xi32>
      %eq3A_2559 = arith.cmpi eq, %concatenate3A_2536, %eq3A_2558 : vector<8x512xi32>
      %jit3A_2560 = arith.constant 0xFF800000 : f32
      %broadcast_in_dim3A_2561 = vector.broadcast %jit3A_2560 : f32 to vector<8x512xf32>
      %select_n3A_2562 = arith.select %eq3A_2559, %get3A_2432, %broadcast_in_dim3A_2561 : vector<8x512xi1>, vector<8x512xf32>
      %reduce_max3A_2563 = vector.shape_cast %select_n3A_2562 : vector<8x512xf32> to vector<1x8x512xf32>
      %reduce_max3A_2564 = arith.constant dense<0xFF800000> : vector<1xf32>
      %reduce_max3A_2565 = vector.multi_reduction <maximumf>, %reduce_max3A_2563, %reduce_max3A_2564 [1, 2] : vector<1x8x512xf32> to vector<1xf32>
      %reduce_max3A_2566 = vector.shape_cast %reduce_max3A_2565 : vector<1xf32> to vector<1x1x1xf32>
      %reduce_max3A_2567 = vector.extract %reduce_max3A_2566[0, 0, 0] : f32 from vector<1x1x1xf32>
      %eq3A_2568 = vector.broadcast %reduce_min3A_2557 : i32 to vector<8x512xi32>
      %eq3A_2569 = arith.cmpi eq, %concatenate3A_2536, %eq3A_2568 : vector<8x512xi32>
      %jit3A_2570 = arith.constant 0xFF800000 : f32
      %broadcast_in_dim3A_2571 = vector.broadcast %jit3A_2570 : f32 to vector<8x512xf32>
      %select_n3A_2572 = arith.select %eq3A_2569, %broadcast_in_dim3A_2571, %select_n3A_2542 : vector<8x512xi1>, vector<8x512xf32>
      %reduce_max3A_2573 = vector.shape_cast %select_n3A_2572 : vector<8x512xf32> to vector<1x8x512xf32>
      %reduce_max3A_2574 = arith.constant dense<0xFF800000> : vector<1xf32>
      %reduce_max3A_2575 = vector.multi_reduction <maximumf>, %reduce_max3A_2573, %reduce_max3A_2574 [1, 2] : vector<1x8x512xf32> to vector<1xf32>
      %reduce_max3A_2576 = vector.shape_cast %reduce_max3A_2575 : vector<1xf32> to vector<1x1x1xf32>
      %reduce_max3A_2577 = vector.extract %reduce_max3A_2576[0, 0, 0] : f32 from vector<1x1x1xf32>
      %eq3A_2578 = vector.broadcast %reduce_max3A_2577 : f32 to vector<8x512xf32>
      %eq3A_2579 = arith.cmpf oeq, %select_n3A_2572, %eq3A_2578 : vector<8x512xf32>
      %jit3A_2580 = arith.constant 1073741824 : i32
      %broadcast_in_dim3A_2581 = vector.broadcast %jit3A_2580 : i32 to vector<8x512xi32>
      %select_n3A_2582 = arith.select %eq3A_2579, %concatenate3A_2536, %broadcast_in_dim3A_2581 : vector<8x512xi1>, vector<8x512xi32>
      %reduce_min3A_2583 = vector.shape_cast %select_n3A_2582 : vector<8x512xi32> to vector<1x8x512xi32>
      %reduce_min3A_2584 = arith.constant dense<2147483647> : vector<1xi32>
      %reduce_min3A_2585 = vector.multi_reduction <minsi>, %reduce_min3A_2583, %reduce_min3A_2584 [1, 2] : vector<1x8x512xi32> to vector<1xi32>
      %reduce_min3A_2586 = vector.shape_cast %reduce_min3A_2585 : vector<1xi32> to vector<1x1x1xi32>
      %reduce_min3A_2587 = vector.extract %reduce_min3A_2586[0, 0, 0] : i32 from vector<1x1x1xi32>
      %eq3A_2588 = vector.broadcast %reduce_min3A_2587 : i32 to vector<8x512xi32>
      %eq3A_2589 = arith.cmpi eq, %concatenate3A_2536, %eq3A_2588 : vector<8x512xi32>
      %jit3A_2590 = arith.constant 0xFF800000 : f32
      %broadcast_in_dim3A_2591 = vector.broadcast %jit3A_2590 : f32 to vector<8x512xf32>
      %select_n3A_2592 = arith.select %eq3A_2589, %get3A_2432, %broadcast_in_dim3A_2591 : vector<8x512xi1>, vector<8x512xf32>
      %reduce_max3A_2593 = vector.shape_cast %select_n3A_2592 : vector<8x512xf32> to vector<1x8x512xf32>
      %reduce_max3A_2594 = arith.constant dense<0xFF800000> : vector<1xf32>
      %reduce_max3A_2595 = vector.multi_reduction <maximumf>, %reduce_max3A_2593, %reduce_max3A_2594 [1, 2] : vector<1x8x512xf32> to vector<1xf32>
      %reduce_max3A_2596 = vector.shape_cast %reduce_max3A_2595 : vector<1xf32> to vector<1x1x1xf32>
      %reduce_max3A_2597 = vector.extract %reduce_max3A_2596[0, 0, 0] : f32 from vector<1x1x1xf32>
      %eq3A_2598 = vector.broadcast %reduce_min3A_2587 : i32 to vector<8x512xi32>
      %eq3A_2599 = arith.cmpi eq, %concatenate3A_2536, %eq3A_2598 : vector<8x512xi32>
      %jit3A_2600 = arith.constant 0xFF800000 : f32
      %broadcast_in_dim3A_2601 = vector.broadcast %jit3A_2600 : f32 to vector<8x512xf32>
      %select_n3A_2602 = arith.select %eq3A_2599, %broadcast_in_dim3A_2601, %select_n3A_2572 : vector<8x512xi1>, vector<8x512xf32>
      %reduce_max3A_2603 = vector.shape_cast %select_n3A_2602 : vector<8x512xf32> to vector<1x8x512xf32>
      %reduce_max3A_2604 = arith.constant dense<0xFF800000> : vector<1xf32>
      %reduce_max3A_2605 = vector.multi_reduction <maximumf>, %reduce_max3A_2603, %reduce_max3A_2604 [1, 2] : vector<1x8x512xf32> to vector<1xf32>
      %reduce_max3A_2606 = vector.shape_cast %reduce_max3A_2605 : vector<1xf32> to vector<1x1x1xf32>
      %reduce_max3A_2607 = vector.extract %reduce_max3A_2606[0, 0, 0] : f32 from vector<1x1x1xf32>
      %eq3A_2608 = vector.broadcast %reduce_max3A_2607 : f32 to vector<8x512xf32>
      %eq3A_2609 = arith.cmpf oeq, %select_n3A_2602, %eq3A_2608 : vector<8x512xf32>
      %jit3A_2610 = arith.constant 1073741824 : i32
      %broadcast_in_dim3A_2611 = vector.broadcast %jit3A_2610 : i32 to vector<8x512xi32>
      %select_n3A_2612 = arith.select %eq3A_2609, %concatenate3A_2536, %broadcast_in_dim3A_2611 : vector<8x512xi1>, vector<8x512xi32>
      %reduce_min3A_2613 = vector.shape_cast %select_n3A_2612 : vector<8x512xi32> to vector<1x8x512xi32>
      %reduce_min3A_2614 = arith.constant dense<2147483647> : vector<1xi32>
      %reduce_min3A_2615 = vector.multi_reduction <minsi>, %reduce_min3A_2613, %reduce_min3A_2614 [1, 2] : vector<1x8x512xi32> to vector<1xi32>
      %reduce_min3A_2616 = vector.shape_cast %reduce_min3A_2615 : vector<1xi32> to vector<1x1x1xi32>
      %reduce_min3A_2617 = vector.extract %reduce_min3A_2616[0, 0, 0] : i32 from vector<1x1x1xi32>
      %eq3A_2618 = vector.broadcast %reduce_min3A_2617 : i32 to vector<8x512xi32>
      %eq3A_2619 = arith.cmpi eq, %concatenate3A_2536, %eq3A_2618 : vector<8x512xi32>
      %jit3A_2620 = arith.constant 0xFF800000 : f32
      %broadcast_in_dim3A_2621 = vector.broadcast %jit3A_2620 : f32 to vector<8x512xf32>
      %select_n3A_2622 = arith.select %eq3A_2619, %get3A_2432, %broadcast_in_dim3A_2621 : vector<8x512xi1>, vector<8x512xf32>
      %reduce_max3A_2623 = vector.shape_cast %select_n3A_2622 : vector<8x512xf32> to vector<1x8x512xf32>
      %reduce_max3A_2624 = arith.constant dense<0xFF800000> : vector<1xf32>
      %reduce_max3A_2625 = vector.multi_reduction <maximumf>, %reduce_max3A_2623, %reduce_max3A_2624 [1, 2] : vector<1x8x512xf32> to vector<1xf32>
      %reduce_max3A_2626 = vector.shape_cast %reduce_max3A_2625 : vector<1xf32> to vector<1x1x1xf32>
      %reduce_max3A_2627 = vector.extract %reduce_max3A_2626[0, 0, 0] : f32 from vector<1x1x1xf32>
      %eq3A_2628 = vector.broadcast %reduce_min3A_2617 : i32 to vector<8x512xi32>
      %eq3A_2629 = arith.cmpi eq, %concatenate3A_2536, %eq3A_2628 : vector<8x512xi32>
      %jit3A_2630 = arith.constant 0xFF800000 : f32
      %broadcast_in_dim3A_2631 = vector.broadcast %jit3A_2630 : f32 to vector<8x512xf32>
      %select_n3A_2632 = arith.select %eq3A_2629, %broadcast_in_dim3A_2631, %select_n3A_2602 : vector<8x512xi1>, vector<8x512xf32>
      %reduce_max3A_2633 = vector.shape_cast %select_n3A_2632 : vector<8x512xf32> to vector<1x8x512xf32>
      %reduce_max3A_2634 = arith.constant dense<0xFF800000> : vector<1xf32>
      %reduce_max3A_2635 = vector.multi_reduction <maximumf>, %reduce_max3A_2633, %reduce_max3A_2634 [1, 2] : vector<1x8x512xf32> to vector<1xf32>
      %reduce_max3A_2636 = vector.shape_cast %reduce_max3A_2635 : vector<1xf32> to vector<1x1x1xf32>
      %reduce_max3A_2637 = vector.extract %reduce_max3A_2636[0, 0, 0] : f32 from vector<1x1x1xf32>
      %eq3A_2638 = vector.broadcast %reduce_max3A_2637 : f32 to vector<8x512xf32>
      %eq3A_2639 = arith.cmpf oeq, %select_n3A_2632, %eq3A_2638 : vector<8x512xf32>
      %jit3A_2640 = arith.constant 1073741824 : i32
      %broadcast_in_dim3A_2641 = vector.broadcast %jit3A_2640 : i32 to vector<8x512xi32>
      %select_n3A_2642 = arith.select %eq3A_2639, %concatenate3A_2536, %broadcast_in_dim3A_2641 : vector<8x512xi1>, vector<8x512xi32>
      %reduce_min3A_2643 = vector.shape_cast %select_n3A_2642 : vector<8x512xi32> to vector<1x8x512xi32>
      %reduce_min3A_2644 = arith.constant dense<2147483647> : vector<1xi32>
      %reduce_min3A_2645 = vector.multi_reduction <minsi>, %reduce_min3A_2643, %reduce_min3A_2644 [1, 2] : vector<1x8x512xi32> to vector<1xi32>
      %reduce_min3A_2646 = vector.shape_cast %reduce_min3A_2645 : vector<1xi32> to vector<1x1x1xi32>
      %reduce_min3A_2647 = vector.extract %reduce_min3A_2646[0, 0, 0] : i32 from vector<1x1x1xi32>
      %eq3A_2648 = vector.broadcast %reduce_min3A_2647 : i32 to vector<8x512xi32>
      %eq3A_2649 = arith.cmpi eq, %concatenate3A_2536, %eq3A_2648 : vector<8x512xi32>
      %jit3A_2650 = arith.constant 0xFF800000 : f32
      %broadcast_in_dim3A_2651 = vector.broadcast %jit3A_2650 : f32 to vector<8x512xf32>
      %select_n3A_2652 = arith.select %eq3A_2649, %get3A_2432, %broadcast_in_dim3A_2651 : vector<8x512xi1>, vector<8x512xf32>
      %reduce_max3A_2653 = vector.shape_cast %select_n3A_2652 : vector<8x512xf32> to vector<1x8x512xf32>
      %reduce_max3A_2654 = arith.constant dense<0xFF800000> : vector<1xf32>
      %reduce_max3A_2655 = vector.multi_reduction <maximumf>, %reduce_max3A_2653, %reduce_max3A_2654 [1, 2] : vector<1x8x512xf32> to vector<1xf32>
      %reduce_max3A_2656 = vector.shape_cast %reduce_max3A_2655 : vector<1xf32> to vector<1x1x1xf32>
      %reduce_max3A_2657 = vector.extract %reduce_max3A_2656[0, 0, 0] : f32 from vector<1x1x1xf32>
      %eq3A_2658 = vector.broadcast %reduce_min3A_2647 : i32 to vector<8x512xi32>
      %eq3A_2659 = arith.cmpi eq, %concatenate3A_2536, %eq3A_2658 : vector<8x512xi32>
      %jit3A_2660 = arith.constant 0xFF800000 : f32
      %broadcast_in_dim3A_2661 = vector.broadcast %jit3A_2660 : f32 to vector<8x512xf32>
      %select_n3A_2662 = arith.select %eq3A_2659, %broadcast_in_dim3A_2661, %select_n3A_2632 : vector<8x512xi1>, vector<8x512xf32>
      %reduce_max3A_2663 = vector.shape_cast %select_n3A_2662 : vector<8x512xf32> to vector<1x8x512xf32>
      %reduce_max3A_2664 = arith.constant dense<0xFF800000> : vector<1xf32>
      %reduce_max3A_2665 = vector.multi_reduction <maximumf>, %reduce_max3A_2663, %reduce_max3A_2664 [1, 2] : vector<1x8x512xf32> to vector<1xf32>
      %reduce_max3A_2666 = vector.shape_cast %reduce_max3A_2665 : vector<1xf32> to vector<1x1x1xf32>
      %reduce_max3A_2667 = vector.extract %reduce_max3A_2666[0, 0, 0] : f32 from vector<1x1x1xf32>
      %eq3A_2668 = vector.broadcast %reduce_max3A_2667 : f32 to vector<8x512xf32>
      %eq3A_2669 = arith.cmpf oeq, %select_n3A_2662, %eq3A_2668 : vector<8x512xf32>
      %jit3A_2670 = arith.constant 1073741824 : i32
      %broadcast_in_dim3A_2671 = vector.broadcast %jit3A_2670 : i32 to vector<8x512xi32>
      %select_n3A_2672 = arith.select %eq3A_2669, %concatenate3A_2536, %broadcast_in_dim3A_2671 : vector<8x512xi1>, vector<8x512xi32>
      %reduce_min3A_2673 = vector.shape_cast %select_n3A_2672 : vector<8x512xi32> to vector<1x8x512xi32>
      %reduce_min3A_2674 = arith.constant dense<2147483647> : vector<1xi32>
      %reduce_min3A_2675 = vector.multi_reduction <minsi>, %reduce_min3A_2673, %reduce_min3A_2674 [1, 2] : vector<1x8x512xi32> to vector<1xi32>
      %reduce_min3A_2676 = vector.shape_cast %reduce_min3A_2675 : vector<1xi32> to vector<1x1x1xi32>
      %reduce_min3A_2677 = vector.extract %reduce_min3A_2676[0, 0, 0] : i32 from vector<1x1x1xi32>
      %eq3A_2678 = vector.broadcast %reduce_min3A_2677 : i32 to vector<8x512xi32>
      %eq3A_2679 = arith.cmpi eq, %concatenate3A_2536, %eq3A_2678 : vector<8x512xi32>
      %jit3A_2680 = arith.constant 0xFF800000 : f32
      %broadcast_in_dim3A_2681 = vector.broadcast %jit3A_2680 : f32 to vector<8x512xf32>
      %select_n3A_2682 = arith.select %eq3A_2679, %get3A_2432, %broadcast_in_dim3A_2681 : vector<8x512xi1>, vector<8x512xf32>
      %reduce_max3A_2683 = vector.shape_cast %select_n3A_2682 : vector<8x512xf32> to vector<1x8x512xf32>
      %reduce_max3A_2684 = arith.constant dense<0xFF800000> : vector<1xf32>
      %reduce_max3A_2685 = vector.multi_reduction <maximumf>, %reduce_max3A_2683, %reduce_max3A_2684 [1, 2] : vector<1x8x512xf32> to vector<1xf32>
      %reduce_max3A_2686 = vector.shape_cast %reduce_max3A_2685 : vector<1xf32> to vector<1x1x1xf32>
      %reduce_max3A_2687 = vector.extract %reduce_max3A_2686[0, 0, 0] : f32 from vector<1x1x1xf32>
      %eq3A_2688 = vector.broadcast %reduce_min3A_2677 : i32 to vector<8x512xi32>
      %eq3A_2689 = arith.cmpi eq, %concatenate3A_2536, %eq3A_2688 : vector<8x512xi32>
      %jit3A_2690 = arith.constant 0xFF800000 : f32
      %broadcast_in_dim3A_2691 = vector.broadcast %jit3A_2690 : f32 to vector<8x512xf32>
      %select_n3A_2692 = arith.select %eq3A_2689, %broadcast_in_dim3A_2691, %select_n3A_2662 : vector<8x512xi1>, vector<8x512xf32>
      %reduce_max3A_2693 = vector.shape_cast %select_n3A_2692 : vector<8x512xf32> to vector<1x8x512xf32>
      %reduce_max3A_2694 = arith.constant dense<0xFF800000> : vector<1xf32>
      %reduce_max3A_2695 = vector.multi_reduction <maximumf>, %reduce_max3A_2693, %reduce_max3A_2694 [1, 2] : vector<1x8x512xf32> to vector<1xf32>
      %reduce_max3A_2696 = vector.shape_cast %reduce_max3A_2695 : vector<1xf32> to vector<1x1x1xf32>
      %reduce_max3A_2697 = vector.extract %reduce_max3A_2696[0, 0, 0] : f32 from vector<1x1x1xf32>
      %eq3A_2698 = vector.broadcast %reduce_max3A_2697 : f32 to vector<8x512xf32>
      %eq3A_2699 = arith.cmpf oeq, %select_n3A_2692, %eq3A_2698 : vector<8x512xf32>
      %jit3A_2700 = arith.constant 1073741824 : i32
      %broadcast_in_dim3A_2701 = vector.broadcast %jit3A_2700 : i32 to vector<8x512xi32>
      %select_n3A_2702 = arith.select %eq3A_2699, %concatenate3A_2536, %broadcast_in_dim3A_2701 : vector<8x512xi1>, vector<8x512xi32>
      %reduce_min3A_2703 = vector.shape_cast %select_n3A_2702 : vector<8x512xi32> to vector<1x8x512xi32>
      %reduce_min3A_2704 = arith.constant dense<2147483647> : vector<1xi32>
      %reduce_min3A_2705 = vector.multi_reduction <minsi>, %reduce_min3A_2703, %reduce_min3A_2704 [1, 2] : vector<1x8x512xi32> to vector<1xi32>
      %reduce_min3A_2706 = vector.shape_cast %reduce_min3A_2705 : vector<1xi32> to vector<1x1x1xi32>
      %reduce_min3A_2707 = vector.extract %reduce_min3A_2706[0, 0, 0] : i32 from vector<1x1x1xi32>
      %eq3A_2708 = vector.broadcast %reduce_min3A_2707 : i32 to vector<8x512xi32>
      %eq3A_2709 = arith.cmpi eq, %concatenate3A_2536, %eq3A_2708 : vector<8x512xi32>
      %jit3A_2710 = arith.constant 0xFF800000 : f32
      %broadcast_in_dim3A_2711 = vector.broadcast %jit3A_2710 : f32 to vector<8x512xf32>
      %select_n3A_2712 = arith.select %eq3A_2709, %get3A_2432, %broadcast_in_dim3A_2711 : vector<8x512xi1>, vector<8x512xf32>
      %reduce_max3A_2713 = vector.shape_cast %select_n3A_2712 : vector<8x512xf32> to vector<1x8x512xf32>
      %reduce_max3A_2714 = arith.constant dense<0xFF800000> : vector<1xf32>
      %reduce_max3A_2715 = vector.multi_reduction <maximumf>, %reduce_max3A_2713, %reduce_max3A_2714 [1, 2] : vector<1x8x512xf32> to vector<1xf32>
      %reduce_max3A_2716 = vector.shape_cast %reduce_max3A_2715 : vector<1xf32> to vector<1x1x1xf32>
      %reduce_max3A_2717 = vector.extract %reduce_max3A_2716[0, 0, 0] : f32 from vector<1x1x1xf32>
      %eq3A_2718 = vector.broadcast %reduce_min3A_2707 : i32 to vector<8x512xi32>
      %eq3A_2719 = arith.cmpi eq, %concatenate3A_2536, %eq3A_2718 : vector<8x512xi32>
      %jit3A_2720 = arith.constant 0xFF800000 : f32
      %broadcast_in_dim3A_2721 = vector.broadcast %jit3A_2720 : f32 to vector<8x512xf32>
      %select_n3A_2722 = arith.select %eq3A_2719, %broadcast_in_dim3A_2721, %select_n3A_2692 : vector<8x512xi1>, vector<8x512xf32>
      %reduce_max3A_2723 = vector.shape_cast %select_n3A_2722 : vector<8x512xf32> to vector<1x8x512xf32>
      %reduce_max3A_2724 = arith.constant dense<0xFF800000> : vector<1xf32>
      %reduce_max3A_2725 = vector.multi_reduction <maximumf>, %reduce_max3A_2723, %reduce_max3A_2724 [1, 2] : vector<1x8x512xf32> to vector<1xf32>
      %reduce_max3A_2726 = vector.shape_cast %reduce_max3A_2725 : vector<1xf32> to vector<1x1x1xf32>
      %reduce_max3A_2727 = vector.extract %reduce_max3A_2726[0, 0, 0] : f32 from vector<1x1x1xf32>
      %eq3A_2728 = vector.broadcast %reduce_max3A_2727 : f32 to vector<8x512xf32>
      %eq3A_2729 = arith.cmpf oeq, %select_n3A_2722, %eq3A_2728 : vector<8x512xf32>
      %jit3A_2730 = arith.constant 1073741824 : i32
      %broadcast_in_dim3A_2731 = vector.broadcast %jit3A_2730 : i32 to vector<8x512xi32>
      %select_n3A_2732 = arith.select %eq3A_2729, %concatenate3A_2536, %broadcast_in_dim3A_2731 : vector<8x512xi1>, vector<8x512xi32>
      %reduce_min3A_2733 = vector.shape_cast %select_n3A_2732 : vector<8x512xi32> to vector<1x8x512xi32>
      %reduce_min3A_2734 = arith.constant dense<2147483647> : vector<1xi32>
      %reduce_min3A_2735 = vector.multi_reduction <minsi>, %reduce_min3A_2733, %reduce_min3A_2734 [1, 2] : vector<1x8x512xi32> to vector<1xi32>
      %reduce_min3A_2736 = vector.shape_cast %reduce_min3A_2735 : vector<1xi32> to vector<1x1x1xi32>
      %reduce_min3A_2737 = vector.extract %reduce_min3A_2736[0, 0, 0] : i32 from vector<1x1x1xi32>
      %eq3A_2738 = vector.broadcast %reduce_min3A_2737 : i32 to vector<8x512xi32>
      %eq3A_2739 = arith.cmpi eq, %concatenate3A_2536, %eq3A_2738 : vector<8x512xi32>
      %jit3A_2740 = arith.constant 0xFF800000 : f32
      %broadcast_in_dim3A_2741 = vector.broadcast %jit3A_2740 : f32 to vector<8x512xf32>
      %select_n3A_2742 = arith.select %eq3A_2739, %get3A_2432, %broadcast_in_dim3A_2741 : vector<8x512xi1>, vector<8x512xf32>
      %reduce_max3A_2743 = vector.shape_cast %select_n3A_2742 : vector<8x512xf32> to vector<1x8x512xf32>
      %reduce_max3A_2744 = arith.constant dense<0xFF800000> : vector<1xf32>
      %reduce_max3A_2745 = vector.multi_reduction <maximumf>, %reduce_max3A_2743, %reduce_max3A_2744 [1, 2] : vector<1x8x512xf32> to vector<1xf32>
      %reduce_max3A_2746 = vector.shape_cast %reduce_max3A_2745 : vector<1xf32> to vector<1x1x1xf32>
      %reduce_max3A_2747 = vector.extract %reduce_max3A_2746[0, 0, 0] : f32 from vector<1x1x1xf32>
      %eq3A_2748 = vector.broadcast %reduce_min3A_2737 : i32 to vector<8x512xi32>
      %eq3A_2749 = arith.cmpi eq, %concatenate3A_2536, %eq3A_2748 : vector<8x512xi32>
      %jit3A_2750 = arith.constant 0xFF800000 : f32
      %broadcast_in_dim3A_2751 = vector.broadcast %jit3A_2750 : f32 to vector<8x512xf32>
      %select_n3A_2752 = arith.select %eq3A_2749, %broadcast_in_dim3A_2751, %select_n3A_2722 : vector<8x512xi1>, vector<8x512xf32>
      %reduce_max3A_2753 = vector.shape_cast %select_n3A_2752 : vector<8x512xf32> to vector<1x8x512xf32>
      %reduce_max3A_2754 = arith.constant dense<0xFF800000> : vector<1xf32>
      %reduce_max3A_2755 = vector.multi_reduction <maximumf>, %reduce_max3A_2753, %reduce_max3A_2754 [1, 2] : vector<1x8x512xf32> to vector<1xf32>
      %reduce_max3A_2756 = vector.shape_cast %reduce_max3A_2755 : vector<1xf32> to vector<1x1x1xf32>
      %reduce_max3A_2757 = vector.extract %reduce_max3A_2756[0, 0, 0] : f32 from vector<1x1x1xf32>
      %eq3A_2758 = vector.broadcast %reduce_max3A_2757 : f32 to vector<8x512xf32>
      %eq3A_2759 = arith.cmpf oeq, %select_n3A_2752, %eq3A_2758 : vector<8x512xf32>
      %jit3A_2760 = arith.constant 1073741824 : i32
      %broadcast_in_dim3A_2761 = vector.broadcast %jit3A_2760 : i32 to vector<8x512xi32>
      %select_n3A_2762 = arith.select %eq3A_2759, %concatenate3A_2536, %broadcast_in_dim3A_2761 : vector<8x512xi1>, vector<8x512xi32>
      %reduce_min3A_2763 = vector.shape_cast %select_n3A_2762 : vector<8x512xi32> to vector<1x8x512xi32>
      %reduce_min3A_2764 = arith.constant dense<2147483647> : vector<1xi32>
      %reduce_min3A_2765 = vector.multi_reduction <minsi>, %reduce_min3A_2763, %reduce_min3A_2764 [1, 2] : vector<1x8x512xi32> to vector<1xi32>
      %reduce_min3A_2766 = vector.shape_cast %reduce_min3A_2765 : vector<1xi32> to vector<1x1x1xi32>
      %reduce_min3A_2767 = vector.extract %reduce_min3A_2766[0, 0, 0] : i32 from vector<1x1x1xi32>
      %eq3A_2768 = vector.broadcast %reduce_min3A_2767 : i32 to vector<8x512xi32>
      %eq3A_2769 = arith.cmpi eq, %concatenate3A_2536, %eq3A_2768 : vector<8x512xi32>
      %jit3A_2770 = arith.constant 0xFF800000 : f32
      %broadcast_in_dim3A_2771 = vector.broadcast %jit3A_2770 : f32 to vector<8x512xf32>
      %select_n3A_2772 = arith.select %eq3A_2769, %get3A_2432, %broadcast_in_dim3A_2771 : vector<8x512xi1>, vector<8x512xf32>
      %reduce_max3A_2773 = vector.shape_cast %select_n3A_2772 : vector<8x512xf32> to vector<1x8x512xf32>
      %reduce_max3A_2774 = arith.constant dense<0xFF800000> : vector<1xf32>
      %reduce_max3A_2775 = vector.multi_reduction <maximumf>, %reduce_max3A_2773, %reduce_max3A_2774 [1, 2] : vector<1x8x512xf32> to vector<1xf32>
      %reduce_max3A_2776 = vector.shape_cast %reduce_max3A_2775 : vector<1xf32> to vector<1x1x1xf32>
      %reduce_max3A_2777 = vector.extract %reduce_max3A_2776[0, 0, 0] : f32 from vector<1x1x1xf32>
      %reshape3A_2778 = vector.broadcast %reduce_min3A_2557 : i32 to vector<1x1x1xi32>
      %reshape3A_2779 = vector.broadcast %reduce_min3A_2587 : i32 to vector<1x1x1xi32>
      %reshape3A_2780 = vector.broadcast %reduce_min3A_2617 : i32 to vector<1x1x1xi32>
      %reshape3A_2781 = vector.broadcast %reduce_min3A_2647 : i32 to vector<1x1x1xi32>
      %reshape3A_2782 = vector.broadcast %reduce_min3A_2677 : i32 to vector<1x1x1xi32>
      %reshape3A_2783 = vector.broadcast %reduce_min3A_2707 : i32 to vector<1x1x1xi32>
      %reshape3A_2784 = vector.broadcast %reduce_min3A_2737 : i32 to vector<1x1x1xi32>
      %reshape3A_2785 = vector.broadcast %reduce_min3A_2767 : i32 to vector<1x1x1xi32>
      %concatenate3A_2786 = tpu.concatenate %reshape3A_2778, %reshape3A_2779, %reshape3A_2780, %reshape3A_2781, %reshape3A_2782, %reshape3A_2783, %reshape3A_2784, %reshape3A_2785 in 2 : vector<1x1x1xi32>, vector<1x1x1xi32>, vector<1x1x1xi32>, vector<1x1x1xi32>, vector<1x1x1xi32>, vector<1x1x1xi32>, vector<1x1x1xi32>, vector<1x1x1xi32> -> vector<1x1x8xi32>
      %reshape3A_2787 = vector.broadcast %reduce_max3A_2567 : f32 to vector<1x1x1xf32>
      %reshape3A_2788 = vector.broadcast %reduce_max3A_2597 : f32 to vector<1x1x1xf32>
      %reshape3A_2789 = vector.broadcast %reduce_max3A_2627 : f32 to vector<1x1x1xf32>
      %reshape3A_2790 = vector.broadcast %reduce_max3A_2657 : f32 to vector<1x1x1xf32>
      %reshape3A_2791 = vector.broadcast %reduce_max3A_2687 : f32 to vector<1x1x1xf32>
      %reshape3A_2792 = vector.broadcast %reduce_max3A_2717 : f32 to vector<1x1x1xf32>
      %reshape3A_2793 = vector.broadcast %reduce_max3A_2747 : f32 to vector<1x1x1xf32>
      %reshape3A_2794 = vector.broadcast %reduce_max3A_2777 : f32 to vector<1x1x1xf32>
      %concatenate3A_2795 = tpu.concatenate %reshape3A_2787, %reshape3A_2788, %reshape3A_2789, %reshape3A_2790, %reshape3A_2791, %reshape3A_2792, %reshape3A_2793, %reshape3A_2794 in 2 : vector<1x1x1xf32>, vector<1x1x1xf32>, vector<1x1x1xf32>, vector<1x1x1xf32>, vector<1x1x1xf32>, vector<1x1x1xf32>, vector<1x1x1xf32>, vector<1x1x1xf32> -> vector<1x1x8xf32>
      %get3A_2796 = arith.constant 56 : index
      %get3A_2797 = arith.constant 0 : index
      %get3A_2798 = vector.load %arg21[%get3A_2796, %get3A_2797] : memref<64x512xf32, #tpu.memory_space<vmem>>, vector<8x512xf32>
      %get3A_2799 = arith.constant 56 : index
      %get3A_2800 = arith.constant 0 : index
      %get3A_2801 = vector.load %arg22[%get3A_2799, %get3A_2800] : memref<64x512xf32, #tpu.memory_space<vmem>>, vector<8x512xf32>
      %jit3A_2802 = arith.constant 9.99999997E-7 : f32
      %jit3A_2803 = arith.constant 0.999998986 : f32
      %max3A_2804 = vector.broadcast %jit3A_2802 : f32 to vector<8x512xf32>
      %max3A_2805 = arith.maximumf %max3A_2804, %get3A_2801 : vector<8x512xf32>
      %min3A_2806 = vector.broadcast %jit3A_2803 : f32 to vector<8x512xf32>
      %min3A_2807 = arith.minimumf %min3A_2806, %max3A_2805 : vector<8x512xf32>
      %log3A_2808 = math.log %min3A_2807 : vector<8x512xf32>
      %neg3A_2809 = arith.constant 0.000000e+00 : f32
      %neg3A_2810 = vector.broadcast %neg3A_2809 : f32 to vector<8x512xf32>
      %neg3A_2811 = arith.subf %neg3A_2810, %log3A_2808 : vector<8x512xf32>
      %log3A_2812 = math.log %neg3A_2811 : vector<8x512xf32>
      %sub3A_2813 = arith.subf %get3A_2798, %log3A_2812 : vector<8x512xf32>
      %mul3A_2814 = arith.constant 8 : i32
      %mul3A_2815 = arith.muli %arg0, %mul3A_2814 : i32
      %add3A_2816 = arith.constant 7 : i32
      %add3A_2817 = arith.addi %mul3A_2815, %add3A_2816 : i32
      %get3A_2818 = arith.constant 0 : index
      %get3A_2819 = arith.index_cast %add3A_2817 : i32 to index
      %get3A_2820 = memref.load %arg2[%get3A_2818, %get3A_2819] : memref<8x32xi32, #tpu.memory_space<smem>>
      %mul3A_2821 = arith.constant 512 : i32
      %mul3A_2822 = arith.muli %get3A_2820, %mul3A_2821 : i32
      %mul3A_2823 = arith.constant 8 : i32
      %mul3A_2824 = arith.muli %arg0, %mul3A_2823 : i32
      %add3A_2825 = arith.constant 7 : i32
      %add3A_2826 = arith.addi %mul3A_2824, %add3A_2825 : i32
      %get3A_2827 = arith.constant 1 : index
      %get3A_2828 = arith.index_cast %add3A_2826 : i32 to index
      %get3A_2829 = memref.load %arg2[%get3A_2827, %get3A_2828] : memref<8x32xi32, #tpu.memory_space<smem>>
      %mul3A_2830 = arith.constant 512 : i32
      %mul3A_2831 = arith.muli %get3A_2829, %mul3A_2830 : i32
      %mul3A_2832 = arith.constant 8 : i32
      %mul3A_2833 = arith.muli %arg0, %mul3A_2832 : i32
      %add3A_2834 = arith.constant 7 : i32
      %add3A_2835 = arith.addi %mul3A_2833, %add3A_2834 : i32
      %get3A_2836 = arith.constant 2 : index
      %get3A_2837 = arith.index_cast %add3A_2835 : i32 to index
      %get3A_2838 = memref.load %arg2[%get3A_2836, %get3A_2837] : memref<8x32xi32, #tpu.memory_space<smem>>
      %mul3A_2839 = arith.constant 512 : i32
      %mul3A_2840 = arith.muli %get3A_2838, %mul3A_2839 : i32
      %mul3A_2841 = arith.constant 8 : i32
      %mul3A_2842 = arith.muli %arg0, %mul3A_2841 : i32
      %add3A_2843 = arith.constant 7 : i32
      %add3A_2844 = arith.addi %mul3A_2842, %add3A_2843 : i32
      %get3A_2845 = arith.constant 3 : index
      %get3A_2846 = arith.index_cast %add3A_2844 : i32 to index
      %get3A_2847 = memref.load %arg2[%get3A_2845, %get3A_2846] : memref<8x32xi32, #tpu.memory_space<smem>>
      %mul3A_2848 = arith.constant 512 : i32
      %mul3A_2849 = arith.muli %get3A_2847, %mul3A_2848 : i32
      %mul3A_2850 = arith.constant 8 : i32
      %mul3A_2851 = arith.muli %arg0, %mul3A_2850 : i32
      %add3A_2852 = arith.constant 7 : i32
      %add3A_2853 = arith.addi %mul3A_2851, %add3A_2852 : i32
      %get3A_2854 = arith.constant 4 : index
      %get3A_2855 = arith.index_cast %add3A_2853 : i32 to index
      %get3A_2856 = memref.load %arg2[%get3A_2854, %get3A_2855] : memref<8x32xi32, #tpu.memory_space<smem>>
      %mul3A_2857 = arith.constant 512 : i32
      %mul3A_2858 = arith.muli %get3A_2856, %mul3A_2857 : i32
      %mul3A_2859 = arith.constant 8 : i32
      %mul3A_2860 = arith.muli %arg0, %mul3A_2859 : i32
      %add3A_2861 = arith.constant 7 : i32
      %add3A_2862 = arith.addi %mul3A_2860, %add3A_2861 : i32
      %get3A_2863 = arith.constant 5 : index
      %get3A_2864 = arith.index_cast %add3A_2862 : i32 to index
      %get3A_2865 = memref.load %arg2[%get3A_2863, %get3A_2864] : memref<8x32xi32, #tpu.memory_space<smem>>
      %mul3A_2866 = arith.constant 512 : i32
      %mul3A_2867 = arith.muli %get3A_2865, %mul3A_2866 : i32
      %mul3A_2868 = arith.constant 8 : i32
      %mul3A_2869 = arith.muli %arg0, %mul3A_2868 : i32
      %add3A_2870 = arith.constant 7 : i32
      %add3A_2871 = arith.addi %mul3A_2869, %add3A_2870 : i32
      %get3A_2872 = arith.constant 6 : index
      %get3A_2873 = arith.index_cast %add3A_2871 : i32 to index
      %get3A_2874 = memref.load %arg2[%get3A_2872, %get3A_2873] : memref<8x32xi32, #tpu.memory_space<smem>>
      %mul3A_2875 = arith.constant 512 : i32
      %mul3A_2876 = arith.muli %get3A_2874, %mul3A_2875 : i32
      %mul3A_2877 = arith.constant 8 : i32
      %mul3A_2878 = arith.muli %arg0, %mul3A_2877 : i32
      %add3A_2879 = arith.constant 7 : i32
      %add3A_2880 = arith.addi %mul3A_2878, %add3A_2879 : i32
      %get3A_2881 = arith.constant 7 : index
      %get3A_2882 = arith.index_cast %add3A_2880 : i32 to index
      %get3A_2883 = memref.load %arg2[%get3A_2881, %get3A_2882] : memref<8x32xi32, #tpu.memory_space<smem>>
      %mul3A_2884 = arith.constant 512 : i32
      %mul3A_2885 = arith.muli %get3A_2883, %mul3A_2884 : i32
      %add3A_2886 = vector.broadcast %mul3A_2822 : i32 to vector<1x512xi32>
      %add3A_2887 = arith.addi %add3A_2886, %iota3A_243 : vector<1x512xi32>
      %add3A_2888 = vector.broadcast %mul3A_2831 : i32 to vector<1x512xi32>
      %add3A_2889 = arith.addi %add3A_2888, %iota3A_243 : vector<1x512xi32>
      %add3A_2890 = vector.broadcast %mul3A_2840 : i32 to vector<1x512xi32>
      %add3A_2891 = arith.addi %add3A_2890, %iota3A_243 : vector<1x512xi32>
      %add3A_2892 = vector.broadcast %mul3A_2849 : i32 to vector<1x512xi32>
      %add3A_2893 = arith.addi %add3A_2892, %iota3A_243 : vector<1x512xi32>
      %add3A_2894 = vector.broadcast %mul3A_2858 : i32 to vector<1x512xi32>
      %add3A_2895 = arith.addi %add3A_2894, %iota3A_243 : vector<1x512xi32>
      %add3A_2896 = vector.broadcast %mul3A_2867 : i32 to vector<1x512xi32>
      %add3A_2897 = arith.addi %add3A_2896, %iota3A_243 : vector<1x512xi32>
      %add3A_2898 = vector.broadcast %mul3A_2876 : i32 to vector<1x512xi32>
      %add3A_2899 = arith.addi %add3A_2898, %iota3A_243 : vector<1x512xi32>
      %add3A_2900 = vector.broadcast %mul3A_2885 : i32 to vector<1x512xi32>
      %add3A_2901 = arith.addi %add3A_2900, %iota3A_243 : vector<1x512xi32>
      %concatenate3A_2902 = tpu.concatenate %add3A_2887, %add3A_2889, %add3A_2891, %add3A_2893, %add3A_2895, %add3A_2897, %add3A_2899, %add3A_2901 in 0 : vector<1x512xi32>, vector<1x512xi32>, vector<1x512xi32>, vector<1x512xi32>, vector<1x512xi32>, vector<1x512xi32>, vector<1x512xi32>, vector<1x512xi32> -> vector<8x512xi32>
      %lt3A_2903 = arith.constant 1000000 : i32
      %lt3A_2904 = vector.broadcast %lt3A_2903 : i32 to vector<8x512xi32>
      %lt3A_2905 = arith.cmpi slt, %concatenate3A_2902, %lt3A_2904 : vector<8x512xi32>
      %jit3A_2906 = arith.constant 0xFF800000 : f32
      %broadcast_in_dim3A_2907 = vector.broadcast %jit3A_2906 : f32 to vector<8x512xf32>
      %select_n3A_2908 = arith.select %lt3A_2905, %sub3A_2813, %broadcast_in_dim3A_2907 : vector<8x512xi1>, vector<8x512xf32>
      %reduce_max3A_2909 = vector.shape_cast %select_n3A_2908 : vector<8x512xf32> to vector<1x8x512xf32>
      %reduce_max3A_2910 = arith.constant dense<0xFF800000> : vector<1xf32>
      %reduce_max3A_2911 = vector.multi_reduction <maximumf>, %reduce_max3A_2909, %reduce_max3A_2910 [1, 2] : vector<1x8x512xf32> to vector<1xf32>
      %reduce_max3A_2912 = vector.shape_cast %reduce_max3A_2911 : vector<1xf32> to vector<1x1x1xf32>
      %reduce_max3A_2913 = vector.extract %reduce_max3A_2912[0, 0, 0] : f32 from vector<1x1x1xf32>
      %eq3A_2914 = vector.broadcast %reduce_max3A_2913 : f32 to vector<8x512xf32>
      %eq3A_2915 = arith.cmpf oeq, %select_n3A_2908, %eq3A_2914 : vector<8x512xf32>
      %jit3A_2916 = arith.constant 1073741824 : i32
      %broadcast_in_dim3A_2917 = vector.broadcast %jit3A_2916 : i32 to vector<8x512xi32>
      %select_n3A_2918 = arith.select %eq3A_2915, %concatenate3A_2902, %broadcast_in_dim3A_2917 : vector<8x512xi1>, vector<8x512xi32>
      %reduce_min3A_2919 = vector.shape_cast %select_n3A_2918 : vector<8x512xi32> to vector<1x8x512xi32>
      %reduce_min3A_2920 = arith.constant dense<2147483647> : vector<1xi32>
      %reduce_min3A_2921 = vector.multi_reduction <minsi>, %reduce_min3A_2919, %reduce_min3A_2920 [1, 2] : vector<1x8x512xi32> to vector<1xi32>
      %reduce_min3A_2922 = vector.shape_cast %reduce_min3A_2921 : vector<1xi32> to vector<1x1x1xi32>
      %reduce_min3A_2923 = vector.extract %reduce_min3A_2922[0, 0, 0] : i32 from vector<1x1x1xi32>
      %eq3A_2924 = vector.broadcast %reduce_min3A_2923 : i32 to vector<8x512xi32>
      %eq3A_2925 = arith.cmpi eq, %concatenate3A_2902, %eq3A_2924 : vector<8x512xi32>
      %jit3A_2926 = arith.constant 0xFF800000 : f32
      %broadcast_in_dim3A_2927 = vector.broadcast %jit3A_2926 : f32 to vector<8x512xf32>
      %select_n3A_2928 = arith.select %eq3A_2925, %get3A_2798, %broadcast_in_dim3A_2927 : vector<8x512xi1>, vector<8x512xf32>
      %reduce_max3A_2929 = vector.shape_cast %select_n3A_2928 : vector<8x512xf32> to vector<1x8x512xf32>
      %reduce_max3A_2930 = arith.constant dense<0xFF800000> : vector<1xf32>
      %reduce_max3A_2931 = vector.multi_reduction <maximumf>, %reduce_max3A_2929, %reduce_max3A_2930 [1, 2] : vector<1x8x512xf32> to vector<1xf32>
      %reduce_max3A_2932 = vector.shape_cast %reduce_max3A_2931 : vector<1xf32> to vector<1x1x1xf32>
      %reduce_max3A_2933 = vector.extract %reduce_max3A_2932[0, 0, 0] : f32 from vector<1x1x1xf32>
      %eq3A_2934 = vector.broadcast %reduce_min3A_2923 : i32 to vector<8x512xi32>
      %eq3A_2935 = arith.cmpi eq, %concatenate3A_2902, %eq3A_2934 : vector<8x512xi32>
      %jit3A_2936 = arith.constant 0xFF800000 : f32
      %broadcast_in_dim3A_2937 = vector.broadcast %jit3A_2936 : f32 to vector<8x512xf32>
      %select_n3A_2938 = arith.select %eq3A_2935, %broadcast_in_dim3A_2937, %select_n3A_2908 : vector<8x512xi1>, vector<8x512xf32>
      %reduce_max3A_2939 = vector.shape_cast %select_n3A_2938 : vector<8x512xf32> to vector<1x8x512xf32>
      %reduce_max3A_2940 = arith.constant dense<0xFF800000> : vector<1xf32>
      %reduce_max3A_2941 = vector.multi_reduction <maximumf>, %reduce_max3A_2939, %reduce_max3A_2940 [1, 2] : vector<1x8x512xf32> to vector<1xf32>
      %reduce_max3A_2942 = vector.shape_cast %reduce_max3A_2941 : vector<1xf32> to vector<1x1x1xf32>
      %reduce_max3A_2943 = vector.extract %reduce_max3A_2942[0, 0, 0] : f32 from vector<1x1x1xf32>
      %eq3A_2944 = vector.broadcast %reduce_max3A_2943 : f32 to vector<8x512xf32>
      %eq3A_2945 = arith.cmpf oeq, %select_n3A_2938, %eq3A_2944 : vector<8x512xf32>
      %jit3A_2946 = arith.constant 1073741824 : i32
      %broadcast_in_dim3A_2947 = vector.broadcast %jit3A_2946 : i32 to vector<8x512xi32>
      %select_n3A_2948 = arith.select %eq3A_2945, %concatenate3A_2902, %broadcast_in_dim3A_2947 : vector<8x512xi1>, vector<8x512xi32>
      %reduce_min3A_2949 = vector.shape_cast %select_n3A_2948 : vector<8x512xi32> to vector<1x8x512xi32>
      %reduce_min3A_2950 = arith.constant dense<2147483647> : vector<1xi32>
      %reduce_min3A_2951 = vector.multi_reduction <minsi>, %reduce_min3A_2949, %reduce_min3A_2950 [1, 2] : vector<1x8x512xi32> to vector<1xi32>
      %reduce_min3A_2952 = vector.shape_cast %reduce_min3A_2951 : vector<1xi32> to vector<1x1x1xi32>
      %reduce_min3A_2953 = vector.extract %reduce_min3A_2952[0, 0, 0] : i32 from vector<1x1x1xi32>
      %eq3A_2954 = vector.broadcast %reduce_min3A_2953 : i32 to vector<8x512xi32>
      %eq3A_2955 = arith.cmpi eq, %concatenate3A_2902, %eq3A_2954 : vector<8x512xi32>
      %jit3A_2956 = arith.constant 0xFF800000 : f32
      %broadcast_in_dim3A_2957 = vector.broadcast %jit3A_2956 : f32 to vector<8x512xf32>
      %select_n3A_2958 = arith.select %eq3A_2955, %get3A_2798, %broadcast_in_dim3A_2957 : vector<8x512xi1>, vector<8x512xf32>
      %reduce_max3A_2959 = vector.shape_cast %select_n3A_2958 : vector<8x512xf32> to vector<1x8x512xf32>
      %reduce_max3A_2960 = arith.constant dense<0xFF800000> : vector<1xf32>
      %reduce_max3A_2961 = vector.multi_reduction <maximumf>, %reduce_max3A_2959, %reduce_max3A_2960 [1, 2] : vector<1x8x512xf32> to vector<1xf32>
      %reduce_max3A_2962 = vector.shape_cast %reduce_max3A_2961 : vector<1xf32> to vector<1x1x1xf32>
      %reduce_max3A_2963 = vector.extract %reduce_max3A_2962[0, 0, 0] : f32 from vector<1x1x1xf32>
      %eq3A_2964 = vector.broadcast %reduce_min3A_2953 : i32 to vector<8x512xi32>
      %eq3A_2965 = arith.cmpi eq, %concatenate3A_2902, %eq3A_2964 : vector<8x512xi32>
      %jit3A_2966 = arith.constant 0xFF800000 : f32
      %broadcast_in_dim3A_2967 = vector.broadcast %jit3A_2966 : f32 to vector<8x512xf32>
      %select_n3A_2968 = arith.select %eq3A_2965, %broadcast_in_dim3A_2967, %select_n3A_2938 : vector<8x512xi1>, vector<8x512xf32>
      %reduce_max3A_2969 = vector.shape_cast %select_n3A_2968 : vector<8x512xf32> to vector<1x8x512xf32>
      %reduce_max3A_2970 = arith.constant dense<0xFF800000> : vector<1xf32>
      %reduce_max3A_2971 = vector.multi_reduction <maximumf>, %reduce_max3A_2969, %reduce_max3A_2970 [1, 2] : vector<1x8x512xf32> to vector<1xf32>
      %reduce_max3A_2972 = vector.shape_cast %reduce_max3A_2971 : vector<1xf32> to vector<1x1x1xf32>
      %reduce_max3A_2973 = vector.extract %reduce_max3A_2972[0, 0, 0] : f32 from vector<1x1x1xf32>
      %eq3A_2974 = vector.broadcast %reduce_max3A_2973 : f32 to vector<8x512xf32>
      %eq3A_2975 = arith.cmpf oeq, %select_n3A_2968, %eq3A_2974 : vector<8x512xf32>
      %jit3A_2976 = arith.constant 1073741824 : i32
      %broadcast_in_dim3A_2977 = vector.broadcast %jit3A_2976 : i32 to vector<8x512xi32>
      %select_n3A_2978 = arith.select %eq3A_2975, %concatenate3A_2902, %broadcast_in_dim3A_2977 : vector<8x512xi1>, vector<8x512xi32>
      %reduce_min3A_2979 = vector.shape_cast %select_n3A_2978 : vector<8x512xi32> to vector<1x8x512xi32>
      %reduce_min3A_2980 = arith.constant dense<2147483647> : vector<1xi32>
      %reduce_min3A_2981 = vector.multi_reduction <minsi>, %reduce_min3A_2979, %reduce_min3A_2980 [1, 2] : vector<1x8x512xi32> to vector<1xi32>
      %reduce_min3A_2982 = vector.shape_cast %reduce_min3A_2981 : vector<1xi32> to vector<1x1x1xi32>
      %reduce_min3A_2983 = vector.extract %reduce_min3A_2982[0, 0, 0] : i32 from vector<1x1x1xi32>
      %eq3A_2984 = vector.broadcast %reduce_min3A_2983 : i32 to vector<8x512xi32>
      %eq3A_2985 = arith.cmpi eq, %concatenate3A_2902, %eq3A_2984 : vector<8x512xi32>
      %jit3A_2986 = arith.constant 0xFF800000 : f32
      %broadcast_in_dim3A_2987 = vector.broadcast %jit3A_2986 : f32 to vector<8x512xf32>
      %select_n3A_2988 = arith.select %eq3A_2985, %get3A_2798, %broadcast_in_dim3A_2987 : vector<8x512xi1>, vector<8x512xf32>
      %reduce_max3A_2989 = vector.shape_cast %select_n3A_2988 : vector<8x512xf32> to vector<1x8x512xf32>
      %reduce_max3A_2990 = arith.constant dense<0xFF800000> : vector<1xf32>
      %reduce_max3A_2991 = vector.multi_reduction <maximumf>, %reduce_max3A_2989, %reduce_max3A_2990 [1, 2] : vector<1x8x512xf32> to vector<1xf32>
      %reduce_max3A_2992 = vector.shape_cast %reduce_max3A_2991 : vector<1xf32> to vector<1x1x1xf32>
      %reduce_max3A_2993 = vector.extract %reduce_max3A_2992[0, 0, 0] : f32 from vector<1x1x1xf32>
      %eq3A_2994 = vector.broadcast %reduce_min3A_2983 : i32 to vector<8x512xi32>
      %eq3A_2995 = arith.cmpi eq, %concatenate3A_2902, %eq3A_2994 : vector<8x512xi32>
      %jit3A_2996 = arith.constant 0xFF800000 : f32
      %broadcast_in_dim3A_2997 = vector.broadcast %jit3A_2996 : f32 to vector<8x512xf32>
      %select_n3A_2998 = arith.select %eq3A_2995, %broadcast_in_dim3A_2997, %select_n3A_2968 : vector<8x512xi1>, vector<8x512xf32>
      %reduce_max3A_2999 = vector.shape_cast %select_n3A_2998 : vector<8x512xf32> to vector<1x8x512xf32>
      %reduce_max3A_3000 = arith.constant dense<0xFF800000> : vector<1xf32>
      %reduce_max3A_3001 = vector.multi_reduction <maximumf>, %reduce_max3A_2999, %reduce_max3A_3000 [1, 2] : vector<1x8x512xf32> to vector<1xf32>
      %reduce_max3A_3002 = vector.shape_cast %reduce_max3A_3001 : vector<1xf32> to vector<1x1x1xf32>
      %reduce_max3A_3003 = vector.extract %reduce_max3A_3002[0, 0, 0] : f32 from vector<1x1x1xf32>
      %eq3A_3004 = vector.broadcast %reduce_max3A_3003 : f32 to vector<8x512xf32>
      %eq3A_3005 = arith.cmpf oeq, %select_n3A_2998, %eq3A_3004 : vector<8x512xf32>
      %jit3A_3006 = arith.constant 1073741824 : i32
      %broadcast_in_dim3A_3007 = vector.broadcast %jit3A_3006 : i32 to vector<8x512xi32>
      %select_n3A_3008 = arith.select %eq3A_3005, %concatenate3A_2902, %broadcast_in_dim3A_3007 : vector<8x512xi1>, vector<8x512xi32>
      %reduce_min3A_3009 = vector.shape_cast %select_n3A_3008 : vector<8x512xi32> to vector<1x8x512xi32>
      %reduce_min3A_3010 = arith.constant dense<2147483647> : vector<1xi32>
      %reduce_min3A_3011 = vector.multi_reduction <minsi>, %reduce_min3A_3009, %reduce_min3A_3010 [1, 2] : vector<1x8x512xi32> to vector<1xi32>
      %reduce_min3A_3012 = vector.shape_cast %reduce_min3A_3011 : vector<1xi32> to vector<1x1x1xi32>
      %reduce_min3A_3013 = vector.extract %reduce_min3A_3012[0, 0, 0] : i32 from vector<1x1x1xi32>
      %eq3A_3014 = vector.broadcast %reduce_min3A_3013 : i32 to vector<8x512xi32>
      %eq3A_3015 = arith.cmpi eq, %concatenate3A_2902, %eq3A_3014 : vector<8x512xi32>
      %jit3A_3016 = arith.constant 0xFF800000 : f32
      %broadcast_in_dim3A_3017 = vector.broadcast %jit3A_3016 : f32 to vector<8x512xf32>
      %select_n3A_3018 = arith.select %eq3A_3015, %get3A_2798, %broadcast_in_dim3A_3017 : vector<8x512xi1>, vector<8x512xf32>
      %reduce_max3A_3019 = vector.shape_cast %select_n3A_3018 : vector<8x512xf32> to vector<1x8x512xf32>
      %reduce_max3A_3020 = arith.constant dense<0xFF800000> : vector<1xf32>
      %reduce_max3A_3021 = vector.multi_reduction <maximumf>, %reduce_max3A_3019, %reduce_max3A_3020 [1, 2] : vector<1x8x512xf32> to vector<1xf32>
      %reduce_max3A_3022 = vector.shape_cast %reduce_max3A_3021 : vector<1xf32> to vector<1x1x1xf32>
      %reduce_max3A_3023 = vector.extract %reduce_max3A_3022[0, 0, 0] : f32 from vector<1x1x1xf32>
      %eq3A_3024 = vector.broadcast %reduce_min3A_3013 : i32 to vector<8x512xi32>
      %eq3A_3025 = arith.cmpi eq, %concatenate3A_2902, %eq3A_3024 : vector<8x512xi32>
      %jit3A_3026 = arith.constant 0xFF800000 : f32
      %broadcast_in_dim3A_3027 = vector.broadcast %jit3A_3026 : f32 to vector<8x512xf32>
      %select_n3A_3028 = arith.select %eq3A_3025, %broadcast_in_dim3A_3027, %select_n3A_2998 : vector<8x512xi1>, vector<8x512xf32>
      %reduce_max3A_3029 = vector.shape_cast %select_n3A_3028 : vector<8x512xf32> to vector<1x8x512xf32>
      %reduce_max3A_3030 = arith.constant dense<0xFF800000> : vector<1xf32>
      %reduce_max3A_3031 = vector.multi_reduction <maximumf>, %reduce_max3A_3029, %reduce_max3A_3030 [1, 2] : vector<1x8x512xf32> to vector<1xf32>
      %reduce_max3A_3032 = vector.shape_cast %reduce_max3A_3031 : vector<1xf32> to vector<1x1x1xf32>
      %reduce_max3A_3033 = vector.extract %reduce_max3A_3032[0, 0, 0] : f32 from vector<1x1x1xf32>
      %eq3A_3034 = vector.broadcast %reduce_max3A_3033 : f32 to vector<8x512xf32>
      %eq3A_3035 = arith.cmpf oeq, %select_n3A_3028, %eq3A_3034 : vector<8x512xf32>
      %jit3A_3036 = arith.constant 1073741824 : i32
      %broadcast_in_dim3A_3037 = vector.broadcast %jit3A_3036 : i32 to vector<8x512xi32>
      %select_n3A_3038 = arith.select %eq3A_3035, %concatenate3A_2902, %broadcast_in_dim3A_3037 : vector<8x512xi1>, vector<8x512xi32>
      %reduce_min3A_3039 = vector.shape_cast %select_n3A_3038 : vector<8x512xi32> to vector<1x8x512xi32>
      %reduce_min3A_3040 = arith.constant dense<2147483647> : vector<1xi32>
      %reduce_min3A_3041 = vector.multi_reduction <minsi>, %reduce_min3A_3039, %reduce_min3A_3040 [1, 2] : vector<1x8x512xi32> to vector<1xi32>
      %reduce_min3A_3042 = vector.shape_cast %reduce_min3A_3041 : vector<1xi32> to vector<1x1x1xi32>
      %reduce_min3A_3043 = vector.extract %reduce_min3A_3042[0, 0, 0] : i32 from vector<1x1x1xi32>
      %eq3A_3044 = vector.broadcast %reduce_min3A_3043 : i32 to vector<8x512xi32>
      %eq3A_3045 = arith.cmpi eq, %concatenate3A_2902, %eq3A_3044 : vector<8x512xi32>
      %jit3A_3046 = arith.constant 0xFF800000 : f32
      %broadcast_in_dim3A_3047 = vector.broadcast %jit3A_3046 : f32 to vector<8x512xf32>
      %select_n3A_3048 = arith.select %eq3A_3045, %get3A_2798, %broadcast_in_dim3A_3047 : vector<8x512xi1>, vector<8x512xf32>
      %reduce_max3A_3049 = vector.shape_cast %select_n3A_3048 : vector<8x512xf32> to vector<1x8x512xf32>
      %reduce_max3A_3050 = arith.constant dense<0xFF800000> : vector<1xf32>
      %reduce_max3A_3051 = vector.multi_reduction <maximumf>, %reduce_max3A_3049, %reduce_max3A_3050 [1, 2] : vector<1x8x512xf32> to vector<1xf32>
      %reduce_max3A_3052 = vector.shape_cast %reduce_max3A_3051 : vector<1xf32> to vector<1x1x1xf32>
      %reduce_max3A_3053 = vector.extract %reduce_max3A_3052[0, 0, 0] : f32 from vector<1x1x1xf32>
      %eq3A_3054 = vector.broadcast %reduce_min3A_3043 : i32 to vector<8x512xi32>
      %eq3A_3055 = arith.cmpi eq, %concatenate3A_2902, %eq3A_3054 : vector<8x512xi32>
      %jit3A_3056 = arith.constant 0xFF800000 : f32
      %broadcast_in_dim3A_3057 = vector.broadcast %jit3A_3056 : f32 to vector<8x512xf32>
      %select_n3A_3058 = arith.select %eq3A_3055, %broadcast_in_dim3A_3057, %select_n3A_3028 : vector<8x512xi1>, vector<8x512xf32>
      %reduce_max3A_3059 = vector.shape_cast %select_n3A_3058 : vector<8x512xf32> to vector<1x8x512xf32>
      %reduce_max3A_3060 = arith.constant dense<0xFF800000> : vector<1xf32>
      %reduce_max3A_3061 = vector.multi_reduction <maximumf>, %reduce_max3A_3059, %reduce_max3A_3060 [1, 2] : vector<1x8x512xf32> to vector<1xf32>
      %reduce_max3A_3062 = vector.shape_cast %reduce_max3A_3061 : vector<1xf32> to vector<1x1x1xf32>
      %reduce_max3A_3063 = vector.extract %reduce_max3A_3062[0, 0, 0] : f32 from vector<1x1x1xf32>
      %eq3A_3064 = vector.broadcast %reduce_max3A_3063 : f32 to vector<8x512xf32>
      %eq3A_3065 = arith.cmpf oeq, %select_n3A_3058, %eq3A_3064 : vector<8x512xf32>
      %jit3A_3066 = arith.constant 1073741824 : i32
      %broadcast_in_dim3A_3067 = vector.broadcast %jit3A_3066 : i32 to vector<8x512xi32>
      %select_n3A_3068 = arith.select %eq3A_3065, %concatenate3A_2902, %broadcast_in_dim3A_3067 : vector<8x512xi1>, vector<8x512xi32>
      %reduce_min3A_3069 = vector.shape_cast %select_n3A_3068 : vector<8x512xi32> to vector<1x8x512xi32>
      %reduce_min3A_3070 = arith.constant dense<2147483647> : vector<1xi32>
      %reduce_min3A_3071 = vector.multi_reduction <minsi>, %reduce_min3A_3069, %reduce_min3A_3070 [1, 2] : vector<1x8x512xi32> to vector<1xi32>
      %reduce_min3A_3072 = vector.shape_cast %reduce_min3A_3071 : vector<1xi32> to vector<1x1x1xi32>
      %reduce_min3A_3073 = vector.extract %reduce_min3A_3072[0, 0, 0] : i32 from vector<1x1x1xi32>
      %eq3A_3074 = vector.broadcast %reduce_min3A_3073 : i32 to vector<8x512xi32>
      %eq3A_3075 = arith.cmpi eq, %concatenate3A_2902, %eq3A_3074 : vector<8x512xi32>
      %jit3A_3076 = arith.constant 0xFF800000 : f32
      %broadcast_in_dim3A_3077 = vector.broadcast %jit3A_3076 : f32 to vector<8x512xf32>
      %select_n3A_3078 = arith.select %eq3A_3075, %get3A_2798, %broadcast_in_dim3A_3077 : vector<8x512xi1>, vector<8x512xf32>
      %reduce_max3A_3079 = vector.shape_cast %select_n3A_3078 : vector<8x512xf32> to vector<1x8x512xf32>
      %reduce_max3A_3080 = arith.constant dense<0xFF800000> : vector<1xf32>
      %reduce_max3A_3081 = vector.multi_reduction <maximumf>, %reduce_max3A_3079, %reduce_max3A_3080 [1, 2] : vector<1x8x512xf32> to vector<1xf32>
      %reduce_max3A_3082 = vector.shape_cast %reduce_max3A_3081 : vector<1xf32> to vector<1x1x1xf32>
      %reduce_max3A_3083 = vector.extract %reduce_max3A_3082[0, 0, 0] : f32 from vector<1x1x1xf32>
      %eq3A_3084 = vector.broadcast %reduce_min3A_3073 : i32 to vector<8x512xi32>
      %eq3A_3085 = arith.cmpi eq, %concatenate3A_2902, %eq3A_3084 : vector<8x512xi32>
      %jit3A_3086 = arith.constant 0xFF800000 : f32
      %broadcast_in_dim3A_3087 = vector.broadcast %jit3A_3086 : f32 to vector<8x512xf32>
      %select_n3A_3088 = arith.select %eq3A_3085, %broadcast_in_dim3A_3087, %select_n3A_3058 : vector<8x512xi1>, vector<8x512xf32>
      %reduce_max3A_3089 = vector.shape_cast %select_n3A_3088 : vector<8x512xf32> to vector<1x8x512xf32>
      %reduce_max3A_3090 = arith.constant dense<0xFF800000> : vector<1xf32>
      %reduce_max3A_3091 = vector.multi_reduction <maximumf>, %reduce_max3A_3089, %reduce_max3A_3090 [1, 2] : vector<1x8x512xf32> to vector<1xf32>
      %reduce_max3A_3092 = vector.shape_cast %reduce_max3A_3091 : vector<1xf32> to vector<1x1x1xf32>
      %reduce_max3A_3093 = vector.extract %reduce_max3A_3092[0, 0, 0] : f32 from vector<1x1x1xf32>
      %eq3A_3094 = vector.broadcast %reduce_max3A_3093 : f32 to vector<8x512xf32>
      %eq3A_3095 = arith.cmpf oeq, %select_n3A_3088, %eq3A_3094 : vector<8x512xf32>
      %jit3A_3096 = arith.constant 1073741824 : i32
      %broadcast_in_dim3A_3097 = vector.broadcast %jit3A_3096 : i32 to vector<8x512xi32>
      %select_n3A_3098 = arith.select %eq3A_3095, %concatenate3A_2902, %broadcast_in_dim3A_3097 : vector<8x512xi1>, vector<8x512xi32>
      %reduce_min3A_3099 = vector.shape_cast %select_n3A_3098 : vector<8x512xi32> to vector<1x8x512xi32>
      %reduce_min3A_3100 = arith.constant dense<2147483647> : vector<1xi32>
      %reduce_min3A_3101 = vector.multi_reduction <minsi>, %reduce_min3A_3099, %reduce_min3A_3100 [1, 2] : vector<1x8x512xi32> to vector<1xi32>
      %reduce_min3A_3102 = vector.shape_cast %reduce_min3A_3101 : vector<1xi32> to vector<1x1x1xi32>
      %reduce_min3A_3103 = vector.extract %reduce_min3A_3102[0, 0, 0] : i32 from vector<1x1x1xi32>
      %eq3A_3104 = vector.broadcast %reduce_min3A_3103 : i32 to vector<8x512xi32>
      %eq3A_3105 = arith.cmpi eq, %concatenate3A_2902, %eq3A_3104 : vector<8x512xi32>
      %jit3A_3106 = arith.constant 0xFF800000 : f32
      %broadcast_in_dim3A_3107 = vector.broadcast %jit3A_3106 : f32 to vector<8x512xf32>
      %select_n3A_3108 = arith.select %eq3A_3105, %get3A_2798, %broadcast_in_dim3A_3107 : vector<8x512xi1>, vector<8x512xf32>
      %reduce_max3A_3109 = vector.shape_cast %select_n3A_3108 : vector<8x512xf32> to vector<1x8x512xf32>
      %reduce_max3A_3110 = arith.constant dense<0xFF800000> : vector<1xf32>
      %reduce_max3A_3111 = vector.multi_reduction <maximumf>, %reduce_max3A_3109, %reduce_max3A_3110 [1, 2] : vector<1x8x512xf32> to vector<1xf32>
      %reduce_max3A_3112 = vector.shape_cast %reduce_max3A_3111 : vector<1xf32> to vector<1x1x1xf32>
      %reduce_max3A_3113 = vector.extract %reduce_max3A_3112[0, 0, 0] : f32 from vector<1x1x1xf32>
      %eq3A_3114 = vector.broadcast %reduce_min3A_3103 : i32 to vector<8x512xi32>
      %eq3A_3115 = arith.cmpi eq, %concatenate3A_2902, %eq3A_3114 : vector<8x512xi32>
      %jit3A_3116 = arith.constant 0xFF800000 : f32
      %broadcast_in_dim3A_3117 = vector.broadcast %jit3A_3116 : f32 to vector<8x512xf32>
      %select_n3A_3118 = arith.select %eq3A_3115, %broadcast_in_dim3A_3117, %select_n3A_3088 : vector<8x512xi1>, vector<8x512xf32>
      %reduce_max3A_3119 = vector.shape_cast %select_n3A_3118 : vector<8x512xf32> to vector<1x8x512xf32>
      %reduce_max3A_3120 = arith.constant dense<0xFF800000> : vector<1xf32>
      %reduce_max3A_3121 = vector.multi_reduction <maximumf>, %reduce_max3A_3119, %reduce_max3A_3120 [1, 2] : vector<1x8x512xf32> to vector<1xf32>
      %reduce_max3A_3122 = vector.shape_cast %reduce_max3A_3121 : vector<1xf32> to vector<1x1x1xf32>
      %reduce_max3A_3123 = vector.extract %reduce_max3A_3122[0, 0, 0] : f32 from vector<1x1x1xf32>
      %eq3A_3124 = vector.broadcast %reduce_max3A_3123 : f32 to vector<8x512xf32>
      %eq3A_3125 = arith.cmpf oeq, %select_n3A_3118, %eq3A_3124 : vector<8x512xf32>
      %jit3A_3126 = arith.constant 1073741824 : i32
      %broadcast_in_dim3A_3127 = vector.broadcast %jit3A_3126 : i32 to vector<8x512xi32>
      %select_n3A_3128 = arith.select %eq3A_3125, %concatenate3A_2902, %broadcast_in_dim3A_3127 : vector<8x512xi1>, vector<8x512xi32>
      %reduce_min3A_3129 = vector.shape_cast %select_n3A_3128 : vector<8x512xi32> to vector<1x8x512xi32>
      %reduce_min3A_3130 = arith.constant dense<2147483647> : vector<1xi32>
      %reduce_min3A_3131 = vector.multi_reduction <minsi>, %reduce_min3A_3129, %reduce_min3A_3130 [1, 2] : vector<1x8x512xi32> to vector<1xi32>
      %reduce_min3A_3132 = vector.shape_cast %reduce_min3A_3131 : vector<1xi32> to vector<1x1x1xi32>
      %reduce_min3A_3133 = vector.extract %reduce_min3A_3132[0, 0, 0] : i32 from vector<1x1x1xi32>
      %eq3A_3134 = vector.broadcast %reduce_min3A_3133 : i32 to vector<8x512xi32>
      %eq3A_3135 = arith.cmpi eq, %concatenate3A_2902, %eq3A_3134 : vector<8x512xi32>
      %jit3A_3136 = arith.constant 0xFF800000 : f32
      %broadcast_in_dim3A_3137 = vector.broadcast %jit3A_3136 : f32 to vector<8x512xf32>
      %select_n3A_3138 = arith.select %eq3A_3135, %get3A_2798, %broadcast_in_dim3A_3137 : vector<8x512xi1>, vector<8x512xf32>
      %reduce_max3A_3139 = vector.shape_cast %select_n3A_3138 : vector<8x512xf32> to vector<1x8x512xf32>
      %reduce_max3A_3140 = arith.constant dense<0xFF800000> : vector<1xf32>
      %reduce_max3A_3141 = vector.multi_reduction <maximumf>, %reduce_max3A_3139, %reduce_max3A_3140 [1, 2] : vector<1x8x512xf32> to vector<1xf32>
      %reduce_max3A_3142 = vector.shape_cast %reduce_max3A_3141 : vector<1xf32> to vector<1x1x1xf32>
      %reduce_max3A_3143 = vector.extract %reduce_max3A_3142[0, 0, 0] : f32 from vector<1x1x1xf32>
      %reshape3A_3144 = vector.broadcast %reduce_min3A_2923 : i32 to vector<1x1x1xi32>
      %reshape3A_3145 = vector.broadcast %reduce_min3A_2953 : i32 to vector<1x1x1xi32>
      %reshape3A_3146 = vector.broadcast %reduce_min3A_2983 : i32 to vector<1x1x1xi32>
      %reshape3A_3147 = vector.broadcast %reduce_min3A_3013 : i32 to vector<1x1x1xi32>
      %reshape3A_3148 = vector.broadcast %reduce_min3A_3043 : i32 to vector<1x1x1xi32>
      %reshape3A_3149 = vector.broadcast %reduce_min3A_3073 : i32 to vector<1x1x1xi32>
      %reshape3A_3150 = vector.broadcast %reduce_min3A_3103 : i32 to vector<1x1x1xi32>
      %reshape3A_3151 = vector.broadcast %reduce_min3A_3133 : i32 to vector<1x1x1xi32>
      %concatenate3A_3152 = tpu.concatenate %reshape3A_3144, %reshape3A_3145, %reshape3A_3146, %reshape3A_3147, %reshape3A_3148, %reshape3A_3149, %reshape3A_3150, %reshape3A_3151 in 2 : vector<1x1x1xi32>, vector<1x1x1xi32>, vector<1x1x1xi32>, vector<1x1x1xi32>, vector<1x1x1xi32>, vector<1x1x1xi32>, vector<1x1x1xi32>, vector<1x1x1xi32> -> vector<1x1x8xi32>
      %reshape3A_3153 = vector.broadcast %reduce_max3A_2933 : f32 to vector<1x1x1xf32>
      %reshape3A_3154 = vector.broadcast %reduce_max3A_2963 : f32 to vector<1x1x1xf32>
      %reshape3A_3155 = vector.broadcast %reduce_max3A_2993 : f32 to vector<1x1x1xf32>
      %reshape3A_3156 = vector.broadcast %reduce_max3A_3023 : f32 to vector<1x1x1xf32>
      %reshape3A_3157 = vector.broadcast %reduce_max3A_3053 : f32 to vector<1x1x1xf32>
      %reshape3A_3158 = vector.broadcast %reduce_max3A_3083 : f32 to vector<1x1x1xf32>
      %reshape3A_3159 = vector.broadcast %reduce_max3A_3113 : f32 to vector<1x1x1xf32>
      %reshape3A_3160 = vector.broadcast %reduce_max3A_3143 : f32 to vector<1x1x1xf32>
      %concatenate3A_3161 = tpu.concatenate %reshape3A_3153, %reshape3A_3154, %reshape3A_3155, %reshape3A_3156, %reshape3A_3157, %reshape3A_3158, %reshape3A_3159, %reshape3A_3160 in 2 : vector<1x1x1xf32>, vector<1x1x1xf32>, vector<1x1x1xf32>, vector<1x1x1xf32>, vector<1x1x1xf32>, vector<1x1x1xf32>, vector<1x1x1xf32>, vector<1x1x1xf32> -> vector<1x1x8xf32>
      %concatenate3A_3162 = tpu.concatenate %concatenate3A_590, %concatenate3A_956, %concatenate3A_1322, %concatenate3A_1688, %concatenate3A_2054, %concatenate3A_2420, %concatenate3A_2786, %concatenate3A_3152 in 1 : vector<1x1x8xi32>, vector<1x1x8xi32>, vector<1x1x8xi32>, vector<1x1x8xi32>, vector<1x1x8xi32>, vector<1x1x8xi32>, vector<1x1x8xi32>, vector<1x1x8xi32> -> vector<1x8x8xi32>
      %swap3A_3163 = arith.constant 0 : index
      %swap3A_3164 = arith.constant 0 : index
      %swap3A_3165 = arith.constant 0 : index
      %swap3A_3166 = vector.load %arg20[%swap3A_3163, %swap3A_3164, %swap3A_3165] : memref<1x8x8xi32, #tpu.memory_space<vmem>>, vector<1x8x8xi32>
      tpu.vector_store %arg20[%swap3A_3163, %swap3A_3164, %swap3A_3165], %concatenate3A_3162 {strides = array<i32>} : memref<1x8x8xi32, #tpu.memory_space<vmem>>, vector<1x8x8xi32>,
      %concatenate3A_3167 = tpu.concatenate %concatenate3A_599, %concatenate3A_965, %concatenate3A_1331, %concatenate3A_1697, %concatenate3A_2063, %concatenate3A_2429, %concatenate3A_2795, %concatenate3A_3161 in 1 : vector<1x1x8xf32>, vector<1x1x8xf32>, vector<1x1x8xf32>, vector<1x1x8xf32>, vector<1x1x8xf32>, vector<1x1x8xf32>, vector<1x1x8xf32>, vector<1x1x8xf32> -> vector<1x8x8xf32>
      %swap3A_3168 = arith.constant 0 : index
      %swap3A_3169 = arith.constant 0 : index
      %swap3A_3170 = arith.constant 0 : index
      %swap3A_3171 = vector.load %arg19[%swap3A_3168, %swap3A_3169, %swap3A_3170] : memref<1x8x8xf32, #tpu.memory_space<vmem>>, vector<1x8x8xf32>
      tpu.vector_store %arg19[%swap3A_3168, %swap3A_3169, %swap3A_3170], %concatenate3A_3167 {strides = array<i32>} : memref<1x8x8xf32, #tpu.memory_space<vmem>>, vector<1x8x8xf32>,
    } else {
    }
    return
  }
  func.func @transform_0(%arg0: i32, %arg1: i32, %arg2: memref<8x32xi32, #tpu.memory_space<smem>>) -> (i32, i32) {
    %mul3A = arith.constant 8 : i32
    %mul3A_0 = arith.muli %arg0, %mul3A : i32
    %add3A = arith.constant 0 : i32
    %add3A_1 = arith.addi %mul3A_0, %add3A : i32
    %get3A = arith.index_cast %arg1 : i32 to index
    %get3A_2 = arith.index_cast %add3A_1 : i32 to index
    %get3A_3 = memref.load %arg2[%get3A, %get3A_2] : memref<8x32xi32, #tpu.memory_space<smem>>
    %c0_i32 = arith.constant 0 : i32
    return %arg0, %get3A_3 : i32, i32
  }
  func.func @transform_1(%arg0: i32, %arg1: i32, %arg2: memref<8x32xi32, #tpu.memory_space<smem>>) -> (i32, i32) {
    %mul3A = arith.constant 8 : i32
    %mul3A_0 = arith.muli %arg0, %mul3A : i32
    %add3A = arith.constant 1 : i32
    %add3A_1 = arith.addi %mul3A_0, %add3A : i32
    %get3A = arith.index_cast %arg1 : i32 to index
    %get3A_2 = arith.index_cast %add3A_1 : i32 to index
    %get3A_3 = memref.load %arg2[%get3A, %get3A_2] : memref<8x32xi32, #tpu.memory_space<smem>>
    %c0_i32 = arith.constant 0 : i32
    return %arg0, %get3A_3 : i32, i32
  }
  func.func @transform_2(%arg0: i32, %arg1: i32, %arg2: memref<8x32xi32, #tpu.memory_space<smem>>) -> (i32, i32) {
    %mul3A = arith.constant 8 : i32
    %mul3A_0 = arith.muli %arg0, %mul3A : i32
    %add3A = arith.constant 2 : i32
    %add3A_1 = arith.addi %mul3A_0, %add3A : i32
    %get3A = arith.index_cast %arg1 : i32 to index
    %get3A_2 = arith.index_cast %add3A_1 : i32 to index
    %get3A_3 = memref.load %arg2[%get3A, %get3A_2] : memref<8x32xi32, #tpu.memory_space<smem>>
    %c0_i32 = arith.constant 0 : i32
    return %arg0, %get3A_3 : i32, i32
  }
  func.func @transform_3(%arg0: i32, %arg1: i32, %arg2: memref<8x32xi32, #tpu.memory_space<smem>>) -> (i32, i32) {
    %mul3A = arith.constant 8 : i32
    %mul3A_0 = arith.muli %arg0, %mul3A : i32
    %add3A = arith.constant 3 : i32
    %add3A_1 = arith.addi %mul3A_0, %add3A : i32
    %get3A = arith.index_cast %arg1 : i32 to index
    %get3A_2 = arith.index_cast %add3A_1 : i32 to index
    %get3A_3 = memref.load %arg2[%get3A, %get3A_2] : memref<8x32xi32, #tpu.memory_space<smem>>
    %c0_i32 = arith.constant 0 : i32
    return %arg0, %get3A_3 : i32, i32
  }
  func.func @transform_4(%arg0: i32, %arg1: i32, %arg2: memref<8x32xi32, #tpu.memory_space<smem>>) -> (i32, i32) {
    %mul3A = arith.constant 8 : i32
    %mul3A_0 = arith.muli %arg0, %mul3A : i32
    %add3A = arith.constant 4 : i32
    %add3A_1 = arith.addi %mul3A_0, %add3A : i32
    %get3A = arith.index_cast %arg1 : i32 to index
    %get3A_2 = arith.index_cast %add3A_1 : i32 to index
    %get3A_3 = memref.load %arg2[%get3A, %get3A_2] : memref<8x32xi32, #tpu.memory_space<smem>>
    %c0_i32 = arith.constant 0 : i32
    return %arg0, %get3A_3 : i32, i32
  }
  func.func @transform_5(%arg0: i32, %arg1: i32, %arg2: memref<8x32xi32, #tpu.memory_space<smem>>) -> (i32, i32) {
    %mul3A = arith.constant 8 : i32
    %mul3A_0 = arith.muli %arg0, %mul3A : i32
    %add3A = arith.constant 5 : i32
    %add3A_1 = arith.addi %mul3A_0, %add3A : i32
    %get3A = arith.index_cast %arg1 : i32 to index
    %get3A_2 = arith.index_cast %add3A_1 : i32 to index
    %get3A_3 = memref.load %arg2[%get3A, %get3A_2] : memref<8x32xi32, #tpu.memory_space<smem>>
    %c0_i32 = arith.constant 0 : i32
    return %arg0, %get3A_3 : i32, i32
  }
  func.func @transform_6(%arg0: i32, %arg1: i32, %arg2: memref<8x32xi32, #tpu.memory_space<smem>>) -> (i32, i32) {
    %mul3A = arith.constant 8 : i32
    %mul3A_0 = arith.muli %arg0, %mul3A : i32
    %add3A = arith.constant 6 : i32
    %add3A_1 = arith.addi %mul3A_0, %add3A : i32
    %get3A = arith.index_cast %arg1 : i32 to index
    %get3A_2 = arith.index_cast %add3A_1 : i32 to index
    %get3A_3 = memref.load %arg2[%get3A, %get3A_2] : memref<8x32xi32, #tpu.memory_space<smem>>
    %c0_i32 = arith.constant 0 : i32
    return %arg0, %get3A_3 : i32, i32
  }
  func.func @transform_7(%arg0: i32, %arg1: i32, %arg2: memref<8x32xi32, #tpu.memory_space<smem>>) -> (i32, i32) {
    %mul3A = arith.constant 8 : i32
    %mul3A_0 = arith.muli %arg0, %mul3A : i32
    %add3A = arith.constant 7 : i32
    %add3A_1 = arith.addi %mul3A_0, %add3A : i32
    %get3A = arith.index_cast %arg1 : i32 to index
    %get3A_2 = arith.index_cast %add3A_1 : i32 to index
    %get3A_3 = memref.load %arg2[%get3A, %get3A_2] : memref<8x32xi32, #tpu.memory_space<smem>>
    %c0_i32 = arith.constant 0 : i32
    return %arg0, %get3A_3 : i32, i32
  }
  func.func @transform_8(%arg0: i32, %arg1: i32, %arg2: memref<8x32xi32, #tpu.memory_space<smem>>) -> (i32, i32) {
    %mul3A = arith.constant 8 : i32
    %mul3A_0 = arith.muli %arg0, %mul3A : i32
    %add3A = arith.constant 0 : i32
    %add3A_1 = arith.addi %mul3A_0, %add3A : i32
    %get3A = arith.index_cast %arg1 : i32 to index
    %get3A_2 = arith.index_cast %add3A_1 : i32 to index
    %get3A_3 = memref.load %arg2[%get3A, %get3A_2] : memref<8x32xi32, #tpu.memory_space<smem>>
    %c0_i32 = arith.constant 0 : i32
    return %arg0, %get3A_3 : i32, i32
  }
  func.func @transform_9(%arg0: i32, %arg1: i32, %arg2: memref<8x32xi32, #tpu.memory_space<smem>>) -> (i32, i32) {
    %mul3A = arith.constant 8 : i32
    %mul3A_0 = arith.muli %arg0, %mul3A : i32
    %add3A = arith.constant 1 : i32
    %add3A_1 = arith.addi %mul3A_0, %add3A : i32
    %get3A = arith.index_cast %arg1 : i32 to index
    %get3A_2 = arith.index_cast %add3A_1 : i32 to index
    %get3A_3 = memref.load %arg2[%get3A, %get3A_2] : memref<8x32xi32, #tpu.memory_space<smem>>
    %c0_i32 = arith.constant 0 : i32
    return %arg0, %get3A_3 : i32, i32
  }
  func.func @transform_10(%arg0: i32, %arg1: i32, %arg2: memref<8x32xi32, #tpu.memory_space<smem>>) -> (i32, i32) {
    %mul3A = arith.constant 8 : i32
    %mul3A_0 = arith.muli %arg0, %mul3A : i32
    %add3A = arith.constant 2 : i32
    %add3A_1 = arith.addi %mul3A_0, %add3A : i32
    %get3A = arith.index_cast %arg1 : i32 to index
    %get3A_2 = arith.index_cast %add3A_1 : i32 to index
    %get3A_3 = memref.load %arg2[%get3A, %get3A_2] : memref<8x32xi32, #tpu.memory_space<smem>>
    %c0_i32 = arith.constant 0 : i32
    return %arg0, %get3A_3 : i32, i32
  }
  func.func @transform_11(%arg0: i32, %arg1: i32, %arg2: memref<8x32xi32, #tpu.memory_space<smem>>) -> (i32, i32) {
    %mul3A = arith.constant 8 : i32
    %mul3A_0 = arith.muli %arg0, %mul3A : i32
    %add3A = arith.constant 3 : i32
    %add3A_1 = arith.addi %mul3A_0, %add3A : i32
    %get3A = arith.index_cast %arg1 : i32 to index
    %get3A_2 = arith.index_cast %add3A_1 : i32 to index
    %get3A_3 = memref.load %arg2[%get3A, %get3A_2] : memref<8x32xi32, #tpu.memory_space<smem>>
    %c0_i32 = arith.constant 0 : i32
    return %arg0, %get3A_3 : i32, i32
  }
  func.func @transform_12(%arg0: i32, %arg1: i32, %arg2: memref<8x32xi32, #tpu.memory_space<smem>>) -> (i32, i32) {
    %mul3A = arith.constant 8 : i32
    %mul3A_0 = arith.muli %arg0, %mul3A : i32
    %add3A = arith.constant 4 : i32
    %add3A_1 = arith.addi %mul3A_0, %add3A : i32
    %get3A = arith.index_cast %arg1 : i32 to index
    %get3A_2 = arith.index_cast %add3A_1 : i32 to index
    %get3A_3 = memref.load %arg2[%get3A, %get3A_2] : memref<8x32xi32, #tpu.memory_space<smem>>
    %c0_i32 = arith.constant 0 : i32
    return %arg0, %get3A_3 : i32, i32
  }
  func.func @transform_13(%arg0: i32, %arg1: i32, %arg2: memref<8x32xi32, #tpu.memory_space<smem>>) -> (i32, i32) {
    %mul3A = arith.constant 8 : i32
    %mul3A_0 = arith.muli %arg0, %mul3A : i32
    %add3A = arith.constant 5 : i32
    %add3A_1 = arith.addi %mul3A_0, %add3A : i32
    %get3A = arith.index_cast %arg1 : i32 to index
    %get3A_2 = arith.index_cast %add3A_1 : i32 to index
    %get3A_3 = memref.load %arg2[%get3A, %get3A_2] : memref<8x32xi32, #tpu.memory_space<smem>>
    %c0_i32 = arith.constant 0 : i32
    return %arg0, %get3A_3 : i32, i32
  }
  func.func @transform_14(%arg0: i32, %arg1: i32, %arg2: memref<8x32xi32, #tpu.memory_space<smem>>) -> (i32, i32) {
    %mul3A = arith.constant 8 : i32
    %mul3A_0 = arith.muli %arg0, %mul3A : i32
    %add3A = arith.constant 6 : i32
    %add3A_1 = arith.addi %mul3A_0, %add3A : i32
    %get3A = arith.index_cast %arg1 : i32 to index
    %get3A_2 = arith.index_cast %add3A_1 : i32 to index
    %get3A_3 = memref.load %arg2[%get3A, %get3A_2] : memref<8x32xi32, #tpu.memory_space<smem>>
    %c0_i32 = arith.constant 0 : i32
    return %arg0, %get3A_3 : i32, i32
  }
  func.func @transform_15(%arg0: i32, %arg1: i32, %arg2: memref<8x32xi32, #tpu.memory_space<smem>>) -> (i32, i32) {
    %mul3A = arith.constant 8 : i32
    %mul3A_0 = arith.muli %arg0, %mul3A : i32
    %add3A = arith.constant 7 : i32
    %add3A_1 = arith.addi %mul3A_0, %add3A : i32
    %get3A = arith.index_cast %arg1 : i32 to index
    %get3A_2 = arith.index_cast %add3A_1 : i32 to index
    %get3A_3 = memref.load %arg2[%get3A, %get3A_2] : memref<8x32xi32, #tpu.memory_space<smem>>
    %c0_i32 = arith.constant 0 : i32
    return %arg0, %get3A_3 : i32, i32
  }
  func.func @transform_16(%arg0: i32, %arg1: i32, %arg2: memref<8x32xi32, #tpu.memory_space<smem>>) -> (i32, i32, i32) {
    %c0_i32 = arith.constant 0 : i32
    %c0_i32_0 = arith.constant 0 : i32
    %c0_i32_1 = arith.constant 0 : i32
    return %arg0, %c0_i32, %c0_i32_0 : i32, i32, i32
  }
  func.func @transform_17(%arg0: i32, %arg1: i32, %arg2: memref<8x32xi32, #tpu.memory_space<smem>>) -> (i32, i32, i32) {
    %c0_i32 = arith.constant 0 : i32
    %c0_i32_0 = arith.constant 0 : i32
    %c0_i32_1 = arith.constant 0 : i32
    return %arg0, %c0_i32, %c0_i32_0 : i32, i32, i32
  }
}

</mosaic_0001>

<sc_bundles>
// kernel: kernel.5.cloned.1.call-start
scs
__scs_entry_jumppad:
0x0: {  	(pc) =	sbr.rel $0x88, $3  }
0x1: {  	(tag) =	ssettag $0x0;
	lr =	simm.s32 $0x1  }
0x2: {  	[smem:$0x3F9F] =	sst lr;
	_ =	strace $0xD0000000  }
0x3: {  	_ = 	snop  }
0x4: {  	_ = 	snop  }
0x5: {  	_ = 	snop  }
0x6: {  	_ = 	snop  }
0x7: {  	_ = 	snop  }
__scs_overlays_trampoline_lowered:
0x8: {  	[smem:$0x3FAE] =	sst s0  }
0x9: {  	[smem:$0x3FAF] =	sst s1  }
0xa: {  	[smem:$0x3FB0] =	sst s2  }
0xb: {  	[smem:$0x3FB1] =	sst s3  }
0xc: {  	[smem:$0x3FB2] =	sst s4  }
0xd: {  	[smem:$0x3FB3] =	sst s5  }
0xe: {  	[smem:$0x3FB4] =	sst s6  }
0xf: {  	[smem:$0x3FB5] =	sst s7  }
0x10: {  	[smem:$0x3FB6] =	sst s8  }
0x11: {  	[smem:$0x3FB7] =	sst s9;
	s0 =	simm.s32 @!p0 $0x0  }
0x12: {  	s1 =	sld [smem:$0x3F9D];
	s0 =	simm.s32 @p0 $0x1  }
0x13: {  	[smem:$0x3FB8] =	sst s0;
	s0 =	simm.s32 @!p1 $0x0  }
0x14: {  	s2 =	sld [smem:$0x3F9C];
	s0 =	simm.s32 @p1 $0x1  }
0x15: {  	[smem:$0x3FB9] =	sst s0;
	s0 =	simm.s32 @!p2 $0x0  }
0x16: {  	s3 =	sld [smem:$0x3FDB];
	s0 =	simm.s32 @p2 $0x1  }
0x17: {  	s4 =	simm.s32 $0x1BF5;
	[smem:$0x3FBB] =	sst s0  }
0x18: {  	s0 =	sld [smem:$0x3F9E];
	_ =	swait.ge [sflag:s4], $0x0  }
0x19: {  	s7 =	sld [smem:$0x3F9F]  }
0x1a: {  	s8 =	sadd.s32 $0xFFFFE003, lr  }
0x1b: {  	s9 =	sadd.s32 $0xFFFFFEF7, lr;
	s5 =	simm.s32 $0xFFFFFFFF;
	p2 =	slt.u32 s8, $0xFFFFF086  }
0x1c: {  	p1 =	slt.u32 s9, $0xF7A;
	s5 =	simm.s32 @!p2 $0x0  }
0x1d: {  	s5 =	simm.s32 @p1 $0x1;
	p0 =	seq.s32 s7, s2  }
0x1e: {  	s7 =	smul.u32 @!p0 $0xF7A, s2;
	p2 =	seq.s32 @!p0 s5, $0x0  }
0x1f: {  	s9 =	smul.u32 $0xF7A, s1;
	s8 =	simm.s32 @!p0 $0x1BF5;
	p2 =	por !p2, p0  }
0x20: {  	[sflag:s8] =	ssyncset.s32 @!p0 $0xFFFFF086;
	s6 =	sadd.s32 @!p0 s3, s7;
	s7 =	simm.s32 @!p0 $0x108  }
0x21: {  	s3 =	sadd.s32 s3, s9;
	s6 =	sadd.s32 @!p0 $0x88, s6;
	s7 =	simm.s32 @p2 $0x1082  }
0x22: {  	[simem:s7], [sflag:s8] =	dma.local @!p0 [hbm:s6], $0xF7A  }
0x23: {  	s9 =	sor.u32 $0xD0000000, s2;
	s6 =	simm.s32 $0x108;
	_ =	swait.ge @!p0 [sflag:s8], $0x0  }
0x24: {  	s3 =	sadd.s32 $0x88, s3;
	s6 =	simm.s32 @!p1 $0x1082;
	[sflag:s4] =	ssyncset.s32 $0xFFFFF086  }
0x25: {  	[simem:s6], [sflag:s4] =	dma.local [hbm:s3], $0xF7A  }
0x26: {  	[smem:$0x3F9F] =	sst s1;
	(tag) =	ssettag s2;
	_ =	strace s9  }
0x27: {  	s1 =	sld [smem:$0x3FAF]  }
0x28: {  	s2 =	sld [smem:$0x3FB0]  }
0x29: {  	s4 =	sld [smem:$0x3FB2]  }
0x2a: {  	p0 =	seq.s32 s5, $0x0;
	s5 =	sld [smem:$0x3FB3]  }
0x2b: {  	s6 =	sld [smem:$0x3FB4]  }
0x2c: {  	s7 =	sld [smem:$0x3FB5]  }
0x2d: {  	s3 =	simm.s32 $0x108;
	s8 =	sld [smem:$0x3FB6]  }
0x2e: {  	s3 =	simm.s32 @!p0 $0x1082;
	s9 =	sld [smem:$0x3FB7]  }
0x2f: {  	lr =	sadd.s32 s0, s3;
	s0 =	sld [smem:$0x3FAE]  }
0x30: {  	s3 =	sld [smem:$0x3FB1]  }
0x31: {  	[smem:$0x3FBA] =	sst s10  }
0x32: {  	s10 =	sld [smem:$0x3FB8];
	_ =	sdelay $0x3  }
0x33: {  	p0 =	seq.s32 s10, $0x1;
	s10 =	sld [smem:$0x3FBA];
	_ =	sdelay $0x3  }
0x34: {  	[smem:$0x3FBA] =	sst s10  }
0x35: {  	s10 =	sld [smem:$0x3FB9];
	_ =	sdelay $0x3  }
0x36: {  	p1 =	seq.s32 s10, $0x1;
	s10 =	sld [smem:$0x3FBA];
	_ =	sdelay $0x3  }
0x37: {  	[smem:$0x3FBA] =	sst s10  }
0x38: {  	s10 =	sld [smem:$0x3FBB]  }
0x39: {  	_ = 	snop;
	(pc) =	sbr.ind lr, $3  }
0x3a: {  	_ = 	snop  }
0x3b: {  	_ = 	snop  }
0x3c: {  	p2 =	seq.s32 s10, $0x1;
	s10 =	sld [smem:$0x3FBA]  }
0x3d: {  	_ =	shalt  }
0x3e: {  	_ =	shalt  }
0x3f: {  	_ =	shalt  }
0x40: {  	_ =	shalt  }
0x41: {  	_ =	shalt  }
0x42: {  	_ =	shalt  }
0x43: {  	_ =	shalt  }
0x44: {  	_ =	shalt  }
0x45: {  	_ =	shalt  }
0x46: {  	_ =	shalt  }
0x47: {  	_ =	shalt  }
0x48: {  	_ =	shalt  }
0x49: {  	_ =	shalt  }
0x4a: {  	_ =	shalt  }
0x4b: {  	_ =	shalt  }
0x4c: {  	_ =	shalt  }
0x4d: {  	_ =	shalt  }
0x4e: {  	_ =	shalt  }
0x4f: {  	_ =	shalt  }
0x50: {  	_ =	shalt  }
0x51: {  	_ =	shalt  }
0x52: {  	_ =	shalt  }
0x53: {  	_ =	shalt  }
0x54: {  	_ =	shalt  }
0x55: {  	_ =	shalt  }
0x56: {  	_ =	shalt  }
0x57: {  	_ =	shalt  }
0x58: {  	_ =	shalt  }
0x59: {  	_ =	shalt  }
0x5a: {  	_ =	shalt  }
0x5b: {  	_ =	shalt  }
0x5c: {  	_ =	shalt  }
0x5d: {  	_ =	shalt  }
0x5e: {  	_ =	shalt  }
0x5f: {  	_ =	shalt  }
0x60: {  	_ =	shalt  }
0x61: {  	_ =	shalt  }
0x62: {  	_ =	shalt  }
0x63: {  	_ =	shalt  }
0x64: {  	_ =	shalt  }
0x65: {  	_ =	shalt  }
0x66: {  	_ =	shalt  }
0x67: {  	_ =	shalt  }
0x68: {  	_ =	shalt  }
0x69: {  	_ =	shalt  }
0x6a: {  	_ =	shalt  }
0x6b: {  	_ =	shalt  }
0x6c: {  	_ =	shalt  }
0x6d: {  	_ =	shalt  }
0x6e: {  	_ =	shalt  }
0x6f: {  	_ =	shalt  }
0x70: {  	_ =	shalt  }
0x71: {  	_ =	shalt  }
0x72: {  	_ =	shalt  }
0x73: {  	_ =	shalt  }
0x74: {  	_ =	shalt  }
0x75: {  	_ =	shalt  }
0x76: {  	_ =	shalt  }
0x77: {  	_ =	shalt  }
0x78: {  	_ =	shalt  }
0x79: {  	_ =	shalt  }
0x7a: {  	_ =	shalt  }
0x7b: {  	_ =	shalt  }
0x7c: {  	_ =	shalt  }
0x7d: {  	_ =	shalt  }
0x7e: {  	_ =	shalt  }
0x7f: {  	_ =	shalt  }
0x80: {  	_ =	shalt  }
0x81: {  	_ =	shalt  }
0x82: {  	_ =	shalt  }
0x83: {  	_ =	shalt  }
0x84: {  	_ =	shalt  }
0x85: {  	_ =	shalt  }
0x86: {  	_ =	shalt  }
0x87: {  	_ =	shalt  }
.Lfunc_end0:
.L_simem_size_0:
called_computation_lowered:
.L_overlay_start_0:
0x88: {  	s2 =	sld [smem:$0x3FD9]  }
0x89: {  	s3 =	sld [smem:$0x3FFE];
	_ =	sdelay $0x1  }
0x8a: {  	s1 =	srdreg.scid  }
0x8b: {  	s0 =	sand.u32 $0x1, s1  }
0x8c: {  	s16 =	sshll.u32 s0, $0xA;
	s2 =	sadd.s32 s3, s2  }
0x8d: {  	s2 =	sadd.s32 s2, s16  }
0x8e: {  	[smem:$0x3FC6] =	sst s2  }
0x8f: {  	_ = 	snop  }
0x90: {  	(tm) =	ssettm $0x1  }
0x91: {  	s17 =	sld [smem:$0x3FFB];
	_ =	sdelay $0x3  }
0x92: {  	_ =	strace s17  }
0x93: {  	s2 =	sld [smem:$0x3FFC];
	_ =	sdelay $0x3  }
0x94: {  	_ =	strace s2  }
0x95: {  	s2 =	sld [smem:$0x3FFD];
	_ =	sdelay $0x3  }
0x96: {  	_ =	strace s2  }
0x97: {  	_ =	strace $0x8FFFFFFF  }
0x98: {  	s18 =	sld [smem:$0x3FDB];
	_ =	sdelay $0x1  }
0x99: {  	s19 =	simm.s32 $_scs_section_size  }
0x9a: {  	s4 =	simm.s32 $_size__tile_overlayer_lowered;
	s5 =	simm.s32 $_tile_overlayer_lowered  }
0x9b: {  	s22 =	simm.s32 $0x1BFF;
	s21 =	sshll.u32 s5, $0x1;
	s2 =	sadd.s32 s19, s18  }
0x9c: {  	s6 =	simm.s32 $0x0;
	s20 =	sshll.u32 s4, $0x1;
	s4 =	sadd.s32 s21, s2  }
0x9d: {  	[timem:s6], [sflag:s22] =	dma.local [hbm:s4], s20  }
0x9e: {  	_ =	swait.ge [sflag:s22], s20  }
0x9f: {  	s3 =	ssub.s32 $0x0, s20;
	[sflag:s22] =	ssyncset.done $0x0  }
0xa0: {  	[sflag:s22] =	ssyncadd.s32 s3;
	_ =	sdelay $0x1  }
0xa1: {  	s23 =	simm.s32 $0x1B8B  }
0xa2: {  	_ =	swait.ge [sflag:s23], $0x1  }
0xa3: {  	[sflag:s23] =	ssyncset.done $0x0  }
0xa4: {  	s25 =	simm.s32 $0x1B8E;
	s24 =	sld [smem:$0x3FFE];
	[sflag:s23] =	ssyncadd.s32 $0xFFFFFFFF  }
0xa5: {  	s26 =	simm.s32 $execute0_lowered;
	[smem:$0x3FD2] =	sst s25  }
0xa6: {  	s4 =	sshll.u32 s26, $0x1;
	_ =	strace $0x80000046;
	[dreg:$0x1] =	wrdreg $0xFFFFFFFF  }
0xa7: {  	s28 =	simm.s32 $_size_execute0_lowered;
	s2 =	sadd.s32 s2, s4;
	[dreg:$0x0] =	wrdreg $0x0  }
0xa8: {  	s4 =	sshll.u32 s28, $0x1;
	[dreg:$0x2] =	wrdreg s2  }
0xa9: {  	[dreg:$0x3] =	wrdreg s4  }
0xaa: {  	[dreg:$0x4] =	wrdreg $0xC0  }
0xab: {  	_ =	task [dreg:s6], $0x5FFFF  }
0xac: {  	[dreg:$0x1] =	wrdreg $0xFFFFFFFF  }
0xad: {  	[dreg:$0x0] =	wrdreg $0x60  }
0xae: {  	[dreg:$0x2] =	wrdreg s24  }
0xaf: {  	[dreg:$0x3] =	wrdreg $0x9  }
0xb0: {  	_ =	task.clear_ibuf [dreg:s6], $0x4FFFF;
	_ =	strace $0x90000046  }
0xb1: {  	s29 =	simm.s32 $0x9;
	_ =	strace $0x80000048  }
0xb2: {  	_ =	swait.ge [sflag:s29], $0x1  }
0xb3: {  	[sflag:s29] =	ssyncadd.s32 $0xFFFFFFFF  }
0xb4: {  	_ =	strace $0x90000048  }
0xb5: {  	_ =	sfence  }
0xb6: {  	s30 =	sld [smem:$0x0];
	_ =	sdelay $0x2  }
0xb7: {  	s31 =	sshll.u32 s1, $0xD;
	s1 =	sshrl.u32 s1, $0x2  }
0xb8: {  	s3 =	sand.u32 $0x4000, s31;
	s1 =	sadd.s32 s1, s30  }
0xb9: {  	s0 =	sor.u32 s3, s0;
	s1 =	sshll.u32 s1, $0x11  }
0xba: {  	s0 =	sor.u32 s1, s0  }
0xbb: {  	s0 =	sadd.s32 $0x8F2B, s0  }
0xbc: {  	[sflag:s0] =	ssyncadd.remote.s32 $0x1  }
0xbd: {  	_ =	sfence.sel $0xFFFF  }
0xbe: {  	[dreg:$0x0] =	wrdreg $0xFFFFFFFF;
	(pc) =	sbr.abs _section_cstart, $3  }
0xbf: {  	[dreg:$0x1] =	wrdreg $0xFFFFFFFF  }
0xc0: {  	_ =	task.clear_ibuf [dreg:s6], $0x2FFFF;
	_ =	strace $0x9FFFFFFF  }
0xc1: {  	(tm) =	ssettm $0x7FFFFFFF  }
tec
execute0_lowered:
.L_overlay_start_1:
0x0: {  	(tag) =	ssettag $0x1  }
0x1: {  	s1 =	srdreg.scid  }
0x2: {  	s0 =	stileid.u32;
	s7 =	sand.u32 $0x1, s1  }
0x3: {  	s3 =	rddreg [dreg:$0x0];
	s4 =	sshll.u32 s0, $0x5;
	s5 =	sshll.u32 s7, $0x4  }
0x4: {  	s2 =	simm.s32 $0x0;
	s1 =	rddreg [dreg:$0x1];
	s4 =	sor.u32 s5, s4  }
0x5: {  	[smem:$0x7FF] =	sst s2;
	s9 =	sadd.s32 s4, s3  }
0x6: {  	_ =	strace $0x80000047;
	s3 =	simm.s32 $0x1;
	s4 =	sadd.s32 $0xA00, s9  }
0x7: {  	[tilespmem:s2], [sflag:$0x1] =	stream.linear.gather [hbm4b:s4+s2], $0x80, $0x38;
	[tilespmem:$0x200] =	vst v63  }
0x8: {  	_ =	swait.ge [sflag:s3], $0x80  }
0x9: {  	[sflag:s3] =	ssyncset.done $0x0  }
0xa: {  	s6 =	simm.s32 $0x80;
	s5 =	sadd.s32 $0xC00, s9;
	[sflag:s3] =	ssyncadd.s32 $0xFFFFFF80  }
0xb: {  	[tilespmem:s6], [sflag:$0x1] =	stream.linear.gather [hbm4b:s5+s2], $0x80, $0x38;
	[tilespmem:$0x200] =	vst v63  }
0xc: {  	_ =	swait.ge [sflag:s3], $0x80  }
0xd: {  	[sflag:s3] =	ssyncset.done $0x0  }
0xe: {  	[sflag:s3] =	ssyncadd.s32 $0xFFFFFF80  }
0xf: {  	v0 =	vld [tilespmem:$0x0]  }
0x10: {  	v1 =	vld [tilespmem:$0x80];
	_ =	sdelay $0x3  }
0x11: {  	v0 =	vxor.u32 $0x80000000, v0  }
0x12: {  	(xrf1) =	vsort.ascd.msk.u32 $0xffff, v0, v1;
	_ =	sdelay $0xc  }
0x13: {  	s10 =	ssub.s32 $0x2, s7  }
0x14: {  	s11 =	sshrl.u32 s10, $0x1;
	v0, v1, _ =	vpop (xrf1)  }
0x15: {  	s10 =	ssub.s32 s10, s11;
	v0 =	vxor.u32 $0x80000000, v0;
	[tilespmem:$0x180] =	vst v1  }
0x16: {  	s8 =	simm.s32 $0x100;
	s7 =	sadd.s32 $0x1000, s9;
	s11 =	smax.u32 s10, $0x1;
	[tilespmem:$0x100] =	vst v0  }
0x17: {  	[hbm4b:s7+s2] =	stream.linear.scatter [tilespmem:s8], [sflag:$0x1], $0x80, $0x38;
	[tilespmem:$0x200] =	vst v63  }
0x18: {  	p0 =	sne.s32 s11, $0x1;
	_ =	swait.ge [sflag:s3], $0x80  }
.Ltmp0:
0x19: {  	[sflag:s3] =	ssyncset.done $0x0;
	(pc) =	sbr.rel @!p0 .LBB2_2-.Ltmp0, $4  }
0x1a: {  	s9 =	sadd.s32 $0xE00, s9;
	s10 =	simm.s32 $0x180;
	[sflag:s3] =	ssyncadd.s32 $0xFFFFFF80  }
0x1b: {  	[hbm4b:s9+s2] =	stream.linear.scatter [tilespmem:s10], [sflag:$0x1], $0x80, $0x38;
	[tilespmem:$0x200] =	vst v63  }
0x1c: {  	_ =	swait.ge [sflag:s3], $0x80  }
0x1d: {  	s11 =	sadd.s32 $0xFFFFFFFF, s11;
	[sflag:s3] =	ssyncset.done $0x0  }
.LBB2_1:
0x1e: {  	p0 =	sne.s32 s11, $0x1;
	s11 =	sadd.s32 $0xFFFFFFFF, s11;
	[sflag:s3] =	ssyncadd.s32 $0xFFFFFF80  }
0x1f: {  	[tilespmem:s2], [sflag:$0x1] =	stream.linear.gather [hbm4b:s4+s2], $0x80, $0x38;
	[tilespmem:$0x200] =	vst v63  }
0x20: {  	_ =	swait.ge [sflag:s3], $0x80  }
0x21: {  	[sflag:s3] =	ssyncset.done $0x0  }
0x22: {  	[sflag:s3] =	ssyncadd.s32 $0xFFFFFF80  }
0x23: {  	[tilespmem:s6], [sflag:$0x1] =	stream.linear.gather [hbm4b:s5+s2], $0x80, $0x38;
	[tilespmem:$0x200] =	vst v63  }
0x24: {  	_ =	swait.ge [sflag:s3], $0x80  }
0x25: {  	[sflag:s3] =	ssyncset.done $0x0  }
0x26: {  	[sflag:s3] =	ssyncadd.s32 $0xFFFFFF80  }
0x27: {  	v0 =	vld [tilespmem:$0x0]  }
0x28: {  	v1 =	vld [tilespmem:$0x80];
	_ =	sdelay $0x3  }
0x29: {  	v0 =	vxor.u32 $0x80000000, v0  }
0x2a: {  	(xrf1) =	vsort.ascd.msk.u32 $0xffff, v0, v1;
	_ =	sdelay $0xd  }
0x2b: {  	v0, v1, _ =	vpop (xrf1)  }
0x2c: {  	v0 =	vxor.u32 $0x80000000, v0;
	[tilespmem:$0x180] =	vst v1  }
0x2d: {  	[tilespmem:$0x100] =	vst v0  }
0x2e: {  	[hbm4b:s7+s2] =	stream.linear.scatter [tilespmem:s8], [sflag:$0x1], $0x80, $0x38;
	[tilespmem:$0x200] =	vst v63  }
0x2f: {  	_ =	swait.ge [sflag:s3], $0x80  }
.Ltmp1:
0x30: {  	[sflag:s3] =	ssyncset.done $0x0;
	(pc) =	sbr.rel @p0 .LBB2_1-.Ltmp1, $4  }
0x31: {  	[sflag:s3] =	ssyncadd.s32 $0xFFFFFF80  }
0x32: {  	[hbm4b:s9+s2] =	stream.linear.scatter [tilespmem:s10], [sflag:$0x1], $0x80, $0x38;
	[tilespmem:$0x200] =	vst v63  }
0x33: {  	_ =	swait.ge [sflag:s3], $0x80  }
0x34: {  	[sflag:s3] =	ssyncset.done $0x0  }
.LBB2_2:
0x35: {  	[sflag:s3] =	ssyncadd.s32 $0xFFFFFF80  }
0x36: {  	_ =	sfence.sel $0x180000  }
0x37: {  	[bflag:$0x0] =	sbarrier.arrive $0xFFFF  }
0x38: {  	p0 =	sne.s32 s0, $0x0;
	_ =	strace $0x90000047  }
0x39: {  	s0 =	sadd.s32 @!p0 $0x100000, s1;
	[bflag:$0x2] =	sbarrier.arrive $0xFFFF  }
0x3a: {  	[sflag:s0] =	ssyncadd.tile.s32 @!p0 $0x1;
	_ =	shalt  }
.Lfunc_end2:
_tile_overlayer_lowered:
.L_overlay_start_2:
0x3b: {  	(tag) =	ssettag $0x2  }
0x3c: {  	s0 =	rddreg [dreg:$0x0];
	s2 =	stileid.u32  }
0x3d: {  	s1 =	rddreg [dreg:$0x1];
	p0 =	sne.s32 s2, $0x0  }
0x3e: {  	s3 =	rddreg [dreg:$0x2];
	[bflag:$0x3] =	sbarrier.arrive $0xFFFF;
	s2 =	simm.s32 @!p0 $0x1C01  }
0x3f: {  	[timem:s3], [sflag:s2] =	dma.local @!p0 [hbm:s0], s1  }
0x40: {  	s0 =	simm.s32 @!p0 $0x1  }
0x41: {  	_ =	swait.ge @!p0 [sflag:s0], s1  }
0x42: {  	s1 =	ssub.s32 @!p0 $0x0, s1;
	[sflag:s0] =	ssyncset.done @!p0 $0x0  }
0x43: {  	[sflag:s0] =	ssyncadd.s32 @!p0 s1  }
0x44: {  	[bflag:$0x3] =	sbarrier.arrive $0xFFFF  }
0x45: {  	_ =	shalt  }

</sc_bundles>
